<compile_context>
chip_gen: v7x
topology: tpu7x:2x2x1
jax: 0.10.2.dev20260603
libtpu: 0.0.44.dev20260713+nightly
codegen_flags: <defaults>
</compile_context>

<pallas_src>
import jax
import jax.numpy as jnp
from jax import lax
from jax.experimental import pallas as pl
from jax.experimental.pallas import tpu as pltpu
from jax.experimental.pallas import tpu_sc as plsc

N = 10000
E = 160000
D = 128
H = 32
NC = 2
NS = 16
NW = NC * NS
EPT = E // NW
NPAD = N
RI = NPAD // NS
BLK = 2000

_F32 = jnp.float32


def _sc_segsum(npass, with_counts, chunk, kpt, nbuf):
    assert kpt * chunk == EPT and kpt % nbuf == 0
    mesh = plsc.VectorSubcoreMesh(core_axis_name="c", subcore_axis_name="s")
    out_type = [jax.ShapeDtypeStruct((NC, NPAD, H), _F32) for _ in range(npass)]
    if with_counts:
        out_type += [jax.ShapeDtypeStruct((NC, NPAD, 16), _F32) for _ in range(npass)]
    scratch = [
        pltpu.VMEM((kpt, chunk), jnp.int32),
        pltpu.VMEM((kpt, chunk), jnp.int32),
        pltpu.VMEM((chunk, 16), _F32),
    ]
    scratch += [pltpu.VMEM((chunk, H), _F32) for _ in range(nbuf)]
    scratch += [pltpu.SemaphoreType.DMA for _ in range(3 * nbuf)]
    scratch += [
        pltpu.VMEM_SHARED((N, H), _F32),
        pltpu.VMEM_SHARED((NPAD, H), _F32),
    ]
    if with_counts:
        scratch += [pltpu.VMEM_SHARED((NPAD, 16), _F32)]

    SZ = N // NS

    def body(*refs):
        k = 0
        z_hbm = refs[k:k + npass]; k += npass
        src_hbm = refs[k:k + npass]; k += npass
        dst_hbm = refs[k:k + npass]; k += npass
        zeros32 = refs[k]; k += 1
        if with_counts:
            zeros16, ones_hbm = refs[k:k + 2]; k += 2
        s_out = refs[k:k + npass]; k += npass
        if with_counts:
            c_out = refs[k:k + npass]; k += npass
        src_v, dst_v, ones_v = refs[k:k + 3]; k += 3
        rows = refs[k:k + nbuf]; k += nbuf
        gsem = refs[k:k + nbuf]; k += nbuf
        ssem = refs[k:k + nbuf]; k += nbuf
        osem = refs[k:k + nbuf]; k += nbuf
        zst, acc = refs[k:k + 2]; k += 2
        if with_counts:
            cacc = refs[k]; k += 1

        core = lax.axis_index("c")
        sid = lax.axis_index("s")
        wid = sid * NC + core

        if with_counts:
            pltpu.sync_copy(ones_hbm, ones_v)

        def copyout(p):
            pltpu.sync_copy(acc.at[pl.ds(sid * RI, RI)],
                            s_out[p].at[core, pl.ds(sid * RI, RI)])
            if with_counts:
                pltpu.sync_copy(cacc.at[pl.ds(sid * RI, RI)],
                                c_out[p].at[core, pl.ds(sid * RI, RI)])

        for p in range(npass):
            if p > 0:
                copyout(p - 1)
            pltpu.sync_copy(z_hbm[p].at[pl.ds(sid * SZ, SZ)],
                            zst.at[pl.ds(sid * SZ, SZ)])
            pltpu.sync_copy(zeros32, acc.at[pl.ds(sid * RI, RI)])
            if with_counts:
                pltpu.sync_copy(zeros16, cacc.at[pl.ds(sid * RI, RI)])
            pltpu.sync_copy(src_hbm[p].at[pl.ds(wid * kpt, kpt)], src_v)
            pltpu.sync_copy(dst_hbm[p].at[pl.ds(wid * kpt, kpt)], dst_v)
            plsc.subcore_barrier()

            def group(g, carry):
                gds = [pltpu.async_copy(
                    zst.at[src_v.at[nbuf * g + b]], rows[b], gsem[b])
                    for b in range(nbuf)]
                sds = []
                for b in range(nbuf):
                    j = nbuf * g + b
                    gds[b].wait()
                    sds.append(pltpu.async_copy(
                        rows[b], acc.at[dst_v.at[j]], ssem[b], add=True))
                    if with_counts:
                        sds.append(pltpu.async_copy(
                            ones_v, cacc.at[dst_v.at[j]], osem[b], add=True))
                for d in sds:
                    d.wait()
                return carry

            lax.fori_loop(0, kpt // nbuf, group, 0)
            plsc.subcore_barrier()
        copyout(npass - 1)

    return pl.kernel(body, out_type=out_type, mesh=mesh, scratch_types=scratch,
                     compiler_params=pltpu.CompilerParams(use_tc_tiling_on_sc=False),
                     name="sc_segsum%d" % npass)


CHUNK_A = 200
KPT_A = EPT // CHUNK_A
CHUNK_C = 200
KPT_C = EPT // CHUNK_C
_SEG3 = _sc_segsum(3, True, CHUNK_A, KPT_A, 5)
_SEG2 = _sc_segsum(2, False, CHUNK_C, KPT_C, 5)


def _tc1(xp, xa, wlc, wlw, wlr, wrp, wra, b1p, b1r):
    def body(xp_r, xa_r, wlc_r, wlw_r, wlr_r, wrp_r, wra_r, b1p_r, b1r_r,
             zpc_o, zaw_o, zr_o, xrp_o, xra_o):
        xp_b = xp_r[...]
        xa_b = xa_r[...]
        zpc_o[...] = jnp.dot(xp_b, wlc_r[...], preferred_element_type=_F32)
        zaw_o[...] = jnp.dot(xa_b, wlw_r[...], preferred_element_type=_F32)
        zr_o[...] = jnp.dot(xp_b, wlr_r[...], preferred_element_type=_F32)
        xrp_o[...] = jnp.dot(xp_b, wrp_r[...], preferred_element_type=_F32) + b1p_r[...]
        xra_o[...] = jnp.dot(xa_b, wra_r[...], preferred_element_type=_F32) + b1r_r[...]

    grid = (N // BLK,)
    xspec = pl.BlockSpec((BLK, D), lambda i: (i, 0))
    wspec = pl.BlockSpec((D, H), lambda i: (0, 0))
    bspec = pl.BlockSpec((1, H), lambda i: (0, 0))
    ospec = pl.BlockSpec((BLK, H), lambda i: (i, 0))
    return pl.pallas_call(
        body, grid=grid,
        in_specs=[xspec, xspec, wspec, wspec, wspec, wspec, wspec, bspec, bspec],
        out_specs=[ospec] * 5,
        out_shape=[jax.ShapeDtypeStruct((N, H), _F32)] * 5,
    )(xp, xa, wlc, wlw, wlr, wrp, wra, b1p, b1r)


def _tc2(s_c, s_w, s_r, c_c, c_w, c_r, xrp, xra, wlc2, wlw2, wr2, b2p):
    def body(sc_r, sw_r, sr_r, cc_r, cw_r, cr_r, xrp_r, xra_r,
             wlc2_r, wlw2_r, wr2_r, b2p_r, zp2_o, za2_o, xr2p_o):
        inv_c = 1.0 / jnp.maximum(cc_r[0, :, :1] + cc_r[1, :, :1], 1.0)
        inv_w = 1.0 / jnp.maximum(cw_r[0, :, :1] + cw_r[1, :, :1], 1.0)
        inv_r = 1.0 / jnp.maximum(cr_r[0, :, :1] + cr_r[1, :, :1], 1.0)
        hp = jax.nn.relu((sc_r[0] + sc_r[1]) * inv_c
                         + (sw_r[0] + sw_r[1]) * inv_w + xrp_r[...])
        ha = jax.nn.relu((sr_r[0] + sr_r[1]) * inv_r + xra_r[...])
        zp2_o[...] = jnp.dot(hp, wlc2_r[...], preferred_element_type=_F32)
        za2_o[...] = jnp.dot(ha, wlw2_r[...], preferred_element_type=_F32)
        xr2p_o[...] = jnp.dot(hp, wr2_r[...], preferred_element_type=_F32) + b2p_r[...]

    grid = (N // BLK,)
    sspec = pl.BlockSpec((NC, BLK, H), lambda i: (0, i, 0))
    cspec = pl.BlockSpec((NC, BLK, 16), lambda i: (0, i, 0))
    xspec = pl.BlockSpec((BLK, H), lambda i: (i, 0))
    wspec = pl.BlockSpec((H, H), lambda i: (0, 0))
    bspec = pl.BlockSpec((1, H), lambda i: (0, 0))
    return pl.pallas_call(
        body, grid=grid,
        in_specs=[sspec, sspec, sspec, cspec, cspec, cspec, xspec, xspec,
                  wspec, wspec, wspec, bspec],
        out_specs=[xspec] * 3,
        out_shape=[jax.ShapeDtypeStruct((N, H), _F32)] * 3,
    )(s_c, s_w, s_r, c_c, c_w, c_r, xrp, xra, wlc2, wlw2, wr2, b2p)


def _tc3(s2c, s2w, c_c, c_w, xr2p):
    def body(sc_r, sw_r, cc_r, cw_r, xr_r, out_o):
        inv_c = 1.0 / jnp.maximum(cc_r[0, :, :1] + cc_r[1, :, :1], 1.0)
        inv_w = 1.0 / jnp.maximum(cw_r[0, :, :1] + cw_r[1, :, :1], 1.0)
        out_o[...] = ((sc_r[0] + sc_r[1]) * inv_c
                      + (sw_r[0] + sw_r[1]) * inv_w + xr_r[...])

    grid = (N // BLK,)
    sspec = pl.BlockSpec((NC, BLK, H), lambda i: (0, i, 0))
    cspec = pl.BlockSpec((NC, BLK, 16), lambda i: (0, i, 0))
    xspec = pl.BlockSpec((BLK, H), lambda i: (i, 0))
    return pl.pallas_call(
        body, grid=grid,
        in_specs=[sspec, sspec, cspec, cspec, xspec],
        out_specs=xspec,
        out_shape=jax.ShapeDtypeStruct((N, H), _F32),
    )(s2c, s2w, c_c, c_w, xr2p)


def _prep_idx(ei, chunk):
    return (ei[0].reshape(E // chunk, chunk), ei[1].reshape(E // chunk, chunk))


def kernel(x_paper, x_author, ei_cites, ei_writes, ei_rev, params, additonal_arg):
    p = params
    src_ca, dst_ca = _prep_idx(ei_cites, CHUNK_A)
    src_wa, dst_wa = _prep_idx(ei_writes, CHUNK_A)
    src_ra, dst_ra = _prep_idx(ei_rev, CHUNK_A)
    src_cc, dst_cc = src_ca, dst_ca
    src_wc, dst_wc = src_wa, dst_wa
    zeros32 = jnp.zeros((RI, H), _F32)
    zeros16 = jnp.zeros((RI, 16), _F32)
    ones_a = jnp.ones((CHUNK_A, 16), _F32)

    b1p = (p['cites_1']['b'] + p['writes_1']['b']).reshape(1, H)
    b1r = p['rev_1']['b'].reshape(1, H)
    wrp = p['cites_1']['Wr'] + p['writes_1']['Wr']
    b2p = (p['cites_2']['b'] + p['writes_2']['b']).reshape(1, H)
    wr2 = p['cites_2']['Wr'] + p['writes_2']['Wr']

    zpc, zaw, zr, xrp, xra = _tc1(
        x_paper, x_author, p['cites_1']['Wl'], p['writes_1']['Wl'],
        p['rev_1']['Wl'], wrp, p['rev_1']['Wr'], b1p, b1r)

    s_c, s_w, s_r, c_c, c_w, c_r = _SEG3(
        zpc, zaw, zr, src_ca, src_wa, src_ra, dst_ca, dst_wa, dst_ra,
        zeros32, zeros16, ones_a)

    zp2, za2, xr2p = _tc2(s_c, s_w, s_r, c_c, c_w, c_r, xrp, xra,
                          p['cites_2']['Wl'], p['writes_2']['Wl'], wr2, b2p)

    s2c, s2w = _SEG2(zp2, za2, src_cc, src_wc, dst_cc, dst_wc, zeros32)

    return _tc3(s2c, s2w, c_c, c_w, xr2p)

# --- scband reference (transcript-rebuilt; emitter-appended) ---
"""Pipeline reference for scband-hetero-sage-25305947308177 (READ-ONLY COPY).

The authoritative reference and input builder live on the scoring server;
editing this copy changes nothing except your own understanding.
"""

import jax, jax.numpy as jnp
import numpy as np

N_PAPER = 10000
N_AUTHOR = 10000
E = 160000
D_FEAT = 128
HID = 32


def _sage(x_src, x_dst, ei, p, n_dst):
    # PyG SAGEConv with aggr='mean': out = mean_agg(x_src over incoming edges) @ Wl + b + x_dst @ Wr
    src = ei[0]
    dst = ei[1]
    msg = x_src[src]
    s = jax.ops.segment_sum(msg, dst, num_segments=n_dst)
    c = jax.ops.segment_sum(jnp.ones((ei.shape[1],), msg.dtype), dst, num_segments=n_dst)
    mean = s / jnp.clip(c, 1.0)[:, None]
    return mean @ p['Wl'] + p['b'] + x_dst @ p['Wr']


def setup_inputs(seed: int = 0) -> dict:
    key = jax.random.key(seed)
    ks = jax.random.split(key, 24)
    x_paper = jax.random.normal(ks[0], (N_PAPER, D_FEAT), dtype=jnp.float32)
    x_author = jax.random.normal(ks[1], (N_AUTHOR, D_FEAT), dtype=jnp.float32)
    ei_cites = jax.random.randint(ks[2], (2, E), 0, N_PAPER, dtype=jnp.int32)
    ei_writes = jnp.stack([
        jax.random.randint(ks[3], (E,), 0, N_AUTHOR, dtype=jnp.int32),
        jax.random.randint(ks[4], (E,), 0, N_PAPER, dtype=jnp.int32),
    ])
    ei_rev = jnp.stack([
        jax.random.randint(ks[5], (E,), 0, N_PAPER, dtype=jnp.int32),
        jax.random.randint(ks[6], (E,), 0, N_AUTHOR, dtype=jnp.int32),
    ])
    params = {}
    i = 7
    for et in ['cites', 'writes', 'rev']:
        for layer, d_in in [(1, D_FEAT), (2, HID)]:
            params[et + '_' + str(layer)] = {
                'Wl': jax.random.normal(ks[i], (d_in, HID), dtype=jnp.float32) * 0.1,
                'b': jnp.zeros((HID,), dtype=jnp.float32),
                'Wr': jax.random.normal(ks[i + 1], (d_in, HID), dtype=jnp.float32) * 0.1,
            }
            i += 2
    return {'x_paper': x_paper, 'x_author': x_author, 'ei_cites': ei_cites,
            'ei_writes': ei_writes, 'ei_rev': ei_rev, 'params': params,
            'additonal_arg': 1}


def reference(x_paper, x_author, ei_cites, ei_writes, ei_rev, params, additonal_arg):
    assert additonal_arg is not None
    # to_hetero layer 1: per-edge-type SAGEConv, sum-aggregated per dst node type, then relu
    h_p = jax.nn.relu(
        _sage(x_paper, x_paper, ei_cites, params['cites_1'], N_PAPER)
        + _sage(x_author, x_paper, ei_writes, params['writes_1'], N_PAPER)
    )
    h_a = jax.nn.relu(_sage(x_paper, x_author, ei_rev, params['rev_1'], N_AUTHOR))
    # layer 2, return only 'paper' outputs
    out = (
        _sage(h_p, h_p, ei_cites, params['cites_2'], N_PAPER)
        + _sage(h_a, h_p, ei_writes, params['writes_2'], N_PAPER)
    )
    return out

if __name__ == "__main__":
    import jax
    _d = setup_inputs()
    print(jax.jit(kernel)(*tuple(_d.values())))

</pallas_src>

<mosaic_0001>
#map = affine_map<(d0, d1) -> (0, 0)>
#map1 = affine_map<(d0, d1) -> (0, 0, 0)>
module attributes {stable_mosaic.version = 14 : i64} {
  func.func @sc_segsum3(%arg0: i32, %arg1: i32, %arg2: memref<10000x32xf32, #tpu.memory_space<hbm>>, %arg3: memref<10000x32xf32, #tpu.memory_space<hbm>>, %arg4: memref<10000x32xf32, #tpu.memory_space<hbm>>, %arg5: memref<800x200xi32, #tpu.memory_space<hbm>>, %arg6: memref<800x200xi32, #tpu.memory_space<hbm>>, %arg7: memref<800x200xi32, #tpu.memory_space<hbm>>, %arg8: memref<800x200xi32, #tpu.memory_space<hbm>>, %arg9: memref<800x200xi32, #tpu.memory_space<hbm>>, %arg10: memref<800x200xi32, #tpu.memory_space<hbm>>, %arg11: memref<625x32xf32, #tpu.memory_space<hbm>>, %arg12: memref<625x16xf32, #tpu.memory_space<hbm>>, %arg13: memref<200x16xf32, #tpu.memory_space<hbm>>, %arg14: memref<2x10000x32xf32, #tpu.memory_space<hbm>>, %arg15: memref<2x10000x32xf32, #tpu.memory_space<hbm>>, %arg16: memref<2x10000x32xf32, #tpu.memory_space<hbm>>, %arg17: memref<2x10000x16xf32, #tpu.memory_space<hbm>>, %arg18: memref<2x10000x16xf32, #tpu.memory_space<hbm>>, %arg19: memref<2x10000x16xf32, #tpu.memory_space<hbm>>, %arg20: memref<25x200xi32, #tpu.memory_space<vmem>>, %arg21: memref<25x200xi32, #tpu.memory_space<vmem>>, %arg22: memref<200x16xf32, #tpu.memory_space<vmem>>, %arg23: memref<200x32xf32, #tpu.memory_space<vmem>>, %arg24: memref<200x32xf32, #tpu.memory_space<vmem>>, %arg25: memref<200x32xf32, #tpu.memory_space<vmem>>, %arg26: memref<200x32xf32, #tpu.memory_space<vmem>>, %arg27: memref<200x32xf32, #tpu.memory_space<vmem>>, %arg28: memref<!tpu.dma_semaphore, #tpu.memory_space<semaphore_mem>>, %arg29: memref<!tpu.dma_semaphore, #tpu.memory_space<semaphore_mem>>, %arg30: memref<!tpu.dma_semaphore, #tpu.memory_space<semaphore_mem>>, %arg31: memref<!tpu.dma_semaphore, #tpu.memory_space<semaphore_mem>>, %arg32: memref<!tpu.dma_semaphore, #tpu.memory_space<semaphore_mem>>, %arg33: memref<!tpu.dma_semaphore, #tpu.memory_space<semaphore_mem>>, %arg34: memref<!tpu.dma_semaphore, #tpu.memory_space<semaphore_mem>>, %arg35: memref<!tpu.dma_semaphore, #tpu.memory_space<semaphore_mem>>, %arg36: memref<!tpu.dma_semaphore, #tpu.memory_space<semaphore_mem>>, %arg37: memref<!tpu.dma_semaphore, #tpu.memory_space<semaphore_mem>>, %arg38: memref<!tpu.dma_semaphore, #tpu.memory_space<semaphore_mem>>, %arg39: memref<!tpu.dma_semaphore, #tpu.memory_space<semaphore_mem>>, %arg40: memref<!tpu.dma_semaphore, #tpu.memory_space<semaphore_mem>>, %arg41: memref<!tpu.dma_semaphore, #tpu.memory_space<semaphore_mem>>, %arg42: memref<!tpu.dma_semaphore, #tpu.memory_space<semaphore_mem>>, %arg43: memref<10000x32xf32, #tpu.memory_space<vmem_shared>>, %arg44: memref<10000x32xf32, #tpu.memory_space<vmem_shared>>, %arg45: memref<10000x16xf32, #tpu.memory_space<vmem_shared>>) attributes {dimension_semantics = [#tpu.dimension_semantics<core_parallel>, #tpu.dimension_semantics<subcore_parallel>], iteration_bounds = array<i64: 2, 16>, scalar_prefetch = 0 : i64, scratch_operands = 26 : i64, tpu.core_type = #tpu.core_type<sc_vector_subcore>, window_params = [{transform_indices = #map}, {transform_indices = #map}, {transform_indices = #map}, {transform_indices = #map}, {transform_indices = #map}, {transform_indices = #map}, {transform_indices = #map}, {transform_indices = #map}, {transform_indices = #map}, {transform_indices = #map}, {transform_indices = #map}, {transform_indices = #map}, {transform_indices = #map1}, {transform_indices = #map1}, {transform_indices = #map1}, {transform_indices = #map1}, {transform_indices = #map1}, {transform_indices = #map1}]} {
    %mul3A = arith.constant 2 : i32
    %mul3A_0 = arith.muli %arg1, %mul3A : i32
    %add3A = arith.addi %mul3A_0, %arg0 : i32
    "tpu.region"() ({
      %run_scoped3A = tpu.sem_alloc : memref<!tpu.dma_semaphore, #tpu.memory_space<semaphore_mem>>
      tpu.enqueue_dma source(%arg13 : memref<200x16xf32, #tpu.memory_space<hbm>>) target(%arg22 : memref<200x16xf32, #tpu.memory_space<vmem>>) target_semaphore(%run_scoped3A : memref<!tpu.dma_semaphore, #tpu.memory_space<semaphore_mem>>)
      tpu.wait_dma2 semaphore(%run_scoped3A : memref<!tpu.dma_semaphore, #tpu.memory_space<semaphore_mem>>) src(%arg13 : memref<200x16xf32, #tpu.memory_space<hbm>>) dst(%arg22 : memref<200x16xf32, #tpu.memory_space<vmem>>)
      tpu.yield
    }) : () -> ()
    %mul3A_1 = arith.constant 625 : i32
    %mul3A_2 = arith.muli %arg1, %mul3A_1 : i32
    %mul3A_3 = arith.constant 625 : i32
    %mul3A_4 = arith.muli %arg1, %mul3A_3 : i32
    "tpu.region"() ({
      %run_scoped3A = tpu.sem_alloc : memref<!tpu.dma_semaphore, #tpu.memory_space<semaphore_mem>>
      %dma_start3A = arith.constant 0 : i32
      %dma_start3A_83 = tpu.memref_slice %arg43[%mul3A_4, %dma_start3A] : memref<10000x32xf32, #tpu.memory_space<vmem_shared>> -> memref<625x32xf32, #tpu.memory_space<vmem_shared>>
      %dma_start3A_84 = arith.constant 0 : i32
      %dma_start3A_85 = tpu.memref_slice %arg2[%mul3A_2, %dma_start3A_84] : memref<10000x32xf32, #tpu.memory_space<hbm>> -> memref<625x32xf32, #tpu.memory_space<hbm>>
      tpu.enqueue_dma source(%dma_start3A_85 : memref<625x32xf32, #tpu.memory_space<hbm>>) target(%dma_start3A_83 : memref<625x32xf32, #tpu.memory_space<vmem_shared>>) target_semaphore(%run_scoped3A : memref<!tpu.dma_semaphore, #tpu.memory_space<semaphore_mem>>)
      %dma_wait3A = arith.constant 0 : i32
      %dma_wait3A_86 = tpu.memref_slice %arg43[%mul3A_4, %dma_wait3A] : memref<10000x32xf32, #tpu.memory_space<vmem_shared>> -> memref<625x32xf32, #tpu.memory_space<vmem_shared>>
      %dma_wait3A_87 = arith.constant 0 : i32
      %dma_wait3A_88 = tpu.memref_slice %arg2[%mul3A_2, %dma_wait3A_87] : memref<10000x32xf32, #tpu.memory_space<hbm>> -> memref<625x32xf32, #tpu.memory_space<hbm>>
      tpu.wait_dma2 semaphore(%run_scoped3A : memref<!tpu.dma_semaphore, #tpu.memory_space<semaphore_mem>>) src(%dma_wait3A_88 : memref<625x32xf32, #tpu.memory_space<hbm>>) dst(%dma_wait3A_86 : memref<625x32xf32, #tpu.memory_space<vmem_shared>>)
      tpu.yield
    }) : () -> ()
    %mul3A_5 = arith.constant 625 : i32
    %mul3A_6 = arith.muli %arg1, %mul3A_5 : i32
    "tpu.region"() ({
      %run_scoped3A = tpu.sem_alloc : memref<!tpu.dma_semaphore, #tpu.memory_space<semaphore_mem>>
      %dma_start3A = arith.constant 0 : i32
      %dma_start3A_83 = tpu.memref_slice %arg44[%mul3A_6, %dma_start3A] : memref<10000x32xf32, #tpu.memory_space<vmem_shared>> -> memref<625x32xf32, #tpu.memory_space<vmem_shared>>
      tpu.enqueue_dma source(%arg11 : memref<625x32xf32, #tpu.memory_space<hbm>>) target(%dma_start3A_83 : memref<625x32xf32, #tpu.memory_space<vmem_shared>>) target_semaphore(%run_scoped3A : memref<!tpu.dma_semaphore, #tpu.memory_space<semaphore_mem>>)
      %dma_wait3A = arith.constant 0 : i32
      %dma_wait3A_84 = tpu.memref_slice %arg44[%mul3A_6, %dma_wait3A] : memref<10000x32xf32, #tpu.memory_space<vmem_shared>> -> memref<625x32xf32, #tpu.memory_space<vmem_shared>>
      tpu.wait_dma2 semaphore(%run_scoped3A : memref<!tpu.dma_semaphore, #tpu.memory_space<semaphore_mem>>) src(%arg11 : memref<625x32xf32, #tpu.memory_space<hbm>>) dst(%dma_wait3A_84 : memref<625x32xf32, #tpu.memory_space<vmem_shared>>)
      tpu.yield
    }) : () -> ()
    %mul3A_7 = arith.constant 625 : i32
    %mul3A_8 = arith.muli %arg1, %mul3A_7 : i32
    "tpu.region"() ({
      %run_scoped3A = tpu.sem_alloc : memref<!tpu.dma_semaphore, #tpu.memory_space<semaphore_mem>>
      %dma_start3A = arith.constant 0 : i32
      %dma_start3A_83 = tpu.memref_slice %arg45[%mul3A_8, %dma_start3A] : memref<10000x16xf32, #tpu.memory_space<vmem_shared>> -> memref<625x16xf32, #tpu.memory_space<vmem_shared>>
      tpu.enqueue_dma source(%arg12 : memref<625x16xf32, #tpu.memory_space<hbm>>) target(%dma_start3A_83 : memref<625x16xf32, #tpu.memory_space<vmem_shared>>) target_semaphore(%run_scoped3A : memref<!tpu.dma_semaphore, #tpu.memory_space<semaphore_mem>>)
      %dma_wait3A = arith.constant 0 : i32
      %dma_wait3A_84 = tpu.memref_slice %arg45[%mul3A_8, %dma_wait3A] : memref<10000x16xf32, #tpu.memory_space<vmem_shared>> -> memref<625x16xf32, #tpu.memory_space<vmem_shared>>
      tpu.wait_dma2 semaphore(%run_scoped3A : memref<!tpu.dma_semaphore, #tpu.memory_space<semaphore_mem>>) src(%arg12 : memref<625x16xf32, #tpu.memory_space<hbm>>) dst(%dma_wait3A_84 : memref<625x16xf32, #tpu.memory_space<vmem_shared>>)
      tpu.yield
    }) : () -> ()
    %mul3A_9 = arith.constant 25 : i32
    %mul3A_10 = arith.muli %add3A, %mul3A_9 : i32
    "tpu.region"() ({
      %run_scoped3A = tpu.sem_alloc : memref<!tpu.dma_semaphore, #tpu.memory_space<semaphore_mem>>
      %dma_start3A = arith.constant 0 : i32
      %dma_start3A_83 = tpu.memref_slice %arg5[%mul3A_10, %dma_start3A] : memref<800x200xi32, #tpu.memory_space<hbm>> -> memref<25x200xi32, #tpu.memory_space<hbm>>
      %dma_start3A_84 = arith.constant 0 : i32
      %dma_start3A_85 = tpu.memref_slice %arg5[%mul3A_10, %dma_start3A_84] : memref<800x200xi32, #tpu.memory_space<hbm>> -> memref<25x200xi32, #tpu.memory_space<hbm>>
      tpu.enqueue_dma source(%dma_start3A_85 : memref<25x200xi32, #tpu.memory_space<hbm>>) target(%arg20 : memref<25x200xi32, #tpu.memory_space<vmem>>) target_semaphore(%run_scoped3A : memref<!tpu.dma_semaphore, #tpu.memory_space<semaphore_mem>>)
      %dma_wait3A = arith.constant 0 : i32
      %dma_wait3A_86 = tpu.memref_slice %arg5[%mul3A_10, %dma_wait3A] : memref<800x200xi32, #tpu.memory_space<hbm>> -> memref<25x200xi32, #tpu.memory_space<hbm>>
      %dma_wait3A_87 = arith.constant 0 : i32
      %dma_wait3A_88 = tpu.memref_slice %arg5[%mul3A_10, %dma_wait3A_87] : memref<800x200xi32, #tpu.memory_space<hbm>> -> memref<25x200xi32, #tpu.memory_space<hbm>>
      tpu.wait_dma2 semaphore(%run_scoped3A : memref<!tpu.dma_semaphore, #tpu.memory_space<semaphore_mem>>) src(%dma_wait3A_88 : memref<25x200xi32, #tpu.memory_space<hbm>>) dst(%arg20 : memref<25x200xi32, #tpu.memory_space<vmem>>)
      tpu.yield
    }) : () -> ()
    %mul3A_11 = arith.constant 25 : i32
    %mul3A_12 = arith.muli %add3A, %mul3A_11 : i32
    "tpu.region"() ({
      %run_scoped3A = tpu.sem_alloc : memref<!tpu.dma_semaphore, #tpu.memory_space<semaphore_mem>>
      %dma_start3A = arith.constant 0 : i32
      %dma_start3A_83 = tpu.memref_slice %arg8[%mul3A_12, %dma_start3A] : memref<800x200xi32, #tpu.memory_space<hbm>> -> memref<25x200xi32, #tpu.memory_space<hbm>>
      %dma_start3A_84 = arith.constant 0 : i32
      %dma_start3A_85 = tpu.memref_slice %arg8[%mul3A_12, %dma_start3A_84] : memref<800x200xi32, #tpu.memory_space<hbm>> -> memref<25x200xi32, #tpu.memory_space<hbm>>
      tpu.enqueue_dma source(%dma_start3A_85 : memref<25x200xi32, #tpu.memory_space<hbm>>) target(%arg21 : memref<25x200xi32, #tpu.memory_space<vmem>>) target_semaphore(%run_scoped3A : memref<!tpu.dma_semaphore, #tpu.memory_space<semaphore_mem>>)
      %dma_wait3A = arith.constant 0 : i32
      %dma_wait3A_86 = tpu.memref_slice %arg8[%mul3A_12, %dma_wait3A] : memref<800x200xi32, #tpu.memory_space<hbm>> -> memref<25x200xi32, #tpu.memory_space<hbm>>
      %dma_wait3A_87 = arith.constant 0 : i32
      %dma_wait3A_88 = tpu.memref_slice %arg8[%mul3A_12, %dma_wait3A_87] : memref<800x200xi32, #tpu.memory_space<hbm>> -> memref<25x200xi32, #tpu.memory_space<hbm>>
      tpu.wait_dma2 semaphore(%run_scoped3A : memref<!tpu.dma_semaphore, #tpu.memory_space<semaphore_mem>>) src(%dma_wait3A_88 : memref<25x200xi32, #tpu.memory_space<hbm>>) dst(%arg21 : memref<25x200xi32, #tpu.memory_space<vmem>>)
      tpu.yield
    }) : () -> ()
    %barrier3A = arith.constant 0 : index
    tpu.barrier barrier_id(%barrier3A)
    %scan3A = arith.constant 0 : i32
    %scan3A_13 = arith.constant 0 : i32
    %scan3A_14 = arith.constant 5 : i32
    %scan3A_15 = arith.addi %scan3A_13, %scan3A_14 : i32
    %scan3A_16 = arith.constant 1 : i32
    scf.for %scan3A_83 = %scan3A_13 to %scan3A_15 step %scan3A_16  : i32 {
      %mul3A_84 = arith.constant 5 : i32
      %mul3A_85 = arith.muli %mul3A_84, %scan3A_83 : i32
      %add3A_86 = arith.constant 0 : i32
      %add3A_87 = arith.addi %mul3A_85, %add3A_86 : i32
      %dma_start3A = arith.constant 0 : i32
      %dma_start3A_88 = tpu.memref_slice %arg20[%add3A_87, %dma_start3A] : memref<25x200xi32, #tpu.memory_space<vmem>> -> memref<1x200xi32, #tpu.memory_space<vmem>>
      %dma_start3A_89 = tpu.memref_squeeze %dma_start3A_88 : memref<1x200xi32, #tpu.memory_space<vmem>> -> memref<200xi32, #tpu.memory_space<vmem>>
      %dma_start3A_90 = arith.constant 0 : i32
      %dma_start3A_91 = arith.constant 0 : i32
      %dma_start3A_92 = tpu.memref_slice %arg43[%dma_start3A_90, %dma_start3A_91] : memref<10000x32xf32, #tpu.memory_space<vmem_shared>> -> memref<10000x32xf32, #tpu.memory_space<vmem_shared>>
      tpu.enqueue_indirect_dma source(%dma_start3A_92 : memref<10000x32xf32, #tpu.memory_space<vmem_shared>>) target(%arg23 : memref<200x32xf32, #tpu.memory_space<vmem>>) offsets(%dma_start3A_89 : memref<200xi32, #tpu.memory_space<vmem>>) semaphore(%arg28 : memref<!tpu.dma_semaphore, #tpu.memory_space<semaphore_mem>>)
      %mul3A_93 = arith.constant 5 : i32
      %mul3A_94 = arith.muli %mul3A_93, %scan3A_83 : i32
      %add3A_95 = arith.constant 1 : i32
      %add3A_96 = arith.addi %mul3A_94, %add3A_95 : i32
      %dma_start3A_97 = arith.constant 0 : i32
      %dma_start3A_98 = tpu.memref_slice %arg20[%add3A_96, %dma_start3A_97] : memref<25x200xi32, #tpu.memory_space<vmem>> -> memref<1x200xi32, #tpu.memory_space<vmem>>
      %dma_start3A_99 = tpu.memref_squeeze %dma_start3A_98 : memref<1x200xi32, #tpu.memory_space<vmem>> -> memref<200xi32, #tpu.memory_space<vmem>>
      %dma_start3A_100 = arith.constant 0 : i32
      %dma_start3A_101 = arith.constant 0 : i32
      %dma_start3A_102 = tpu.memref_slice %arg43[%dma_start3A_100, %dma_start3A_101] : memref<10000x32xf32, #tpu.memory_space<vmem_shared>> -> memref<10000x32xf32, #tpu.memory_space<vmem_shared>>
      tpu.enqueue_indirect_dma source(%dma_start3A_102 : memref<10000x32xf32, #tpu.memory_space<vmem_shared>>) target(%arg24 : memref<200x32xf32, #tpu.memory_space<vmem>>) offsets(%dma_start3A_99 : memref<200xi32, #tpu.memory_space<vmem>>) semaphore(%arg29 : memref<!tpu.dma_semaphore, #tpu.memory_space<semaphore_mem>>)
      %mul3A_103 = arith.constant 5 : i32
      %mul3A_104 = arith.muli %mul3A_103, %scan3A_83 : i32
      %add3A_105 = arith.constant 2 : i32
      %add3A_106 = arith.addi %mul3A_104, %add3A_105 : i32
      %dma_start3A_107 = arith.constant 0 : i32
      %dma_start3A_108 = tpu.memref_slice %arg20[%add3A_106, %dma_start3A_107] : memref<25x200xi32, #tpu.memory_space<vmem>> -> memref<1x200xi32, #tpu.memory_space<vmem>>
      %dma_start3A_109 = tpu.memref_squeeze %dma_start3A_108 : memref<1x200xi32, #tpu.memory_space<vmem>> -> memref<200xi32, #tpu.memory_space<vmem>>
      %dma_start3A_110 = arith.constant 0 : i32
      %dma_start3A_111 = arith.constant 0 : i32
      %dma_start3A_112 = tpu.memref_slice %arg43[%dma_start3A_110, %dma_start3A_111] : memref<10000x32xf32, #tpu.memory_space<vmem_shared>> -> memref<10000x32xf32, #tpu.memory_space<vmem_shared>>
      tpu.enqueue_indirect_dma source(%dma_start3A_112 : memref<10000x32xf32, #tpu.memory_space<vmem_shared>>) target(%arg25 : memref<200x32xf32, #tpu.memory_space<vmem>>) offsets(%dma_start3A_109 : memref<200xi32, #tpu.memory_space<vmem>>) semaphore(%arg30 : memref<!tpu.dma_semaphore, #tpu.memory_space<semaphore_mem>>)
      %mul3A_113 = arith.constant 5 : i32
      %mul3A_114 = arith.muli %mul3A_113, %scan3A_83 : i32
      %add3A_115 = arith.constant 3 : i32
      %add3A_116 = arith.addi %mul3A_114, %add3A_115 : i32
      %dma_start3A_117 = arith.constant 0 : i32
      %dma_start3A_118 = tpu.memref_slice %arg20[%add3A_116, %dma_start3A_117] : memref<25x200xi32, #tpu.memory_space<vmem>> -> memref<1x200xi32, #tpu.memory_space<vmem>>
      %dma_start3A_119 = tpu.memref_squeeze %dma_start3A_118 : memref<1x200xi32, #tpu.memory_space<vmem>> -> memref<200xi32, #tpu.memory_space<vmem>>
      %dma_start3A_120 = arith.constant 0 : i32
      %dma_start3A_121 = arith.constant 0 : i32
      %dma_start3A_122 = tpu.memref_slice %arg43[%dma_start3A_120, %dma_start3A_121] : memref<10000x32xf32, #tpu.memory_space<vmem_shared>> -> memref<10000x32xf32, #tpu.memory_space<vmem_shared>>
      tpu.enqueue_indirect_dma source(%dma_start3A_122 : memref<10000x32xf32, #tpu.memory_space<vmem_shared>>) target(%arg26 : memref<200x32xf32, #tpu.memory_space<vmem>>) offsets(%dma_start3A_119 : memref<200xi32, #tpu.memory_space<vmem>>) semaphore(%arg31 : memref<!tpu.dma_semaphore, #tpu.memory_space<semaphore_mem>>)
      %mul3A_123 = arith.constant 5 : i32
      %mul3A_124 = arith.muli %mul3A_123, %scan3A_83 : i32
      %add3A_125 = arith.constant 4 : i32
      %add3A_126 = arith.addi %mul3A_124, %add3A_125 : i32
      %dma_start3A_127 = arith.constant 0 : i32
      %dma_start3A_128 = tpu.memref_slice %arg20[%add3A_126, %dma_start3A_127] : memref<25x200xi32, #tpu.memory_space<vmem>> -> memref<1x200xi32, #tpu.memory_space<vmem>>
      %dma_start3A_129 = tpu.memref_squeeze %dma_start3A_128 : memref<1x200xi32, #tpu.memory_space<vmem>> -> memref<200xi32, #tpu.memory_space<vmem>>
      %dma_start3A_130 = arith.constant 0 : i32
      %dma_start3A_131 = arith.constant 0 : i32
      %dma_start3A_132 = tpu.memref_slice %arg43[%dma_start3A_130, %dma_start3A_131] : memref<10000x32xf32, #tpu.memory_space<vmem_shared>> -> memref<10000x32xf32, #tpu.memory_space<vmem_shared>>
      tpu.enqueue_indirect_dma source(%dma_start3A_132 : memref<10000x32xf32, #tpu.memory_space<vmem_shared>>) target(%arg27 : memref<200x32xf32, #tpu.memory_space<vmem>>) offsets(%dma_start3A_129 : memref<200xi32, #tpu.memory_space<vmem>>) semaphore(%arg32 : memref<!tpu.dma_semaphore, #tpu.memory_space<semaphore_mem>>)
      %mul3A_133 = arith.constant 5 : i32
      %mul3A_134 = arith.muli %mul3A_133, %scan3A_83 : i32
      %add3A_135 = arith.constant 0 : i32
      %add3A_136 = arith.addi %mul3A_134, %add3A_135 : i32
      %dma_wait3A = arith.constant 0 : i32
      %dma_wait3A_137 = tpu.memref_slice %arg20[%add3A_87, %dma_wait3A] : memref<25x200xi32, #tpu.memory_space<vmem>> -> memref<1x200xi32, #tpu.memory_space<vmem>>
      %dma_wait3A_138 = tpu.memref_squeeze %dma_wait3A_137 : memref<1x200xi32, #tpu.memory_space<vmem>> -> memref<200xi32, #tpu.memory_space<vmem>>
      %dma_wait3A_139 = arith.constant 0 : i32
      %dma_wait3A_140 = arith.constant 0 : i32
      %dma_wait3A_141 = tpu.memref_slice %arg43[%dma_wait3A_139, %dma_wait3A_140] : memref<10000x32xf32, #tpu.memory_space<vmem_shared>> -> memref<10000x32xf32, #tpu.memory_space<vmem_shared>>
      tpu.wait_indirect_dma semaphore(%arg28 : memref<!tpu.dma_semaphore, #tpu.memory_space<semaphore_mem>>) src(%dma_wait3A_141 : memref<10000x32xf32, #tpu.memory_space<vmem_shared>>) dst(%arg23 : memref<200x32xf32, #tpu.memory_space<vmem>>)
      %dma_start3A_142 = arith.constant 0 : i32
      %dma_start3A_143 = tpu.memref_slice %arg21[%add3A_136, %dma_start3A_142] : memref<25x200xi32, #tpu.memory_space<vmem>> -> memref<1x200xi32, #tpu.memory_space<vmem>>
      %dma_start3A_144 = tpu.memref_squeeze %dma_start3A_143 : memref<1x200xi32, #tpu.memory_space<vmem>> -> memref<200xi32, #tpu.memory_space<vmem>>
      %dma_start3A_145 = arith.constant 0 : i32
      %dma_start3A_146 = arith.constant 0 : i32
      %dma_start3A_147 = tpu.memref_slice %arg44[%dma_start3A_145, %dma_start3A_146] : memref<10000x32xf32, #tpu.memory_space<vmem_shared>> -> memref<10000x32xf32, #tpu.memory_space<vmem_shared>>
      tpu.enqueue_indirect_dma source(%arg23 : memref<200x32xf32, #tpu.memory_space<vmem>>) target(%dma_start3A_147 : memref<10000x32xf32, #tpu.memory_space<vmem_shared>>) offsets(%dma_start3A_144 : memref<200xi32, #tpu.memory_space<vmem>>) semaphore(%arg33 : memref<!tpu.dma_semaphore, #tpu.memory_space<semaphore_mem>>) {add = true}
      %dma_start3A_148 = arith.constant 0 : i32
      %dma_start3A_149 = tpu.memref_slice %arg21[%add3A_136, %dma_start3A_148] : memref<25x200xi32, #tpu.memory_space<vmem>> -> memref<1x200xi32, #tpu.memory_space<vmem>>
      %dma_start3A_150 = tpu.memref_squeeze %dma_start3A_149 : memref<1x200xi32, #tpu.memory_space<vmem>> -> memref<200xi32, #tpu.memory_space<vmem>>
      %dma_start3A_151 = arith.constant 0 : i32
      %dma_start3A_152 = arith.constant 0 : i32
      %dma_start3A_153 = tpu.memref_slice %arg45[%dma_start3A_151, %dma_start3A_152] : memref<10000x16xf32, #tpu.memory_space<vmem_shared>> -> memref<10000x16xf32, #tpu.memory_space<vmem_shared>>
      tpu.enqueue_indirect_dma source(%arg22 : memref<200x16xf32, #tpu.memory_space<vmem>>) target(%dma_start3A_153 : memref<10000x16xf32, #tpu.memory_space<vmem_shared>>) offsets(%dma_start3A_150 : memref<200xi32, #tpu.memory_space<vmem>>) semaphore(%arg38 : memref<!tpu.dma_semaphore, #tpu.memory_space<semaphore_mem>>) {add = true}
      %mul3A_154 = arith.constant 5 : i32
      %mul3A_155 = arith.muli %mul3A_154, %scan3A_83 : i32
      %add3A_156 = arith.constant 1 : i32
      %add3A_157 = arith.addi %mul3A_155, %add3A_156 : i32
      %dma_wait3A_158 = arith.constant 0 : i32
      %dma_wait3A_159 = tpu.memref_slice %arg20[%add3A_96, %dma_wait3A_158] : memref<25x200xi32, #tpu.memory_space<vmem>> -> memref<1x200xi32, #tpu.memory_space<vmem>>
      %dma_wait3A_160 = tpu.memref_squeeze %dma_wait3A_159 : memref<1x200xi32, #tpu.memory_space<vmem>> -> memref<200xi32, #tpu.memory_space<vmem>>
      %dma_wait3A_161 = arith.constant 0 : i32
      %dma_wait3A_162 = arith.constant 0 : i32
      %dma_wait3A_163 = tpu.memref_slice %arg43[%dma_wait3A_161, %dma_wait3A_162] : memref<10000x32xf32, #tpu.memory_space<vmem_shared>> -> memref<10000x32xf32, #tpu.memory_space<vmem_shared>>
      tpu.wait_indirect_dma semaphore(%arg29 : memref<!tpu.dma_semaphore, #tpu.memory_space<semaphore_mem>>) src(%dma_wait3A_163 : memref<10000x32xf32, #tpu.memory_space<vmem_shared>>) dst(%arg24 : memref<200x32xf32, #tpu.memory_space<vmem>>)
      %dma_start3A_164 = arith.constant 0 : i32
      %dma_start3A_165 = tpu.memref_slice %arg21[%add3A_157, %dma_start3A_164] : memref<25x200xi32, #tpu.memory_space<vmem>> -> memref<1x200xi32, #tpu.memory_space<vmem>>
      %dma_start3A_166 = tpu.memref_squeeze %dma_start3A_165 : memref<1x200xi32, #tpu.memory_space<vmem>> -> memref<200xi32, #tpu.memory_space<vmem>>
      %dma_start3A_167 = arith.constant 0 : i32
      %dma_start3A_168 = arith.constant 0 : i32
      %dma_start3A_169 = tpu.memref_slice %arg44[%dma_start3A_167, %dma_start3A_168] : memref<10000x32xf32, #tpu.memory_space<vmem_shared>> -> memref<10000x32xf32, #tpu.memory_space<vmem_shared>>
      tpu.enqueue_indirect_dma source(%arg24 : memref<200x32xf32, #tpu.memory_space<vmem>>) target(%dma_start3A_169 : memref<10000x32xf32, #tpu.memory_space<vmem_shared>>) offsets(%dma_start3A_166 : memref<200xi32, #tpu.memory_space<vmem>>) semaphore(%arg34 : memref<!tpu.dma_semaphore, #tpu.memory_space<semaphore_mem>>) {add = true}
      %dma_start3A_170 = arith.constant 0 : i32
      %dma_start3A_171 = tpu.memref_slice %arg21[%add3A_157, %dma_start3A_170] : memref<25x200xi32, #tpu.memory_space<vmem>> -> memref<1x200xi32, #tpu.memory_space<vmem>>
      %dma_start3A_172 = tpu.memref_squeeze %dma_start3A_171 : memref<1x200xi32, #tpu.memory_space<vmem>> -> memref<200xi32, #tpu.memory_space<vmem>>
      %dma_start3A_173 = arith.constant 0 : i32
      %dma_start3A_174 = arith.constant 0 : i32
      %dma_start3A_175 = tpu.memref_slice %arg45[%dma_start3A_173, %dma_start3A_174] : memref<10000x16xf32, #tpu.memory_space<vmem_shared>> -> memref<10000x16xf32, #tpu.memory_space<vmem_shared>>
      tpu.enqueue_indirect_dma source(%arg22 : memref<200x16xf32, #tpu.memory_space<vmem>>) target(%dma_start3A_175 : memref<10000x16xf32, #tpu.memory_space<vmem_shared>>) offsets(%dma_start3A_172 : memref<200xi32, #tpu.memory_space<vmem>>) semaphore(%arg39 : memref<!tpu.dma_semaphore, #tpu.memory_space<semaphore_mem>>) {add = true}
      %mul3A_176 = arith.constant 5 : i32
      %mul3A_177 = arith.muli %mul3A_176, %scan3A_83 : i32
      %add3A_178 = arith.constant 2 : i32
      %add3A_179 = arith.addi %mul3A_177, %add3A_178 : i32
      %dma_wait3A_180 = arith.constant 0 : i32
      %dma_wait3A_181 = tpu.memref_slice %arg20[%add3A_106, %dma_wait3A_180] : memref<25x200xi32, #tpu.memory_space<vmem>> -> memref<1x200xi32, #tpu.memory_space<vmem>>
      %dma_wait3A_182 = tpu.memref_squeeze %dma_wait3A_181 : memref<1x200xi32, #tpu.memory_space<vmem>> -> memref<200xi32, #tpu.memory_space<vmem>>
      %dma_wait3A_183 = arith.constant 0 : i32
      %dma_wait3A_184 = arith.constant 0 : i32
      %dma_wait3A_185 = tpu.memref_slice %arg43[%dma_wait3A_183, %dma_wait3A_184] : memref<10000x32xf32, #tpu.memory_space<vmem_shared>> -> memref<10000x32xf32, #tpu.memory_space<vmem_shared>>
      tpu.wait_indirect_dma semaphore(%arg30 : memref<!tpu.dma_semaphore, #tpu.memory_space<semaphore_mem>>) src(%dma_wait3A_185 : memref<10000x32xf32, #tpu.memory_space<vmem_shared>>) dst(%arg25 : memref<200x32xf32, #tpu.memory_space<vmem>>)
      %dma_start3A_186 = arith.constant 0 : i32
      %dma_start3A_187 = tpu.memref_slice %arg21[%add3A_179, %dma_start3A_186] : memref<25x200xi32, #tpu.memory_space<vmem>> -> memref<1x200xi32, #tpu.memory_space<vmem>>
      %dma_start3A_188 = tpu.memref_squeeze %dma_start3A_187 : memref<1x200xi32, #tpu.memory_space<vmem>> -> memref<200xi32, #tpu.memory_space<vmem>>
      %dma_start3A_189 = arith.constant 0 : i32
      %dma_start3A_190 = arith.constant 0 : i32
      %dma_start3A_191 = tpu.memref_slice %arg44[%dma_start3A_189, %dma_start3A_190] : memref<10000x32xf32, #tpu.memory_space<vmem_shared>> -> memref<10000x32xf32, #tpu.memory_space<vmem_shared>>
      tpu.enqueue_indirect_dma source(%arg25 : memref<200x32xf32, #tpu.memory_space<vmem>>) target(%dma_start3A_191 : memref<10000x32xf32, #tpu.memory_space<vmem_shared>>) offsets(%dma_start3A_188 : memref<200xi32, #tpu.memory_space<vmem>>) semaphore(%arg35 : memref<!tpu.dma_semaphore, #tpu.memory_space<semaphore_mem>>) {add = true}
      %dma_start3A_192 = arith.constant 0 : i32
      %dma_start3A_193 = tpu.memref_slice %arg21[%add3A_179, %dma_start3A_192] : memref<25x200xi32, #tpu.memory_space<vmem>> -> memref<1x200xi32, #tpu.memory_space<vmem>>
      %dma_start3A_194 = tpu.memref_squeeze %dma_start3A_193 : memref<1x200xi32, #tpu.memory_space<vmem>> -> memref<200xi32, #tpu.memory_space<vmem>>
      %dma_start3A_195 = arith.constant 0 : i32
      %dma_start3A_196 = arith.constant 0 : i32
      %dma_start3A_197 = tpu.memref_slice %arg45[%dma_start3A_195, %dma_start3A_196] : memref<10000x16xf32, #tpu.memory_space<vmem_shared>> -> memref<10000x16xf32, #tpu.memory_space<vmem_shared>>
      tpu.enqueue_indirect_dma source(%arg22 : memref<200x16xf32, #tpu.memory_space<vmem>>) target(%dma_start3A_197 : memref<10000x16xf32, #tpu.memory_space<vmem_shared>>) offsets(%dma_start3A_194 : memref<200xi32, #tpu.memory_space<vmem>>) semaphore(%arg40 : memref<!tpu.dma_semaphore, #tpu.memory_space<semaphore_mem>>) {add = true}
      %mul3A_198 = arith.constant 5 : i32
      %mul3A_199 = arith.muli %mul3A_198, %scan3A_83 : i32
      %add3A_200 = arith.constant 3 : i32
      %add3A_201 = arith.addi %mul3A_199, %add3A_200 : i32
      %dma_wait3A_202 = arith.constant 0 : i32
      %dma_wait3A_203 = tpu.memref_slice %arg20[%add3A_116, %dma_wait3A_202] : memref<25x200xi32, #tpu.memory_space<vmem>> -> memref<1x200xi32, #tpu.memory_space<vmem>>
      %dma_wait3A_204 = tpu.memref_squeeze %dma_wait3A_203 : memref<1x200xi32, #tpu.memory_space<vmem>> -> memref<200xi32, #tpu.memory_space<vmem>>
      %dma_wait3A_205 = arith.constant 0 : i32
      %dma_wait3A_206 = arith.constant 0 : i32
      %dma_wait3A_207 = tpu.memref_slice %arg43[%dma_wait3A_205, %dma_wait3A_206] : memref<10000x32xf32, #tpu.memory_space<vmem_shared>> -> memref<10000x32xf32, #tpu.memory_space<vmem_shared>>
      tpu.wait_indirect_dma semaphore(%arg31 : memref<!tpu.dma_semaphore, #tpu.memory_space<semaphore_mem>>) src(%dma_wait3A_207 : memref<10000x32xf32, #tpu.memory_space<vmem_shared>>) dst(%arg26 : memref<200x32xf32, #tpu.memory_space<vmem>>)
      %dma_start3A_208 = arith.constant 0 : i32
      %dma_start3A_209 = tpu.memref_slice %arg21[%add3A_201, %dma_start3A_208] : memref<25x200xi32, #tpu.memory_space<vmem>> -> memref<1x200xi32, #tpu.memory_space<vmem>>
      %dma_start3A_210 = tpu.memref_squeeze %dma_start3A_209 : memref<1x200xi32, #tpu.memory_space<vmem>> -> memref<200xi32, #tpu.memory_space<vmem>>
      %dma_start3A_211 = arith.constant 0 : i32
      %dma_start3A_212 = arith.constant 0 : i32
      %dma_start3A_213 = tpu.memref_slice %arg44[%dma_start3A_211, %dma_start3A_212] : memref<10000x32xf32, #tpu.memory_space<vmem_shared>> -> memref<10000x32xf32, #tpu.memory_space<vmem_shared>>
      tpu.enqueue_indirect_dma source(%arg26 : memref<200x32xf32, #tpu.memory_space<vmem>>) target(%dma_start3A_213 : memref<10000x32xf32, #tpu.memory_space<vmem_shared>>) offsets(%dma_start3A_210 : memref<200xi32, #tpu.memory_space<vmem>>) semaphore(%arg36 : memref<!tpu.dma_semaphore, #tpu.memory_space<semaphore_mem>>) {add = true}
      %dma_start3A_214 = arith.constant 0 : i32
      %dma_start3A_215 = tpu.memref_slice %arg21[%add3A_201, %dma_start3A_214] : memref<25x200xi32, #tpu.memory_space<vmem>> -> memref<1x200xi32, #tpu.memory_space<vmem>>
      %dma_start3A_216 = tpu.memref_squeeze %dma_start3A_215 : memref<1x200xi32, #tpu.memory_space<vmem>> -> memref<200xi32, #tpu.memory_space<vmem>>
      %dma_start3A_217 = arith.constant 0 : i32
      %dma_start3A_218 = arith.constant 0 : i32
      %dma_start3A_219 = tpu.memref_slice %arg45[%dma_start3A_217, %dma_start3A_218] : memref<10000x16xf32, #tpu.memory_space<vmem_shared>> -> memref<10000x16xf32, #tpu.memory_space<vmem_shared>>
      tpu.enqueue_indirect_dma source(%arg22 : memref<200x16xf32, #tpu.memory_space<vmem>>) target(%dma_start3A_219 : memref<10000x16xf32, #tpu.memory_space<vmem_shared>>) offsets(%dma_start3A_216 : memref<200xi32, #tpu.memory_space<vmem>>) semaphore(%arg41 : memref<!tpu.dma_semaphore, #tpu.memory_space<semaphore_mem>>) {add = true}
      %mul3A_220 = arith.constant 5 : i32
      %mul3A_221 = arith.muli %mul3A_220, %scan3A_83 : i32
      %add3A_222 = arith.constant 4 : i32
      %add3A_223 = arith.addi %mul3A_221, %add3A_222 : i32
      %dma_wait3A_224 = arith.constant 0 : i32
      %dma_wait3A_225 = tpu.memref_slice %arg20[%add3A_126, %dma_wait3A_224] : memref<25x200xi32, #tpu.memory_space<vmem>> -> memref<1x200xi32, #tpu.memory_space<vmem>>
      %dma_wait3A_226 = tpu.memref_squeeze %dma_wait3A_225 : memref<1x200xi32, #tpu.memory_space<vmem>> -> memref<200xi32, #tpu.memory_space<vmem>>
      %dma_wait3A_227 = arith.constant 0 : i32
      %dma_wait3A_228 = arith.constant 0 : i32
      %dma_wait3A_229 = tpu.memref_slice %arg43[%dma_wait3A_227, %dma_wait3A_228] : memref<10000x32xf32, #tpu.memory_space<vmem_shared>> -> memref<10000x32xf32, #tpu.memory_space<vmem_shared>>
      tpu.wait_indirect_dma semaphore(%arg32 : memref<!tpu.dma_semaphore, #tpu.memory_space<semaphore_mem>>) src(%dma_wait3A_229 : memref<10000x32xf32, #tpu.memory_space<vmem_shared>>) dst(%arg27 : memref<200x32xf32, #tpu.memory_space<vmem>>)
      %dma_start3A_230 = arith.constant 0 : i32
      %dma_start3A_231 = tpu.memref_slice %arg21[%add3A_223, %dma_start3A_230] : memref<25x200xi32, #tpu.memory_space<vmem>> -> memref<1x200xi32, #tpu.memory_space<vmem>>
      %dma_start3A_232 = tpu.memref_squeeze %dma_start3A_231 : memref<1x200xi32, #tpu.memory_space<vmem>> -> memref<200xi32, #tpu.memory_space<vmem>>
      %dma_start3A_233 = arith.constant 0 : i32
      %dma_start3A_234 = arith.constant 0 : i32
      %dma_start3A_235 = tpu.memref_slice %arg44[%dma_start3A_233, %dma_start3A_234] : memref<10000x32xf32, #tpu.memory_space<vmem_shared>> -> memref<10000x32xf32, #tpu.memory_space<vmem_shared>>
      tpu.enqueue_indirect_dma source(%arg27 : memref<200x32xf32, #tpu.memory_space<vmem>>) target(%dma_start3A_235 : memref<10000x32xf32, #tpu.memory_space<vmem_shared>>) offsets(%dma_start3A_232 : memref<200xi32, #tpu.memory_space<vmem>>) semaphore(%arg37 : memref<!tpu.dma_semaphore, #tpu.memory_space<semaphore_mem>>) {add = true}
      %dma_start3A_236 = arith.constant 0 : i32
      %dma_start3A_237 = tpu.memref_slice %arg21[%add3A_223, %dma_start3A_236] : memref<25x200xi32, #tpu.memory_space<vmem>> -> memref<1x200xi32, #tpu.memory_space<vmem>>
      %dma_start3A_238 = tpu.memref_squeeze %dma_start3A_237 : memref<1x200xi32, #tpu.memory_space<vmem>> -> memref<200xi32, #tpu.memory_space<vmem>>
      %dma_start3A_239 = arith.constant 0 : i32
      %dma_start3A_240 = arith.constant 0 : i32
      %dma_start3A_241 = tpu.memref_slice %arg45[%dma_start3A_239, %dma_start3A_240] : memref<10000x16xf32, #tpu.memory_space<vmem_shared>> -> memref<10000x16xf32, #tpu.memory_space<vmem_shared>>
      tpu.enqueue_indirect_dma source(%arg22 : memref<200x16xf32, #tpu.memory_space<vmem>>) target(%dma_start3A_241 : memref<10000x16xf32, #tpu.memory_space<vmem_shared>>) offsets(%dma_start3A_238 : memref<200xi32, #tpu.memory_space<vmem>>) semaphore(%arg42 : memref<!tpu.dma_semaphore, #tpu.memory_space<semaphore_mem>>) {add = true}
      %dma_wait3A_242 = arith.constant 0 : i32
      %dma_wait3A_243 = tpu.memref_slice %arg21[%add3A_136, %dma_wait3A_242] : memref<25x200xi32, #tpu.memory_space<vmem>> -> memref<1x200xi32, #tpu.memory_space<vmem>>
      %dma_wait3A_244 = tpu.memref_squeeze %dma_wait3A_243 : memref<1x200xi32, #tpu.memory_space<vmem>> -> memref<200xi32, #tpu.memory_space<vmem>>
      %dma_wait3A_245 = arith.constant 0 : i32
      %dma_wait3A_246 = arith.constant 0 : i32
      %dma_wait3A_247 = tpu.memref_slice %arg44[%dma_wait3A_245, %dma_wait3A_246] : memref<10000x32xf32, #tpu.memory_space<vmem_shared>> -> memref<10000x32xf32, #tpu.memory_space<vmem_shared>>
      tpu.wait_indirect_dma semaphore(%arg33 : memref<!tpu.dma_semaphore, #tpu.memory_space<semaphore_mem>>) src(%arg23 : memref<200x32xf32, #tpu.memory_space<vmem>>) dst(%dma_wait3A_247 : memref<10000x32xf32, #tpu.memory_space<vmem_shared>>)
      %dma_wait3A_248 = arith.constant 0 : i32
      %dma_wait3A_249 = tpu.memref_slice %arg21[%add3A_136, %dma_wait3A_248] : memref<25x200xi32, #tpu.memory_space<vmem>> -> memref<1x200xi32, #tpu.memory_space<vmem>>
      %dma_wait3A_250 = tpu.memref_squeeze %dma_wait3A_249 : memref<1x200xi32, #tpu.memory_space<vmem>> -> memref<200xi32, #tpu.memory_space<vmem>>
      %dma_wait3A_251 = arith.constant 0 : i32
      %dma_wait3A_252 = arith.constant 0 : i32
      %dma_wait3A_253 = tpu.memref_slice %arg45[%dma_wait3A_251, %dma_wait3A_252] : memref<10000x16xf32, #tpu.memory_space<vmem_shared>> -> memref<10000x16xf32, #tpu.memory_space<vmem_shared>>
      tpu.wait_indirect_dma semaphore(%arg38 : memref<!tpu.dma_semaphore, #tpu.memory_space<semaphore_mem>>) src(%arg22 : memref<200x16xf32, #tpu.memory_space<vmem>>) dst(%dma_wait3A_253 : memref<10000x16xf32, #tpu.memory_space<vmem_shared>>)
      %dma_wait3A_254 = arith.constant 0 : i32
      %dma_wait3A_255 = tpu.memref_slice %arg21[%add3A_157, %dma_wait3A_254] : memref<25x200xi32, #tpu.memory_space<vmem>> -> memref<1x200xi32, #tpu.memory_space<vmem>>
      %dma_wait3A_256 = tpu.memref_squeeze %dma_wait3A_255 : memref<1x200xi32, #tpu.memory_space<vmem>> -> memref<200xi32, #tpu.memory_space<vmem>>
      %dma_wait3A_257 = arith.constant 0 : i32
      %dma_wait3A_258 = arith.constant 0 : i32
      %dma_wait3A_259 = tpu.memref_slice %arg44[%dma_wait3A_257, %dma_wait3A_258] : memref<10000x32xf32, #tpu.memory_space<vmem_shared>> -> memref<10000x32xf32, #tpu.memory_space<vmem_shared>>
      tpu.wait_indirect_dma semaphore(%arg34 : memref<!tpu.dma_semaphore, #tpu.memory_space<semaphore_mem>>) src(%arg24 : memref<200x32xf32, #tpu.memory_space<vmem>>) dst(%dma_wait3A_259 : memref<10000x32xf32, #tpu.memory_space<vmem_shared>>)
      %dma_wait3A_260 = arith.constant 0 : i32
      %dma_wait3A_261 = tpu.memref_slice %arg21[%add3A_157, %dma_wait3A_260] : memref<25x200xi32, #tpu.memory_space<vmem>> -> memref<1x200xi32, #tpu.memory_space<vmem>>
      %dma_wait3A_262 = tpu.memref_squeeze %dma_wait3A_261 : memref<1x200xi32, #tpu.memory_space<vmem>> -> memref<200xi32, #tpu.memory_space<vmem>>
      %dma_wait3A_263 = arith.constant 0 : i32
      %dma_wait3A_264 = arith.constant 0 : i32
      %dma_wait3A_265 = tpu.memref_slice %arg45[%dma_wait3A_263, %dma_wait3A_264] : memref<10000x16xf32, #tpu.memory_space<vmem_shared>> -> memref<10000x16xf32, #tpu.memory_space<vmem_shared>>
      tpu.wait_indirect_dma semaphore(%arg39 : memref<!tpu.dma_semaphore, #tpu.memory_space<semaphore_mem>>) src(%arg22 : memref<200x16xf32, #tpu.memory_space<vmem>>) dst(%dma_wait3A_265 : memref<10000x16xf32, #tpu.memory_space<vmem_shared>>)
      %dma_wait3A_266 = arith.constant 0 : i32
      %dma_wait3A_267 = tpu.memref_slice %arg21[%add3A_179, %dma_wait3A_266] : memref<25x200xi32, #tpu.memory_space<vmem>> -> memref<1x200xi32, #tpu.memory_space<vmem>>
      %dma_wait3A_268 = tpu.memref_squeeze %dma_wait3A_267 : memref<1x200xi32, #tpu.memory_space<vmem>> -> memref<200xi32, #tpu.memory_space<vmem>>
      %dma_wait3A_269 = arith.constant 0 : i32
      %dma_wait3A_270 = arith.constant 0 : i32
      %dma_wait3A_271 = tpu.memref_slice %arg44[%dma_wait3A_269, %dma_wait3A_270] : memref<10000x32xf32, #tpu.memory_space<vmem_shared>> -> memref<10000x32xf32, #tpu.memory_space<vmem_shared>>
      tpu.wait_indirect_dma semaphore(%arg35 : memref<!tpu.dma_semaphore, #tpu.memory_space<semaphore_mem>>) src(%arg25 : memref<200x32xf32, #tpu.memory_space<vmem>>) dst(%dma_wait3A_271 : memref<10000x32xf32, #tpu.memory_space<vmem_shared>>)
      %dma_wait3A_272 = arith.constant 0 : i32
      %dma_wait3A_273 = tpu.memref_slice %arg21[%add3A_179, %dma_wait3A_272] : memref<25x200xi32, #tpu.memory_space<vmem>> -> memref<1x200xi32, #tpu.memory_space<vmem>>
      %dma_wait3A_274 = tpu.memref_squeeze %dma_wait3A_273 : memref<1x200xi32, #tpu.memory_space<vmem>> -> memref<200xi32, #tpu.memory_space<vmem>>
      %dma_wait3A_275 = arith.constant 0 : i32
      %dma_wait3A_276 = arith.constant 0 : i32
      %dma_wait3A_277 = tpu.memref_slice %arg45[%dma_wait3A_275, %dma_wait3A_276] : memref<10000x16xf32, #tpu.memory_space<vmem_shared>> -> memref<10000x16xf32, #tpu.memory_space<vmem_shared>>
      tpu.wait_indirect_dma semaphore(%arg40 : memref<!tpu.dma_semaphore, #tpu.memory_space<semaphore_mem>>) src(%arg22 : memref<200x16xf32, #tpu.memory_space<vmem>>) dst(%dma_wait3A_277 : memref<10000x16xf32, #tpu.memory_space<vmem_shared>>)
      %dma_wait3A_278 = arith.constant 0 : i32
      %dma_wait3A_279 = tpu.memref_slice %arg21[%add3A_201, %dma_wait3A_278] : memref<25x200xi32, #tpu.memory_space<vmem>> -> memref<1x200xi32, #tpu.memory_space<vmem>>
      %dma_wait3A_280 = tpu.memref_squeeze %dma_wait3A_279 : memref<1x200xi32, #tpu.memory_space<vmem>> -> memref<200xi32, #tpu.memory_space<vmem>>
      %dma_wait3A_281 = arith.constant 0 : i32
      %dma_wait3A_282 = arith.constant 0 : i32
      %dma_wait3A_283 = tpu.memref_slice %arg44[%dma_wait3A_281, %dma_wait3A_282] : memref<10000x32xf32, #tpu.memory_space<vmem_shared>> -> memref<10000x32xf32, #tpu.memory_space<vmem_shared>>
      tpu.wait_indirect_dma semaphore(%arg36 : memref<!tpu.dma_semaphore, #tpu.memory_space<semaphore_mem>>) src(%arg26 : memref<200x32xf32, #tpu.memory_space<vmem>>) dst(%dma_wait3A_283 : memref<10000x32xf32, #tpu.memory_space<vmem_shared>>)
      %dma_wait3A_284 = arith.constant 0 : i32
      %dma_wait3A_285 = tpu.memref_slice %arg21[%add3A_201, %dma_wait3A_284] : memref<25x200xi32, #tpu.memory_space<vmem>> -> memref<1x200xi32, #tpu.memory_space<vmem>>
      %dma_wait3A_286 = tpu.memref_squeeze %dma_wait3A_285 : memref<1x200xi32, #tpu.memory_space<vmem>> -> memref<200xi32, #tpu.memory_space<vmem>>
      %dma_wait3A_287 = arith.constant 0 : i32
      %dma_wait3A_288 = arith.constant 0 : i32
      %dma_wait3A_289 = tpu.memref_slice %arg45[%dma_wait3A_287, %dma_wait3A_288] : memref<10000x16xf32, #tpu.memory_space<vmem_shared>> -> memref<10000x16xf32, #tpu.memory_space<vmem_shared>>
      tpu.wait_indirect_dma semaphore(%arg41 : memref<!tpu.dma_semaphore, #tpu.memory_space<semaphore_mem>>) src(%arg22 : memref<200x16xf32, #tpu.memory_space<vmem>>) dst(%dma_wait3A_289 : memref<10000x16xf32, #tpu.memory_space<vmem_shared>>)
      %dma_wait3A_290 = arith.constant 0 : i32
      %dma_wait3A_291 = tpu.memref_slice %arg21[%add3A_223, %dma_wait3A_290] : memref<25x200xi32, #tpu.memory_space<vmem>> -> memref<1x200xi32, #tpu.memory_space<vmem>>
      %dma_wait3A_292 = tpu.memref_squeeze %dma_wait3A_291 : memref<1x200xi32, #tpu.memory_space<vmem>> -> memref<200xi32, #tpu.memory_space<vmem>>
      %dma_wait3A_293 = arith.constant 0 : i32
      %dma_wait3A_294 = arith.constant 0 : i32
      %dma_wait3A_295 = tpu.memref_slice %arg44[%dma_wait3A_293, %dma_wait3A_294] : memref<10000x32xf32, #tpu.memory_space<vmem_shared>> -> memref<10000x32xf32, #tpu.memory_space<vmem_shared>>
      tpu.wait_indirect_dma semaphore(%arg37 : memref<!tpu.dma_semaphore, #tpu.memory_space<semaphore_mem>>) src(%arg27 : memref<200x32xf32, #tpu.memory_space<vmem>>) dst(%dma_wait3A_295 : memref<10000x32xf32, #tpu.memory_space<vmem_shared>>)
      %dma_wait3A_296 = arith.constant 0 : i32
      %dma_wait3A_297 = tpu.memref_slice %arg21[%add3A_223, %dma_wait3A_296] : memref<25x200xi32, #tpu.memory_space<vmem>> -> memref<1x200xi32, #tpu.memory_space<vmem>>
      %dma_wait3A_298 = tpu.memref_squeeze %dma_wait3A_297 : memref<1x200xi32, #tpu.memory_space<vmem>> -> memref<200xi32, #tpu.memory_space<vmem>>
      %dma_wait3A_299 = arith.constant 0 : i32
      %dma_wait3A_300 = arith.constant 0 : i32
      %dma_wait3A_301 = tpu.memref_slice %arg45[%dma_wait3A_299, %dma_wait3A_300] : memref<10000x16xf32, #tpu.memory_space<vmem_shared>> -> memref<10000x16xf32, #tpu.memory_space<vmem_shared>>
      tpu.wait_indirect_dma semaphore(%arg42 : memref<!tpu.dma_semaphore, #tpu.memory_space<semaphore_mem>>) src(%arg22 : memref<200x16xf32, #tpu.memory_space<vmem>>) dst(%dma_wait3A_301 : memref<10000x16xf32, #tpu.memory_space<vmem_shared>>)
    }
    %scan3A_17 = arith.constant 5 : i32
    %barrier3A_18 = arith.constant 0 : index
    tpu.barrier barrier_id(%barrier3A_18)
    %mul3A_19 = arith.constant 625 : i32
    %mul3A_20 = arith.muli %arg1, %mul3A_19 : i32
    %mul3A_21 = arith.constant 625 : i32
    %mul3A_22 = arith.muli %arg1, %mul3A_21 : i32
    "tpu.region"() ({
      %run_scoped3A = tpu.sem_alloc : memref<!tpu.dma_semaphore, #tpu.memory_space<semaphore_mem>>
      %dma_start3A = arith.constant 0 : i32
      %dma_start3A_83 = tpu.memref_slice %arg14[%arg0, %mul3A_22, %dma_start3A] : memref<2x10000x32xf32, #tpu.memory_space<hbm>> -> memref<1x625x32xf32, #tpu.memory_space<hbm>>
      %dma_start3A_84 = tpu.memref_squeeze %dma_start3A_83 : memref<1x625x32xf32, #tpu.memory_space<hbm>> -> memref<625x32xf32, #tpu.memory_space<hbm>>
      %dma_start3A_85 = arith.constant 0 : i32
      %dma_start3A_86 = tpu.memref_slice %arg44[%mul3A_20, %dma_start3A_85] : memref<10000x32xf32, #tpu.memory_space<vmem_shared>> -> memref<625x32xf32, #tpu.memory_space<vmem_shared>>
      tpu.enqueue_dma source(%dma_start3A_86 : memref<625x32xf32, #tpu.memory_space<vmem_shared>>) target(%dma_start3A_84 : memref<625x32xf32, #tpu.memory_space<hbm>>) target_semaphore(%run_scoped3A : memref<!tpu.dma_semaphore, #tpu.memory_space<semaphore_mem>>)
      %dma_wait3A = arith.constant 0 : i32
      %dma_wait3A_87 = tpu.memref_slice %arg14[%arg0, %mul3A_22, %dma_wait3A] : memref<2x10000x32xf32, #tpu.memory_space<hbm>> -> memref<1x625x32xf32, #tpu.memory_space<hbm>>
      %dma_wait3A_88 = tpu.memref_squeeze %dma_wait3A_87 : memref<1x625x32xf32, #tpu.memory_space<hbm>> -> memref<625x32xf32, #tpu.memory_space<hbm>>
      %dma_wait3A_89 = arith.constant 0 : i32
      %dma_wait3A_90 = tpu.memref_slice %arg44[%mul3A_20, %dma_wait3A_89] : memref<10000x32xf32, #tpu.memory_space<vmem_shared>> -> memref<625x32xf32, #tpu.memory_space<vmem_shared>>
      tpu.wait_dma2 semaphore(%run_scoped3A : memref<!tpu.dma_semaphore, #tpu.memory_space<semaphore_mem>>) src(%dma_wait3A_90 : memref<625x32xf32, #tpu.memory_space<vmem_shared>>) dst(%dma_wait3A_88 : memref<625x32xf32, #tpu.memory_space<hbm>>)
      tpu.yield
    }) : () -> ()
    %mul3A_23 = arith.constant 625 : i32
    %mul3A_24 = arith.muli %arg1, %mul3A_23 : i32
    %mul3A_25 = arith.constant 625 : i32
    %mul3A_26 = arith.muli %arg1, %mul3A_25 : i32
    "tpu.region"() ({
      %run_scoped3A = tpu.sem_alloc : memref<!tpu.dma_semaphore, #tpu.memory_space<semaphore_mem>>
      %dma_start3A = arith.constant 0 : i32
      %dma_start3A_83 = tpu.memref_slice %arg17[%arg0, %mul3A_26, %dma_start3A] : memref<2x10000x16xf32, #tpu.memory_space<hbm>> -> memref<1x625x16xf32, #tpu.memory_space<hbm>>
      %dma_start3A_84 = tpu.memref_squeeze %dma_start3A_83 : memref<1x625x16xf32, #tpu.memory_space<hbm>> -> memref<625x16xf32, #tpu.memory_space<hbm>>
      %dma_start3A_85 = arith.constant 0 : i32
      %dma_start3A_86 = tpu.memref_slice %arg45[%mul3A_24, %dma_start3A_85] : memref<10000x16xf32, #tpu.memory_space<vmem_shared>> -> memref<625x16xf32, #tpu.memory_space<vmem_shared>>
      tpu.enqueue_dma source(%dma_start3A_86 : memref<625x16xf32, #tpu.memory_space<vmem_shared>>) target(%dma_start3A_84 : memref<625x16xf32, #tpu.memory_space<hbm>>) target_semaphore(%run_scoped3A : memref<!tpu.dma_semaphore, #tpu.memory_space<semaphore_mem>>)
      %dma_wait3A = arith.constant 0 : i32
      %dma_wait3A_87 = tpu.memref_slice %arg17[%arg0, %mul3A_26, %dma_wait3A] : memref<2x10000x16xf32, #tpu.memory_space<hbm>> -> memref<1x625x16xf32, #tpu.memory_space<hbm>>
      %dma_wait3A_88 = tpu.memref_squeeze %dma_wait3A_87 : memref<1x625x16xf32, #tpu.memory_space<hbm>> -> memref<625x16xf32, #tpu.memory_space<hbm>>
      %dma_wait3A_89 = arith.constant 0 : i32
      %dma_wait3A_90 = tpu.memref_slice %arg45[%mul3A_24, %dma_wait3A_89] : memref<10000x16xf32, #tpu.memory_space<vmem_shared>> -> memref<625x16xf32, #tpu.memory_space<vmem_shared>>
      tpu.wait_dma2 semaphore(%run_scoped3A : memref<!tpu.dma_semaphore, #tpu.memory_space<semaphore_mem>>) src(%dma_wait3A_90 : memref<625x16xf32, #tpu.memory_space<vmem_shared>>) dst(%dma_wait3A_88 : memref<625x16xf32, #tpu.memory_space<hbm>>)
      tpu.yield
    }) : () -> ()
    %mul3A_27 = arith.constant 625 : i32
    %mul3A_28 = arith.muli %arg1, %mul3A_27 : i32
    %mul3A_29 = arith.constant 625 : i32
    %mul3A_30 = arith.muli %arg1, %mul3A_29 : i32
    "tpu.region"() ({
      %run_scoped3A = tpu.sem_alloc : memref<!tpu.dma_semaphore, #tpu.memory_space<semaphore_mem>>
      %dma_start3A = arith.constant 0 : i32
      %dma_start3A_83 = tpu.memref_slice %arg43[%mul3A_30, %dma_start3A] : memref<10000x32xf32, #tpu.memory_space<vmem_shared>> -> memref<625x32xf32, #tpu.memory_space<vmem_shared>>
      %dma_start3A_84 = arith.constant 0 : i32
      %dma_start3A_85 = tpu.memref_slice %arg3[%mul3A_28, %dma_start3A_84] : memref<10000x32xf32, #tpu.memory_space<hbm>> -> memref<625x32xf32, #tpu.memory_space<hbm>>
      tpu.enqueue_dma source(%dma_start3A_85 : memref<625x32xf32, #tpu.memory_space<hbm>>) target(%dma_start3A_83 : memref<625x32xf32, #tpu.memory_space<vmem_shared>>) target_semaphore(%run_scoped3A : memref<!tpu.dma_semaphore, #tpu.memory_space<semaphore_mem>>)
      %dma_wait3A = arith.constant 0 : i32
      %dma_wait3A_86 = tpu.memref_slice %arg43[%mul3A_30, %dma_wait3A] : memref<10000x32xf32, #tpu.memory_space<vmem_shared>> -> memref<625x32xf32, #tpu.memory_space<vmem_shared>>
      %dma_wait3A_87 = arith.constant 0 : i32
      %dma_wait3A_88 = tpu.memref_slice %arg3[%mul3A_28, %dma_wait3A_87] : memref<10000x32xf32, #tpu.memory_space<hbm>> -> memref<625x32xf32, #tpu.memory_space<hbm>>
      tpu.wait_dma2 semaphore(%run_scoped3A : memref<!tpu.dma_semaphore, #tpu.memory_space<semaphore_mem>>) src(%dma_wait3A_88 : memref<625x32xf32, #tpu.memory_space<hbm>>) dst(%dma_wait3A_86 : memref<625x32xf32, #tpu.memory_space<vmem_shared>>)
      tpu.yield
    }) : () -> ()
    %mul3A_31 = arith.constant 625 : i32
    %mul3A_32 = arith.muli %arg1, %mul3A_31 : i32
    "tpu.region"() ({
      %run_scoped3A = tpu.sem_alloc : memref<!tpu.dma_semaphore, #tpu.memory_space<semaphore_mem>>
      %dma_start3A = arith.constant 0 : i32
      %dma_start3A_83 = tpu.memref_slice %arg44[%mul3A_32, %dma_start3A] : memref<10000x32xf32, #tpu.memory_space<vmem_shared>> -> memref<625x32xf32, #tpu.memory_space<vmem_shared>>
      tpu.enqueue_dma source(%arg11 : memref<625x32xf32, #tpu.memory_space<hbm>>) target(%dma_start3A_83 : memref<625x32xf32, #tpu.memory_space<vmem_shared>>) target_semaphore(%run_scoped3A : memref<!tpu.dma_semaphore, #tpu.memory_space<semaphore_mem>>)
      %dma_wait3A = arith.constant 0 : i32
      %dma_wait3A_84 = tpu.memref_slice %arg44[%mul3A_32, %dma_wait3A] : memref<10000x32xf32, #tpu.memory_space<vmem_shared>> -> memref<625x32xf32, #tpu.memory_space<vmem_shared>>
      tpu.wait_dma2 semaphore(%run_scoped3A : memref<!tpu.dma_semaphore, #tpu.memory_space<semaphore_mem>>) src(%arg11 : memref<625x32xf32, #tpu.memory_space<hbm>>) dst(%dma_wait3A_84 : memref<625x32xf32, #tpu.memory_space<vmem_shared>>)
      tpu.yield
    }) : () -> ()
    %mul3A_33 = arith.constant 625 : i32
    %mul3A_34 = arith.muli %arg1, %mul3A_33 : i32
    "tpu.region"() ({
      %run_scoped3A = tpu.sem_alloc : memref<!tpu.dma_semaphore, #tpu.memory_space<semaphore_mem>>
      %dma_start3A = arith.constant 0 : i32
      %dma_start3A_83 = tpu.memref_slice %arg45[%mul3A_34, %dma_start3A] : memref<10000x16xf32, #tpu.memory_space<vmem_shared>> -> memref<625x16xf32, #tpu.memory_space<vmem_shared>>
      tpu.enqueue_dma source(%arg12 : memref<625x16xf32, #tpu.memory_space<hbm>>) target(%dma_start3A_83 : memref<625x16xf32, #tpu.memory_space<vmem_shared>>) target_semaphore(%run_scoped3A : memref<!tpu.dma_semaphore, #tpu.memory_space<semaphore_mem>>)
      %dma_wait3A = arith.constant 0 : i32
      %dma_wait3A_84 = tpu.memref_slice %arg45[%mul3A_34, %dma_wait3A] : memref<10000x16xf32, #tpu.memory_space<vmem_shared>> -> memref<625x16xf32, #tpu.memory_space<vmem_shared>>
      tpu.wait_dma2 semaphore(%run_scoped3A : memref<!tpu.dma_semaphore, #tpu.memory_space<semaphore_mem>>) src(%arg12 : memref<625x16xf32, #tpu.memory_space<hbm>>) dst(%dma_wait3A_84 : memref<625x16xf32, #tpu.memory_space<vmem_shared>>)
      tpu.yield
    }) : () -> ()
    %mul3A_35 = arith.constant 25 : i32
    %mul3A_36 = arith.muli %add3A, %mul3A_35 : i32
    "tpu.region"() ({
      %run_scoped3A = tpu.sem_alloc : memref<!tpu.dma_semaphore, #tpu.memory_space<semaphore_mem>>
      %dma_start3A = arith.constant 0 : i32
      %dma_start3A_83 = tpu.memref_slice %arg6[%mul3A_36, %dma_start3A] : memref<800x200xi32, #tpu.memory_space<hbm>> -> memref<25x200xi32, #tpu.memory_space<hbm>>
      %dma_start3A_84 = arith.constant 0 : i32
      %dma_start3A_85 = tpu.memref_slice %arg6[%mul3A_36, %dma_start3A_84] : memref<800x200xi32, #tpu.memory_space<hbm>> -> memref<25x200xi32, #tpu.memory_space<hbm>>
      tpu.enqueue_dma source(%dma_start3A_85 : memref<25x200xi32, #tpu.memory_space<hbm>>) target(%arg20 : memref<25x200xi32, #tpu.memory_space<vmem>>) target_semaphore(%run_scoped3A : memref<!tpu.dma_semaphore, #tpu.memory_space<semaphore_mem>>)
      %dma_wait3A = arith.constant 0 : i32
      %dma_wait3A_86 = tpu.memref_slice %arg6[%mul3A_36, %dma_wait3A] : memref<800x200xi32, #tpu.memory_space<hbm>> -> memref<25x200xi32, #tpu.memory_space<hbm>>
      %dma_wait3A_87 = arith.constant 0 : i32
      %dma_wait3A_88 = tpu.memref_slice %arg6[%mul3A_36, %dma_wait3A_87] : memref<800x200xi32, #tpu.memory_space<hbm>> -> memref<25x200xi32, #tpu.memory_space<hbm>>
      tpu.wait_dma2 semaphore(%run_scoped3A : memref<!tpu.dma_semaphore, #tpu.memory_space<semaphore_mem>>) src(%dma_wait3A_88 : memref<25x200xi32, #tpu.memory_space<hbm>>) dst(%arg20 : memref<25x200xi32, #tpu.memory_space<vmem>>)
      tpu.yield
    }) : () -> ()
    %mul3A_37 = arith.constant 25 : i32
    %mul3A_38 = arith.muli %add3A, %mul3A_37 : i32
    "tpu.region"() ({
      %run_scoped3A = tpu.sem_alloc : memref<!tpu.dma_semaphore, #tpu.memory_space<semaphore_mem>>
      %dma_start3A = arith.constant 0 : i32
      %dma_start3A_83 = tpu.memref_slice %arg9[%mul3A_38, %dma_start3A] : memref<800x200xi32, #tpu.memory_space<hbm>> -> memref<25x200xi32, #tpu.memory_space<hbm>>
      %dma_start3A_84 = arith.constant 0 : i32
      %dma_start3A_85 = tpu.memref_slice %arg9[%mul3A_38, %dma_start3A_84] : memref<800x200xi32, #tpu.memory_space<hbm>> -> memref<25x200xi32, #tpu.memory_space<hbm>>
      tpu.enqueue_dma source(%dma_start3A_85 : memref<25x200xi32, #tpu.memory_space<hbm>>) target(%arg21 : memref<25x200xi32, #tpu.memory_space<vmem>>) target_semaphore(%run_scoped3A : memref<!tpu.dma_semaphore, #tpu.memory_space<semaphore_mem>>)
      %dma_wait3A = arith.constant 0 : i32
      %dma_wait3A_86 = tpu.memref_slice %arg9[%mul3A_38, %dma_wait3A] : memref<800x200xi32, #tpu.memory_space<hbm>> -> memref<25x200xi32, #tpu.memory_space<hbm>>
      %dma_wait3A_87 = arith.constant 0 : i32
      %dma_wait3A_88 = tpu.memref_slice %arg9[%mul3A_38, %dma_wait3A_87] : memref<800x200xi32, #tpu.memory_space<hbm>> -> memref<25x200xi32, #tpu.memory_space<hbm>>
      tpu.wait_dma2 semaphore(%run_scoped3A : memref<!tpu.dma_semaphore, #tpu.memory_space<semaphore_mem>>) src(%dma_wait3A_88 : memref<25x200xi32, #tpu.memory_space<hbm>>) dst(%arg21 : memref<25x200xi32, #tpu.memory_space<vmem>>)
      tpu.yield
    }) : () -> ()
    %barrier3A_39 = arith.constant 0 : index
    tpu.barrier barrier_id(%barrier3A_39)
    %scan3A_40 = arith.constant 0 : i32
    %scan3A_41 = arith.constant 0 : i32
    %scan3A_42 = arith.constant 5 : i32
    %scan3A_43 = arith.addi %scan3A_41, %scan3A_42 : i32
    %scan3A_44 = arith.constant 1 : i32
    scf.for %scan3A_83 = %scan3A_41 to %scan3A_43 step %scan3A_44  : i32 {
      %mul3A_84 = arith.constant 5 : i32
      %mul3A_85 = arith.muli %mul3A_84, %scan3A_83 : i32
      %add3A_86 = arith.constant 0 : i32
      %add3A_87 = arith.addi %mul3A_85, %add3A_86 : i32
      %dma_start3A = arith.constant 0 : i32
      %dma_start3A_88 = tpu.memref_slice %arg20[%add3A_87, %dma_start3A] : memref<25x200xi32, #tpu.memory_space<vmem>> -> memref<1x200xi32, #tpu.memory_space<vmem>>
      %dma_start3A_89 = tpu.memref_squeeze %dma_start3A_88 : memref<1x200xi32, #tpu.memory_space<vmem>> -> memref<200xi32, #tpu.memory_space<vmem>>
      %dma_start3A_90 = arith.constant 0 : i32
      %dma_start3A_91 = arith.constant 0 : i32
      %dma_start3A_92 = tpu.memref_slice %arg43[%dma_start3A_90, %dma_start3A_91] : memref<10000x32xf32, #tpu.memory_space<vmem_shared>> -> memref<10000x32xf32, #tpu.memory_space<vmem_shared>>
      tpu.enqueue_indirect_dma source(%dma_start3A_92 : memref<10000x32xf32, #tpu.memory_space<vmem_shared>>) target(%arg23 : memref<200x32xf32, #tpu.memory_space<vmem>>) offsets(%dma_start3A_89 : memref<200xi32, #tpu.memory_space<vmem>>) semaphore(%arg28 : memref<!tpu.dma_semaphore, #tpu.memory_space<semaphore_mem>>)
      %mul3A_93 = arith.constant 5 : i32
      %mul3A_94 = arith.muli %mul3A_93, %scan3A_83 : i32
      %add3A_95 = arith.constant 1 : i32
      %add3A_96 = arith.addi %mul3A_94, %add3A_95 : i32
      %dma_start3A_97 = arith.constant 0 : i32
      %dma_start3A_98 = tpu.memref_slice %arg20[%add3A_96, %dma_start3A_97] : memref<25x200xi32, #tpu.memory_space<vmem>> -> memref<1x200xi32, #tpu.memory_space<vmem>>
      %dma_start3A_99 = tpu.memref_squeeze %dma_start3A_98 : memref<1x200xi32, #tpu.memory_space<vmem>> -> memref<200xi32, #tpu.memory_space<vmem>>
      %dma_start3A_100 = arith.constant 0 : i32
      %dma_start3A_101 = arith.constant 0 : i32
      %dma_start3A_102 = tpu.memref_slice %arg43[%dma_start3A_100, %dma_start3A_101] : memref<10000x32xf32, #tpu.memory_space<vmem_shared>> -> memref<10000x32xf32, #tpu.memory_space<vmem_shared>>
      tpu.enqueue_indirect_dma source(%dma_start3A_102 : memref<10000x32xf32, #tpu.memory_space<vmem_shared>>) target(%arg24 : memref<200x32xf32, #tpu.memory_space<vmem>>) offsets(%dma_start3A_99 : memref<200xi32, #tpu.memory_space<vmem>>) semaphore(%arg29 : memref<!tpu.dma_semaphore, #tpu.memory_space<semaphore_mem>>)
      %mul3A_103 = arith.constant 5 : i32
      %mul3A_104 = arith.muli %mul3A_103, %scan3A_83 : i32
      %add3A_105 = arith.constant 2 : i32
      %add3A_106 = arith.addi %mul3A_104, %add3A_105 : i32
      %dma_start3A_107 = arith.constant 0 : i32
      %dma_start3A_108 = tpu.memref_slice %arg20[%add3A_106, %dma_start3A_107] : memref<25x200xi32, #tpu.memory_space<vmem>> -> memref<1x200xi32, #tpu.memory_space<vmem>>
      %dma_start3A_109 = tpu.memref_squeeze %dma_start3A_108 : memref<1x200xi32, #tpu.memory_space<vmem>> -> memref<200xi32, #tpu.memory_space<vmem>>
      %dma_start3A_110 = arith.constant 0 : i32
      %dma_start3A_111 = arith.constant 0 : i32
      %dma_start3A_112 = tpu.memref_slice %arg43[%dma_start3A_110, %dma_start3A_111] : memref<10000x32xf32, #tpu.memory_space<vmem_shared>> -> memref<10000x32xf32, #tpu.memory_space<vmem_shared>>
      tpu.enqueue_indirect_dma source(%dma_start3A_112 : memref<10000x32xf32, #tpu.memory_space<vmem_shared>>) target(%arg25 : memref<200x32xf32, #tpu.memory_space<vmem>>) offsets(%dma_start3A_109 : memref<200xi32, #tpu.memory_space<vmem>>) semaphore(%arg30 : memref<!tpu.dma_semaphore, #tpu.memory_space<semaphore_mem>>)
      %mul3A_113 = arith.constant 5 : i32
      %mul3A_114 = arith.muli %mul3A_113, %scan3A_83 : i32
      %add3A_115 = arith.constant 3 : i32
      %add3A_116 = arith.addi %mul3A_114, %add3A_115 : i32
      %dma_start3A_117 = arith.constant 0 : i32
      %dma_start3A_118 = tpu.memref_slice %arg20[%add3A_116, %dma_start3A_117] : memref<25x200xi32, #tpu.memory_space<vmem>> -> memref<1x200xi32, #tpu.memory_space<vmem>>
      %dma_start3A_119 = tpu.memref_squeeze %dma_start3A_118 : memref<1x200xi32, #tpu.memory_space<vmem>> -> memref<200xi32, #tpu.memory_space<vmem>>
      %dma_start3A_120 = arith.constant 0 : i32
      %dma_start3A_121 = arith.constant 0 : i32
      %dma_start3A_122 = tpu.memref_slice %arg43[%dma_start3A_120, %dma_start3A_121] : memref<10000x32xf32, #tpu.memory_space<vmem_shared>> -> memref<10000x32xf32, #tpu.memory_space<vmem_shared>>
      tpu.enqueue_indirect_dma source(%dma_start3A_122 : memref<10000x32xf32, #tpu.memory_space<vmem_shared>>) target(%arg26 : memref<200x32xf32, #tpu.memory_space<vmem>>) offsets(%dma_start3A_119 : memref<200xi32, #tpu.memory_space<vmem>>) semaphore(%arg31 : memref<!tpu.dma_semaphore, #tpu.memory_space<semaphore_mem>>)
      %mul3A_123 = arith.constant 5 : i32
      %mul3A_124 = arith.muli %mul3A_123, %scan3A_83 : i32
      %add3A_125 = arith.constant 4 : i32
      %add3A_126 = arith.addi %mul3A_124, %add3A_125 : i32
      %dma_start3A_127 = arith.constant 0 : i32
      %dma_start3A_128 = tpu.memref_slice %arg20[%add3A_126, %dma_start3A_127] : memref<25x200xi32, #tpu.memory_space<vmem>> -> memref<1x200xi32, #tpu.memory_space<vmem>>
      %dma_start3A_129 = tpu.memref_squeeze %dma_start3A_128 : memref<1x200xi32, #tpu.memory_space<vmem>> -> memref<200xi32, #tpu.memory_space<vmem>>
      %dma_start3A_130 = arith.constant 0 : i32
      %dma_start3A_131 = arith.constant 0 : i32
      %dma_start3A_132 = tpu.memref_slice %arg43[%dma_start3A_130, %dma_start3A_131] : memref<10000x32xf32, #tpu.memory_space<vmem_shared>> -> memref<10000x32xf32, #tpu.memory_space<vmem_shared>>
      tpu.enqueue_indirect_dma source(%dma_start3A_132 : memref<10000x32xf32, #tpu.memory_space<vmem_shared>>) target(%arg27 : memref<200x32xf32, #tpu.memory_space<vmem>>) offsets(%dma_start3A_129 : memref<200xi32, #tpu.memory_space<vmem>>) semaphore(%arg32 : memref<!tpu.dma_semaphore, #tpu.memory_space<semaphore_mem>>)
      %mul3A_133 = arith.constant 5 : i32
      %mul3A_134 = arith.muli %mul3A_133, %scan3A_83 : i32
      %add3A_135 = arith.constant 0 : i32
      %add3A_136 = arith.addi %mul3A_134, %add3A_135 : i32
      %dma_wait3A = arith.constant 0 : i32
      %dma_wait3A_137 = tpu.memref_slice %arg20[%add3A_87, %dma_wait3A] : memref<25x200xi32, #tpu.memory_space<vmem>> -> memref<1x200xi32, #tpu.memory_space<vmem>>
      %dma_wait3A_138 = tpu.memref_squeeze %dma_wait3A_137 : memref<1x200xi32, #tpu.memory_space<vmem>> -> memref<200xi32, #tpu.memory_space<vmem>>
      %dma_wait3A_139 = arith.constant 0 : i32
      %dma_wait3A_140 = arith.constant 0 : i32
      %dma_wait3A_141 = tpu.memref_slice %arg43[%dma_wait3A_139, %dma_wait3A_140] : memref<10000x32xf32, #tpu.memory_space<vmem_shared>> -> memref<10000x32xf32, #tpu.memory_space<vmem_shared>>
      tpu.wait_indirect_dma semaphore(%arg28 : memref<!tpu.dma_semaphore, #tpu.memory_space<semaphore_mem>>) src(%dma_wait3A_141 : memref<10000x32xf32, #tpu.memory_space<vmem_shared>>) dst(%arg23 : memref<200x32xf32, #tpu.memory_space<vmem>>)
      %dma_start3A_142 = arith.constant 0 : i32
      %dma_start3A_143 = tpu.memref_slice %arg21[%add3A_136, %dma_start3A_142] : memref<25x200xi32, #tpu.memory_space<vmem>> -> memref<1x200xi32, #tpu.memory_space<vmem>>
      %dma_start3A_144 = tpu.memref_squeeze %dma_start3A_143 : memref<1x200xi32, #tpu.memory_space<vmem>> -> memref<200xi32, #tpu.memory_space<vmem>>
      %dma_start3A_145 = arith.constant 0 : i32
      %dma_start3A_146 = arith.constant 0 : i32
      %dma_start3A_147 = tpu.memref_slice %arg44[%dma_start3A_145, %dma_start3A_146] : memref<10000x32xf32, #tpu.memory_space<vmem_shared>> -> memref<10000x32xf32, #tpu.memory_space<vmem_shared>>
      tpu.enqueue_indirect_dma source(%arg23 : memref<200x32xf32, #tpu.memory_space<vmem>>) target(%dma_start3A_147 : memref<10000x32xf32, #tpu.memory_space<vmem_shared>>) offsets(%dma_start3A_144 : memref<200xi32, #tpu.memory_space<vmem>>) semaphore(%arg33 : memref<!tpu.dma_semaphore, #tpu.memory_space<semaphore_mem>>) {add = true}
      %dma_start3A_148 = arith.constant 0 : i32
      %dma_start3A_149 = tpu.memref_slice %arg21[%add3A_136, %dma_start3A_148] : memref<25x200xi32, #tpu.memory_space<vmem>> -> memref<1x200xi32, #tpu.memory_space<vmem>>
      %dma_start3A_150 = tpu.memref_squeeze %dma_start3A_149 : memref<1x200xi32, #tpu.memory_space<vmem>> -> memref<200xi32, #tpu.memory_space<vmem>>
      %dma_start3A_151 = arith.constant 0 : i32
      %dma_start3A_152 = arith.constant 0 : i32
      %dma_start3A_153 = tpu.memref_slice %arg45[%dma_start3A_151, %dma_start3A_152] : memref<10000x16xf32, #tpu.memory_space<vmem_shared>> -> memref<10000x16xf32, #tpu.memory_space<vmem_shared>>
      tpu.enqueue_indirect_dma source(%arg22 : memref<200x16xf32, #tpu.memory_space<vmem>>) target(%dma_start3A_153 : memref<10000x16xf32, #tpu.memory_space<vmem_shared>>) offsets(%dma_start3A_150 : memref<200xi32, #tpu.memory_space<vmem>>) semaphore(%arg38 : memref<!tpu.dma_semaphore, #tpu.memory_space<semaphore_mem>>) {add = true}
      %mul3A_154 = arith.constant 5 : i32
      %mul3A_155 = arith.muli %mul3A_154, %scan3A_83 : i32
      %add3A_156 = arith.constant 1 : i32
      %add3A_157 = arith.addi %mul3A_155, %add3A_156 : i32
      %dma_wait3A_158 = arith.constant 0 : i32
      %dma_wait3A_159 = tpu.memref_slice %arg20[%add3A_96, %dma_wait3A_158] : memref<25x200xi32, #tpu.memory_space<vmem>> -> memref<1x200xi32, #tpu.memory_space<vmem>>
      %dma_wait3A_160 = tpu.memref_squeeze %dma_wait3A_159 : memref<1x200xi32, #tpu.memory_space<vmem>> -> memref<200xi32, #tpu.memory_space<vmem>>
      %dma_wait3A_161 = arith.constant 0 : i32
      %dma_wait3A_162 = arith.constant 0 : i32
      %dma_wait3A_163 = tpu.memref_slice %arg43[%dma_wait3A_161, %dma_wait3A_162] : memref<10000x32xf32, #tpu.memory_space<vmem_shared>> -> memref<10000x32xf32, #tpu.memory_space<vmem_shared>>
      tpu.wait_indirect_dma semaphore(%arg29 : memref<!tpu.dma_semaphore, #tpu.memory_space<semaphore_mem>>) src(%dma_wait3A_163 : memref<10000x32xf32, #tpu.memory_space<vmem_shared>>) dst(%arg24 : memref<200x32xf32, #tpu.memory_space<vmem>>)
      %dma_start3A_164 = arith.constant 0 : i32
      %dma_start3A_165 = tpu.memref_slice %arg21[%add3A_157, %dma_start3A_164] : memref<25x200xi32, #tpu.memory_space<vmem>> -> memref<1x200xi32, #tpu.memory_space<vmem>>
      %dma_start3A_166 = tpu.memref_squeeze %dma_start3A_165 : memref<1x200xi32, #tpu.memory_space<vmem>> -> memref<200xi32, #tpu.memory_space<vmem>>
      %dma_start3A_167 = arith.constant 0 : i32
      %dma_start3A_168 = arith.constant 0 : i32
      %dma_start3A_169 = tpu.memref_slice %arg44[%dma_start3A_167, %dma_start3A_168] : memref<10000x32xf32, #tpu.memory_space<vmem_shared>> -> memref<10000x32xf32, #tpu.memory_space<vmem_shared>>
      tpu.enqueue_indirect_dma source(%arg24 : memref<200x32xf32, #tpu.memory_space<vmem>>) target(%dma_start3A_169 : memref<10000x32xf32, #tpu.memory_space<vmem_shared>>) offsets(%dma_start3A_166 : memref<200xi32, #tpu.memory_space<vmem>>) semaphore(%arg34 : memref<!tpu.dma_semaphore, #tpu.memory_space<semaphore_mem>>) {add = true}
      %dma_start3A_170 = arith.constant 0 : i32
      %dma_start3A_171 = tpu.memref_slice %arg21[%add3A_157, %dma_start3A_170] : memref<25x200xi32, #tpu.memory_space<vmem>> -> memref<1x200xi32, #tpu.memory_space<vmem>>
      %dma_start3A_172 = tpu.memref_squeeze %dma_start3A_171 : memref<1x200xi32, #tpu.memory_space<vmem>> -> memref<200xi32, #tpu.memory_space<vmem>>
      %dma_start3A_173 = arith.constant 0 : i32
      %dma_start3A_174 = arith.constant 0 : i32
      %dma_start3A_175 = tpu.memref_slice %arg45[%dma_start3A_173, %dma_start3A_174] : memref<10000x16xf32, #tpu.memory_space<vmem_shared>> -> memref<10000x16xf32, #tpu.memory_space<vmem_shared>>
      tpu.enqueue_indirect_dma source(%arg22 : memref<200x16xf32, #tpu.memory_space<vmem>>) target(%dma_start3A_175 : memref<10000x16xf32, #tpu.memory_space<vmem_shared>>) offsets(%dma_start3A_172 : memref<200xi32, #tpu.memory_space<vmem>>) semaphore(%arg39 : memref<!tpu.dma_semaphore, #tpu.memory_space<semaphore_mem>>) {add = true}
      %mul3A_176 = arith.constant 5 : i32
      %mul3A_177 = arith.muli %mul3A_176, %scan3A_83 : i32
      %add3A_178 = arith.constant 2 : i32
      %add3A_179 = arith.addi %mul3A_177, %add3A_178 : i32
      %dma_wait3A_180 = arith.constant 0 : i32
      %dma_wait3A_181 = tpu.memref_slice %arg20[%add3A_106, %dma_wait3A_180] : memref<25x200xi32, #tpu.memory_space<vmem>> -> memref<1x200xi32, #tpu.memory_space<vmem>>
      %dma_wait3A_182 = tpu.memref_squeeze %dma_wait3A_181 : memref<1x200xi32, #tpu.memory_space<vmem>> -> memref<200xi32, #tpu.memory_space<vmem>>
      %dma_wait3A_183 = arith.constant 0 : i32
      %dma_wait3A_184 = arith.constant 0 : i32
      %dma_wait3A_185 = tpu.memref_slice %arg43[%dma_wait3A_183, %dma_wait3A_184] : memref<10000x32xf32, #tpu.memory_space<vmem_shared>> -> memref<10000x32xf32, #tpu.memory_space<vmem_shared>>
      tpu.wait_indirect_dma semaphore(%arg30 : memref<!tpu.dma_semaphore, #tpu.memory_space<semaphore_mem>>) src(%dma_wait3A_185 : memref<10000x32xf32, #tpu.memory_space<vmem_shared>>) dst(%arg25 : memref<200x32xf32, #tpu.memory_space<vmem>>)
      %dma_start3A_186 = arith.constant 0 : i32
      %dma_start3A_187 = tpu.memref_slice %arg21[%add3A_179, %dma_start3A_186] : memref<25x200xi32, #tpu.memory_space<vmem>> -> memref<1x200xi32, #tpu.memory_space<vmem>>
      %dma_start3A_188 = tpu.memref_squeeze %dma_start3A_187 : memref<1x200xi32, #tpu.memory_space<vmem>> -> memref<200xi32, #tpu.memory_space<vmem>>
      %dma_start3A_189 = arith.constant 0 : i32
      %dma_start3A_190 = arith.constant 0 : i32
      %dma_start3A_191 = tpu.memref_slice %arg44[%dma_start3A_189, %dma_start3A_190] : memref<10000x32xf32, #tpu.memory_space<vmem_shared>> -> memref<10000x32xf32, #tpu.memory_space<vmem_shared>>
      tpu.enqueue_indirect_dma source(%arg25 : memref<200x32xf32, #tpu.memory_space<vmem>>) target(%dma_start3A_191 : memref<10000x32xf32, #tpu.memory_space<vmem_shared>>) offsets(%dma_start3A_188 : memref<200xi32, #tpu.memory_space<vmem>>) semaphore(%arg35 : memref<!tpu.dma_semaphore, #tpu.memory_space<semaphore_mem>>) {add = true}
      %dma_start3A_192 = arith.constant 0 : i32
      %dma_start3A_193 = tpu.memref_slice %arg21[%add3A_179, %dma_start3A_192] : memref<25x200xi32, #tpu.memory_space<vmem>> -> memref<1x200xi32, #tpu.memory_space<vmem>>
      %dma_start3A_194 = tpu.memref_squeeze %dma_start3A_193 : memref<1x200xi32, #tpu.memory_space<vmem>> -> memref<200xi32, #tpu.memory_space<vmem>>
      %dma_start3A_195 = arith.constant 0 : i32
      %dma_start3A_196 = arith.constant 0 : i32
      %dma_start3A_197 = tpu.memref_slice %arg45[%dma_start3A_195, %dma_start3A_196] : memref<10000x16xf32, #tpu.memory_space<vmem_shared>> -> memref<10000x16xf32, #tpu.memory_space<vmem_shared>>
      tpu.enqueue_indirect_dma source(%arg22 : memref<200x16xf32, #tpu.memory_space<vmem>>) target(%dma_start3A_197 : memref<10000x16xf32, #tpu.memory_space<vmem_shared>>) offsets(%dma_start3A_194 : memref<200xi32, #tpu.memory_space<vmem>>) semaphore(%arg40 : memref<!tpu.dma_semaphore, #tpu.memory_space<semaphore_mem>>) {add = true}
      %mul3A_198 = arith.constant 5 : i32
      %mul3A_199 = arith.muli %mul3A_198, %scan3A_83 : i32
      %add3A_200 = arith.constant 3 : i32
      %add3A_201 = arith.addi %mul3A_199, %add3A_200 : i32
      %dma_wait3A_202 = arith.constant 0 : i32
      %dma_wait3A_203 = tpu.memref_slice %arg20[%add3A_116, %dma_wait3A_202] : memref<25x200xi32, #tpu.memory_space<vmem>> -> memref<1x200xi32, #tpu.memory_space<vmem>>
      %dma_wait3A_204 = tpu.memref_squeeze %dma_wait3A_203 : memref<1x200xi32, #tpu.memory_space<vmem>> -> memref<200xi32, #tpu.memory_space<vmem>>
      %dma_wait3A_205 = arith.constant 0 : i32
      %dma_wait3A_206 = arith.constant 0 : i32
      %dma_wait3A_207 = tpu.memref_slice %arg43[%dma_wait3A_205, %dma_wait3A_206] : memref<10000x32xf32, #tpu.memory_space<vmem_shared>> -> memref<10000x32xf32, #tpu.memory_space<vmem_shared>>
      tpu.wait_indirect_dma semaphore(%arg31 : memref<!tpu.dma_semaphore, #tpu.memory_space<semaphore_mem>>) src(%dma_wait3A_207 : memref<10000x32xf32, #tpu.memory_space<vmem_shared>>) dst(%arg26 : memref<200x32xf32, #tpu.memory_space<vmem>>)
      %dma_start3A_208 = arith.constant 0 : i32
      %dma_start3A_209 = tpu.memref_slice %arg21[%add3A_201, %dma_start3A_208] : memref<25x200xi32, #tpu.memory_space<vmem>> -> memref<1x200xi32, #tpu.memory_space<vmem>>
      %dma_start3A_210 = tpu.memref_squeeze %dma_start3A_209 : memref<1x200xi32, #tpu.memory_space<vmem>> -> memref<200xi32, #tpu.memory_space<vmem>>
      %dma_start3A_211 = arith.constant 0 : i32
      %dma_start3A_212 = arith.constant 0 : i32
      %dma_start3A_213 = tpu.memref_slice %arg44[%dma_start3A_211, %dma_start3A_212] : memref<10000x32xf32, #tpu.memory_space<vmem_shared>> -> memref<10000x32xf32, #tpu.memory_space<vmem_shared>>
      tpu.enqueue_indirect_dma source(%arg26 : memref<200x32xf32, #tpu.memory_space<vmem>>) target(%dma_start3A_213 : memref<10000x32xf32, #tpu.memory_space<vmem_shared>>) offsets(%dma_start3A_210 : memref<200xi32, #tpu.memory_space<vmem>>) semaphore(%arg36 : memref<!tpu.dma_semaphore, #tpu.memory_space<semaphore_mem>>) {add = true}
      %dma_start3A_214 = arith.constant 0 : i32
      %dma_start3A_215 = tpu.memref_slice %arg21[%add3A_201, %dma_start3A_214] : memref<25x200xi32, #tpu.memory_space<vmem>> -> memref<1x200xi32, #tpu.memory_space<vmem>>
      %dma_start3A_216 = tpu.memref_squeeze %dma_start3A_215 : memref<1x200xi32, #tpu.memory_space<vmem>> -> memref<200xi32, #tpu.memory_space<vmem>>
      %dma_start3A_217 = arith.constant 0 : i32
      %dma_start3A_218 = arith.constant 0 : i32
      %dma_start3A_219 = tpu.memref_slice %arg45[%dma_start3A_217, %dma_start3A_218] : memref<10000x16xf32, #tpu.memory_space<vmem_shared>> -> memref<10000x16xf32, #tpu.memory_space<vmem_shared>>
      tpu.enqueue_indirect_dma source(%arg22 : memref<200x16xf32, #tpu.memory_space<vmem>>) target(%dma_start3A_219 : memref<10000x16xf32, #tpu.memory_space<vmem_shared>>) offsets(%dma_start3A_216 : memref<200xi32, #tpu.memory_space<vmem>>) semaphore(%arg41 : memref<!tpu.dma_semaphore, #tpu.memory_space<semaphore_mem>>) {add = true}
      %mul3A_220 = arith.constant 5 : i32
      %mul3A_221 = arith.muli %mul3A_220, %scan3A_83 : i32
      %add3A_222 = arith.constant 4 : i32
      %add3A_223 = arith.addi %mul3A_221, %add3A_222 : i32
      %dma_wait3A_224 = arith.constant 0 : i32
      %dma_wait3A_225 = tpu.memref_slice %arg20[%add3A_126, %dma_wait3A_224] : memref<25x200xi32, #tpu.memory_space<vmem>> -> memref<1x200xi32, #tpu.memory_space<vmem>>
      %dma_wait3A_226 = tpu.memref_squeeze %dma_wait3A_225 : memref<1x200xi32, #tpu.memory_space<vmem>> -> memref<200xi32, #tpu.memory_space<vmem>>
      %dma_wait3A_227 = arith.constant 0 : i32
      %dma_wait3A_228 = arith.constant 0 : i32
      %dma_wait3A_229 = tpu.memref_slice %arg43[%dma_wait3A_227, %dma_wait3A_228] : memref<10000x32xf32, #tpu.memory_space<vmem_shared>> -> memref<10000x32xf32, #tpu.memory_space<vmem_shared>>
      tpu.wait_indirect_dma semaphore(%arg32 : memref<!tpu.dma_semaphore, #tpu.memory_space<semaphore_mem>>) src(%dma_wait3A_229 : memref<10000x32xf32, #tpu.memory_space<vmem_shared>>) dst(%arg27 : memref<200x32xf32, #tpu.memory_space<vmem>>)
      %dma_start3A_230 = arith.constant 0 : i32
      %dma_start3A_231 = tpu.memref_slice %arg21[%add3A_223, %dma_start3A_230] : memref<25x200xi32, #tpu.memory_space<vmem>> -> memref<1x200xi32, #tpu.memory_space<vmem>>
      %dma_start3A_232 = tpu.memref_squeeze %dma_start3A_231 : memref<1x200xi32, #tpu.memory_space<vmem>> -> memref<200xi32, #tpu.memory_space<vmem>>
      %dma_start3A_233 = arith.constant 0 : i32
      %dma_start3A_234 = arith.constant 0 : i32
      %dma_start3A_235 = tpu.memref_slice %arg44[%dma_start3A_233, %dma_start3A_234] : memref<10000x32xf32, #tpu.memory_space<vmem_shared>> -> memref<10000x32xf32, #tpu.memory_space<vmem_shared>>
      tpu.enqueue_indirect_dma source(%arg27 : memref<200x32xf32, #tpu.memory_space<vmem>>) target(%dma_start3A_235 : memref<10000x32xf32, #tpu.memory_space<vmem_shared>>) offsets(%dma_start3A_232 : memref<200xi32, #tpu.memory_space<vmem>>) semaphore(%arg37 : memref<!tpu.dma_semaphore, #tpu.memory_space<semaphore_mem>>) {add = true}
      %dma_start3A_236 = arith.constant 0 : i32
      %dma_start3A_237 = tpu.memref_slice %arg21[%add3A_223, %dma_start3A_236] : memref<25x200xi32, #tpu.memory_space<vmem>> -> memref<1x200xi32, #tpu.memory_space<vmem>>
      %dma_start3A_238 = tpu.memref_squeeze %dma_start3A_237 : memref<1x200xi32, #tpu.memory_space<vmem>> -> memref<200xi32, #tpu.memory_space<vmem>>
      %dma_start3A_239 = arith.constant 0 : i32
      %dma_start3A_240 = arith.constant 0 : i32
      %dma_start3A_241 = tpu.memref_slice %arg45[%dma_start3A_239, %dma_start3A_240] : memref<10000x16xf32, #tpu.memory_space<vmem_shared>> -> memref<10000x16xf32, #tpu.memory_space<vmem_shared>>
      tpu.enqueue_indirect_dma source(%arg22 : memref<200x16xf32, #tpu.memory_space<vmem>>) target(%dma_start3A_241 : memref<10000x16xf32, #tpu.memory_space<vmem_shared>>) offsets(%dma_start3A_238 : memref<200xi32, #tpu.memory_space<vmem>>) semaphore(%arg42 : memref<!tpu.dma_semaphore, #tpu.memory_space<semaphore_mem>>) {add = true}
      %dma_wait3A_242 = arith.constant 0 : i32
      %dma_wait3A_243 = tpu.memref_slice %arg21[%add3A_136, %dma_wait3A_242] : memref<25x200xi32, #tpu.memory_space<vmem>> -> memref<1x200xi32, #tpu.memory_space<vmem>>
      %dma_wait3A_244 = tpu.memref_squeeze %dma_wait3A_243 : memref<1x200xi32, #tpu.memory_space<vmem>> -> memref<200xi32, #tpu.memory_space<vmem>>
      %dma_wait3A_245 = arith.constant 0 : i32
      %dma_wait3A_246 = arith.constant 0 : i32
      %dma_wait3A_247 = tpu.memref_slice %arg44[%dma_wait3A_245, %dma_wait3A_246] : memref<10000x32xf32, #tpu.memory_space<vmem_shared>> -> memref<10000x32xf32, #tpu.memory_space<vmem_shared>>
      tpu.wait_indirect_dma semaphore(%arg33 : memref<!tpu.dma_semaphore, #tpu.memory_space<semaphore_mem>>) src(%arg23 : memref<200x32xf32, #tpu.memory_space<vmem>>) dst(%dma_wait3A_247 : memref<10000x32xf32, #tpu.memory_space<vmem_shared>>)
      %dma_wait3A_248 = arith.constant 0 : i32
      %dma_wait3A_249 = tpu.memref_slice %arg21[%add3A_136, %dma_wait3A_248] : memref<25x200xi32, #tpu.memory_space<vmem>> -> memref<1x200xi32, #tpu.memory_space<vmem>>
      %dma_wait3A_250 = tpu.memref_squeeze %dma_wait3A_249 : memref<1x200xi32, #tpu.memory_space<vmem>> -> memref<200xi32, #tpu.memory_space<vmem>>
      %dma_wait3A_251 = arith.constant 0 : i32
      %dma_wait3A_252 = arith.constant 0 : i32
      %dma_wait3A_253 = tpu.memref_slice %arg45[%dma_wait3A_251, %dma_wait3A_252] : memref<10000x16xf32, #tpu.memory_space<vmem_shared>> -> memref<10000x16xf32, #tpu.memory_space<vmem_shared>>
      tpu.wait_indirect_dma semaphore(%arg38 : memref<!tpu.dma_semaphore, #tpu.memory_space<semaphore_mem>>) src(%arg22 : memref<200x16xf32, #tpu.memory_space<vmem>>) dst(%dma_wait3A_253 : memref<10000x16xf32, #tpu.memory_space<vmem_shared>>)
      %dma_wait3A_254 = arith.constant 0 : i32
      %dma_wait3A_255 = tpu.memref_slice %arg21[%add3A_157, %dma_wait3A_254] : memref<25x200xi32, #tpu.memory_space<vmem>> -> memref<1x200xi32, #tpu.memory_space<vmem>>
      %dma_wait3A_256 = tpu.memref_squeeze %dma_wait3A_255 : memref<1x200xi32, #tpu.memory_space<vmem>> -> memref<200xi32, #tpu.memory_space<vmem>>
      %dma_wait3A_257 = arith.constant 0 : i32
      %dma_wait3A_258 = arith.constant 0 : i32
      %dma_wait3A_259 = tpu.memref_slice %arg44[%dma_wait3A_257, %dma_wait3A_258] : memref<10000x32xf32, #tpu.memory_space<vmem_shared>> -> memref<10000x32xf32, #tpu.memory_space<vmem_shared>>
      tpu.wait_indirect_dma semaphore(%arg34 : memref<!tpu.dma_semaphore, #tpu.memory_space<semaphore_mem>>) src(%arg24 : memref<200x32xf32, #tpu.memory_space<vmem>>) dst(%dma_wait3A_259 : memref<10000x32xf32, #tpu.memory_space<vmem_shared>>)
      %dma_wait3A_260 = arith.constant 0 : i32
      %dma_wait3A_261 = tpu.memref_slice %arg21[%add3A_157, %dma_wait3A_260] : memref<25x200xi32, #tpu.memory_space<vmem>> -> memref<1x200xi32, #tpu.memory_space<vmem>>
      %dma_wait3A_262 = tpu.memref_squeeze %dma_wait3A_261 : memref<1x200xi32, #tpu.memory_space<vmem>> -> memref<200xi32, #tpu.memory_space<vmem>>
      %dma_wait3A_263 = arith.constant 0 : i32
      %dma_wait3A_264 = arith.constant 0 : i32
      %dma_wait3A_265 = tpu.memref_slice %arg45[%dma_wait3A_263, %dma_wait3A_264] : memref<10000x16xf32, #tpu.memory_space<vmem_shared>> -> memref<10000x16xf32, #tpu.memory_space<vmem_shared>>
      tpu.wait_indirect_dma semaphore(%arg39 : memref<!tpu.dma_semaphore, #tpu.memory_space<semaphore_mem>>) src(%arg22 : memref<200x16xf32, #tpu.memory_space<vmem>>) dst(%dma_wait3A_265 : memref<10000x16xf32, #tpu.memory_space<vmem_shared>>)
      %dma_wait3A_266 = arith.constant 0 : i32
      %dma_wait3A_267 = tpu.memref_slice %arg21[%add3A_179, %dma_wait3A_266] : memref<25x200xi32, #tpu.memory_space<vmem>> -> memref<1x200xi32, #tpu.memory_space<vmem>>
      %dma_wait3A_268 = tpu.memref_squeeze %dma_wait3A_267 : memref<1x200xi32, #tpu.memory_space<vmem>> -> memref<200xi32, #tpu.memory_space<vmem>>
      %dma_wait3A_269 = arith.constant 0 : i32
      %dma_wait3A_270 = arith.constant 0 : i32
      %dma_wait3A_271 = tpu.memref_slice %arg44[%dma_wait3A_269, %dma_wait3A_270] : memref<10000x32xf32, #tpu.memory_space<vmem_shared>> -> memref<10000x32xf32, #tpu.memory_space<vmem_shared>>
      tpu.wait_indirect_dma semaphore(%arg35 : memref<!tpu.dma_semaphore, #tpu.memory_space<semaphore_mem>>) src(%arg25 : memref<200x32xf32, #tpu.memory_space<vmem>>) dst(%dma_wait3A_271 : memref<10000x32xf32, #tpu.memory_space<vmem_shared>>)
      %dma_wait3A_272 = arith.constant 0 : i32
      %dma_wait3A_273 = tpu.memref_slice %arg21[%add3A_179, %dma_wait3A_272] : memref<25x200xi32, #tpu.memory_space<vmem>> -> memref<1x200xi32, #tpu.memory_space<vmem>>
      %dma_wait3A_274 = tpu.memref_squeeze %dma_wait3A_273 : memref<1x200xi32, #tpu.memory_space<vmem>> -> memref<200xi32, #tpu.memory_space<vmem>>
      %dma_wait3A_275 = arith.constant 0 : i32
      %dma_wait3A_276 = arith.constant 0 : i32
      %dma_wait3A_277 = tpu.memref_slice %arg45[%dma_wait3A_275, %dma_wait3A_276] : memref<10000x16xf32, #tpu.memory_space<vmem_shared>> -> memref<10000x16xf32, #tpu.memory_space<vmem_shared>>
      tpu.wait_indirect_dma semaphore(%arg40 : memref<!tpu.dma_semaphore, #tpu.memory_space<semaphore_mem>>) src(%arg22 : memref<200x16xf32, #tpu.memory_space<vmem>>) dst(%dma_wait3A_277 : memref<10000x16xf32, #tpu.memory_space<vmem_shared>>)
      %dma_wait3A_278 = arith.constant 0 : i32
      %dma_wait3A_279 = tpu.memref_slice %arg21[%add3A_201, %dma_wait3A_278] : memref<25x200xi32, #tpu.memory_space<vmem>> -> memref<1x200xi32, #tpu.memory_space<vmem>>
      %dma_wait3A_280 = tpu.memref_squeeze %dma_wait3A_279 : memref<1x200xi32, #tpu.memory_space<vmem>> -> memref<200xi32, #tpu.memory_space<vmem>>
      %dma_wait3A_281 = arith.constant 0 : i32
      %dma_wait3A_282 = arith.constant 0 : i32
      %dma_wait3A_283 = tpu.memref_slice %arg44[%dma_wait3A_281, %dma_wait3A_282] : memref<10000x32xf32, #tpu.memory_space<vmem_shared>> -> memref<10000x32xf32, #tpu.memory_space<vmem_shared>>
      tpu.wait_indirect_dma semaphore(%arg36 : memref<!tpu.dma_semaphore, #tpu.memory_space<semaphore_mem>>) src(%arg26 : memref<200x32xf32, #tpu.memory_space<vmem>>) dst(%dma_wait3A_283 : memref<10000x32xf32, #tpu.memory_space<vmem_shared>>)
      %dma_wait3A_284 = arith.constant 0 : i32
      %dma_wait3A_285 = tpu.memref_slice %arg21[%add3A_201, %dma_wait3A_284] : memref<25x200xi32, #tpu.memory_space<vmem>> -> memref<1x200xi32, #tpu.memory_space<vmem>>
      %dma_wait3A_286 = tpu.memref_squeeze %dma_wait3A_285 : memref<1x200xi32, #tpu.memory_space<vmem>> -> memref<200xi32, #tpu.memory_space<vmem>>
      %dma_wait3A_287 = arith.constant 0 : i32
      %dma_wait3A_288 = arith.constant 0 : i32
      %dma_wait3A_289 = tpu.memref_slice %arg45[%dma_wait3A_287, %dma_wait3A_288] : memref<10000x16xf32, #tpu.memory_space<vmem_shared>> -> memref<10000x16xf32, #tpu.memory_space<vmem_shared>>
      tpu.wait_indirect_dma semaphore(%arg41 : memref<!tpu.dma_semaphore, #tpu.memory_space<semaphore_mem>>) src(%arg22 : memref<200x16xf32, #tpu.memory_space<vmem>>) dst(%dma_wait3A_289 : memref<10000x16xf32, #tpu.memory_space<vmem_shared>>)
      %dma_wait3A_290 = arith.constant 0 : i32
      %dma_wait3A_291 = tpu.memref_slice %arg21[%add3A_223, %dma_wait3A_290] : memref<25x200xi32, #tpu.memory_space<vmem>> -> memref<1x200xi32, #tpu.memory_space<vmem>>
      %dma_wait3A_292 = tpu.memref_squeeze %dma_wait3A_291 : memref<1x200xi32, #tpu.memory_space<vmem>> -> memref<200xi32, #tpu.memory_space<vmem>>
      %dma_wait3A_293 = arith.constant 0 : i32
      %dma_wait3A_294 = arith.constant 0 : i32
      %dma_wait3A_295 = tpu.memref_slice %arg44[%dma_wait3A_293, %dma_wait3A_294] : memref<10000x32xf32, #tpu.memory_space<vmem_shared>> -> memref<10000x32xf32, #tpu.memory_space<vmem_shared>>
      tpu.wait_indirect_dma semaphore(%arg37 : memref<!tpu.dma_semaphore, #tpu.memory_space<semaphore_mem>>) src(%arg27 : memref<200x32xf32, #tpu.memory_space<vmem>>) dst(%dma_wait3A_295 : memref<10000x32xf32, #tpu.memory_space<vmem_shared>>)
      %dma_wait3A_296 = arith.constant 0 : i32
      %dma_wait3A_297 = tpu.memref_slice %arg21[%add3A_223, %dma_wait3A_296] : memref<25x200xi32, #tpu.memory_space<vmem>> -> memref<1x200xi32, #tpu.memory_space<vmem>>
      %dma_wait3A_298 = tpu.memref_squeeze %dma_wait3A_297 : memref<1x200xi32, #tpu.memory_space<vmem>> -> memref<200xi32, #tpu.memory_space<vmem>>
      %dma_wait3A_299 = arith.constant 0 : i32
      %dma_wait3A_300 = arith.constant 0 : i32
      %dma_wait3A_301 = tpu.memref_slice %arg45[%dma_wait3A_299, %dma_wait3A_300] : memref<10000x16xf32, #tpu.memory_space<vmem_shared>> -> memref<10000x16xf32, #tpu.memory_space<vmem_shared>>
      tpu.wait_indirect_dma semaphore(%arg42 : memref<!tpu.dma_semaphore, #tpu.memory_space<semaphore_mem>>) src(%arg22 : memref<200x16xf32, #tpu.memory_space<vmem>>) dst(%dma_wait3A_301 : memref<10000x16xf32, #tpu.memory_space<vmem_shared>>)
    }
    %scan3A_45 = arith.constant 5 : i32
    %barrier3A_46 = arith.constant 0 : index
    tpu.barrier barrier_id(%barrier3A_46)
    %mul3A_47 = arith.constant 625 : i32
    %mul3A_48 = arith.muli %arg1, %mul3A_47 : i32
    %mul3A_49 = arith.constant 625 : i32
    %mul3A_50 = arith.muli %arg1, %mul3A_49 : i32
    "tpu.region"() ({
      %run_scoped3A = tpu.sem_alloc : memref<!tpu.dma_semaphore, #tpu.memory_space<semaphore_mem>>
      %dma_start3A = arith.constant 0 : i32
      %dma_start3A_83 = tpu.memref_slice %arg15[%arg0, %mul3A_50, %dma_start3A] : memref<2x10000x32xf32, #tpu.memory_space<hbm>> -> memref<1x625x32xf32, #tpu.memory_space<hbm>>
      %dma_start3A_84 = tpu.memref_squeeze %dma_start3A_83 : memref<1x625x32xf32, #tpu.memory_space<hbm>> -> memref<625x32xf32, #tpu.memory_space<hbm>>
      %dma_start3A_85 = arith.constant 0 : i32
      %dma_start3A_86 = tpu.memref_slice %arg44[%mul3A_48, %dma_start3A_85] : memref<10000x32xf32, #tpu.memory_space<vmem_shared>> -> memref<625x32xf32, #tpu.memory_space<vmem_shared>>
      tpu.enqueue_dma source(%dma_start3A_86 : memref<625x32xf32, #tpu.memory_space<vmem_shared>>) target(%dma_start3A_84 : memref<625x32xf32, #tpu.memory_space<hbm>>) target_semaphore(%run_scoped3A : memref<!tpu.dma_semaphore, #tpu.memory_space<semaphore_mem>>)
      %dma_wait3A = arith.constant 0 : i32
      %dma_wait3A_87 = tpu.memref_slice %arg15[%arg0, %mul3A_50, %dma_wait3A] : memref<2x10000x32xf32, #tpu.memory_space<hbm>> -> memref<1x625x32xf32, #tpu.memory_space<hbm>>
      %dma_wait3A_88 = tpu.memref_squeeze %dma_wait3A_87 : memref<1x625x32xf32, #tpu.memory_space<hbm>> -> memref<625x32xf32, #tpu.memory_space<hbm>>
      %dma_wait3A_89 = arith.constant 0 : i32
      %dma_wait3A_90 = tpu.memref_slice %arg44[%mul3A_48, %dma_wait3A_89] : memref<10000x32xf32, #tpu.memory_space<vmem_shared>> -> memref<625x32xf32, #tpu.memory_space<vmem_shared>>
      tpu.wait_dma2 semaphore(%run_scoped3A : memref<!tpu.dma_semaphore, #tpu.memory_space<semaphore_mem>>) src(%dma_wait3A_90 : memref<625x32xf32, #tpu.memory_space<vmem_shared>>) dst(%dma_wait3A_88 : memref<625x32xf32, #tpu.memory_space<hbm>>)
      tpu.yield
    }) : () -> ()
    %mul3A_51 = arith.constant 625 : i32
    %mul3A_52 = arith.muli %arg1, %mul3A_51 : i32
    %mul3A_53 = arith.constant 625 : i32
    %mul3A_54 = arith.muli %arg1, %mul3A_53 : i32
    "tpu.region"() ({
      %run_scoped3A = tpu.sem_alloc : memref<!tpu.dma_semaphore, #tpu.memory_space<semaphore_mem>>
      %dma_start3A = arith.constant 0 : i32
      %dma_start3A_83 = tpu.memref_slice %arg18[%arg0, %mul3A_54, %dma_start3A] : memref<2x10000x16xf32, #tpu.memory_space<hbm>> -> memref<1x625x16xf32, #tpu.memory_space<hbm>>
      %dma_start3A_84 = tpu.memref_squeeze %dma_start3A_83 : memref<1x625x16xf32, #tpu.memory_space<hbm>> -> memref<625x16xf32, #tpu.memory_space<hbm>>
      %dma_start3A_85 = arith.constant 0 : i32
      %dma_start3A_86 = tpu.memref_slice %arg45[%mul3A_52, %dma_start3A_85] : memref<10000x16xf32, #tpu.memory_space<vmem_shared>> -> memref<625x16xf32, #tpu.memory_space<vmem_shared>>
      tpu.enqueue_dma source(%dma_start3A_86 : memref<625x16xf32, #tpu.memory_space<vmem_shared>>) target(%dma_start3A_84 : memref<625x16xf32, #tpu.memory_space<hbm>>) target_semaphore(%run_scoped3A : memref<!tpu.dma_semaphore, #tpu.memory_space<semaphore_mem>>)
      %dma_wait3A = arith.constant 0 : i32
      %dma_wait3A_87 = tpu.memref_slice %arg18[%arg0, %mul3A_54, %dma_wait3A] : memref<2x10000x16xf32, #tpu.memory_space<hbm>> -> memref<1x625x16xf32, #tpu.memory_space<hbm>>
      %dma_wait3A_88 = tpu.memref_squeeze %dma_wait3A_87 : memref<1x625x16xf32, #tpu.memory_space<hbm>> -> memref<625x16xf32, #tpu.memory_space<hbm>>
      %dma_wait3A_89 = arith.constant 0 : i32
      %dma_wait3A_90 = tpu.memref_slice %arg45[%mul3A_52, %dma_wait3A_89] : memref<10000x16xf32, #tpu.memory_space<vmem_shared>> -> memref<625x16xf32, #tpu.memory_space<vmem_shared>>
      tpu.wait_dma2 semaphore(%run_scoped3A : memref<!tpu.dma_semaphore, #tpu.memory_space<semaphore_mem>>) src(%dma_wait3A_90 : memref<625x16xf32, #tpu.memory_space<vmem_shared>>) dst(%dma_wait3A_88 : memref<625x16xf32, #tpu.memory_space<hbm>>)
      tpu.yield
    }) : () -> ()
    %mul3A_55 = arith.constant 625 : i32
    %mul3A_56 = arith.muli %arg1, %mul3A_55 : i32
    %mul3A_57 = arith.constant 625 : i32
    %mul3A_58 = arith.muli %arg1, %mul3A_57 : i32
    "tpu.region"() ({
      %run_scoped3A = tpu.sem_alloc : memref<!tpu.dma_semaphore, #tpu.memory_space<semaphore_mem>>
      %dma_start3A = arith.constant 0 : i32
      %dma_start3A_83 = tpu.memref_slice %arg43[%mul3A_58, %dma_start3A] : memref<10000x32xf32, #tpu.memory_space<vmem_shared>> -> memref<625x32xf32, #tpu.memory_space<vmem_shared>>
      %dma_start3A_84 = arith.constant 0 : i32
      %dma_start3A_85 = tpu.memref_slice %arg4[%mul3A_56, %dma_start3A_84] : memref<10000x32xf32, #tpu.memory_space<hbm>> -> memref<625x32xf32, #tpu.memory_space<hbm>>
      tpu.enqueue_dma source(%dma_start3A_85 : memref<625x32xf32, #tpu.memory_space<hbm>>) target(%dma_start3A_83 : memref<625x32xf32, #tpu.memory_space<vmem_shared>>) target_semaphore(%run_scoped3A : memref<!tpu.dma_semaphore, #tpu.memory_space<semaphore_mem>>)
      %dma_wait3A = arith.constant 0 : i32
      %dma_wait3A_86 = tpu.memref_slice %arg43[%mul3A_58, %dma_wait3A] : memref<10000x32xf32, #tpu.memory_space<vmem_shared>> -> memref<625x32xf32, #tpu.memory_space<vmem_shared>>
      %dma_wait3A_87 = arith.constant 0 : i32
      %dma_wait3A_88 = tpu.memref_slice %arg4[%mul3A_56, %dma_wait3A_87] : memref<10000x32xf32, #tpu.memory_space<hbm>> -> memref<625x32xf32, #tpu.memory_space<hbm>>
      tpu.wait_dma2 semaphore(%run_scoped3A : memref<!tpu.dma_semaphore, #tpu.memory_space<semaphore_mem>>) src(%dma_wait3A_88 : memref<625x32xf32, #tpu.memory_space<hbm>>) dst(%dma_wait3A_86 : memref<625x32xf32, #tpu.memory_space<vmem_shared>>)
      tpu.yield
    }) : () -> ()
    %mul3A_59 = arith.constant 625 : i32
    %mul3A_60 = arith.muli %arg1, %mul3A_59 : i32
    "tpu.region"() ({
      %run_scoped3A = tpu.sem_alloc : memref<!tpu.dma_semaphore, #tpu.memory_space<semaphore_mem>>
      %dma_start3A = arith.constant 0 : i32
      %dma_start3A_83 = tpu.memref_slice %arg44[%mul3A_60, %dma_start3A] : memref<10000x32xf32, #tpu.memory_space<vmem_shared>> -> memref<625x32xf32, #tpu.memory_space<vmem_shared>>
      tpu.enqueue_dma source(%arg11 : memref<625x32xf32, #tpu.memory_space<hbm>>) target(%dma_start3A_83 : memref<625x32xf32, #tpu.memory_space<vmem_shared>>) target_semaphore(%run_scoped3A : memref<!tpu.dma_semaphore, #tpu.memory_space<semaphore_mem>>)
      %dma_wait3A = arith.constant 0 : i32
      %dma_wait3A_84 = tpu.memref_slice %arg44[%mul3A_60, %dma_wait3A] : memref<10000x32xf32, #tpu.memory_space<vmem_shared>> -> memref<625x32xf32, #tpu.memory_space<vmem_shared>>
      tpu.wait_dma2 semaphore(%run_scoped3A : memref<!tpu.dma_semaphore, #tpu.memory_space<semaphore_mem>>) src(%arg11 : memref<625x32xf32, #tpu.memory_space<hbm>>) dst(%dma_wait3A_84 : memref<625x32xf32, #tpu.memory_space<vmem_shared>>)
      tpu.yield
    }) : () -> ()
    %mul3A_61 = arith.constant 625 : i32
    %mul3A_62 = arith.muli %arg1, %mul3A_61 : i32
    "tpu.region"() ({
      %run_scoped3A = tpu.sem_alloc : memref<!tpu.dma_semaphore, #tpu.memory_space<semaphore_mem>>
      %dma_start3A = arith.constant 0 : i32
      %dma_start3A_83 = tpu.memref_slice %arg45[%mul3A_62, %dma_start3A] : memref<10000x16xf32, #tpu.memory_space<vmem_shared>> -> memref<625x16xf32, #tpu.memory_space<vmem_shared>>
      tpu.enqueue_dma source(%arg12 : memref<625x16xf32, #tpu.memory_space<hbm>>) target(%dma_start3A_83 : memref<625x16xf32, #tpu.memory_space<vmem_shared>>) target_semaphore(%run_scoped3A : memref<!tpu.dma_semaphore, #tpu.memory_space<semaphore_mem>>)
      %dma_wait3A = arith.constant 0 : i32
      %dma_wait3A_84 = tpu.memref_slice %arg45[%mul3A_62, %dma_wait3A] : memref<10000x16xf32, #tpu.memory_space<vmem_shared>> -> memref<625x16xf32, #tpu.memory_space<vmem_shared>>
      tpu.wait_dma2 semaphore(%run_scoped3A : memref<!tpu.dma_semaphore, #tpu.memory_space<semaphore_mem>>) src(%arg12 : memref<625x16xf32, #tpu.memory_space<hbm>>) dst(%dma_wait3A_84 : memref<625x16xf32, #tpu.memory_space<vmem_shared>>)
      tpu.yield
    }) : () -> ()
    %mul3A_63 = arith.constant 25 : i32
    %mul3A_64 = arith.muli %add3A, %mul3A_63 : i32
    "tpu.region"() ({
      %run_scoped3A = tpu.sem_alloc : memref<!tpu.dma_semaphore, #tpu.memory_space<semaphore_mem>>
      %dma_start3A = arith.constant 0 : i32
      %dma_start3A_83 = tpu.memref_slice %arg7[%mul3A_64, %dma_start3A] : memref<800x200xi32, #tpu.memory_space<hbm>> -> memref<25x200xi32, #tpu.memory_space<hbm>>
      %dma_start3A_84 = arith.constant 0 : i32
      %dma_start3A_85 = tpu.memref_slice %arg7[%mul3A_64, %dma_start3A_84] : memref<800x200xi32, #tpu.memory_space<hbm>> -> memref<25x200xi32, #tpu.memory_space<hbm>>
      tpu.enqueue_dma source(%dma_start3A_85 : memref<25x200xi32, #tpu.memory_space<hbm>>) target(%arg20 : memref<25x200xi32, #tpu.memory_space<vmem>>) target_semaphore(%run_scoped3A : memref<!tpu.dma_semaphore, #tpu.memory_space<semaphore_mem>>)
      %dma_wait3A = arith.constant 0 : i32
      %dma_wait3A_86 = tpu.memref_slice %arg7[%mul3A_64, %dma_wait3A] : memref<800x200xi32, #tpu.memory_space<hbm>> -> memref<25x200xi32, #tpu.memory_space<hbm>>
      %dma_wait3A_87 = arith.constant 0 : i32
      %dma_wait3A_88 = tpu.memref_slice %arg7[%mul3A_64, %dma_wait3A_87] : memref<800x200xi32, #tpu.memory_space<hbm>> -> memref<25x200xi32, #tpu.memory_space<hbm>>
      tpu.wait_dma2 semaphore(%run_scoped3A : memref<!tpu.dma_semaphore, #tpu.memory_space<semaphore_mem>>) src(%dma_wait3A_88 : memref<25x200xi32, #tpu.memory_space<hbm>>) dst(%arg20 : memref<25x200xi32, #tpu.memory_space<vmem>>)
      tpu.yield
    }) : () -> ()
    %mul3A_65 = arith.constant 25 : i32
    %mul3A_66 = arith.muli %add3A, %mul3A_65 : i32
    "tpu.region"() ({
      %run_scoped3A = tpu.sem_alloc : memref<!tpu.dma_semaphore, #tpu.memory_space<semaphore_mem>>
      %dma_start3A = arith.constant 0 : i32
      %dma_start3A_83 = tpu.memref_slice %arg10[%mul3A_66, %dma_start3A] : memref<800x200xi32, #tpu.memory_space<hbm>> -> memref<25x200xi32, #tpu.memory_space<hbm>>
      %dma_start3A_84 = arith.constant 0 : i32
      %dma_start3A_85 = tpu.memref_slice %arg10[%mul3A_66, %dma_start3A_84] : memref<800x200xi32, #tpu.memory_space<hbm>> -> memref<25x200xi32, #tpu.memory_space<hbm>>
      tpu.enqueue_dma source(%dma_start3A_85 : memref<25x200xi32, #tpu.memory_space<hbm>>) target(%arg21 : memref<25x200xi32, #tpu.memory_space<vmem>>) target_semaphore(%run_scoped3A : memref<!tpu.dma_semaphore, #tpu.memory_space<semaphore_mem>>)
      %dma_wait3A = arith.constant 0 : i32
      %dma_wait3A_86 = tpu.memref_slice %arg10[%mul3A_66, %dma_wait3A] : memref<800x200xi32, #tpu.memory_space<hbm>> -> memref<25x200xi32, #tpu.memory_space<hbm>>
      %dma_wait3A_87 = arith.constant 0 : i32
      %dma_wait3A_88 = tpu.memref_slice %arg10[%mul3A_66, %dma_wait3A_87] : memref<800x200xi32, #tpu.memory_space<hbm>> -> memref<25x200xi32, #tpu.memory_space<hbm>>
      tpu.wait_dma2 semaphore(%run_scoped3A : memref<!tpu.dma_semaphore, #tpu.memory_space<semaphore_mem>>) src(%dma_wait3A_88 : memref<25x200xi32, #tpu.memory_space<hbm>>) dst(%arg21 : memref<25x200xi32, #tpu.memory_space<vmem>>)
      tpu.yield
    }) : () -> ()
    %barrier3A_67 = arith.constant 0 : index
    tpu.barrier barrier_id(%barrier3A_67)
    %scan3A_68 = arith.constant 0 : i32
    %scan3A_69 = arith.constant 0 : i32
    %scan3A_70 = arith.constant 5 : i32
    %scan3A_71 = arith.addi %scan3A_69, %scan3A_70 : i32
    %scan3A_72 = arith.constant 1 : i32
    scf.for %scan3A_83 = %scan3A_69 to %scan3A_71 step %scan3A_72  : i32 {
      %mul3A_84 = arith.constant 5 : i32
      %mul3A_85 = arith.muli %mul3A_84, %scan3A_83 : i32
      %add3A_86 = arith.constant 0 : i32
      %add3A_87 = arith.addi %mul3A_85, %add3A_86 : i32
      %dma_start3A = arith.constant 0 : i32
      %dma_start3A_88 = tpu.memref_slice %arg20[%add3A_87, %dma_start3A] : memref<25x200xi32, #tpu.memory_space<vmem>> -> memref<1x200xi32, #tpu.memory_space<vmem>>
      %dma_start3A_89 = tpu.memref_squeeze %dma_start3A_88 : memref<1x200xi32, #tpu.memory_space<vmem>> -> memref<200xi32, #tpu.memory_space<vmem>>
      %dma_start3A_90 = arith.constant 0 : i32
      %dma_start3A_91 = arith.constant 0 : i32
      %dma_start3A_92 = tpu.memref_slice %arg43[%dma_start3A_90, %dma_start3A_91] : memref<10000x32xf32, #tpu.memory_space<vmem_shared>> -> memref<10000x32xf32, #tpu.memory_space<vmem_shared>>
      tpu.enqueue_indirect_dma source(%dma_start3A_92 : memref<10000x32xf32, #tpu.memory_space<vmem_shared>>) target(%arg23 : memref<200x32xf32, #tpu.memory_space<vmem>>) offsets(%dma_start3A_89 : memref<200xi32, #tpu.memory_space<vmem>>) semaphore(%arg28 : memref<!tpu.dma_semaphore, #tpu.memory_space<semaphore_mem>>)
      %mul3A_93 = arith.constant 5 : i32
      %mul3A_94 = arith.muli %mul3A_93, %scan3A_83 : i32
      %add3A_95 = arith.constant 1 : i32
      %add3A_96 = arith.addi %mul3A_94, %add3A_95 : i32
      %dma_start3A_97 = arith.constant 0 : i32
      %dma_start3A_98 = tpu.memref_slice %arg20[%add3A_96, %dma_start3A_97] : memref<25x200xi32, #tpu.memory_space<vmem>> -> memref<1x200xi32, #tpu.memory_space<vmem>>
      %dma_start3A_99 = tpu.memref_squeeze %dma_start3A_98 : memref<1x200xi32, #tpu.memory_space<vmem>> -> memref<200xi32, #tpu.memory_space<vmem>>
      %dma_start3A_100 = arith.constant 0 : i32
      %dma_start3A_101 = arith.constant 0 : i32
      %dma_start3A_102 = tpu.memref_slice %arg43[%dma_start3A_100, %dma_start3A_101] : memref<10000x32xf32, #tpu.memory_space<vmem_shared>> -> memref<10000x32xf32, #tpu.memory_space<vmem_shared>>
      tpu.enqueue_indirect_dma source(%dma_start3A_102 : memref<10000x32xf32, #tpu.memory_space<vmem_shared>>) target(%arg24 : memref<200x32xf32, #tpu.memory_space<vmem>>) offsets(%dma_start3A_99 : memref<200xi32, #tpu.memory_space<vmem>>) semaphore(%arg29 : memref<!tpu.dma_semaphore, #tpu.memory_space<semaphore_mem>>)
      %mul3A_103 = arith.constant 5 : i32
      %mul3A_104 = arith.muli %mul3A_103, %scan3A_83 : i32
      %add3A_105 = arith.constant 2 : i32
      %add3A_106 = arith.addi %mul3A_104, %add3A_105 : i32
      %dma_start3A_107 = arith.constant 0 : i32
      %dma_start3A_108 = tpu.memref_slice %arg20[%add3A_106, %dma_start3A_107] : memref<25x200xi32, #tpu.memory_space<vmem>> -> memref<1x200xi32, #tpu.memory_space<vmem>>
      %dma_start3A_109 = tpu.memref_squeeze %dma_start3A_108 : memref<1x200xi32, #tpu.memory_space<vmem>> -> memref<200xi32, #tpu.memory_space<vmem>>
      %dma_start3A_110 = arith.constant 0 : i32
      %dma_start3A_111 = arith.constant 0 : i32
      %dma_start3A_112 = tpu.memref_slice %arg43[%dma_start3A_110, %dma_start3A_111] : memref<10000x32xf32, #tpu.memory_space<vmem_shared>> -> memref<10000x32xf32, #tpu.memory_space<vmem_shared>>
      tpu.enqueue_indirect_dma source(%dma_start3A_112 : memref<10000x32xf32, #tpu.memory_space<vmem_shared>>) target(%arg25 : memref<200x32xf32, #tpu.memory_space<vmem>>) offsets(%dma_start3A_109 : memref<200xi32, #tpu.memory_space<vmem>>) semaphore(%arg30 : memref<!tpu.dma_semaphore, #tpu.memory_space<semaphore_mem>>)
      %mul3A_113 = arith.constant 5 : i32
      %mul3A_114 = arith.muli %mul3A_113, %scan3A_83 : i32
      %add3A_115 = arith.constant 3 : i32
      %add3A_116 = arith.addi %mul3A_114, %add3A_115 : i32
      %dma_start3A_117 = arith.constant 0 : i32
      %dma_start3A_118 = tpu.memref_slice %arg20[%add3A_116, %dma_start3A_117] : memref<25x200xi32, #tpu.memory_space<vmem>> -> memref<1x200xi32, #tpu.memory_space<vmem>>
      %dma_start3A_119 = tpu.memref_squeeze %dma_start3A_118 : memref<1x200xi32, #tpu.memory_space<vmem>> -> memref<200xi32, #tpu.memory_space<vmem>>
      %dma_start3A_120 = arith.constant 0 : i32
      %dma_start3A_121 = arith.constant 0 : i32
      %dma_start3A_122 = tpu.memref_slice %arg43[%dma_start3A_120, %dma_start3A_121] : memref<10000x32xf32, #tpu.memory_space<vmem_shared>> -> memref<10000x32xf32, #tpu.memory_space<vmem_shared>>
      tpu.enqueue_indirect_dma source(%dma_start3A_122 : memref<10000x32xf32, #tpu.memory_space<vmem_shared>>) target(%arg26 : memref<200x32xf32, #tpu.memory_space<vmem>>) offsets(%dma_start3A_119 : memref<200xi32, #tpu.memory_space<vmem>>) semaphore(%arg31 : memref<!tpu.dma_semaphore, #tpu.memory_space<semaphore_mem>>)
      %mul3A_123 = arith.constant 5 : i32
      %mul3A_124 = arith.muli %mul3A_123, %scan3A_83 : i32
      %add3A_125 = arith.constant 4 : i32
      %add3A_126 = arith.addi %mul3A_124, %add3A_125 : i32
      %dma_start3A_127 = arith.constant 0 : i32
      %dma_start3A_128 = tpu.memref_slice %arg20[%add3A_126, %dma_start3A_127] : memref<25x200xi32, #tpu.memory_space<vmem>> -> memref<1x200xi32, #tpu.memory_space<vmem>>
      %dma_start3A_129 = tpu.memref_squeeze %dma_start3A_128 : memref<1x200xi32, #tpu.memory_space<vmem>> -> memref<200xi32, #tpu.memory_space<vmem>>
      %dma_start3A_130 = arith.constant 0 : i32
      %dma_start3A_131 = arith.constant 0 : i32
      %dma_start3A_132 = tpu.memref_slice %arg43[%dma_start3A_130, %dma_start3A_131] : memref<10000x32xf32, #tpu.memory_space<vmem_shared>> -> memref<10000x32xf32, #tpu.memory_space<vmem_shared>>
      tpu.enqueue_indirect_dma source(%dma_start3A_132 : memref<10000x32xf32, #tpu.memory_space<vmem_shared>>) target(%arg27 : memref<200x32xf32, #tpu.memory_space<vmem>>) offsets(%dma_start3A_129 : memref<200xi32, #tpu.memory_space<vmem>>) semaphore(%arg32 : memref<!tpu.dma_semaphore, #tpu.memory_space<semaphore_mem>>)
      %mul3A_133 = arith.constant 5 : i32
      %mul3A_134 = arith.muli %mul3A_133, %scan3A_83 : i32
      %add3A_135 = arith.constant 0 : i32
      %add3A_136 = arith.addi %mul3A_134, %add3A_135 : i32
      %dma_wait3A = arith.constant 0 : i32
      %dma_wait3A_137 = tpu.memref_slice %arg20[%add3A_87, %dma_wait3A] : memref<25x200xi32, #tpu.memory_space<vmem>> -> memref<1x200xi32, #tpu.memory_space<vmem>>
      %dma_wait3A_138 = tpu.memref_squeeze %dma_wait3A_137 : memref<1x200xi32, #tpu.memory_space<vmem>> -> memref<200xi32, #tpu.memory_space<vmem>>
      %dma_wait3A_139 = arith.constant 0 : i32
      %dma_wait3A_140 = arith.constant 0 : i32
      %dma_wait3A_141 = tpu.memref_slice %arg43[%dma_wait3A_139, %dma_wait3A_140] : memref<10000x32xf32, #tpu.memory_space<vmem_shared>> -> memref<10000x32xf32, #tpu.memory_space<vmem_shared>>
      tpu.wait_indirect_dma semaphore(%arg28 : memref<!tpu.dma_semaphore, #tpu.memory_space<semaphore_mem>>) src(%dma_wait3A_141 : memref<10000x32xf32, #tpu.memory_space<vmem_shared>>) dst(%arg23 : memref<200x32xf32, #tpu.memory_space<vmem>>)
      %dma_start3A_142 = arith.constant 0 : i32
      %dma_start3A_143 = tpu.memref_slice %arg21[%add3A_136, %dma_start3A_142] : memref<25x200xi32, #tpu.memory_space<vmem>> -> memref<1x200xi32, #tpu.memory_space<vmem>>
      %dma_start3A_144 = tpu.memref_squeeze %dma_start3A_143 : memref<1x200xi32, #tpu.memory_space<vmem>> -> memref<200xi32, #tpu.memory_space<vmem>>
      %dma_start3A_145 = arith.constant 0 : i32
      %dma_start3A_146 = arith.constant 0 : i32
      %dma_start3A_147 = tpu.memref_slice %arg44[%dma_start3A_145, %dma_start3A_146] : memref<10000x32xf32, #tpu.memory_space<vmem_shared>> -> memref<10000x32xf32, #tpu.memory_space<vmem_shared>>
      tpu.enqueue_indirect_dma source(%arg23 : memref<200x32xf32, #tpu.memory_space<vmem>>) target(%dma_start3A_147 : memref<10000x32xf32, #tpu.memory_space<vmem_shared>>) offsets(%dma_start3A_144 : memref<200xi32, #tpu.memory_space<vmem>>) semaphore(%arg33 : memref<!tpu.dma_semaphore, #tpu.memory_space<semaphore_mem>>) {add = true}
      %dma_start3A_148 = arith.constant 0 : i32
      %dma_start3A_149 = tpu.memref_slice %arg21[%add3A_136, %dma_start3A_148] : memref<25x200xi32, #tpu.memory_space<vmem>> -> memref<1x200xi32, #tpu.memory_space<vmem>>
      %dma_start3A_150 = tpu.memref_squeeze %dma_start3A_149 : memref<1x200xi32, #tpu.memory_space<vmem>> -> memref<200xi32, #tpu.memory_space<vmem>>
      %dma_start3A_151 = arith.constant 0 : i32
      %dma_start3A_152 = arith.constant 0 : i32
      %dma_start3A_153 = tpu.memref_slice %arg45[%dma_start3A_151, %dma_start3A_152] : memref<10000x16xf32, #tpu.memory_space<vmem_shared>> -> memref<10000x16xf32, #tpu.memory_space<vmem_shared>>
      tpu.enqueue_indirect_dma source(%arg22 : memref<200x16xf32, #tpu.memory_space<vmem>>) target(%dma_start3A_153 : memref<10000x16xf32, #tpu.memory_space<vmem_shared>>) offsets(%dma_start3A_150 : memref<200xi32, #tpu.memory_space<vmem>>) semaphore(%arg38 : memref<!tpu.dma_semaphore, #tpu.memory_space<semaphore_mem>>) {add = true}
      %mul3A_154 = arith.constant 5 : i32
      %mul3A_155 = arith.muli %mul3A_154, %scan3A_83 : i32
      %add3A_156 = arith.constant 1 : i32
      %add3A_157 = arith.addi %mul3A_155, %add3A_156 : i32
      %dma_wait3A_158 = arith.constant 0 : i32
      %dma_wait3A_159 = tpu.memref_slice %arg20[%add3A_96, %dma_wait3A_158] : memref<25x200xi32, #tpu.memory_space<vmem>> -> memref<1x200xi32, #tpu.memory_space<vmem>>
      %dma_wait3A_160 = tpu.memref_squeeze %dma_wait3A_159 : memref<1x200xi32, #tpu.memory_space<vmem>> -> memref<200xi32, #tpu.memory_space<vmem>>
      %dma_wait3A_161 = arith.constant 0 : i32
      %dma_wait3A_162 = arith.constant 0 : i32
      %dma_wait3A_163 = tpu.memref_slice %arg43[%dma_wait3A_161, %dma_wait3A_162] : memref<10000x32xf32, #tpu.memory_space<vmem_shared>> -> memref<10000x32xf32, #tpu.memory_space<vmem_shared>>
      tpu.wait_indirect_dma semaphore(%arg29 : memref<!tpu.dma_semaphore, #tpu.memory_space<semaphore_mem>>) src(%dma_wait3A_163 : memref<10000x32xf32, #tpu.memory_space<vmem_shared>>) dst(%arg24 : memref<200x32xf32, #tpu.memory_space<vmem>>)
      %dma_start3A_164 = arith.constant 0 : i32
      %dma_start3A_165 = tpu.memref_slice %arg21[%add3A_157, %dma_start3A_164] : memref<25x200xi32, #tpu.memory_space<vmem>> -> memref<1x200xi32, #tpu.memory_space<vmem>>
      %dma_start3A_166 = tpu.memref_squeeze %dma_start3A_165 : memref<1x200xi32, #tpu.memory_space<vmem>> -> memref<200xi32, #tpu.memory_space<vmem>>
      %dma_start3A_167 = arith.constant 0 : i32
      %dma_start3A_168 = arith.constant 0 : i32
      %dma_start3A_169 = tpu.memref_slice %arg44[%dma_start3A_167, %dma_start3A_168] : memref<10000x32xf32, #tpu.memory_space<vmem_shared>> -> memref<10000x32xf32, #tpu.memory_space<vmem_shared>>
      tpu.enqueue_indirect_dma source(%arg24 : memref<200x32xf32, #tpu.memory_space<vmem>>) target(%dma_start3A_169 : memref<10000x32xf32, #tpu.memory_space<vmem_shared>>) offsets(%dma_start3A_166 : memref<200xi32, #tpu.memory_space<vmem>>) semaphore(%arg34 : memref<!tpu.dma_semaphore, #tpu.memory_space<semaphore_mem>>) {add = true}
      %dma_start3A_170 = arith.constant 0 : i32
      %dma_start3A_171 = tpu.memref_slice %arg21[%add3A_157, %dma_start3A_170] : memref<25x200xi32, #tpu.memory_space<vmem>> -> memref<1x200xi32, #tpu.memory_space<vmem>>
      %dma_start3A_172 = tpu.memref_squeeze %dma_start3A_171 : memref<1x200xi32, #tpu.memory_space<vmem>> -> memref<200xi32, #tpu.memory_space<vmem>>
      %dma_start3A_173 = arith.constant 0 : i32
      %dma_start3A_174 = arith.constant 0 : i32
      %dma_start3A_175 = tpu.memref_slice %arg45[%dma_start3A_173, %dma_start3A_174] : memref<10000x16xf32, #tpu.memory_space<vmem_shared>> -> memref<10000x16xf32, #tpu.memory_space<vmem_shared>>
      tpu.enqueue_indirect_dma source(%arg22 : memref<200x16xf32, #tpu.memory_space<vmem>>) target(%dma_start3A_175 : memref<10000x16xf32, #tpu.memory_space<vmem_shared>>) offsets(%dma_start3A_172 : memref<200xi32, #tpu.memory_space<vmem>>) semaphore(%arg39 : memref<!tpu.dma_semaphore, #tpu.memory_space<semaphore_mem>>) {add = true}
      %mul3A_176 = arith.constant 5 : i32
      %mul3A_177 = arith.muli %mul3A_176, %scan3A_83 : i32
      %add3A_178 = arith.constant 2 : i32
      %add3A_179 = arith.addi %mul3A_177, %add3A_178 : i32
      %dma_wait3A_180 = arith.constant 0 : i32
      %dma_wait3A_181 = tpu.memref_slice %arg20[%add3A_106, %dma_wait3A_180] : memref<25x200xi32, #tpu.memory_space<vmem>> -> memref<1x200xi32, #tpu.memory_space<vmem>>
      %dma_wait3A_182 = tpu.memref_squeeze %dma_wait3A_181 : memref<1x200xi32, #tpu.memory_space<vmem>> -> memref<200xi32, #tpu.memory_space<vmem>>
      %dma_wait3A_183 = arith.constant 0 : i32
      %dma_wait3A_184 = arith.constant 0 : i32
      %dma_wait3A_185 = tpu.memref_slice %arg43[%dma_wait3A_183, %dma_wait3A_184] : memref<10000x32xf32, #tpu.memory_space<vmem_shared>> -> memref<10000x32xf32, #tpu.memory_space<vmem_shared>>
      tpu.wait_indirect_dma semaphore(%arg30 : memref<!tpu.dma_semaphore, #tpu.memory_space<semaphore_mem>>) src(%dma_wait3A_185 : memref<10000x32xf32, #tpu.memory_space<vmem_shared>>) dst(%arg25 : memref<200x32xf32, #tpu.memory_space<vmem>>)
      %dma_start3A_186 = arith.constant 0 : i32
      %dma_start3A_187 = tpu.memref_slice %arg21[%add3A_179, %dma_start3A_186] : memref<25x200xi32, #tpu.memory_space<vmem>> -> memref<1x200xi32, #tpu.memory_space<vmem>>
      %dma_start3A_188 = tpu.memref_squeeze %dma_start3A_187 : memref<1x200xi32, #tpu.memory_space<vmem>> -> memref<200xi32, #tpu.memory_space<vmem>>
      %dma_start3A_189 = arith.constant 0 : i32
      %dma_start3A_190 = arith.constant 0 : i32
      %dma_start3A_191 = tpu.memref_slice %arg44[%dma_start3A_189, %dma_start3A_190] : memref<10000x32xf32, #tpu.memory_space<vmem_shared>> -> memref<10000x32xf32, #tpu.memory_space<vmem_shared>>
      tpu.enqueue_indirect_dma source(%arg25 : memref<200x32xf32, #tpu.memory_space<vmem>>) target(%dma_start3A_191 : memref<10000x32xf32, #tpu.memory_space<vmem_shared>>) offsets(%dma_start3A_188 : memref<200xi32, #tpu.memory_space<vmem>>) semaphore(%arg35 : memref<!tpu.dma_semaphore, #tpu.memory_space<semaphore_mem>>) {add = true}
      %dma_start3A_192 = arith.constant 0 : i32
      %dma_start3A_193 = tpu.memref_slice %arg21[%add3A_179, %dma_start3A_192] : memref<25x200xi32, #tpu.memory_space<vmem>> -> memref<1x200xi32, #tpu.memory_space<vmem>>
      %dma_start3A_194 = tpu.memref_squeeze %dma_start3A_193 : memref<1x200xi32, #tpu.memory_space<vmem>> -> memref<200xi32, #tpu.memory_space<vmem>>
      %dma_start3A_195 = arith.constant 0 : i32
      %dma_start3A_196 = arith.constant 0 : i32
      %dma_start3A_197 = tpu.memref_slice %arg45[%dma_start3A_195, %dma_start3A_196] : memref<10000x16xf32, #tpu.memory_space<vmem_shared>> -> memref<10000x16xf32, #tpu.memory_space<vmem_shared>>
      tpu.enqueue_indirect_dma source(%arg22 : memref<200x16xf32, #tpu.memory_space<vmem>>) target(%dma_start3A_197 : memref<10000x16xf32, #tpu.memory_space<vmem_shared>>) offsets(%dma_start3A_194 : memref<200xi32, #tpu.memory_space<vmem>>) semaphore(%arg40 : memref<!tpu.dma_semaphore, #tpu.memory_space<semaphore_mem>>) {add = true}
      %mul3A_198 = arith.constant 5 : i32
      %mul3A_199 = arith.muli %mul3A_198, %scan3A_83 : i32
      %add3A_200 = arith.constant 3 : i32
      %add3A_201 = arith.addi %mul3A_199, %add3A_200 : i32
      %dma_wait3A_202 = arith.constant 0 : i32
      %dma_wait3A_203 = tpu.memref_slice %arg20[%add3A_116, %dma_wait3A_202] : memref<25x200xi32, #tpu.memory_space<vmem>> -> memref<1x200xi32, #tpu.memory_space<vmem>>
      %dma_wait3A_204 = tpu.memref_squeeze %dma_wait3A_203 : memref<1x200xi32, #tpu.memory_space<vmem>> -> memref<200xi32, #tpu.memory_space<vmem>>
      %dma_wait3A_205 = arith.constant 0 : i32
      %dma_wait3A_206 = arith.constant 0 : i32
      %dma_wait3A_207 = tpu.memref_slice %arg43[%dma_wait3A_205, %dma_wait3A_206] : memref<10000x32xf32, #tpu.memory_space<vmem_shared>> -> memref<10000x32xf32, #tpu.memory_space<vmem_shared>>
      tpu.wait_indirect_dma semaphore(%arg31 : memref<!tpu.dma_semaphore, #tpu.memory_space<semaphore_mem>>) src(%dma_wait3A_207 : memref<10000x32xf32, #tpu.memory_space<vmem_shared>>) dst(%arg26 : memref<200x32xf32, #tpu.memory_space<vmem>>)
      %dma_start3A_208 = arith.constant 0 : i32
      %dma_start3A_209 = tpu.memref_slice %arg21[%add3A_201, %dma_start3A_208] : memref<25x200xi32, #tpu.memory_space<vmem>> -> memref<1x200xi32, #tpu.memory_space<vmem>>
      %dma_start3A_210 = tpu.memref_squeeze %dma_start3A_209 : memref<1x200xi32, #tpu.memory_space<vmem>> -> memref<200xi32, #tpu.memory_space<vmem>>
      %dma_start3A_211 = arith.constant 0 : i32
      %dma_start3A_212 = arith.constant 0 : i32
      %dma_start3A_213 = tpu.memref_slice %arg44[%dma_start3A_211, %dma_start3A_212] : memref<10000x32xf32, #tpu.memory_space<vmem_shared>> -> memref<10000x32xf32, #tpu.memory_space<vmem_shared>>
      tpu.enqueue_indirect_dma source(%arg26 : memref<200x32xf32, #tpu.memory_space<vmem>>) target(%dma_start3A_213 : memref<10000x32xf32, #tpu.memory_space<vmem_shared>>) offsets(%dma_start3A_210 : memref<200xi32, #tpu.memory_space<vmem>>) semaphore(%arg36 : memref<!tpu.dma_semaphore, #tpu.memory_space<semaphore_mem>>) {add = true}
      %dma_start3A_214 = arith.constant 0 : i32
      %dma_start3A_215 = tpu.memref_slice %arg21[%add3A_201, %dma_start3A_214] : memref<25x200xi32, #tpu.memory_space<vmem>> -> memref<1x200xi32, #tpu.memory_space<vmem>>
      %dma_start3A_216 = tpu.memref_squeeze %dma_start3A_215 : memref<1x200xi32, #tpu.memory_space<vmem>> -> memref<200xi32, #tpu.memory_space<vmem>>
      %dma_start3A_217 = arith.constant 0 : i32
      %dma_start3A_218 = arith.constant 0 : i32
      %dma_start3A_219 = tpu.memref_slice %arg45[%dma_start3A_217, %dma_start3A_218] : memref<10000x16xf32, #tpu.memory_space<vmem_shared>> -> memref<10000x16xf32, #tpu.memory_space<vmem_shared>>
      tpu.enqueue_indirect_dma source(%arg22 : memref<200x16xf32, #tpu.memory_space<vmem>>) target(%dma_start3A_219 : memref<10000x16xf32, #tpu.memory_space<vmem_shared>>) offsets(%dma_start3A_216 : memref<200xi32, #tpu.memory_space<vmem>>) semaphore(%arg41 : memref<!tpu.dma_semaphore, #tpu.memory_space<semaphore_mem>>) {add = true}
      %mul3A_220 = arith.constant 5 : i32
      %mul3A_221 = arith.muli %mul3A_220, %scan3A_83 : i32
      %add3A_222 = arith.constant 4 : i32
      %add3A_223 = arith.addi %mul3A_221, %add3A_222 : i32
      %dma_wait3A_224 = arith.constant 0 : i32
      %dma_wait3A_225 = tpu.memref_slice %arg20[%add3A_126, %dma_wait3A_224] : memref<25x200xi32, #tpu.memory_space<vmem>> -> memref<1x200xi32, #tpu.memory_space<vmem>>
      %dma_wait3A_226 = tpu.memref_squeeze %dma_wait3A_225 : memref<1x200xi32, #tpu.memory_space<vmem>> -> memref<200xi32, #tpu.memory_space<vmem>>
      %dma_wait3A_227 = arith.constant 0 : i32
      %dma_wait3A_228 = arith.constant 0 : i32
      %dma_wait3A_229 = tpu.memref_slice %arg43[%dma_wait3A_227, %dma_wait3A_228] : memref<10000x32xf32, #tpu.memory_space<vmem_shared>> -> memref<10000x32xf32, #tpu.memory_space<vmem_shared>>
      tpu.wait_indirect_dma semaphore(%arg32 : memref<!tpu.dma_semaphore, #tpu.memory_space<semaphore_mem>>) src(%dma_wait3A_229 : memref<10000x32xf32, #tpu.memory_space<vmem_shared>>) dst(%arg27 : memref<200x32xf32, #tpu.memory_space<vmem>>)
      %dma_start3A_230 = arith.constant 0 : i32
      %dma_start3A_231 = tpu.memref_slice %arg21[%add3A_223, %dma_start3A_230] : memref<25x200xi32, #tpu.memory_space<vmem>> -> memref<1x200xi32, #tpu.memory_space<vmem>>
      %dma_start3A_232 = tpu.memref_squeeze %dma_start3A_231 : memref<1x200xi32, #tpu.memory_space<vmem>> -> memref<200xi32, #tpu.memory_space<vmem>>
      %dma_start3A_233 = arith.constant 0 : i32
      %dma_start3A_234 = arith.constant 0 : i32
      %dma_start3A_235 = tpu.memref_slice %arg44[%dma_start3A_233, %dma_start3A_234] : memref<10000x32xf32, #tpu.memory_space<vmem_shared>> -> memref<10000x32xf32, #tpu.memory_space<vmem_shared>>
      tpu.enqueue_indirect_dma source(%arg27 : memref<200x32xf32, #tpu.memory_space<vmem>>) target(%dma_start3A_235 : memref<10000x32xf32, #tpu.memory_space<vmem_shared>>) offsets(%dma_start3A_232 : memref<200xi32, #tpu.memory_space<vmem>>) semaphore(%arg37 : memref<!tpu.dma_semaphore, #tpu.memory_space<semaphore_mem>>) {add = true}
      %dma_start3A_236 = arith.constant 0 : i32
      %dma_start3A_237 = tpu.memref_slice %arg21[%add3A_223, %dma_start3A_236] : memref<25x200xi32, #tpu.memory_space<vmem>> -> memref<1x200xi32, #tpu.memory_space<vmem>>
      %dma_start3A_238 = tpu.memref_squeeze %dma_start3A_237 : memref<1x200xi32, #tpu.memory_space<vmem>> -> memref<200xi32, #tpu.memory_space<vmem>>
      %dma_start3A_239 = arith.constant 0 : i32
      %dma_start3A_240 = arith.constant 0 : i32
      %dma_start3A_241 = tpu.memref_slice %arg45[%dma_start3A_239, %dma_start3A_240] : memref<10000x16xf32, #tpu.memory_space<vmem_shared>> -> memref<10000x16xf32, #tpu.memory_space<vmem_shared>>
      tpu.enqueue_indirect_dma source(%arg22 : memref<200x16xf32, #tpu.memory_space<vmem>>) target(%dma_start3A_241 : memref<10000x16xf32, #tpu.memory_space<vmem_shared>>) offsets(%dma_start3A_238 : memref<200xi32, #tpu.memory_space<vmem>>) semaphore(%arg42 : memref<!tpu.dma_semaphore, #tpu.memory_space<semaphore_mem>>) {add = true}
      %dma_wait3A_242 = arith.constant 0 : i32
      %dma_wait3A_243 = tpu.memref_slice %arg21[%add3A_136, %dma_wait3A_242] : memref<25x200xi32, #tpu.memory_space<vmem>> -> memref<1x200xi32, #tpu.memory_space<vmem>>
      %dma_wait3A_244 = tpu.memref_squeeze %dma_wait3A_243 : memref<1x200xi32, #tpu.memory_space<vmem>> -> memref<200xi32, #tpu.memory_space<vmem>>
      %dma_wait3A_245 = arith.constant 0 : i32
      %dma_wait3A_246 = arith.constant 0 : i32
      %dma_wait3A_247 = tpu.memref_slice %arg44[%dma_wait3A_245, %dma_wait3A_246] : memref<10000x32xf32, #tpu.memory_space<vmem_shared>> -> memref<10000x32xf32, #tpu.memory_space<vmem_shared>>
      tpu.wait_indirect_dma semaphore(%arg33 : memref<!tpu.dma_semaphore, #tpu.memory_space<semaphore_mem>>) src(%arg23 : memref<200x32xf32, #tpu.memory_space<vmem>>) dst(%dma_wait3A_247 : memref<10000x32xf32, #tpu.memory_space<vmem_shared>>)
      %dma_wait3A_248 = arith.constant 0 : i32
      %dma_wait3A_249 = tpu.memref_slice %arg21[%add3A_136, %dma_wait3A_248] : memref<25x200xi32, #tpu.memory_space<vmem>> -> memref<1x200xi32, #tpu.memory_space<vmem>>
      %dma_wait3A_250 = tpu.memref_squeeze %dma_wait3A_249 : memref<1x200xi32, #tpu.memory_space<vmem>> -> memref<200xi32, #tpu.memory_space<vmem>>
      %dma_wait3A_251 = arith.constant 0 : i32
      %dma_wait3A_252 = arith.constant 0 : i32
      %dma_wait3A_253 = tpu.memref_slice %arg45[%dma_wait3A_251, %dma_wait3A_252] : memref<10000x16xf32, #tpu.memory_space<vmem_shared>> -> memref<10000x16xf32, #tpu.memory_space<vmem_shared>>
      tpu.wait_indirect_dma semaphore(%arg38 : memref<!tpu.dma_semaphore, #tpu.memory_space<semaphore_mem>>) src(%arg22 : memref<200x16xf32, #tpu.memory_space<vmem>>) dst(%dma_wait3A_253 : memref<10000x16xf32, #tpu.memory_space<vmem_shared>>)
      %dma_wait3A_254 = arith.constant 0 : i32
      %dma_wait3A_255 = tpu.memref_slice %arg21[%add3A_157, %dma_wait3A_254] : memref<25x200xi32, #tpu.memory_space<vmem>> -> memref<1x200xi32, #tpu.memory_space<vmem>>
      %dma_wait3A_256 = tpu.memref_squeeze %dma_wait3A_255 : memref<1x200xi32, #tpu.memory_space<vmem>> -> memref<200xi32, #tpu.memory_space<vmem>>
      %dma_wait3A_257 = arith.constant 0 : i32
      %dma_wait3A_258 = arith.constant 0 : i32
      %dma_wait3A_259 = tpu.memref_slice %arg44[%dma_wait3A_257, %dma_wait3A_258] : memref<10000x32xf32, #tpu.memory_space<vmem_shared>> -> memref<10000x32xf32, #tpu.memory_space<vmem_shared>>
      tpu.wait_indirect_dma semaphore(%arg34 : memref<!tpu.dma_semaphore, #tpu.memory_space<semaphore_mem>>) src(%arg24 : memref<200x32xf32, #tpu.memory_space<vmem>>) dst(%dma_wait3A_259 : memref<10000x32xf32, #tpu.memory_space<vmem_shared>>)
      %dma_wait3A_260 = arith.constant 0 : i32
      %dma_wait3A_261 = tpu.memref_slice %arg21[%add3A_157, %dma_wait3A_260] : memref<25x200xi32, #tpu.memory_space<vmem>> -> memref<1x200xi32, #tpu.memory_space<vmem>>
      %dma_wait3A_262 = tpu.memref_squeeze %dma_wait3A_261 : memref<1x200xi32, #tpu.memory_space<vmem>> -> memref<200xi32, #tpu.memory_space<vmem>>
      %dma_wait3A_263 = arith.constant 0 : i32
      %dma_wait3A_264 = arith.constant 0 : i32
      %dma_wait3A_265 = tpu.memref_slice %arg45[%dma_wait3A_263, %dma_wait3A_264] : memref<10000x16xf32, #tpu.memory_space<vmem_shared>> -> memref<10000x16xf32, #tpu.memory_space<vmem_shared>>
      tpu.wait_indirect_dma semaphore(%arg39 : memref<!tpu.dma_semaphore, #tpu.memory_space<semaphore_mem>>) src(%arg22 : memref<200x16xf32, #tpu.memory_space<vmem>>) dst(%dma_wait3A_265 : memref<10000x16xf32, #tpu.memory_space<vmem_shared>>)
      %dma_wait3A_266 = arith.constant 0 : i32
      %dma_wait3A_267 = tpu.memref_slice %arg21[%add3A_179, %dma_wait3A_266] : memref<25x200xi32, #tpu.memory_space<vmem>> -> memref<1x200xi32, #tpu.memory_space<vmem>>
      %dma_wait3A_268 = tpu.memref_squeeze %dma_wait3A_267 : memref<1x200xi32, #tpu.memory_space<vmem>> -> memref<200xi32, #tpu.memory_space<vmem>>
      %dma_wait3A_269 = arith.constant 0 : i32
      %dma_wait3A_270 = arith.constant 0 : i32
      %dma_wait3A_271 = tpu.memref_slice %arg44[%dma_wait3A_269, %dma_wait3A_270] : memref<10000x32xf32, #tpu.memory_space<vmem_shared>> -> memref<10000x32xf32, #tpu.memory_space<vmem_shared>>
      tpu.wait_indirect_dma semaphore(%arg35 : memref<!tpu.dma_semaphore, #tpu.memory_space<semaphore_mem>>) src(%arg25 : memref<200x32xf32, #tpu.memory_space<vmem>>) dst(%dma_wait3A_271 : memref<10000x32xf32, #tpu.memory_space<vmem_shared>>)
      %dma_wait3A_272 = arith.constant 0 : i32
      %dma_wait3A_273 = tpu.memref_slice %arg21[%add3A_179, %dma_wait3A_272] : memref<25x200xi32, #tpu.memory_space<vmem>> -> memref<1x200xi32, #tpu.memory_space<vmem>>
      %dma_wait3A_274 = tpu.memref_squeeze %dma_wait3A_273 : memref<1x200xi32, #tpu.memory_space<vmem>> -> memref<200xi32, #tpu.memory_space<vmem>>
      %dma_wait3A_275 = arith.constant 0 : i32
      %dma_wait3A_276 = arith.constant 0 : i32
      %dma_wait3A_277 = tpu.memref_slice %arg45[%dma_wait3A_275, %dma_wait3A_276] : memref<10000x16xf32, #tpu.memory_space<vmem_shared>> -> memref<10000x16xf32, #tpu.memory_space<vmem_shared>>
      tpu.wait_indirect_dma semaphore(%arg40 : memref<!tpu.dma_semaphore, #tpu.memory_space<semaphore_mem>>) src(%arg22 : memref<200x16xf32, #tpu.memory_space<vmem>>) dst(%dma_wait3A_277 : memref<10000x16xf32, #tpu.memory_space<vmem_shared>>)
      %dma_wait3A_278 = arith.constant 0 : i32
      %dma_wait3A_279 = tpu.memref_slice %arg21[%add3A_201, %dma_wait3A_278] : memref<25x200xi32, #tpu.memory_space<vmem>> -> memref<1x200xi32, #tpu.memory_space<vmem>>
      %dma_wait3A_280 = tpu.memref_squeeze %dma_wait3A_279 : memref<1x200xi32, #tpu.memory_space<vmem>> -> memref<200xi32, #tpu.memory_space<vmem>>
      %dma_wait3A_281 = arith.constant 0 : i32
      %dma_wait3A_282 = arith.constant 0 : i32
      %dma_wait3A_283 = tpu.memref_slice %arg44[%dma_wait3A_281, %dma_wait3A_282] : memref<10000x32xf32, #tpu.memory_space<vmem_shared>> -> memref<10000x32xf32, #tpu.memory_space<vmem_shared>>
      tpu.wait_indirect_dma semaphore(%arg36 : memref<!tpu.dma_semaphore, #tpu.memory_space<semaphore_mem>>) src(%arg26 : memref<200x32xf32, #tpu.memory_space<vmem>>) dst(%dma_wait3A_283 : memref<10000x32xf32, #tpu.memory_space<vmem_shared>>)
      %dma_wait3A_284 = arith.constant 0 : i32
      %dma_wait3A_285 = tpu.memref_slice %arg21[%add3A_201, %dma_wait3A_284] : memref<25x200xi32, #tpu.memory_space<vmem>> -> memref<1x200xi32, #tpu.memory_space<vmem>>
      %dma_wait3A_286 = tpu.memref_squeeze %dma_wait3A_285 : memref<1x200xi32, #tpu.memory_space<vmem>> -> memref<200xi32, #tpu.memory_space<vmem>>
      %dma_wait3A_287 = arith.constant 0 : i32
      %dma_wait3A_288 = arith.constant 0 : i32
      %dma_wait3A_289 = tpu.memref_slice %arg45[%dma_wait3A_287, %dma_wait3A_288] : memref<10000x16xf32, #tpu.memory_space<vmem_shared>> -> memref<10000x16xf32, #tpu.memory_space<vmem_shared>>
      tpu.wait_indirect_dma semaphore(%arg41 : memref<!tpu.dma_semaphore, #tpu.memory_space<semaphore_mem>>) src(%arg22 : memref<200x16xf32, #tpu.memory_space<vmem>>) dst(%dma_wait3A_289 : memref<10000x16xf32, #tpu.memory_space<vmem_shared>>)
      %dma_wait3A_290 = arith.constant 0 : i32
      %dma_wait3A_291 = tpu.memref_slice %arg21[%add3A_223, %dma_wait3A_290] : memref<25x200xi32, #tpu.memory_space<vmem>> -> memref<1x200xi32, #tpu.memory_space<vmem>>
      %dma_wait3A_292 = tpu.memref_squeeze %dma_wait3A_291 : memref<1x200xi32, #tpu.memory_space<vmem>> -> memref<200xi32, #tpu.memory_space<vmem>>
      %dma_wait3A_293 = arith.constant 0 : i32
      %dma_wait3A_294 = arith.constant 0 : i32
      %dma_wait3A_295 = tpu.memref_slice %arg44[%dma_wait3A_293, %dma_wait3A_294] : memref<10000x32xf32, #tpu.memory_space<vmem_shared>> -> memref<10000x32xf32, #tpu.memory_space<vmem_shared>>
      tpu.wait_indirect_dma semaphore(%arg37 : memref<!tpu.dma_semaphore, #tpu.memory_space<semaphore_mem>>) src(%arg27 : memref<200x32xf32, #tpu.memory_space<vmem>>) dst(%dma_wait3A_295 : memref<10000x32xf32, #tpu.memory_space<vmem_shared>>)
      %dma_wait3A_296 = arith.constant 0 : i32
      %dma_wait3A_297 = tpu.memref_slice %arg21[%add3A_223, %dma_wait3A_296] : memref<25x200xi32, #tpu.memory_space<vmem>> -> memref<1x200xi32, #tpu.memory_space<vmem>>
      %dma_wait3A_298 = tpu.memref_squeeze %dma_wait3A_297 : memref<1x200xi32, #tpu.memory_space<vmem>> -> memref<200xi32, #tpu.memory_space<vmem>>
      %dma_wait3A_299 = arith.constant 0 : i32
      %dma_wait3A_300 = arith.constant 0 : i32
      %dma_wait3A_301 = tpu.memref_slice %arg45[%dma_wait3A_299, %dma_wait3A_300] : memref<10000x16xf32, #tpu.memory_space<vmem_shared>> -> memref<10000x16xf32, #tpu.memory_space<vmem_shared>>
      tpu.wait_indirect_dma semaphore(%arg42 : memref<!tpu.dma_semaphore, #tpu.memory_space<semaphore_mem>>) src(%arg22 : memref<200x16xf32, #tpu.memory_space<vmem>>) dst(%dma_wait3A_301 : memref<10000x16xf32, #tpu.memory_space<vmem_shared>>)
    }
    %scan3A_73 = arith.constant 5 : i32
    %barrier3A_74 = arith.constant 0 : index
    tpu.barrier barrier_id(%barrier3A_74)
    %mul3A_75 = arith.constant 625 : i32
    %mul3A_76 = arith.muli %arg1, %mul3A_75 : i32
    %mul3A_77 = arith.constant 625 : i32
    %mul3A_78 = arith.muli %arg1, %mul3A_77 : i32
    "tpu.region"() ({
      %run_scoped3A = tpu.sem_alloc : memref<!tpu.dma_semaphore, #tpu.memory_space<semaphore_mem>>
      %dma_start3A = arith.constant 0 : i32
      %dma_start3A_83 = tpu.memref_slice %arg16[%arg0, %mul3A_78, %dma_start3A] : memref<2x10000x32xf32, #tpu.memory_space<hbm>> -> memref<1x625x32xf32, #tpu.memory_space<hbm>>
      %dma_start3A_84 = tpu.memref_squeeze %dma_start3A_83 : memref<1x625x32xf32, #tpu.memory_space<hbm>> -> memref<625x32xf32, #tpu.memory_space<hbm>>
      %dma_start3A_85 = arith.constant 0 : i32
      %dma_start3A_86 = tpu.memref_slice %arg44[%mul3A_76, %dma_start3A_85] : memref<10000x32xf32, #tpu.memory_space<vmem_shared>> -> memref<625x32xf32, #tpu.memory_space<vmem_shared>>
      tpu.enqueue_dma source(%dma_start3A_86 : memref<625x32xf32, #tpu.memory_space<vmem_shared>>) target(%dma_start3A_84 : memref<625x32xf32, #tpu.memory_space<hbm>>) target_semaphore(%run_scoped3A : memref<!tpu.dma_semaphore, #tpu.memory_space<semaphore_mem>>)
      %dma_wait3A = arith.constant 0 : i32
      %dma_wait3A_87 = tpu.memref_slice %arg16[%arg0, %mul3A_78, %dma_wait3A] : memref<2x10000x32xf32, #tpu.memory_space<hbm>> -> memref<1x625x32xf32, #tpu.memory_space<hbm>>
      %dma_wait3A_88 = tpu.memref_squeeze %dma_wait3A_87 : memref<1x625x32xf32, #tpu.memory_space<hbm>> -> memref<625x32xf32, #tpu.memory_space<hbm>>
      %dma_wait3A_89 = arith.constant 0 : i32
      %dma_wait3A_90 = tpu.memref_slice %arg44[%mul3A_76, %dma_wait3A_89] : memref<10000x32xf32, #tpu.memory_space<vmem_shared>> -> memref<625x32xf32, #tpu.memory_space<vmem_shared>>
      tpu.wait_dma2 semaphore(%run_scoped3A : memref<!tpu.dma_semaphore, #tpu.memory_space<semaphore_mem>>) src(%dma_wait3A_90 : memref<625x32xf32, #tpu.memory_space<vmem_shared>>) dst(%dma_wait3A_88 : memref<625x32xf32, #tpu.memory_space<hbm>>)
      tpu.yield
    }) : () -> ()
    %mul3A_79 = arith.constant 625 : i32
    %mul3A_80 = arith.muli %arg1, %mul3A_79 : i32
    %mul3A_81 = arith.constant 625 : i32
    %mul3A_82 = arith.muli %arg1, %mul3A_81 : i32
    "tpu.region"() ({
      %run_scoped3A = tpu.sem_alloc : memref<!tpu.dma_semaphore, #tpu.memory_space<semaphore_mem>>
      %dma_start3A = arith.constant 0 : i32
      %dma_start3A_83 = tpu.memref_slice %arg19[%arg0, %mul3A_82, %dma_start3A] : memref<2x10000x16xf32, #tpu.memory_space<hbm>> -> memref<1x625x16xf32, #tpu.memory_space<hbm>>
      %dma_start3A_84 = tpu.memref_squeeze %dma_start3A_83 : memref<1x625x16xf32, #tpu.memory_space<hbm>> -> memref<625x16xf32, #tpu.memory_space<hbm>>
      %dma_start3A_85 = arith.constant 0 : i32
      %dma_start3A_86 = tpu.memref_slice %arg45[%mul3A_80, %dma_start3A_85] : memref<10000x16xf32, #tpu.memory_space<vmem_shared>> -> memref<625x16xf32, #tpu.memory_space<vmem_shared>>
      tpu.enqueue_dma source(%dma_start3A_86 : memref<625x16xf32, #tpu.memory_space<vmem_shared>>) target(%dma_start3A_84 : memref<625x16xf32, #tpu.memory_space<hbm>>) target_semaphore(%run_scoped3A : memref<!tpu.dma_semaphore, #tpu.memory_space<semaphore_mem>>)
      %dma_wait3A = arith.constant 0 : i32
      %dma_wait3A_87 = tpu.memref_slice %arg19[%arg0, %mul3A_82, %dma_wait3A] : memref<2x10000x16xf32, #tpu.memory_space<hbm>> -> memref<1x625x16xf32, #tpu.memory_space<hbm>>
      %dma_wait3A_88 = tpu.memref_squeeze %dma_wait3A_87 : memref<1x625x16xf32, #tpu.memory_space<hbm>> -> memref<625x16xf32, #tpu.memory_space<hbm>>
      %dma_wait3A_89 = arith.constant 0 : i32
      %dma_wait3A_90 = tpu.memref_slice %arg45[%mul3A_80, %dma_wait3A_89] : memref<10000x16xf32, #tpu.memory_space<vmem_shared>> -> memref<625x16xf32, #tpu.memory_space<vmem_shared>>
      tpu.wait_dma2 semaphore(%run_scoped3A : memref<!tpu.dma_semaphore, #tpu.memory_space<semaphore_mem>>) src(%dma_wait3A_90 : memref<625x16xf32, #tpu.memory_space<vmem_shared>>) dst(%dma_wait3A_88 : memref<625x16xf32, #tpu.memory_space<hbm>>)
      tpu.yield
    }) : () -> ()
    return
  }
}

#map = affine_map<(d0, d1) -> (0, 0)>
#map1 = affine_map<(d0, d1) -> (0, 0, 0)>
module attributes {stable_mosaic.version = 14 : i64} {
  func.func @sc_segsum2(%arg0: i32, %arg1: i32, %arg2: memref<10000x32xf32, #tpu.memory_space<hbm>>, %arg3: memref<10000x32xf32, #tpu.memory_space<hbm>>, %arg4: memref<800x200xi32, #tpu.memory_space<hbm>>, %arg5: memref<800x200xi32, #tpu.memory_space<hbm>>, %arg6: memref<800x200xi32, #tpu.memory_space<hbm>>, %arg7: memref<800x200xi32, #tpu.memory_space<hbm>>, %arg8: memref<625x32xf32, #tpu.memory_space<hbm>>, %arg9: memref<2x10000x32xf32, #tpu.memory_space<hbm>>, %arg10: memref<2x10000x32xf32, #tpu.memory_space<hbm>>, %arg11: memref<25x200xi32, #tpu.memory_space<vmem>>, %arg12: memref<25x200xi32, #tpu.memory_space<vmem>>, %arg13: memref<200x16xf32, #tpu.memory_space<vmem>>, %arg14: memref<200x32xf32, #tpu.memory_space<vmem>>, %arg15: memref<200x32xf32, #tpu.memory_space<vmem>>, %arg16: memref<200x32xf32, #tpu.memory_space<vmem>>, %arg17: memref<200x32xf32, #tpu.memory_space<vmem>>, %arg18: memref<200x32xf32, #tpu.memory_space<vmem>>, %arg19: memref<!tpu.dma_semaphore, #tpu.memory_space<semaphore_mem>>, %arg20: memref<!tpu.dma_semaphore, #tpu.memory_space<semaphore_mem>>, %arg21: memref<!tpu.dma_semaphore, #tpu.memory_space<semaphore_mem>>, %arg22: memref<!tpu.dma_semaphore, #tpu.memory_space<semaphore_mem>>, %arg23: memref<!tpu.dma_semaphore, #tpu.memory_space<semaphore_mem>>, %arg24: memref<!tpu.dma_semaphore, #tpu.memory_space<semaphore_mem>>, %arg25: memref<!tpu.dma_semaphore, #tpu.memory_space<semaphore_mem>>, %arg26: memref<!tpu.dma_semaphore, #tpu.memory_space<semaphore_mem>>, %arg27: memref<!tpu.dma_semaphore, #tpu.memory_space<semaphore_mem>>, %arg28: memref<!tpu.dma_semaphore, #tpu.memory_space<semaphore_mem>>, %arg29: memref<!tpu.dma_semaphore, #tpu.memory_space<semaphore_mem>>, %arg30: memref<!tpu.dma_semaphore, #tpu.memory_space<semaphore_mem>>, %arg31: memref<!tpu.dma_semaphore, #tpu.memory_space<semaphore_mem>>, %arg32: memref<!tpu.dma_semaphore, #tpu.memory_space<semaphore_mem>>, %arg33: memref<!tpu.dma_semaphore, #tpu.memory_space<semaphore_mem>>, %arg34: memref<10000x32xf32, #tpu.memory_space<vmem_shared>>, %arg35: memref<10000x32xf32, #tpu.memory_space<vmem_shared>>) attributes {dimension_semantics = [#tpu.dimension_semantics<core_parallel>, #tpu.dimension_semantics<subcore_parallel>], iteration_bounds = array<i64: 2, 16>, scalar_prefetch = 0 : i64, scratch_operands = 25 : i64, tpu.core_type = #tpu.core_type<sc_vector_subcore>, window_params = [{transform_indices = #map}, {transform_indices = #map}, {transform_indices = #map}, {transform_indices = #map}, {transform_indices = #map}, {transform_indices = #map}, {transform_indices = #map}, {transform_indices = #map1}, {transform_indices = #map1}]} {
    %mul3A = arith.constant 2 : i32
    %mul3A_0 = arith.muli %arg1, %mul3A : i32
    %add3A = arith.addi %mul3A_0, %arg0 : i32
    %mul3A_1 = arith.constant 625 : i32
    %mul3A_2 = arith.muli %arg1, %mul3A_1 : i32
    %mul3A_3 = arith.constant 625 : i32
    %mul3A_4 = arith.muli %arg1, %mul3A_3 : i32
    "tpu.region"() ({
      %run_scoped3A = tpu.sem_alloc : memref<!tpu.dma_semaphore, #tpu.memory_space<semaphore_mem>>
      %dma_start3A = arith.constant 0 : i32
      %dma_start3A_43 = tpu.memref_slice %arg34[%mul3A_4, %dma_start3A] : memref<10000x32xf32, #tpu.memory_space<vmem_shared>> -> memref<625x32xf32, #tpu.memory_space<vmem_shared>>
      %dma_start3A_44 = arith.constant 0 : i32
      %dma_start3A_45 = tpu.memref_slice %arg2[%mul3A_2, %dma_start3A_44] : memref<10000x32xf32, #tpu.memory_space<hbm>> -> memref<625x32xf32, #tpu.memory_space<hbm>>
      tpu.enqueue_dma source(%dma_start3A_45 : memref<625x32xf32, #tpu.memory_space<hbm>>) target(%dma_start3A_43 : memref<625x32xf32, #tpu.memory_space<vmem_shared>>) target_semaphore(%run_scoped3A : memref<!tpu.dma_semaphore, #tpu.memory_space<semaphore_mem>>)
      %dma_wait3A = arith.constant 0 : i32
      %dma_wait3A_46 = tpu.memref_slice %arg34[%mul3A_4, %dma_wait3A] : memref<10000x32xf32, #tpu.memory_space<vmem_shared>> -> memref<625x32xf32, #tpu.memory_space<vmem_shared>>
      %dma_wait3A_47 = arith.constant 0 : i32
      %dma_wait3A_48 = tpu.memref_slice %arg2[%mul3A_2, %dma_wait3A_47] : memref<10000x32xf32, #tpu.memory_space<hbm>> -> memref<625x32xf32, #tpu.memory_space<hbm>>
      tpu.wait_dma2 semaphore(%run_scoped3A : memref<!tpu.dma_semaphore, #tpu.memory_space<semaphore_mem>>) src(%dma_wait3A_48 : memref<625x32xf32, #tpu.memory_space<hbm>>) dst(%dma_wait3A_46 : memref<625x32xf32, #tpu.memory_space<vmem_shared>>)
      tpu.yield
    }) : () -> ()
    %mul3A_5 = arith.constant 625 : i32
    %mul3A_6 = arith.muli %arg1, %mul3A_5 : i32
    "tpu.region"() ({
      %run_scoped3A = tpu.sem_alloc : memref<!tpu.dma_semaphore, #tpu.memory_space<semaphore_mem>>
      %dma_start3A = arith.constant 0 : i32
      %dma_start3A_43 = tpu.memref_slice %arg35[%mul3A_6, %dma_start3A] : memref<10000x32xf32, #tpu.memory_space<vmem_shared>> -> memref<625x32xf32, #tpu.memory_space<vmem_shared>>
      tpu.enqueue_dma source(%arg8 : memref<625x32xf32, #tpu.memory_space<hbm>>) target(%dma_start3A_43 : memref<625x32xf32, #tpu.memory_space<vmem_shared>>) target_semaphore(%run_scoped3A : memref<!tpu.dma_semaphore, #tpu.memory_space<semaphore_mem>>)
      %dma_wait3A = arith.constant 0 : i32
      %dma_wait3A_44 = tpu.memref_slice %arg35[%mul3A_6, %dma_wait3A] : memref<10000x32xf32, #tpu.memory_space<vmem_shared>> -> memref<625x32xf32, #tpu.memory_space<vmem_shared>>
      tpu.wait_dma2 semaphore(%run_scoped3A : memref<!tpu.dma_semaphore, #tpu.memory_space<semaphore_mem>>) src(%arg8 : memref<625x32xf32, #tpu.memory_space<hbm>>) dst(%dma_wait3A_44 : memref<625x32xf32, #tpu.memory_space<vmem_shared>>)
      tpu.yield
    }) : () -> ()
    %mul3A_7 = arith.constant 25 : i32
    %mul3A_8 = arith.muli %add3A, %mul3A_7 : i32
    "tpu.region"() ({
      %run_scoped3A = tpu.sem_alloc : memref<!tpu.dma_semaphore, #tpu.memory_space<semaphore_mem>>
      %dma_start3A = arith.constant 0 : i32
      %dma_start3A_43 = tpu.memref_slice %arg4[%mul3A_8, %dma_start3A] : memref<800x200xi32, #tpu.memory_space<hbm>> -> memref<25x200xi32, #tpu.memory_space<hbm>>
      %dma_start3A_44 = arith.constant 0 : i32
      %dma_start3A_45 = tpu.memref_slice %arg4[%mul3A_8, %dma_start3A_44] : memref<800x200xi32, #tpu.memory_space<hbm>> -> memref<25x200xi32, #tpu.memory_space<hbm>>
      tpu.enqueue_dma source(%dma_start3A_45 : memref<25x200xi32, #tpu.memory_space<hbm>>) target(%arg11 : memref<25x200xi32, #tpu.memory_space<vmem>>) target_semaphore(%run_scoped3A : memref<!tpu.dma_semaphore, #tpu.memory_space<semaphore_mem>>)
      %dma_wait3A = arith.constant 0 : i32
      %dma_wait3A_46 = tpu.memref_slice %arg4[%mul3A_8, %dma_wait3A] : memref<800x200xi32, #tpu.memory_space<hbm>> -> memref<25x200xi32, #tpu.memory_space<hbm>>
      %dma_wait3A_47 = arith.constant 0 : i32
      %dma_wait3A_48 = tpu.memref_slice %arg4[%mul3A_8, %dma_wait3A_47] : memref<800x200xi32, #tpu.memory_space<hbm>> -> memref<25x200xi32, #tpu.memory_space<hbm>>
      tpu.wait_dma2 semaphore(%run_scoped3A : memref<!tpu.dma_semaphore, #tpu.memory_space<semaphore_mem>>) src(%dma_wait3A_48 : memref<25x200xi32, #tpu.memory_space<hbm>>) dst(%arg11 : memref<25x200xi32, #tpu.memory_space<vmem>>)
      tpu.yield
    }) : () -> ()
    %mul3A_9 = arith.constant 25 : i32
    %mul3A_10 = arith.muli %add3A, %mul3A_9 : i32
    "tpu.region"() ({
      %run_scoped3A = tpu.sem_alloc : memref<!tpu.dma_semaphore, #tpu.memory_space<semaphore_mem>>
      %dma_start3A = arith.constant 0 : i32
      %dma_start3A_43 = tpu.memref_slice %arg6[%mul3A_10, %dma_start3A] : memref<800x200xi32, #tpu.memory_space<hbm>> -> memref<25x200xi32, #tpu.memory_space<hbm>>
      %dma_start3A_44 = arith.constant 0 : i32
      %dma_start3A_45 = tpu.memref_slice %arg6[%mul3A_10, %dma_start3A_44] : memref<800x200xi32, #tpu.memory_space<hbm>> -> memref<25x200xi32, #tpu.memory_space<hbm>>
      tpu.enqueue_dma source(%dma_start3A_45 : memref<25x200xi32, #tpu.memory_space<hbm>>) target(%arg12 : memref<25x200xi32, #tpu.memory_space<vmem>>) target_semaphore(%run_scoped3A : memref<!tpu.dma_semaphore, #tpu.memory_space<semaphore_mem>>)
      %dma_wait3A = arith.constant 0 : i32
      %dma_wait3A_46 = tpu.memref_slice %arg6[%mul3A_10, %dma_wait3A] : memref<800x200xi32, #tpu.memory_space<hbm>> -> memref<25x200xi32, #tpu.memory_space<hbm>>
      %dma_wait3A_47 = arith.constant 0 : i32
      %dma_wait3A_48 = tpu.memref_slice %arg6[%mul3A_10, %dma_wait3A_47] : memref<800x200xi32, #tpu.memory_space<hbm>> -> memref<25x200xi32, #tpu.memory_space<hbm>>
      tpu.wait_dma2 semaphore(%run_scoped3A : memref<!tpu.dma_semaphore, #tpu.memory_space<semaphore_mem>>) src(%dma_wait3A_48 : memref<25x200xi32, #tpu.memory_space<hbm>>) dst(%arg12 : memref<25x200xi32, #tpu.memory_space<vmem>>)
      tpu.yield
    }) : () -> ()
    %barrier3A = arith.constant 0 : index
    tpu.barrier barrier_id(%barrier3A)
    %scan3A = arith.constant 0 : i32
    %scan3A_11 = arith.constant 0 : i32
    %scan3A_12 = arith.constant 5 : i32
    %scan3A_13 = arith.addi %scan3A_11, %scan3A_12 : i32
    %scan3A_14 = arith.constant 1 : i32
    scf.for %scan3A_43 = %scan3A_11 to %scan3A_13 step %scan3A_14  : i32 {
      %mul3A_44 = arith.constant 5 : i32
      %mul3A_45 = arith.muli %mul3A_44, %scan3A_43 : i32
      %add3A_46 = arith.constant 0 : i32
      %add3A_47 = arith.addi %mul3A_45, %add3A_46 : i32
      %dma_start3A = arith.constant 0 : i32
      %dma_start3A_48 = tpu.memref_slice %arg11[%add3A_47, %dma_start3A] : memref<25x200xi32, #tpu.memory_space<vmem>> -> memref<1x200xi32, #tpu.memory_space<vmem>>
      %dma_start3A_49 = tpu.memref_squeeze %dma_start3A_48 : memref<1x200xi32, #tpu.memory_space<vmem>> -> memref<200xi32, #tpu.memory_space<vmem>>
      %dma_start3A_50 = arith.constant 0 : i32
      %dma_start3A_51 = arith.constant 0 : i32
      %dma_start3A_52 = tpu.memref_slice %arg34[%dma_start3A_50, %dma_start3A_51] : memref<10000x32xf32, #tpu.memory_space<vmem_shared>> -> memref<10000x32xf32, #tpu.memory_space<vmem_shared>>
      tpu.enqueue_indirect_dma source(%dma_start3A_52 : memref<10000x32xf32, #tpu.memory_space<vmem_shared>>) target(%arg14 : memref<200x32xf32, #tpu.memory_space<vmem>>) offsets(%dma_start3A_49 : memref<200xi32, #tpu.memory_space<vmem>>) semaphore(%arg19 : memref<!tpu.dma_semaphore, #tpu.memory_space<semaphore_mem>>)
      %mul3A_53 = arith.constant 5 : i32
      %mul3A_54 = arith.muli %mul3A_53, %scan3A_43 : i32
      %add3A_55 = arith.constant 1 : i32
      %add3A_56 = arith.addi %mul3A_54, %add3A_55 : i32
      %dma_start3A_57 = arith.constant 0 : i32
      %dma_start3A_58 = tpu.memref_slice %arg11[%add3A_56, %dma_start3A_57] : memref<25x200xi32, #tpu.memory_space<vmem>> -> memref<1x200xi32, #tpu.memory_space<vmem>>
      %dma_start3A_59 = tpu.memref_squeeze %dma_start3A_58 : memref<1x200xi32, #tpu.memory_space<vmem>> -> memref<200xi32, #tpu.memory_space<vmem>>
      %dma_start3A_60 = arith.constant 0 : i32
      %dma_start3A_61 = arith.constant 0 : i32
      %dma_start3A_62 = tpu.memref_slice %arg34[%dma_start3A_60, %dma_start3A_61] : memref<10000x32xf32, #tpu.memory_space<vmem_shared>> -> memref<10000x32xf32, #tpu.memory_space<vmem_shared>>
      tpu.enqueue_indirect_dma source(%dma_start3A_62 : memref<10000x32xf32, #tpu.memory_space<vmem_shared>>) target(%arg15 : memref<200x32xf32, #tpu.memory_space<vmem>>) offsets(%dma_start3A_59 : memref<200xi32, #tpu.memory_space<vmem>>) semaphore(%arg20 : memref<!tpu.dma_semaphore, #tpu.memory_space<semaphore_mem>>)
      %mul3A_63 = arith.constant 5 : i32
      %mul3A_64 = arith.muli %mul3A_63, %scan3A_43 : i32
      %add3A_65 = arith.constant 2 : i32
      %add3A_66 = arith.addi %mul3A_64, %add3A_65 : i32
      %dma_start3A_67 = arith.constant 0 : i32
      %dma_start3A_68 = tpu.memref_slice %arg11[%add3A_66, %dma_start3A_67] : memref<25x200xi32, #tpu.memory_space<vmem>> -> memref<1x200xi32, #tpu.memory_space<vmem>>
      %dma_start3A_69 = tpu.memref_squeeze %dma_start3A_68 : memref<1x200xi32, #tpu.memory_space<vmem>> -> memref<200xi32, #tpu.memory_space<vmem>>
      %dma_start3A_70 = arith.constant 0 : i32
      %dma_start3A_71 = arith.constant 0 : i32
      %dma_start3A_72 = tpu.memref_slice %arg34[%dma_start3A_70, %dma_start3A_71] : memref<10000x32xf32, #tpu.memory_space<vmem_shared>> -> memref<10000x32xf32, #tpu.memory_space<vmem_shared>>
      tpu.enqueue_indirect_dma source(%dma_start3A_72 : memref<10000x32xf32, #tpu.memory_space<vmem_shared>>) target(%arg16 : memref<200x32xf32, #tpu.memory_space<vmem>>) offsets(%dma_start3A_69 : memref<200xi32, #tpu.memory_space<vmem>>) semaphore(%arg21 : memref<!tpu.dma_semaphore, #tpu.memory_space<semaphore_mem>>)
      %mul3A_73 = arith.constant 5 : i32
      %mul3A_74 = arith.muli %mul3A_73, %scan3A_43 : i32
      %add3A_75 = arith.constant 3 : i32
      %add3A_76 = arith.addi %mul3A_74, %add3A_75 : i32
      %dma_start3A_77 = arith.constant 0 : i32
      %dma_start3A_78 = tpu.memref_slice %arg11[%add3A_76, %dma_start3A_77] : memref<25x200xi32, #tpu.memory_space<vmem>> -> memref<1x200xi32, #tpu.memory_space<vmem>>
      %dma_start3A_79 = tpu.memref_squeeze %dma_start3A_78 : memref<1x200xi32, #tpu.memory_space<vmem>> -> memref<200xi32, #tpu.memory_space<vmem>>
      %dma_start3A_80 = arith.constant 0 : i32
      %dma_start3A_81 = arith.constant 0 : i32
      %dma_start3A_82 = tpu.memref_slice %arg34[%dma_start3A_80, %dma_start3A_81] : memref<10000x32xf32, #tpu.memory_space<vmem_shared>> -> memref<10000x32xf32, #tpu.memory_space<vmem_shared>>
      tpu.enqueue_indirect_dma source(%dma_start3A_82 : memref<10000x32xf32, #tpu.memory_space<vmem_shared>>) target(%arg17 : memref<200x32xf32, #tpu.memory_space<vmem>>) offsets(%dma_start3A_79 : memref<200xi32, #tpu.memory_space<vmem>>) semaphore(%arg22 : memref<!tpu.dma_semaphore, #tpu.memory_space<semaphore_mem>>)
      %mul3A_83 = arith.constant 5 : i32
      %mul3A_84 = arith.muli %mul3A_83, %scan3A_43 : i32
      %add3A_85 = arith.constant 4 : i32
      %add3A_86 = arith.addi %mul3A_84, %add3A_85 : i32
      %dma_start3A_87 = arith.constant 0 : i32
      %dma_start3A_88 = tpu.memref_slice %arg11[%add3A_86, %dma_start3A_87] : memref<25x200xi32, #tpu.memory_space<vmem>> -> memref<1x200xi32, #tpu.memory_space<vmem>>
      %dma_start3A_89 = tpu.memref_squeeze %dma_start3A_88 : memref<1x200xi32, #tpu.memory_space<vmem>> -> memref<200xi32, #tpu.memory_space<vmem>>
      %dma_start3A_90 = arith.constant 0 : i32
      %dma_start3A_91 = arith.constant 0 : i32
      %dma_start3A_92 = tpu.memref_slice %arg34[%dma_start3A_90, %dma_start3A_91] : memref<10000x32xf32, #tpu.memory_space<vmem_shared>> -> memref<10000x32xf32, #tpu.memory_space<vmem_shared>>
      tpu.enqueue_indirect_dma source(%dma_start3A_92 : memref<10000x32xf32, #tpu.memory_space<vmem_shared>>) target(%arg18 : memref<200x32xf32, #tpu.memory_space<vmem>>) offsets(%dma_start3A_89 : memref<200xi32, #tpu.memory_space<vmem>>) semaphore(%arg23 : memref<!tpu.dma_semaphore, #tpu.memory_space<semaphore_mem>>)
      %mul3A_93 = arith.constant 5 : i32
      %mul3A_94 = arith.muli %mul3A_93, %scan3A_43 : i32
      %add3A_95 = arith.constant 0 : i32
      %add3A_96 = arith.addi %mul3A_94, %add3A_95 : i32
      %dma_wait3A = arith.constant 0 : i32
      %dma_wait3A_97 = tpu.memref_slice %arg11[%add3A_47, %dma_wait3A] : memref<25x200xi32, #tpu.memory_space<vmem>> -> memref<1x200xi32, #tpu.memory_space<vmem>>
      %dma_wait3A_98 = tpu.memref_squeeze %dma_wait3A_97 : memref<1x200xi32, #tpu.memory_space<vmem>> -> memref<200xi32, #tpu.memory_space<vmem>>
      %dma_wait3A_99 = arith.constant 0 : i32
      %dma_wait3A_100 = arith.constant 0 : i32
      %dma_wait3A_101 = tpu.memref_slice %arg34[%dma_wait3A_99, %dma_wait3A_100] : memref<10000x32xf32, #tpu.memory_space<vmem_shared>> -> memref<10000x32xf32, #tpu.memory_space<vmem_shared>>
      tpu.wait_indirect_dma semaphore(%arg19 : memref<!tpu.dma_semaphore, #tpu.memory_space<semaphore_mem>>) src(%dma_wait3A_101 : memref<10000x32xf32, #tpu.memory_space<vmem_shared>>) dst(%arg14 : memref<200x32xf32, #tpu.memory_space<vmem>>)
      %dma_start3A_102 = arith.constant 0 : i32
      %dma_start3A_103 = tpu.memref_slice %arg12[%add3A_96, %dma_start3A_102] : memref<25x200xi32, #tpu.memory_space<vmem>> -> memref<1x200xi32, #tpu.memory_space<vmem>>
      %dma_start3A_104 = tpu.memref_squeeze %dma_start3A_103 : memref<1x200xi32, #tpu.memory_space<vmem>> -> memref<200xi32, #tpu.memory_space<vmem>>
      %dma_start3A_105 = arith.constant 0 : i32
      %dma_start3A_106 = arith.constant 0 : i32
      %dma_start3A_107 = tpu.memref_slice %arg35[%dma_start3A_105, %dma_start3A_106] : memref<10000x32xf32, #tpu.memory_space<vmem_shared>> -> memref<10000x32xf32, #tpu.memory_space<vmem_shared>>
      tpu.enqueue_indirect_dma source(%arg14 : memref<200x32xf32, #tpu.memory_space<vmem>>) target(%dma_start3A_107 : memref<10000x32xf32, #tpu.memory_space<vmem_shared>>) offsets(%dma_start3A_104 : memref<200xi32, #tpu.memory_space<vmem>>) semaphore(%arg24 : memref<!tpu.dma_semaphore, #tpu.memory_space<semaphore_mem>>) {add = true}
      %mul3A_108 = arith.constant 5 : i32
      %mul3A_109 = arith.muli %mul3A_108, %scan3A_43 : i32
      %add3A_110 = arith.constant 1 : i32
      %add3A_111 = arith.addi %mul3A_109, %add3A_110 : i32
      %dma_wait3A_112 = arith.constant 0 : i32
      %dma_wait3A_113 = tpu.memref_slice %arg11[%add3A_56, %dma_wait3A_112] : memref<25x200xi32, #tpu.memory_space<vmem>> -> memref<1x200xi32, #tpu.memory_space<vmem>>
      %dma_wait3A_114 = tpu.memref_squeeze %dma_wait3A_113 : memref<1x200xi32, #tpu.memory_space<vmem>> -> memref<200xi32, #tpu.memory_space<vmem>>
      %dma_wait3A_115 = arith.constant 0 : i32
      %dma_wait3A_116 = arith.constant 0 : i32
      %dma_wait3A_117 = tpu.memref_slice %arg34[%dma_wait3A_115, %dma_wait3A_116] : memref<10000x32xf32, #tpu.memory_space<vmem_shared>> -> memref<10000x32xf32, #tpu.memory_space<vmem_shared>>
      tpu.wait_indirect_dma semaphore(%arg20 : memref<!tpu.dma_semaphore, #tpu.memory_space<semaphore_mem>>) src(%dma_wait3A_117 : memref<10000x32xf32, #tpu.memory_space<vmem_shared>>) dst(%arg15 : memref<200x32xf32, #tpu.memory_space<vmem>>)
      %dma_start3A_118 = arith.constant 0 : i32
      %dma_start3A_119 = tpu.memref_slice %arg12[%add3A_111, %dma_start3A_118] : memref<25x200xi32, #tpu.memory_space<vmem>> -> memref<1x200xi32, #tpu.memory_space<vmem>>
      %dma_start3A_120 = tpu.memref_squeeze %dma_start3A_119 : memref<1x200xi32, #tpu.memory_space<vmem>> -> memref<200xi32, #tpu.memory_space<vmem>>
      %dma_start3A_121 = arith.constant 0 : i32
      %dma_start3A_122 = arith.constant 0 : i32
      %dma_start3A_123 = tpu.memref_slice %arg35[%dma_start3A_121, %dma_start3A_122] : memref<10000x32xf32, #tpu.memory_space<vmem_shared>> -> memref<10000x32xf32, #tpu.memory_space<vmem_shared>>
      tpu.enqueue_indirect_dma source(%arg15 : memref<200x32xf32, #tpu.memory_space<vmem>>) target(%dma_start3A_123 : memref<10000x32xf32, #tpu.memory_space<vmem_shared>>) offsets(%dma_start3A_120 : memref<200xi32, #tpu.memory_space<vmem>>) semaphore(%arg25 : memref<!tpu.dma_semaphore, #tpu.memory_space<semaphore_mem>>) {add = true}
      %mul3A_124 = arith.constant 5 : i32
      %mul3A_125 = arith.muli %mul3A_124, %scan3A_43 : i32
      %add3A_126 = arith.constant 2 : i32
      %add3A_127 = arith.addi %mul3A_125, %add3A_126 : i32
      %dma_wait3A_128 = arith.constant 0 : i32
      %dma_wait3A_129 = tpu.memref_slice %arg11[%add3A_66, %dma_wait3A_128] : memref<25x200xi32, #tpu.memory_space<vmem>> -> memref<1x200xi32, #tpu.memory_space<vmem>>
      %dma_wait3A_130 = tpu.memref_squeeze %dma_wait3A_129 : memref<1x200xi32, #tpu.memory_space<vmem>> -> memref<200xi32, #tpu.memory_space<vmem>>
      %dma_wait3A_131 = arith.constant 0 : i32
      %dma_wait3A_132 = arith.constant 0 : i32
      %dma_wait3A_133 = tpu.memref_slice %arg34[%dma_wait3A_131, %dma_wait3A_132] : memref<10000x32xf32, #tpu.memory_space<vmem_shared>> -> memref<10000x32xf32, #tpu.memory_space<vmem_shared>>
      tpu.wait_indirect_dma semaphore(%arg21 : memref<!tpu.dma_semaphore, #tpu.memory_space<semaphore_mem>>) src(%dma_wait3A_133 : memref<10000x32xf32, #tpu.memory_space<vmem_shared>>) dst(%arg16 : memref<200x32xf32, #tpu.memory_space<vmem>>)
      %dma_start3A_134 = arith.constant 0 : i32
      %dma_start3A_135 = tpu.memref_slice %arg12[%add3A_127, %dma_start3A_134] : memref<25x200xi32, #tpu.memory_space<vmem>> -> memref<1x200xi32, #tpu.memory_space<vmem>>
      %dma_start3A_136 = tpu.memref_squeeze %dma_start3A_135 : memref<1x200xi32, #tpu.memory_space<vmem>> -> memref<200xi32, #tpu.memory_space<vmem>>
      %dma_start3A_137 = arith.constant 0 : i32
      %dma_start3A_138 = arith.constant 0 : i32
      %dma_start3A_139 = tpu.memref_slice %arg35[%dma_start3A_137, %dma_start3A_138] : memref<10000x32xf32, #tpu.memory_space<vmem_shared>> -> memref<10000x32xf32, #tpu.memory_space<vmem_shared>>
      tpu.enqueue_indirect_dma source(%arg16 : memref<200x32xf32, #tpu.memory_space<vmem>>) target(%dma_start3A_139 : memref<10000x32xf32, #tpu.memory_space<vmem_shared>>) offsets(%dma_start3A_136 : memref<200xi32, #tpu.memory_space<vmem>>) semaphore(%arg26 : memref<!tpu.dma_semaphore, #tpu.memory_space<semaphore_mem>>) {add = true}
      %mul3A_140 = arith.constant 5 : i32
      %mul3A_141 = arith.muli %mul3A_140, %scan3A_43 : i32
      %add3A_142 = arith.constant 3 : i32
      %add3A_143 = arith.addi %mul3A_141, %add3A_142 : i32
      %dma_wait3A_144 = arith.constant 0 : i32
      %dma_wait3A_145 = tpu.memref_slice %arg11[%add3A_76, %dma_wait3A_144] : memref<25x200xi32, #tpu.memory_space<vmem>> -> memref<1x200xi32, #tpu.memory_space<vmem>>
      %dma_wait3A_146 = tpu.memref_squeeze %dma_wait3A_145 : memref<1x200xi32, #tpu.memory_space<vmem>> -> memref<200xi32, #tpu.memory_space<vmem>>
      %dma_wait3A_147 = arith.constant 0 : i32
      %dma_wait3A_148 = arith.constant 0 : i32
      %dma_wait3A_149 = tpu.memref_slice %arg34[%dma_wait3A_147, %dma_wait3A_148] : memref<10000x32xf32, #tpu.memory_space<vmem_shared>> -> memref<10000x32xf32, #tpu.memory_space<vmem_shared>>
      tpu.wait_indirect_dma semaphore(%arg22 : memref<!tpu.dma_semaphore, #tpu.memory_space<semaphore_mem>>) src(%dma_wait3A_149 : memref<10000x32xf32, #tpu.memory_space<vmem_shared>>) dst(%arg17 : memref<200x32xf32, #tpu.memory_space<vmem>>)
      %dma_start3A_150 = arith.constant 0 : i32
      %dma_start3A_151 = tpu.memref_slice %arg12[%add3A_143, %dma_start3A_150] : memref<25x200xi32, #tpu.memory_space<vmem>> -> memref<1x200xi32, #tpu.memory_space<vmem>>
      %dma_start3A_152 = tpu.memref_squeeze %dma_start3A_151 : memref<1x200xi32, #tpu.memory_space<vmem>> -> memref<200xi32, #tpu.memory_space<vmem>>
      %dma_start3A_153 = arith.constant 0 : i32
      %dma_start3A_154 = arith.constant 0 : i32
      %dma_start3A_155 = tpu.memref_slice %arg35[%dma_start3A_153, %dma_start3A_154] : memref<10000x32xf32, #tpu.memory_space<vmem_shared>> -> memref<10000x32xf32, #tpu.memory_space<vmem_shared>>
      tpu.enqueue_indirect_dma source(%arg17 : memref<200x32xf32, #tpu.memory_space<vmem>>) target(%dma_start3A_155 : memref<10000x32xf32, #tpu.memory_space<vmem_shared>>) offsets(%dma_start3A_152 : memref<200xi32, #tpu.memory_space<vmem>>) semaphore(%arg27 : memref<!tpu.dma_semaphore, #tpu.memory_space<semaphore_mem>>) {add = true}
      %mul3A_156 = arith.constant 5 : i32
      %mul3A_157 = arith.muli %mul3A_156, %scan3A_43 : i32
      %add3A_158 = arith.constant 4 : i32
      %add3A_159 = arith.addi %mul3A_157, %add3A_158 : i32
      %dma_wait3A_160 = arith.constant 0 : i32
      %dma_wait3A_161 = tpu.memref_slice %arg11[%add3A_86, %dma_wait3A_160] : memref<25x200xi32, #tpu.memory_space<vmem>> -> memref<1x200xi32, #tpu.memory_space<vmem>>
      %dma_wait3A_162 = tpu.memref_squeeze %dma_wait3A_161 : memref<1x200xi32, #tpu.memory_space<vmem>> -> memref<200xi32, #tpu.memory_space<vmem>>
      %dma_wait3A_163 = arith.constant 0 : i32
      %dma_wait3A_164 = arith.constant 0 : i32
      %dma_wait3A_165 = tpu.memref_slice %arg34[%dma_wait3A_163, %dma_wait3A_164] : memref<10000x32xf32, #tpu.memory_space<vmem_shared>> -> memref<10000x32xf32, #tpu.memory_space<vmem_shared>>
      tpu.wait_indirect_dma semaphore(%arg23 : memref<!tpu.dma_semaphore, #tpu.memory_space<semaphore_mem>>) src(%dma_wait3A_165 : memref<10000x32xf32, #tpu.memory_space<vmem_shared>>) dst(%arg18 : memref<200x32xf32, #tpu.memory_space<vmem>>)
      %dma_start3A_166 = arith.constant 0 : i32
      %dma_start3A_167 = tpu.memref_slice %arg12[%add3A_159, %dma_start3A_166] : memref<25x200xi32, #tpu.memory_space<vmem>> -> memref<1x200xi32, #tpu.memory_space<vmem>>
      %dma_start3A_168 = tpu.memref_squeeze %dma_start3A_167 : memref<1x200xi32, #tpu.memory_space<vmem>> -> memref<200xi32, #tpu.memory_space<vmem>>
      %dma_start3A_169 = arith.constant 0 : i32
      %dma_start3A_170 = arith.constant 0 : i32
      %dma_start3A_171 = tpu.memref_slice %arg35[%dma_start3A_169, %dma_start3A_170] : memref<10000x32xf32, #tpu.memory_space<vmem_shared>> -> memref<10000x32xf32, #tpu.memory_space<vmem_shared>>
      tpu.enqueue_indirect_dma source(%arg18 : memref<200x32xf32, #tpu.memory_space<vmem>>) target(%dma_start3A_171 : memref<10000x32xf32, #tpu.memory_space<vmem_shared>>) offsets(%dma_start3A_168 : memref<200xi32, #tpu.memory_space<vmem>>) semaphore(%arg28 : memref<!tpu.dma_semaphore, #tpu.memory_space<semaphore_mem>>) {add = true}
      %dma_wait3A_172 = arith.constant 0 : i32
      %dma_wait3A_173 = tpu.memref_slice %arg12[%add3A_96, %dma_wait3A_172] : memref<25x200xi32, #tpu.memory_space<vmem>> -> memref<1x200xi32, #tpu.memory_space<vmem>>
      %dma_wait3A_174 = tpu.memref_squeeze %dma_wait3A_173 : memref<1x200xi32, #tpu.memory_space<vmem>> -> memref<200xi32, #tpu.memory_space<vmem>>
      %dma_wait3A_175 = arith.constant 0 : i32
      %dma_wait3A_176 = arith.constant 0 : i32
      %dma_wait3A_177 = tpu.memref_slice %arg35[%dma_wait3A_175, %dma_wait3A_176] : memref<10000x32xf32, #tpu.memory_space<vmem_shared>> -> memref<10000x32xf32, #tpu.memory_space<vmem_shared>>
      tpu.wait_indirect_dma semaphore(%arg24 : memref<!tpu.dma_semaphore, #tpu.memory_space<semaphore_mem>>) src(%arg14 : memref<200x32xf32, #tpu.memory_space<vmem>>) dst(%dma_wait3A_177 : memref<10000x32xf32, #tpu.memory_space<vmem_shared>>)
      %dma_wait3A_178 = arith.constant 0 : i32
      %dma_wait3A_179 = tpu.memref_slice %arg12[%add3A_111, %dma_wait3A_178] : memref<25x200xi32, #tpu.memory_space<vmem>> -> memref<1x200xi32, #tpu.memory_space<vmem>>
      %dma_wait3A_180 = tpu.memref_squeeze %dma_wait3A_179 : memref<1x200xi32, #tpu.memory_space<vmem>> -> memref<200xi32, #tpu.memory_space<vmem>>
      %dma_wait3A_181 = arith.constant 0 : i32
      %dma_wait3A_182 = arith.constant 0 : i32
      %dma_wait3A_183 = tpu.memref_slice %arg35[%dma_wait3A_181, %dma_wait3A_182] : memref<10000x32xf32, #tpu.memory_space<vmem_shared>> -> memref<10000x32xf32, #tpu.memory_space<vmem_shared>>
      tpu.wait_indirect_dma semaphore(%arg25 : memref<!tpu.dma_semaphore, #tpu.memory_space<semaphore_mem>>) src(%arg15 : memref<200x32xf32, #tpu.memory_space<vmem>>) dst(%dma_wait3A_183 : memref<10000x32xf32, #tpu.memory_space<vmem_shared>>)
      %dma_wait3A_184 = arith.constant 0 : i32
      %dma_wait3A_185 = tpu.memref_slice %arg12[%add3A_127, %dma_wait3A_184] : memref<25x200xi32, #tpu.memory_space<vmem>> -> memref<1x200xi32, #tpu.memory_space<vmem>>
      %dma_wait3A_186 = tpu.memref_squeeze %dma_wait3A_185 : memref<1x200xi32, #tpu.memory_space<vmem>> -> memref<200xi32, #tpu.memory_space<vmem>>
      %dma_wait3A_187 = arith.constant 0 : i32
      %dma_wait3A_188 = arith.constant 0 : i32
      %dma_wait3A_189 = tpu.memref_slice %arg35[%dma_wait3A_187, %dma_wait3A_188] : memref<10000x32xf32, #tpu.memory_space<vmem_shared>> -> memref<10000x32xf32, #tpu.memory_space<vmem_shared>>
      tpu.wait_indirect_dma semaphore(%arg26 : memref<!tpu.dma_semaphore, #tpu.memory_space<semaphore_mem>>) src(%arg16 : memref<200x32xf32, #tpu.memory_space<vmem>>) dst(%dma_wait3A_189 : memref<10000x32xf32, #tpu.memory_space<vmem_shared>>)
      %dma_wait3A_190 = arith.constant 0 : i32
      %dma_wait3A_191 = tpu.memref_slice %arg12[%add3A_143, %dma_wait3A_190] : memref<25x200xi32, #tpu.memory_space<vmem>> -> memref<1x200xi32, #tpu.memory_space<vmem>>
      %dma_wait3A_192 = tpu.memref_squeeze %dma_wait3A_191 : memref<1x200xi32, #tpu.memory_space<vmem>> -> memref<200xi32, #tpu.memory_space<vmem>>
      %dma_wait3A_193 = arith.constant 0 : i32
      %dma_wait3A_194 = arith.constant 0 : i32
      %dma_wait3A_195 = tpu.memref_slice %arg35[%dma_wait3A_193, %dma_wait3A_194] : memref<10000x32xf32, #tpu.memory_space<vmem_shared>> -> memref<10000x32xf32, #tpu.memory_space<vmem_shared>>
      tpu.wait_indirect_dma semaphore(%arg27 : memref<!tpu.dma_semaphore, #tpu.memory_space<semaphore_mem>>) src(%arg17 : memref<200x32xf32, #tpu.memory_space<vmem>>) dst(%dma_wait3A_195 : memref<10000x32xf32, #tpu.memory_space<vmem_shared>>)
      %dma_wait3A_196 = arith.constant 0 : i32
      %dma_wait3A_197 = tpu.memref_slice %arg12[%add3A_159, %dma_wait3A_196] : memref<25x200xi32, #tpu.memory_space<vmem>> -> memref<1x200xi32, #tpu.memory_space<vmem>>
      %dma_wait3A_198 = tpu.memref_squeeze %dma_wait3A_197 : memref<1x200xi32, #tpu.memory_space<vmem>> -> memref<200xi32, #tpu.memory_space<vmem>>
      %dma_wait3A_199 = arith.constant 0 : i32
      %dma_wait3A_200 = arith.constant 0 : i32
      %dma_wait3A_201 = tpu.memref_slice %arg35[%dma_wait3A_199, %dma_wait3A_200] : memref<10000x32xf32, #tpu.memory_space<vmem_shared>> -> memref<10000x32xf32, #tpu.memory_space<vmem_shared>>
      tpu.wait_indirect_dma semaphore(%arg28 : memref<!tpu.dma_semaphore, #tpu.memory_space<semaphore_mem>>) src(%arg18 : memref<200x32xf32, #tpu.memory_space<vmem>>) dst(%dma_wait3A_201 : memref<10000x32xf32, #tpu.memory_space<vmem_shared>>)
    }
    %scan3A_15 = arith.constant 5 : i32
    %barrier3A_16 = arith.constant 0 : index
    tpu.barrier barrier_id(%barrier3A_16)
    %mul3A_17 = arith.constant 625 : i32
    %mul3A_18 = arith.muli %arg1, %mul3A_17 : i32
    %mul3A_19 = arith.constant 625 : i32
    %mul3A_20 = arith.muli %arg1, %mul3A_19 : i32
    "tpu.region"() ({
      %run_scoped3A = tpu.sem_alloc : memref<!tpu.dma_semaphore, #tpu.memory_space<semaphore_mem>>
      %dma_start3A = arith.constant 0 : i32
      %dma_start3A_43 = tpu.memref_slice %arg9[%arg0, %mul3A_20, %dma_start3A] : memref<2x10000x32xf32, #tpu.memory_space<hbm>> -> memref<1x625x32xf32, #tpu.memory_space<hbm>>
      %dma_start3A_44 = tpu.memref_squeeze %dma_start3A_43 : memref<1x625x32xf32, #tpu.memory_space<hbm>> -> memref<625x32xf32, #tpu.memory_space<hbm>>
      %dma_start3A_45 = arith.constant 0 : i32
      %dma_start3A_46 = tpu.memref_slice %arg35[%mul3A_18, %dma_start3A_45] : memref<10000x32xf32, #tpu.memory_space<vmem_shared>> -> memref<625x32xf32, #tpu.memory_space<vmem_shared>>
      tpu.enqueue_dma source(%dma_start3A_46 : memref<625x32xf32, #tpu.memory_space<vmem_shared>>) target(%dma_start3A_44 : memref<625x32xf32, #tpu.memory_space<hbm>>) target_semaphore(%run_scoped3A : memref<!tpu.dma_semaphore, #tpu.memory_space<semaphore_mem>>)
      %dma_wait3A = arith.constant 0 : i32
      %dma_wait3A_47 = tpu.memref_slice %arg9[%arg0, %mul3A_20, %dma_wait3A] : memref<2x10000x32xf32, #tpu.memory_space<hbm>> -> memref<1x625x32xf32, #tpu.memory_space<hbm>>
      %dma_wait3A_48 = tpu.memref_squeeze %dma_wait3A_47 : memref<1x625x32xf32, #tpu.memory_space<hbm>> -> memref<625x32xf32, #tpu.memory_space<hbm>>
      %dma_wait3A_49 = arith.constant 0 : i32
      %dma_wait3A_50 = tpu.memref_slice %arg35[%mul3A_18, %dma_wait3A_49] : memref<10000x32xf32, #tpu.memory_space<vmem_shared>> -> memref<625x32xf32, #tpu.memory_space<vmem_shared>>
      tpu.wait_dma2 semaphore(%run_scoped3A : memref<!tpu.dma_semaphore, #tpu.memory_space<semaphore_mem>>) src(%dma_wait3A_50 : memref<625x32xf32, #tpu.memory_space<vmem_shared>>) dst(%dma_wait3A_48 : memref<625x32xf32, #tpu.memory_space<hbm>>)
      tpu.yield
    }) : () -> ()
    %mul3A_21 = arith.constant 625 : i32
    %mul3A_22 = arith.muli %arg1, %mul3A_21 : i32
    %mul3A_23 = arith.constant 625 : i32
    %mul3A_24 = arith.muli %arg1, %mul3A_23 : i32
    "tpu.region"() ({
      %run_scoped3A = tpu.sem_alloc : memref<!tpu.dma_semaphore, #tpu.memory_space<semaphore_mem>>
      %dma_start3A = arith.constant 0 : i32
      %dma_start3A_43 = tpu.memref_slice %arg34[%mul3A_24, %dma_start3A] : memref<10000x32xf32, #tpu.memory_space<vmem_shared>> -> memref<625x32xf32, #tpu.memory_space<vmem_shared>>
      %dma_start3A_44 = arith.constant 0 : i32
      %dma_start3A_45 = tpu.memref_slice %arg3[%mul3A_22, %dma_start3A_44] : memref<10000x32xf32, #tpu.memory_space<hbm>> -> memref<625x32xf32, #tpu.memory_space<hbm>>
      tpu.enqueue_dma source(%dma_start3A_45 : memref<625x32xf32, #tpu.memory_space<hbm>>) target(%dma_start3A_43 : memref<625x32xf32, #tpu.memory_space<vmem_shared>>) target_semaphore(%run_scoped3A : memref<!tpu.dma_semaphore, #tpu.memory_space<semaphore_mem>>)
      %dma_wait3A = arith.constant 0 : i32
      %dma_wait3A_46 = tpu.memref_slice %arg34[%mul3A_24, %dma_wait3A] : memref<10000x32xf32, #tpu.memory_space<vmem_shared>> -> memref<625x32xf32, #tpu.memory_space<vmem_shared>>
      %dma_wait3A_47 = arith.constant 0 : i32
      %dma_wait3A_48 = tpu.memref_slice %arg3[%mul3A_22, %dma_wait3A_47] : memref<10000x32xf32, #tpu.memory_space<hbm>> -> memref<625x32xf32, #tpu.memory_space<hbm>>
      tpu.wait_dma2 semaphore(%run_scoped3A : memref<!tpu.dma_semaphore, #tpu.memory_space<semaphore_mem>>) src(%dma_wait3A_48 : memref<625x32xf32, #tpu.memory_space<hbm>>) dst(%dma_wait3A_46 : memref<625x32xf32, #tpu.memory_space<vmem_shared>>)
      tpu.yield
    }) : () -> ()
    %mul3A_25 = arith.constant 625 : i32
    %mul3A_26 = arith.muli %arg1, %mul3A_25 : i32
    "tpu.region"() ({
      %run_scoped3A = tpu.sem_alloc : memref<!tpu.dma_semaphore, #tpu.memory_space<semaphore_mem>>
      %dma_start3A = arith.constant 0 : i32
      %dma_start3A_43 = tpu.memref_slice %arg35[%mul3A_26, %dma_start3A] : memref<10000x32xf32, #tpu.memory_space<vmem_shared>> -> memref<625x32xf32, #tpu.memory_space<vmem_shared>>
      tpu.enqueue_dma source(%arg8 : memref<625x32xf32, #tpu.memory_space<hbm>>) target(%dma_start3A_43 : memref<625x32xf32, #tpu.memory_space<vmem_shared>>) target_semaphore(%run_scoped3A : memref<!tpu.dma_semaphore, #tpu.memory_space<semaphore_mem>>)
      %dma_wait3A = arith.constant 0 : i32
      %dma_wait3A_44 = tpu.memref_slice %arg35[%mul3A_26, %dma_wait3A] : memref<10000x32xf32, #tpu.memory_space<vmem_shared>> -> memref<625x32xf32, #tpu.memory_space<vmem_shared>>
      tpu.wait_dma2 semaphore(%run_scoped3A : memref<!tpu.dma_semaphore, #tpu.memory_space<semaphore_mem>>) src(%arg8 : memref<625x32xf32, #tpu.memory_space<hbm>>) dst(%dma_wait3A_44 : memref<625x32xf32, #tpu.memory_space<vmem_shared>>)
      tpu.yield
    }) : () -> ()
    %mul3A_27 = arith.constant 25 : i32
    %mul3A_28 = arith.muli %add3A, %mul3A_27 : i32
    "tpu.region"() ({
      %run_scoped3A = tpu.sem_alloc : memref<!tpu.dma_semaphore, #tpu.memory_space<semaphore_mem>>
      %dma_start3A = arith.constant 0 : i32
      %dma_start3A_43 = tpu.memref_slice %arg5[%mul3A_28, %dma_start3A] : memref<800x200xi32, #tpu.memory_space<hbm>> -> memref<25x200xi32, #tpu.memory_space<hbm>>
      %dma_start3A_44 = arith.constant 0 : i32
      %dma_start3A_45 = tpu.memref_slice %arg5[%mul3A_28, %dma_start3A_44] : memref<800x200xi32, #tpu.memory_space<hbm>> -> memref<25x200xi32, #tpu.memory_space<hbm>>
      tpu.enqueue_dma source(%dma_start3A_45 : memref<25x200xi32, #tpu.memory_space<hbm>>) target(%arg11 : memref<25x200xi32, #tpu.memory_space<vmem>>) target_semaphore(%run_scoped3A : memref<!tpu.dma_semaphore, #tpu.memory_space<semaphore_mem>>)
      %dma_wait3A = arith.constant 0 : i32
      %dma_wait3A_46 = tpu.memref_slice %arg5[%mul3A_28, %dma_wait3A] : memref<800x200xi32, #tpu.memory_space<hbm>> -> memref<25x200xi32, #tpu.memory_space<hbm>>
      %dma_wait3A_47 = arith.constant 0 : i32
      %dma_wait3A_48 = tpu.memref_slice %arg5[%mul3A_28, %dma_wait3A_47] : memref<800x200xi32, #tpu.memory_space<hbm>> -> memref<25x200xi32, #tpu.memory_space<hbm>>
      tpu.wait_dma2 semaphore(%run_scoped3A : memref<!tpu.dma_semaphore, #tpu.memory_space<semaphore_mem>>) src(%dma_wait3A_48 : memref<25x200xi32, #tpu.memory_space<hbm>>) dst(%arg11 : memref<25x200xi32, #tpu.memory_space<vmem>>)
      tpu.yield
    }) : () -> ()
    %mul3A_29 = arith.constant 25 : i32
    %mul3A_30 = arith.muli %add3A, %mul3A_29 : i32
    "tpu.region"() ({
      %run_scoped3A = tpu.sem_alloc : memref<!tpu.dma_semaphore, #tpu.memory_space<semaphore_mem>>
      %dma_start3A = arith.constant 0 : i32
      %dma_start3A_43 = tpu.memref_slice %arg7[%mul3A_30, %dma_start3A] : memref<800x200xi32, #tpu.memory_space<hbm>> -> memref<25x200xi32, #tpu.memory_space<hbm>>
      %dma_start3A_44 = arith.constant 0 : i32
      %dma_start3A_45 = tpu.memref_slice %arg7[%mul3A_30, %dma_start3A_44] : memref<800x200xi32, #tpu.memory_space<hbm>> -> memref<25x200xi32, #tpu.memory_space<hbm>>
      tpu.enqueue_dma source(%dma_start3A_45 : memref<25x200xi32, #tpu.memory_space<hbm>>) target(%arg12 : memref<25x200xi32, #tpu.memory_space<vmem>>) target_semaphore(%run_scoped3A : memref<!tpu.dma_semaphore, #tpu.memory_space<semaphore_mem>>)
      %dma_wait3A = arith.constant 0 : i32
      %dma_wait3A_46 = tpu.memref_slice %arg7[%mul3A_30, %dma_wait3A] : memref<800x200xi32, #tpu.memory_space<hbm>> -> memref<25x200xi32, #tpu.memory_space<hbm>>
      %dma_wait3A_47 = arith.constant 0 : i32
      %dma_wait3A_48 = tpu.memref_slice %arg7[%mul3A_30, %dma_wait3A_47] : memref<800x200xi32, #tpu.memory_space<hbm>> -> memref<25x200xi32, #tpu.memory_space<hbm>>
      tpu.wait_dma2 semaphore(%run_scoped3A : memref<!tpu.dma_semaphore, #tpu.memory_space<semaphore_mem>>) src(%dma_wait3A_48 : memref<25x200xi32, #tpu.memory_space<hbm>>) dst(%arg12 : memref<25x200xi32, #tpu.memory_space<vmem>>)
      tpu.yield
    }) : () -> ()
    %barrier3A_31 = arith.constant 0 : index
    tpu.barrier barrier_id(%barrier3A_31)
    %scan3A_32 = arith.constant 0 : i32
    %scan3A_33 = arith.constant 0 : i32
    %scan3A_34 = arith.constant 5 : i32
    %scan3A_35 = arith.addi %scan3A_33, %scan3A_34 : i32
    %scan3A_36 = arith.constant 1 : i32
    scf.for %scan3A_43 = %scan3A_33 to %scan3A_35 step %scan3A_36  : i32 {
      %mul3A_44 = arith.constant 5 : i32
      %mul3A_45 = arith.muli %mul3A_44, %scan3A_43 : i32
      %add3A_46 = arith.constant 0 : i32
      %add3A_47 = arith.addi %mul3A_45, %add3A_46 : i32
      %dma_start3A = arith.constant 0 : i32
      %dma_start3A_48 = tpu.memref_slice %arg11[%add3A_47, %dma_start3A] : memref<25x200xi32, #tpu.memory_space<vmem>> -> memref<1x200xi32, #tpu.memory_space<vmem>>
      %dma_start3A_49 = tpu.memref_squeeze %dma_start3A_48 : memref<1x200xi32, #tpu.memory_space<vmem>> -> memref<200xi32, #tpu.memory_space<vmem>>
      %dma_start3A_50 = arith.constant 0 : i32
      %dma_start3A_51 = arith.constant 0 : i32
      %dma_start3A_52 = tpu.memref_slice %arg34[%dma_start3A_50, %dma_start3A_51] : memref<10000x32xf32, #tpu.memory_space<vmem_shared>> -> memref<10000x32xf32, #tpu.memory_space<vmem_shared>>
      tpu.enqueue_indirect_dma source(%dma_start3A_52 : memref<10000x32xf32, #tpu.memory_space<vmem_shared>>) target(%arg14 : memref<200x32xf32, #tpu.memory_space<vmem>>) offsets(%dma_start3A_49 : memref<200xi32, #tpu.memory_space<vmem>>) semaphore(%arg19 : memref<!tpu.dma_semaphore, #tpu.memory_space<semaphore_mem>>)
      %mul3A_53 = arith.constant 5 : i32
      %mul3A_54 = arith.muli %mul3A_53, %scan3A_43 : i32
      %add3A_55 = arith.constant 1 : i32
      %add3A_56 = arith.addi %mul3A_54, %add3A_55 : i32
      %dma_start3A_57 = arith.constant 0 : i32
      %dma_start3A_58 = tpu.memref_slice %arg11[%add3A_56, %dma_start3A_57] : memref<25x200xi32, #tpu.memory_space<vmem>> -> memref<1x200xi32, #tpu.memory_space<vmem>>
      %dma_start3A_59 = tpu.memref_squeeze %dma_start3A_58 : memref<1x200xi32, #tpu.memory_space<vmem>> -> memref<200xi32, #tpu.memory_space<vmem>>
      %dma_start3A_60 = arith.constant 0 : i32
      %dma_start3A_61 = arith.constant 0 : i32
      %dma_start3A_62 = tpu.memref_slice %arg34[%dma_start3A_60, %dma_start3A_61] : memref<10000x32xf32, #tpu.memory_space<vmem_shared>> -> memref<10000x32xf32, #tpu.memory_space<vmem_shared>>
      tpu.enqueue_indirect_dma source(%dma_start3A_62 : memref<10000x32xf32, #tpu.memory_space<vmem_shared>>) target(%arg15 : memref<200x32xf32, #tpu.memory_space<vmem>>) offsets(%dma_start3A_59 : memref<200xi32, #tpu.memory_space<vmem>>) semaphore(%arg20 : memref<!tpu.dma_semaphore, #tpu.memory_space<semaphore_mem>>)
      %mul3A_63 = arith.constant 5 : i32
      %mul3A_64 = arith.muli %mul3A_63, %scan3A_43 : i32
      %add3A_65 = arith.constant 2 : i32
      %add3A_66 = arith.addi %mul3A_64, %add3A_65 : i32
      %dma_start3A_67 = arith.constant 0 : i32
      %dma_start3A_68 = tpu.memref_slice %arg11[%add3A_66, %dma_start3A_67] : memref<25x200xi32, #tpu.memory_space<vmem>> -> memref<1x200xi32, #tpu.memory_space<vmem>>
      %dma_start3A_69 = tpu.memref_squeeze %dma_start3A_68 : memref<1x200xi32, #tpu.memory_space<vmem>> -> memref<200xi32, #tpu.memory_space<vmem>>
      %dma_start3A_70 = arith.constant 0 : i32
      %dma_start3A_71 = arith.constant 0 : i32
      %dma_start3A_72 = tpu.memref_slice %arg34[%dma_start3A_70, %dma_start3A_71] : memref<10000x32xf32, #tpu.memory_space<vmem_shared>> -> memref<10000x32xf32, #tpu.memory_space<vmem_shared>>
      tpu.enqueue_indirect_dma source(%dma_start3A_72 : memref<10000x32xf32, #tpu.memory_space<vmem_shared>>) target(%arg16 : memref<200x32xf32, #tpu.memory_space<vmem>>) offsets(%dma_start3A_69 : memref<200xi32, #tpu.memory_space<vmem>>) semaphore(%arg21 : memref<!tpu.dma_semaphore, #tpu.memory_space<semaphore_mem>>)
      %mul3A_73 = arith.constant 5 : i32
      %mul3A_74 = arith.muli %mul3A_73, %scan3A_43 : i32
      %add3A_75 = arith.constant 3 : i32
      %add3A_76 = arith.addi %mul3A_74, %add3A_75 : i32
      %dma_start3A_77 = arith.constant 0 : i32
      %dma_start3A_78 = tpu.memref_slice %arg11[%add3A_76, %dma_start3A_77] : memref<25x200xi32, #tpu.memory_space<vmem>> -> memref<1x200xi32, #tpu.memory_space<vmem>>
      %dma_start3A_79 = tpu.memref_squeeze %dma_start3A_78 : memref<1x200xi32, #tpu.memory_space<vmem>> -> memref<200xi32, #tpu.memory_space<vmem>>
      %dma_start3A_80 = arith.constant 0 : i32
      %dma_start3A_81 = arith.constant 0 : i32
      %dma_start3A_82 = tpu.memref_slice %arg34[%dma_start3A_80, %dma_start3A_81] : memref<10000x32xf32, #tpu.memory_space<vmem_shared>> -> memref<10000x32xf32, #tpu.memory_space<vmem_shared>>
      tpu.enqueue_indirect_dma source(%dma_start3A_82 : memref<10000x32xf32, #tpu.memory_space<vmem_shared>>) target(%arg17 : memref<200x32xf32, #tpu.memory_space<vmem>>) offsets(%dma_start3A_79 : memref<200xi32, #tpu.memory_space<vmem>>) semaphore(%arg22 : memref<!tpu.dma_semaphore, #tpu.memory_space<semaphore_mem>>)
      %mul3A_83 = arith.constant 5 : i32
      %mul3A_84 = arith.muli %mul3A_83, %scan3A_43 : i32
      %add3A_85 = arith.constant 4 : i32
      %add3A_86 = arith.addi %mul3A_84, %add3A_85 : i32
      %dma_start3A_87 = arith.constant 0 : i32
      %dma_start3A_88 = tpu.memref_slice %arg11[%add3A_86, %dma_start3A_87] : memref<25x200xi32, #tpu.memory_space<vmem>> -> memref<1x200xi32, #tpu.memory_space<vmem>>
      %dma_start3A_89 = tpu.memref_squeeze %dma_start3A_88 : memref<1x200xi32, #tpu.memory_space<vmem>> -> memref<200xi32, #tpu.memory_space<vmem>>
      %dma_start3A_90 = arith.constant 0 : i32
      %dma_start3A_91 = arith.constant 0 : i32
      %dma_start3A_92 = tpu.memref_slice %arg34[%dma_start3A_90, %dma_start3A_91] : memref<10000x32xf32, #tpu.memory_space<vmem_shared>> -> memref<10000x32xf32, #tpu.memory_space<vmem_shared>>
      tpu.enqueue_indirect_dma source(%dma_start3A_92 : memref<10000x32xf32, #tpu.memory_space<vmem_shared>>) target(%arg18 : memref<200x32xf32, #tpu.memory_space<vmem>>) offsets(%dma_start3A_89 : memref<200xi32, #tpu.memory_space<vmem>>) semaphore(%arg23 : memref<!tpu.dma_semaphore, #tpu.memory_space<semaphore_mem>>)
      %mul3A_93 = arith.constant 5 : i32
      %mul3A_94 = arith.muli %mul3A_93, %scan3A_43 : i32
      %add3A_95 = arith.constant 0 : i32
      %add3A_96 = arith.addi %mul3A_94, %add3A_95 : i32
      %dma_wait3A = arith.constant 0 : i32
      %dma_wait3A_97 = tpu.memref_slice %arg11[%add3A_47, %dma_wait3A] : memref<25x200xi32, #tpu.memory_space<vmem>> -> memref<1x200xi32, #tpu.memory_space<vmem>>
      %dma_wait3A_98 = tpu.memref_squeeze %dma_wait3A_97 : memref<1x200xi32, #tpu.memory_space<vmem>> -> memref<200xi32, #tpu.memory_space<vmem>>
      %dma_wait3A_99 = arith.constant 0 : i32
      %dma_wait3A_100 = arith.constant 0 : i32
      %dma_wait3A_101 = tpu.memref_slice %arg34[%dma_wait3A_99, %dma_wait3A_100] : memref<10000x32xf32, #tpu.memory_space<vmem_shared>> -> memref<10000x32xf32, #tpu.memory_space<vmem_shared>>
      tpu.wait_indirect_dma semaphore(%arg19 : memref<!tpu.dma_semaphore, #tpu.memory_space<semaphore_mem>>) src(%dma_wait3A_101 : memref<10000x32xf32, #tpu.memory_space<vmem_shared>>) dst(%arg14 : memref<200x32xf32, #tpu.memory_space<vmem>>)
      %dma_start3A_102 = arith.constant 0 : i32
      %dma_start3A_103 = tpu.memref_slice %arg12[%add3A_96, %dma_start3A_102] : memref<25x200xi32, #tpu.memory_space<vmem>> -> memref<1x200xi32, #tpu.memory_space<vmem>>
      %dma_start3A_104 = tpu.memref_squeeze %dma_start3A_103 : memref<1x200xi32, #tpu.memory_space<vmem>> -> memref<200xi32, #tpu.memory_space<vmem>>
      %dma_start3A_105 = arith.constant 0 : i32
      %dma_start3A_106 = arith.constant 0 : i32
      %dma_start3A_107 = tpu.memref_slice %arg35[%dma_start3A_105, %dma_start3A_106] : memref<10000x32xf32, #tpu.memory_space<vmem_shared>> -> memref<10000x32xf32, #tpu.memory_space<vmem_shared>>
      tpu.enqueue_indirect_dma source(%arg14 : memref<200x32xf32, #tpu.memory_space<vmem>>) target(%dma_start3A_107 : memref<10000x32xf32, #tpu.memory_space<vmem_shared>>) offsets(%dma_start3A_104 : memref<200xi32, #tpu.memory_space<vmem>>) semaphore(%arg24 : memref<!tpu.dma_semaphore, #tpu.memory_space<semaphore_mem>>) {add = true}
      %mul3A_108 = arith.constant 5 : i32
      %mul3A_109 = arith.muli %mul3A_108, %scan3A_43 : i32
      %add3A_110 = arith.constant 1 : i32
      %add3A_111 = arith.addi %mul3A_109, %add3A_110 : i32
      %dma_wait3A_112 = arith.constant 0 : i32
      %dma_wait3A_113 = tpu.memref_slice %arg11[%add3A_56, %dma_wait3A_112] : memref<25x200xi32, #tpu.memory_space<vmem>> -> memref<1x200xi32, #tpu.memory_space<vmem>>
      %dma_wait3A_114 = tpu.memref_squeeze %dma_wait3A_113 : memref<1x200xi32, #tpu.memory_space<vmem>> -> memref<200xi32, #tpu.memory_space<vmem>>
      %dma_wait3A_115 = arith.constant 0 : i32
      %dma_wait3A_116 = arith.constant 0 : i32
      %dma_wait3A_117 = tpu.memref_slice %arg34[%dma_wait3A_115, %dma_wait3A_116] : memref<10000x32xf32, #tpu.memory_space<vmem_shared>> -> memref<10000x32xf32, #tpu.memory_space<vmem_shared>>
      tpu.wait_indirect_dma semaphore(%arg20 : memref<!tpu.dma_semaphore, #tpu.memory_space<semaphore_mem>>) src(%dma_wait3A_117 : memref<10000x32xf32, #tpu.memory_space<vmem_shared>>) dst(%arg15 : memref<200x32xf32, #tpu.memory_space<vmem>>)
      %dma_start3A_118 = arith.constant 0 : i32
      %dma_start3A_119 = tpu.memref_slice %arg12[%add3A_111, %dma_start3A_118] : memref<25x200xi32, #tpu.memory_space<vmem>> -> memref<1x200xi32, #tpu.memory_space<vmem>>
      %dma_start3A_120 = tpu.memref_squeeze %dma_start3A_119 : memref<1x200xi32, #tpu.memory_space<vmem>> -> memref<200xi32, #tpu.memory_space<vmem>>
      %dma_start3A_121 = arith.constant 0 : i32
      %dma_start3A_122 = arith.constant 0 : i32
      %dma_start3A_123 = tpu.memref_slice %arg35[%dma_start3A_121, %dma_start3A_122] : memref<10000x32xf32, #tpu.memory_space<vmem_shared>> -> memref<10000x32xf32, #tpu.memory_space<vmem_shared>>
      tpu.enqueue_indirect_dma source(%arg15 : memref<200x32xf32, #tpu.memory_space<vmem>>) target(%dma_start3A_123 : memref<10000x32xf32, #tpu.memory_space<vmem_shared>>) offsets(%dma_start3A_120 : memref<200xi32, #tpu.memory_space<vmem>>) semaphore(%arg25 : memref<!tpu.dma_semaphore, #tpu.memory_space<semaphore_mem>>) {add = true}
      %mul3A_124 = arith.constant 5 : i32
      %mul3A_125 = arith.muli %mul3A_124, %scan3A_43 : i32
      %add3A_126 = arith.constant 2 : i32
      %add3A_127 = arith.addi %mul3A_125, %add3A_126 : i32
      %dma_wait3A_128 = arith.constant 0 : i32
      %dma_wait3A_129 = tpu.memref_slice %arg11[%add3A_66, %dma_wait3A_128] : memref<25x200xi32, #tpu.memory_space<vmem>> -> memref<1x200xi32, #tpu.memory_space<vmem>>
      %dma_wait3A_130 = tpu.memref_squeeze %dma_wait3A_129 : memref<1x200xi32, #tpu.memory_space<vmem>> -> memref<200xi32, #tpu.memory_space<vmem>>
      %dma_wait3A_131 = arith.constant 0 : i32
      %dma_wait3A_132 = arith.constant 0 : i32
      %dma_wait3A_133 = tpu.memref_slice %arg34[%dma_wait3A_131, %dma_wait3A_132] : memref<10000x32xf32, #tpu.memory_space<vmem_shared>> -> memref<10000x32xf32, #tpu.memory_space<vmem_shared>>
      tpu.wait_indirect_dma semaphore(%arg21 : memref<!tpu.dma_semaphore, #tpu.memory_space<semaphore_mem>>) src(%dma_wait3A_133 : memref<10000x32xf32, #tpu.memory_space<vmem_shared>>) dst(%arg16 : memref<200x32xf32, #tpu.memory_space<vmem>>)
      %dma_start3A_134 = arith.constant 0 : i32
      %dma_start3A_135 = tpu.memref_slice %arg12[%add3A_127, %dma_start3A_134] : memref<25x200xi32, #tpu.memory_space<vmem>> -> memref<1x200xi32, #tpu.memory_space<vmem>>
      %dma_start3A_136 = tpu.memref_squeeze %dma_start3A_135 : memref<1x200xi32, #tpu.memory_space<vmem>> -> memref<200xi32, #tpu.memory_space<vmem>>
      %dma_start3A_137 = arith.constant 0 : i32
      %dma_start3A_138 = arith.constant 0 : i32
      %dma_start3A_139 = tpu.memref_slice %arg35[%dma_start3A_137, %dma_start3A_138] : memref<10000x32xf32, #tpu.memory_space<vmem_shared>> -> memref<10000x32xf32, #tpu.memory_space<vmem_shared>>
      tpu.enqueue_indirect_dma source(%arg16 : memref<200x32xf32, #tpu.memory_space<vmem>>) target(%dma_start3A_139 : memref<10000x32xf32, #tpu.memory_space<vmem_shared>>) offsets(%dma_start3A_136 : memref<200xi32, #tpu.memory_space<vmem>>) semaphore(%arg26 : memref<!tpu.dma_semaphore, #tpu.memory_space<semaphore_mem>>) {add = true}
      %mul3A_140 = arith.constant 5 : i32
      %mul3A_141 = arith.muli %mul3A_140, %scan3A_43 : i32
      %add3A_142 = arith.constant 3 : i32
      %add3A_143 = arith.addi %mul3A_141, %add3A_142 : i32
      %dma_wait3A_144 = arith.constant 0 : i32
      %dma_wait3A_145 = tpu.memref_slice %arg11[%add3A_76, %dma_wait3A_144] : memref<25x200xi32, #tpu.memory_space<vmem>> -> memref<1x200xi32, #tpu.memory_space<vmem>>
      %dma_wait3A_146 = tpu.memref_squeeze %dma_wait3A_145 : memref<1x200xi32, #tpu.memory_space<vmem>> -> memref<200xi32, #tpu.memory_space<vmem>>
      %dma_wait3A_147 = arith.constant 0 : i32
      %dma_wait3A_148 = arith.constant 0 : i32
      %dma_wait3A_149 = tpu.memref_slice %arg34[%dma_wait3A_147, %dma_wait3A_148] : memref<10000x32xf32, #tpu.memory_space<vmem_shared>> -> memref<10000x32xf32, #tpu.memory_space<vmem_shared>>
      tpu.wait_indirect_dma semaphore(%arg22 : memref<!tpu.dma_semaphore, #tpu.memory_space<semaphore_mem>>) src(%dma_wait3A_149 : memref<10000x32xf32, #tpu.memory_space<vmem_shared>>) dst(%arg17 : memref<200x32xf32, #tpu.memory_space<vmem>>)
      %dma_start3A_150 = arith.constant 0 : i32
      %dma_start3A_151 = tpu.memref_slice %arg12[%add3A_143, %dma_start3A_150] : memref<25x200xi32, #tpu.memory_space<vmem>> -> memref<1x200xi32, #tpu.memory_space<vmem>>
      %dma_start3A_152 = tpu.memref_squeeze %dma_start3A_151 : memref<1x200xi32, #tpu.memory_space<vmem>> -> memref<200xi32, #tpu.memory_space<vmem>>
      %dma_start3A_153 = arith.constant 0 : i32
      %dma_start3A_154 = arith.constant 0 : i32
      %dma_start3A_155 = tpu.memref_slice %arg35[%dma_start3A_153, %dma_start3A_154] : memref<10000x32xf32, #tpu.memory_space<vmem_shared>> -> memref<10000x32xf32, #tpu.memory_space<vmem_shared>>
      tpu.enqueue_indirect_dma source(%arg17 : memref<200x32xf32, #tpu.memory_space<vmem>>) target(%dma_start3A_155 : memref<10000x32xf32, #tpu.memory_space<vmem_shared>>) offsets(%dma_start3A_152 : memref<200xi32, #tpu.memory_space<vmem>>) semaphore(%arg27 : memref<!tpu.dma_semaphore, #tpu.memory_space<semaphore_mem>>) {add = true}
      %mul3A_156 = arith.constant 5 : i32
      %mul3A_157 = arith.muli %mul3A_156, %scan3A_43 : i32
      %add3A_158 = arith.constant 4 : i32
      %add3A_159 = arith.addi %mul3A_157, %add3A_158 : i32
      %dma_wait3A_160 = arith.constant 0 : i32
      %dma_wait3A_161 = tpu.memref_slice %arg11[%add3A_86, %dma_wait3A_160] : memref<25x200xi32, #tpu.memory_space<vmem>> -> memref<1x200xi32, #tpu.memory_space<vmem>>
      %dma_wait3A_162 = tpu.memref_squeeze %dma_wait3A_161 : memref<1x200xi32, #tpu.memory_space<vmem>> -> memref<200xi32, #tpu.memory_space<vmem>>
      %dma_wait3A_163 = arith.constant 0 : i32
      %dma_wait3A_164 = arith.constant 0 : i32
      %dma_wait3A_165 = tpu.memref_slice %arg34[%dma_wait3A_163, %dma_wait3A_164] : memref<10000x32xf32, #tpu.memory_space<vmem_shared>> -> memref<10000x32xf32, #tpu.memory_space<vmem_shared>>
      tpu.wait_indirect_dma semaphore(%arg23 : memref<!tpu.dma_semaphore, #tpu.memory_space<semaphore_mem>>) src(%dma_wait3A_165 : memref<10000x32xf32, #tpu.memory_space<vmem_shared>>) dst(%arg18 : memref<200x32xf32, #tpu.memory_space<vmem>>)
      %dma_start3A_166 = arith.constant 0 : i32
      %dma_start3A_167 = tpu.memref_slice %arg12[%add3A_159, %dma_start3A_166] : memref<25x200xi32, #tpu.memory_space<vmem>> -> memref<1x200xi32, #tpu.memory_space<vmem>>
      %dma_start3A_168 = tpu.memref_squeeze %dma_start3A_167 : memref<1x200xi32, #tpu.memory_space<vmem>> -> memref<200xi32, #tpu.memory_space<vmem>>
      %dma_start3A_169 = arith.constant 0 : i32
      %dma_start3A_170 = arith.constant 0 : i32
      %dma_start3A_171 = tpu.memref_slice %arg35[%dma_start3A_169, %dma_start3A_170] : memref<10000x32xf32, #tpu.memory_space<vmem_shared>> -> memref<10000x32xf32, #tpu.memory_space<vmem_shared>>
      tpu.enqueue_indirect_dma source(%arg18 : memref<200x32xf32, #tpu.memory_space<vmem>>) target(%dma_start3A_171 : memref<10000x32xf32, #tpu.memory_space<vmem_shared>>) offsets(%dma_start3A_168 : memref<200xi32, #tpu.memory_space<vmem>>) semaphore(%arg28 : memref<!tpu.dma_semaphore, #tpu.memory_space<semaphore_mem>>) {add = true}
      %dma_wait3A_172 = arith.constant 0 : i32
      %dma_wait3A_173 = tpu.memref_slice %arg12[%add3A_96, %dma_wait3A_172] : memref<25x200xi32, #tpu.memory_space<vmem>> -> memref<1x200xi32, #tpu.memory_space<vmem>>
      %dma_wait3A_174 = tpu.memref_squeeze %dma_wait3A_173 : memref<1x200xi32, #tpu.memory_space<vmem>> -> memref<200xi32, #tpu.memory_space<vmem>>
      %dma_wait3A_175 = arith.constant 0 : i32
      %dma_wait3A_176 = arith.constant 0 : i32
      %dma_wait3A_177 = tpu.memref_slice %arg35[%dma_wait3A_175, %dma_wait3A_176] : memref<10000x32xf32, #tpu.memory_space<vmem_shared>> -> memref<10000x32xf32, #tpu.memory_space<vmem_shared>>
      tpu.wait_indirect_dma semaphore(%arg24 : memref<!tpu.dma_semaphore, #tpu.memory_space<semaphore_mem>>) src(%arg14 : memref<200x32xf32, #tpu.memory_space<vmem>>) dst(%dma_wait3A_177 : memref<10000x32xf32, #tpu.memory_space<vmem_shared>>)
      %dma_wait3A_178 = arith.constant 0 : i32
      %dma_wait3A_179 = tpu.memref_slice %arg12[%add3A_111, %dma_wait3A_178] : memref<25x200xi32, #tpu.memory_space<vmem>> -> memref<1x200xi32, #tpu.memory_space<vmem>>
      %dma_wait3A_180 = tpu.memref_squeeze %dma_wait3A_179 : memref<1x200xi32, #tpu.memory_space<vmem>> -> memref<200xi32, #tpu.memory_space<vmem>>
      %dma_wait3A_181 = arith.constant 0 : i32
      %dma_wait3A_182 = arith.constant 0 : i32
      %dma_wait3A_183 = tpu.memref_slice %arg35[%dma_wait3A_181, %dma_wait3A_182] : memref<10000x32xf32, #tpu.memory_space<vmem_shared>> -> memref<10000x32xf32, #tpu.memory_space<vmem_shared>>
      tpu.wait_indirect_dma semaphore(%arg25 : memref<!tpu.dma_semaphore, #tpu.memory_space<semaphore_mem>>) src(%arg15 : memref<200x32xf32, #tpu.memory_space<vmem>>) dst(%dma_wait3A_183 : memref<10000x32xf32, #tpu.memory_space<vmem_shared>>)
      %dma_wait3A_184 = arith.constant 0 : i32
      %dma_wait3A_185 = tpu.memref_slice %arg12[%add3A_127, %dma_wait3A_184] : memref<25x200xi32, #tpu.memory_space<vmem>> -> memref<1x200xi32, #tpu.memory_space<vmem>>
      %dma_wait3A_186 = tpu.memref_squeeze %dma_wait3A_185 : memref<1x200xi32, #tpu.memory_space<vmem>> -> memref<200xi32, #tpu.memory_space<vmem>>
      %dma_wait3A_187 = arith.constant 0 : i32
      %dma_wait3A_188 = arith.constant 0 : i32
      %dma_wait3A_189 = tpu.memref_slice %arg35[%dma_wait3A_187, %dma_wait3A_188] : memref<10000x32xf32, #tpu.memory_space<vmem_shared>> -> memref<10000x32xf32, #tpu.memory_space<vmem_shared>>
      tpu.wait_indirect_dma semaphore(%arg26 : memref<!tpu.dma_semaphore, #tpu.memory_space<semaphore_mem>>) src(%arg16 : memref<200x32xf32, #tpu.memory_space<vmem>>) dst(%dma_wait3A_189 : memref<10000x32xf32, #tpu.memory_space<vmem_shared>>)
      %dma_wait3A_190 = arith.constant 0 : i32
      %dma_wait3A_191 = tpu.memref_slice %arg12[%add3A_143, %dma_wait3A_190] : memref<25x200xi32, #tpu.memory_space<vmem>> -> memref<1x200xi32, #tpu.memory_space<vmem>>
      %dma_wait3A_192 = tpu.memref_squeeze %dma_wait3A_191 : memref<1x200xi32, #tpu.memory_space<vmem>> -> memref<200xi32, #tpu.memory_space<vmem>>
      %dma_wait3A_193 = arith.constant 0 : i32
      %dma_wait3A_194 = arith.constant 0 : i32
      %dma_wait3A_195 = tpu.memref_slice %arg35[%dma_wait3A_193, %dma_wait3A_194] : memref<10000x32xf32, #tpu.memory_space<vmem_shared>> -> memref<10000x32xf32, #tpu.memory_space<vmem_shared>>
      tpu.wait_indirect_dma semaphore(%arg27 : memref<!tpu.dma_semaphore, #tpu.memory_space<semaphore_mem>>) src(%arg17 : memref<200x32xf32, #tpu.memory_space<vmem>>) dst(%dma_wait3A_195 : memref<10000x32xf32, #tpu.memory_space<vmem_shared>>)
      %dma_wait3A_196 = arith.constant 0 : i32
      %dma_wait3A_197 = tpu.memref_slice %arg12[%add3A_159, %dma_wait3A_196] : memref<25x200xi32, #tpu.memory_space<vmem>> -> memref<1x200xi32, #tpu.memory_space<vmem>>
      %dma_wait3A_198 = tpu.memref_squeeze %dma_wait3A_197 : memref<1x200xi32, #tpu.memory_space<vmem>> -> memref<200xi32, #tpu.memory_space<vmem>>
      %dma_wait3A_199 = arith.constant 0 : i32
      %dma_wait3A_200 = arith.constant 0 : i32
      %dma_wait3A_201 = tpu.memref_slice %arg35[%dma_wait3A_199, %dma_wait3A_200] : memref<10000x32xf32, #tpu.memory_space<vmem_shared>> -> memref<10000x32xf32, #tpu.memory_space<vmem_shared>>
      tpu.wait_indirect_dma semaphore(%arg28 : memref<!tpu.dma_semaphore, #tpu.memory_space<semaphore_mem>>) src(%arg18 : memref<200x32xf32, #tpu.memory_space<vmem>>) dst(%dma_wait3A_201 : memref<10000x32xf32, #tpu.memory_space<vmem_shared>>)
    }
    %scan3A_37 = arith.constant 5 : i32
    %barrier3A_38 = arith.constant 0 : index
    tpu.barrier barrier_id(%barrier3A_38)
    %mul3A_39 = arith.constant 625 : i32
    %mul3A_40 = arith.muli %arg1, %mul3A_39 : i32
    %mul3A_41 = arith.constant 625 : i32
    %mul3A_42 = arith.muli %arg1, %mul3A_41 : i32
    "tpu.region"() ({
      %run_scoped3A = tpu.sem_alloc : memref<!tpu.dma_semaphore, #tpu.memory_space<semaphore_mem>>
      %dma_start3A = arith.constant 0 : i32
      %dma_start3A_43 = tpu.memref_slice %arg10[%arg0, %mul3A_42, %dma_start3A] : memref<2x10000x32xf32, #tpu.memory_space<hbm>> -> memref<1x625x32xf32, #tpu.memory_space<hbm>>
      %dma_start3A_44 = tpu.memref_squeeze %dma_start3A_43 : memref<1x625x32xf32, #tpu.memory_space<hbm>> -> memref<625x32xf32, #tpu.memory_space<hbm>>
      %dma_start3A_45 = arith.constant 0 : i32
      %dma_start3A_46 = tpu.memref_slice %arg35[%mul3A_40, %dma_start3A_45] : memref<10000x32xf32, #tpu.memory_space<vmem_shared>> -> memref<625x32xf32, #tpu.memory_space<vmem_shared>>
      tpu.enqueue_dma source(%dma_start3A_46 : memref<625x32xf32, #tpu.memory_space<vmem_shared>>) target(%dma_start3A_44 : memref<625x32xf32, #tpu.memory_space<hbm>>) target_semaphore(%run_scoped3A : memref<!tpu.dma_semaphore, #tpu.memory_space<semaphore_mem>>)
      %dma_wait3A = arith.constant 0 : i32
      %dma_wait3A_47 = tpu.memref_slice %arg10[%arg0, %mul3A_42, %dma_wait3A] : memref<2x10000x32xf32, #tpu.memory_space<hbm>> -> memref<1x625x32xf32, #tpu.memory_space<hbm>>
      %dma_wait3A_48 = tpu.memref_squeeze %dma_wait3A_47 : memref<1x625x32xf32, #tpu.memory_space<hbm>> -> memref<625x32xf32, #tpu.memory_space<hbm>>
      %dma_wait3A_49 = arith.constant 0 : i32
      %dma_wait3A_50 = tpu.memref_slice %arg35[%mul3A_40, %dma_wait3A_49] : memref<10000x32xf32, #tpu.memory_space<vmem_shared>> -> memref<625x32xf32, #tpu.memory_space<vmem_shared>>
      tpu.wait_dma2 semaphore(%run_scoped3A : memref<!tpu.dma_semaphore, #tpu.memory_space<semaphore_mem>>) src(%dma_wait3A_50 : memref<625x32xf32, #tpu.memory_space<vmem_shared>>) dst(%dma_wait3A_48 : memref<625x32xf32, #tpu.memory_space<hbm>>)
      tpu.yield
    }) : () -> ()
    return
  }
}

module attributes {stable_mosaic.version = 14 : i64} {
  func.func @body(%arg0: i32, %arg1: memref<2000x128xf32, #tpu.memory_space<vmem>>, %arg2: memref<2000x128xf32, #tpu.memory_space<vmem>>, %arg3: memref<128x32xf32, #tpu.memory_space<vmem>>, %arg4: memref<128x32xf32, #tpu.memory_space<vmem>>, %arg5: memref<128x32xf32, #tpu.memory_space<vmem>>, %arg6: memref<128x32xf32, #tpu.memory_space<vmem>>, %arg7: memref<128x32xf32, #tpu.memory_space<vmem>>, %arg8: memref<1x32xf32, #tpu.memory_space<vmem>>, %arg9: memref<1x32xf32, #tpu.memory_space<vmem>>, %arg10: memref<2000x32xf32, #tpu.memory_space<vmem>>, %arg11: memref<2000x32xf32, #tpu.memory_space<vmem>>, %arg12: memref<2000x32xf32, #tpu.memory_space<vmem>>, %arg13: memref<2000x32xf32, #tpu.memory_space<vmem>>, %arg14: memref<2000x32xf32, #tpu.memory_space<vmem>>) attributes {dimension_semantics = [#tpu.dimension_semantics<arbitrary>], iteration_bounds = array<i64: 5>, scalar_prefetch = 0 : i64, scratch_operands = 0 : i64, tpu.core_type = #tpu.core_type<tc>, window_params = [{transform_indices = @transform_0, window_bounds = array<i64: 2000, 128>}, {transform_indices = @transform_1, window_bounds = array<i64: 2000, 128>}, {pipeline_mode = #tpu.pipeline_mode<synchronous>, transform_indices = @transform_2, window_bounds = array<i64: 128, 32>}, {pipeline_mode = #tpu.pipeline_mode<synchronous>, transform_indices = @transform_3, window_bounds = array<i64: 128, 32>}, {pipeline_mode = #tpu.pipeline_mode<synchronous>, transform_indices = @transform_4, window_bounds = array<i64: 128, 32>}, {pipeline_mode = #tpu.pipeline_mode<synchronous>, transform_indices = @transform_5, window_bounds = array<i64: 128, 32>}, {pipeline_mode = #tpu.pipeline_mode<synchronous>, transform_indices = @transform_6, window_bounds = array<i64: 128, 32>}, {pipeline_mode = #tpu.pipeline_mode<synchronous>, transform_indices = @transform_7, window_bounds = array<i64: 1, 32>}, {pipeline_mode = #tpu.pipeline_mode<synchronous>, transform_indices = @transform_8, window_bounds = array<i64: 1, 32>}, {transform_indices = @transform_9, window_bounds = array<i64: 2000, 32>}, {transform_indices = @transform_10, window_bounds = array<i64: 2000, 32>}, {transform_indices = @transform_11, window_bounds = array<i64: 2000, 32>}, {transform_indices = @transform_12, window_bounds = array<i64: 2000, 32>}, {transform_indices = @transform_13, window_bounds = array<i64: 2000, 32>}]} {
    %get3A = arith.constant 0 : index
    %get3A_0 = arith.constant 0 : index
    %get3A_1 = vector.load %arg1[%get3A, %get3A_0] : memref<2000x128xf32, #tpu.memory_space<vmem>>, vector<2000x128xf32>
    %get3A_2 = arith.constant 0 : index
    %get3A_3 = arith.constant 0 : index
    %get3A_4 = vector.load %arg2[%get3A_2, %get3A_3] : memref<2000x128xf32, #tpu.memory_space<vmem>>, vector<2000x128xf32>
    %get3A_5 = arith.constant 0 : index
    %get3A_6 = arith.constant 0 : index
    %get3A_7 = vector.load %arg3[%get3A_5, %get3A_6] : memref<128x32xf32, #tpu.memory_space<vmem>>, vector<128x32xf32>
    %dot_general3A = arith.constant dense<0.000000e+00> : vector<2000x32xf32>
    %dot_general3A_8 = tpu.matmul %get3A_1, %get3A_7, %dot_general3A {dimension_numbers = #tpu.dot_dimension_numbers<[1], [0], [0], [1], [0, 0, 1, 1], [], []>, transpose_lhs_hint = false} : vector<2000x128xf32>, vector<128x32xf32>, vector<2000x32xf32> -> vector<2000x32xf32>
    %swap3A = arith.constant 0 : index
    %swap3A_9 = arith.constant 0 : index
    %swap3A_10 = vector.load %arg10[%swap3A, %swap3A_9] : memref<2000x32xf32, #tpu.memory_space<vmem>>, vector<2000x32xf32>
    tpu.vector_store %arg10[%swap3A, %swap3A_9], %dot_general3A_8 {strides = array<i32>} : memref<2000x32xf32, #tpu.memory_space<vmem>>, vector<2000x32xf32>,
    %get3A_11 = arith.constant 0 : index
    %get3A_12 = arith.constant 0 : index
    %get3A_13 = vector.load %arg4[%get3A_11, %get3A_12] : memref<128x32xf32, #tpu.memory_space<vmem>>, vector<128x32xf32>
    %dot_general3A_14 = arith.constant dense<0.000000e+00> : vector<2000x32xf32>
    %dot_general3A_15 = tpu.matmul %get3A_4, %get3A_13, %dot_general3A_14 {dimension_numbers = #tpu.dot_dimension_numbers<[1], [0], [0], [1], [0, 0, 1, 1], [], []>, transpose_lhs_hint = false} : vector<2000x128xf32>, vector<128x32xf32>, vector<2000x32xf32> -> vector<2000x32xf32>
    %swap3A_16 = arith.constant 0 : index
    %swap3A_17 = arith.constant 0 : index
    %swap3A_18 = vector.load %arg11[%swap3A_16, %swap3A_17] : memref<2000x32xf32, #tpu.memory_space<vmem>>, vector<2000x32xf32>
    tpu.vector_store %arg11[%swap3A_16, %swap3A_17], %dot_general3A_15 {strides = array<i32>} : memref<2000x32xf32, #tpu.memory_space<vmem>>, vector<2000x32xf32>,
    %get3A_19 = arith.constant 0 : index
    %get3A_20 = arith.constant 0 : index
    %get3A_21 = vector.load %arg5[%get3A_19, %get3A_20] : memref<128x32xf32, #tpu.memory_space<vmem>>, vector<128x32xf32>
    %dot_general3A_22 = arith.constant dense<0.000000e+00> : vector<2000x32xf32>
    %dot_general3A_23 = tpu.matmul %get3A_1, %get3A_21, %dot_general3A_22 {dimension_numbers = #tpu.dot_dimension_numbers<[1], [0], [0], [1], [0, 0, 1, 1], [], []>, transpose_lhs_hint = false} : vector<2000x128xf32>, vector<128x32xf32>, vector<2000x32xf32> -> vector<2000x32xf32>
    %swap3A_24 = arith.constant 0 : index
    %swap3A_25 = arith.constant 0 : index
    %swap3A_26 = vector.load %arg12[%swap3A_24, %swap3A_25] : memref<2000x32xf32, #tpu.memory_space<vmem>>, vector<2000x32xf32>
    tpu.vector_store %arg12[%swap3A_24, %swap3A_25], %dot_general3A_23 {strides = array<i32>} : memref<2000x32xf32, #tpu.memory_space<vmem>>, vector<2000x32xf32>,
    %get3A_27 = arith.constant 0 : index
    %get3A_28 = arith.constant 0 : index
    %get3A_29 = vector.load %arg6[%get3A_27, %get3A_28] : memref<128x32xf32, #tpu.memory_space<vmem>>, vector<128x32xf32>
    %dot_general3A_30 = arith.constant dense<0.000000e+00> : vector<2000x32xf32>
    %dot_general3A_31 = tpu.matmul %get3A_1, %get3A_29, %dot_general3A_30 {dimension_numbers = #tpu.dot_dimension_numbers<[1], [0], [0], [1], [0, 0, 1, 1], [], []>, transpose_lhs_hint = false} : vector<2000x128xf32>, vector<128x32xf32>, vector<2000x32xf32> -> vector<2000x32xf32>
    %get3A_32 = arith.constant 0 : index
    %get3A_33 = arith.constant 0 : index
    %get3A_34 = vector.load %arg8[%get3A_32, %get3A_33] : memref<1x32xf32, #tpu.memory_space<vmem>>, vector<1x32xf32>
    %add3A = vector.broadcast %get3A_34 : vector<1x32xf32> to vector<2000x32xf32>
    %add3A_35 = arith.addf %dot_general3A_31, %add3A : vector<2000x32xf32>
    %swap3A_36 = arith.constant 0 : index
    %swap3A_37 = arith.constant 0 : index
    %swap3A_38 = vector.load %arg13[%swap3A_36, %swap3A_37] : memref<2000x32xf32, #tpu.memory_space<vmem>>, vector<2000x32xf32>
    tpu.vector_store %arg13[%swap3A_36, %swap3A_37], %add3A_35 {strides = array<i32>} : memref<2000x32xf32, #tpu.memory_space<vmem>>, vector<2000x32xf32>,
    %get3A_39 = arith.constant 0 : index
    %get3A_40 = arith.constant 0 : index
    %get3A_41 = vector.load %arg7[%get3A_39, %get3A_40] : memref<128x32xf32, #tpu.memory_space<vmem>>, vector<128x32xf32>
    %dot_general3A_42 = arith.constant dense<0.000000e+00> : vector<2000x32xf32>
    %dot_general3A_43 = tpu.matmul %get3A_4, %get3A_41, %dot_general3A_42 {dimension_numbers = #tpu.dot_dimension_numbers<[1], [0], [0], [1], [0, 0, 1, 1], [], []>, transpose_lhs_hint = false} : vector<2000x128xf32>, vector<128x32xf32>, vector<2000x32xf32> -> vector<2000x32xf32>
    %get3A_44 = arith.constant 0 : index
    %get3A_45 = arith.constant 0 : index
    %get3A_46 = vector.load %arg9[%get3A_44, %get3A_45] : memref<1x32xf32, #tpu.memory_space<vmem>>, vector<1x32xf32>
    %add3A_47 = vector.broadcast %get3A_46 : vector<1x32xf32> to vector<2000x32xf32>
    %add3A_48 = arith.addf %dot_general3A_43, %add3A_47 : vector<2000x32xf32>
    %swap3A_49 = arith.constant 0 : index
    %swap3A_50 = arith.constant 0 : index
    %swap3A_51 = vector.load %arg14[%swap3A_49, %swap3A_50] : memref<2000x32xf32, #tpu.memory_space<vmem>>, vector<2000x32xf32>
    tpu.vector_store %arg14[%swap3A_49, %swap3A_50], %add3A_48 {strides = array<i32>} : memref<2000x32xf32, #tpu.memory_space<vmem>>, vector<2000x32xf32>,
    return
  }
  func.func @transform_0(%arg0: i32) -> (i32, i32) {
    %c0_i32 = arith.constant 0 : i32
    %c0_i32_0 = arith.constant 0 : i32
    return %arg0, %c0_i32 : i32, i32
  }
  func.func @transform_1(%arg0: i32) -> (i32, i32) {
    %c0_i32 = arith.constant 0 : i32
    %c0_i32_0 = arith.constant 0 : i32
    return %arg0, %c0_i32 : i32, i32
  }
  func.func @transform_2(%arg0: i32) -> (i32, i32) {
    %c0_i32 = arith.constant 0 : i32
    %c0_i32_0 = arith.constant 0 : i32
    %c0_i32_1 = arith.constant 0 : i32
    return %c0_i32, %c0_i32_0 : i32, i32
  }
  func.func @transform_3(%arg0: i32) -> (i32, i32) {
    %c0_i32 = arith.constant 0 : i32
    %c0_i32_0 = arith.constant 0 : i32
    %c0_i32_1 = arith.constant 0 : i32
    return %c0_i32, %c0_i32_0 : i32, i32
  }
  func.func @transform_4(%arg0: i32) -> (i32, i32) {
    %c0_i32 = arith.constant 0 : i32
    %c0_i32_0 = arith.constant 0 : i32
    %c0_i32_1 = arith.constant 0 : i32
    return %c0_i32, %c0_i32_0 : i32, i32
  }
  func.func @transform_5(%arg0: i32) -> (i32, i32) {
    %c0_i32 = arith.constant 0 : i32
    %c0_i32_0 = arith.constant 0 : i32
    %c0_i32_1 = arith.constant 0 : i32
    return %c0_i32, %c0_i32_0 : i32, i32
  }
  func.func @transform_6(%arg0: i32) -> (i32, i32) {
    %c0_i32 = arith.constant 0 : i32
    %c0_i32_0 = arith.constant 0 : i32
    %c0_i32_1 = arith.constant 0 : i32
    return %c0_i32, %c0_i32_0 : i32, i32
  }
  func.func @transform_7(%arg0: i32) -> (i32, i32) {
    %c0_i32 = arith.constant 0 : i32
    %c0_i32_0 = arith.constant 0 : i32
    %c0_i32_1 = arith.constant 0 : i32
    return %c0_i32, %c0_i32_0 : i32, i32
  }
  func.func @transform_8(%arg0: i32) -> (i32, i32) {
    %c0_i32 = arith.constant 0 : i32
    %c0_i32_0 = arith.constant 0 : i32
    %c0_i32_1 = arith.constant 0 : i32
    return %c0_i32, %c0_i32_0 : i32, i32
  }
  func.func @transform_9(%arg0: i32) -> (i32, i32) {
    %c0_i32 = arith.constant 0 : i32
    %c0_i32_0 = arith.constant 0 : i32
    return %arg0, %c0_i32 : i32, i32
  }
  func.func @transform_10(%arg0: i32) -> (i32, i32) {
    %c0_i32 = arith.constant 0 : i32
    %c0_i32_0 = arith.constant 0 : i32
    return %arg0, %c0_i32 : i32, i32
  }
  func.func @transform_11(%arg0: i32) -> (i32, i32) {
    %c0_i32 = arith.constant 0 : i32
    %c0_i32_0 = arith.constant 0 : i32
    return %arg0, %c0_i32 : i32, i32
  }
  func.func @transform_12(%arg0: i32) -> (i32, i32) {
    %c0_i32 = arith.constant 0 : i32
    %c0_i32_0 = arith.constant 0 : i32
    return %arg0, %c0_i32 : i32, i32
  }
  func.func @transform_13(%arg0: i32) -> (i32, i32) {
    %c0_i32 = arith.constant 0 : i32
    %c0_i32_0 = arith.constant 0 : i32
    return %arg0, %c0_i32 : i32, i32
  }
}

module attributes {stable_mosaic.version = 14 : i64} {
  func.func @body(%arg0: i32, %arg1: memref<2x2000x32xf32, #tpu.memory_space<vmem>>, %arg2: memref<2x2000x32xf32, #tpu.memory_space<vmem>>, %arg3: memref<2x2000x32xf32, #tpu.memory_space<vmem>>, %arg4: memref<2x2000x16xf32, #tpu.memory_space<vmem>>, %arg5: memref<2x2000x16xf32, #tpu.memory_space<vmem>>, %arg6: memref<2x2000x16xf32, #tpu.memory_space<vmem>>, %arg7: memref<2000x32xf32, #tpu.memory_space<vmem>>, %arg8: memref<2000x32xf32, #tpu.memory_space<vmem>>, %arg9: memref<32x32xf32, #tpu.memory_space<vmem>>, %arg10: memref<32x32xf32, #tpu.memory_space<vmem>>, %arg11: memref<32x32xf32, #tpu.memory_space<vmem>>, %arg12: memref<1x32xf32, #tpu.memory_space<vmem>>, %arg13: memref<2000x32xf32, #tpu.memory_space<vmem>>, %arg14: memref<2000x32xf32, #tpu.memory_space<vmem>>, %arg15: memref<2000x32xf32, #tpu.memory_space<vmem>>) attributes {dimension_semantics = [#tpu.dimension_semantics<arbitrary>], iteration_bounds = array<i64: 5>, scalar_prefetch = 0 : i64, scratch_operands = 0 : i64, tpu.core_type = #tpu.core_type<tc>, window_params = [{transform_indices = @transform_0, window_bounds = array<i64: 2, 2000, 32>}, {transform_indices = @transform_1, window_bounds = array<i64: 2, 2000, 32>}, {transform_indices = @transform_2, window_bounds = array<i64: 2, 2000, 32>}, {transform_indices = @transform_3, window_bounds = array<i64: 2, 2000, 16>}, {transform_indices = @transform_4, window_bounds = array<i64: 2, 2000, 16>}, {transform_indices = @transform_5, window_bounds = array<i64: 2, 2000, 16>}, {transform_indices = @transform_6, window_bounds = array<i64: 2000, 32>}, {transform_indices = @transform_7, window_bounds = array<i64: 2000, 32>}, {pipeline_mode = #tpu.pipeline_mode<synchronous>, transform_indices = @transform_8, window_bounds = array<i64: 32, 32>}, {pipeline_mode = #tpu.pipeline_mode<synchronous>, transform_indices = @transform_9, window_bounds = array<i64: 32, 32>}, {pipeline_mode = #tpu.pipeline_mode<synchronous>, transform_indices = @transform_10, window_bounds = array<i64: 32, 32>}, {pipeline_mode = #tpu.pipeline_mode<synchronous>, transform_indices = @transform_11, window_bounds = array<i64: 1, 32>}, {transform_indices = @transform_12, window_bounds = array<i64: 2000, 32>}, {transform_indices = @transform_13, window_bounds = array<i64: 2000, 32>}, {transform_indices = @transform_14, window_bounds = array<i64: 2000, 32>}]} {
    %get3A = arith.constant 0 : index
    %get3A_0 = arith.constant 0 : index
    %get3A_1 = arith.constant 0 : index
    %get3A_2 = vector.load %arg4[%get3A, %get3A_0, %get3A_1] : memref<2x2000x16xf32, #tpu.memory_space<vmem>>, vector<1x2000x1xf32>
    %get3A_3 = vector.shape_cast %get3A_2 : vector<1x2000x1xf32> to vector<2000x1xf32>
    %get3A_4 = arith.constant 1 : index
    %get3A_5 = arith.constant 0 : index
    %get3A_6 = arith.constant 0 : index
    %get3A_7 = vector.load %arg4[%get3A_4, %get3A_5, %get3A_6] : memref<2x2000x16xf32, #tpu.memory_space<vmem>>, vector<1x2000x1xf32>
    %get3A_8 = vector.shape_cast %get3A_7 : vector<1x2000x1xf32> to vector<2000x1xf32>
    %add3A = arith.addf %get3A_3, %get3A_8 : vector<2000x1xf32>
    %max3A = arith.constant 1.000000e+00 : f32
    %max3A_9 = vector.broadcast %max3A : f32 to vector<2000x1xf32>
    %max3A_10 = arith.maximumf %add3A, %max3A_9 : vector<2000x1xf32>
    %div3A = arith.constant 1.000000e+00 : f32
    %div3A_11 = vector.broadcast %div3A : f32 to vector<2000x1xf32>
    %div3A_12 = arith.divf %div3A_11, %max3A_10 : vector<2000x1xf32>
    %get3A_13 = arith.constant 0 : index
    %get3A_14 = arith.constant 0 : index
    %get3A_15 = arith.constant 0 : index
    %get3A_16 = vector.load %arg5[%get3A_13, %get3A_14, %get3A_15] : memref<2x2000x16xf32, #tpu.memory_space<vmem>>, vector<1x2000x1xf32>
    %get3A_17 = vector.shape_cast %get3A_16 : vector<1x2000x1xf32> to vector<2000x1xf32>
    %get3A_18 = arith.constant 1 : index
    %get3A_19 = arith.constant 0 : index
    %get3A_20 = arith.constant 0 : index
    %get3A_21 = vector.load %arg5[%get3A_18, %get3A_19, %get3A_20] : memref<2x2000x16xf32, #tpu.memory_space<vmem>>, vector<1x2000x1xf32>
    %get3A_22 = vector.shape_cast %get3A_21 : vector<1x2000x1xf32> to vector<2000x1xf32>
    %add3A_23 = arith.addf %get3A_17, %get3A_22 : vector<2000x1xf32>
    %max3A_24 = arith.constant 1.000000e+00 : f32
    %max3A_25 = vector.broadcast %max3A_24 : f32 to vector<2000x1xf32>
    %max3A_26 = arith.maximumf %add3A_23, %max3A_25 : vector<2000x1xf32>
    %div3A_27 = arith.constant 1.000000e+00 : f32
    %div3A_28 = vector.broadcast %div3A_27 : f32 to vector<2000x1xf32>
    %div3A_29 = arith.divf %div3A_28, %max3A_26 : vector<2000x1xf32>
    %get3A_30 = arith.constant 0 : index
    %get3A_31 = arith.constant 0 : index
    %get3A_32 = arith.constant 0 : index
    %get3A_33 = vector.load %arg6[%get3A_30, %get3A_31, %get3A_32] : memref<2x2000x16xf32, #tpu.memory_space<vmem>>, vector<1x2000x1xf32>
    %get3A_34 = vector.shape_cast %get3A_33 : vector<1x2000x1xf32> to vector<2000x1xf32>
    %get3A_35 = arith.constant 1 : index
    %get3A_36 = arith.constant 0 : index
    %get3A_37 = arith.constant 0 : index
    %get3A_38 = vector.load %arg6[%get3A_35, %get3A_36, %get3A_37] : memref<2x2000x16xf32, #tpu.memory_space<vmem>>, vector<1x2000x1xf32>
    %get3A_39 = vector.shape_cast %get3A_38 : vector<1x2000x1xf32> to vector<2000x1xf32>
    %add3A_40 = arith.addf %get3A_34, %get3A_39 : vector<2000x1xf32>
    %max3A_41 = arith.constant 1.000000e+00 : f32
    %max3A_42 = vector.broadcast %max3A_41 : f32 to vector<2000x1xf32>
    %max3A_43 = arith.maximumf %add3A_40, %max3A_42 : vector<2000x1xf32>
    %div3A_44 = arith.constant 1.000000e+00 : f32
    %div3A_45 = vector.broadcast %div3A_44 : f32 to vector<2000x1xf32>
    %div3A_46 = arith.divf %div3A_45, %max3A_43 : vector<2000x1xf32>
    %get3A_47 = arith.constant 0 : index
    %get3A_48 = arith.constant 0 : index
    %get3A_49 = arith.constant 0 : index
    %get3A_50 = vector.load %arg1[%get3A_47, %get3A_48, %get3A_49] : memref<2x2000x32xf32, #tpu.memory_space<vmem>>, vector<1x2000x32xf32>
    %get3A_51 = vector.shape_cast %get3A_50 : vector<1x2000x32xf32> to vector<2000x32xf32>
    %get3A_52 = arith.constant 1 : index
    %get3A_53 = arith.constant 0 : index
    %get3A_54 = arith.constant 0 : index
    %get3A_55 = vector.load %arg1[%get3A_52, %get3A_53, %get3A_54] : memref<2x2000x32xf32, #tpu.memory_space<vmem>>, vector<1x2000x32xf32>
    %get3A_56 = vector.shape_cast %get3A_55 : vector<1x2000x32xf32> to vector<2000x32xf32>
    %add3A_57 = arith.addf %get3A_51, %get3A_56 : vector<2000x32xf32>
    %mul3A = vector.broadcast %div3A_12 : vector<2000x1xf32> to vector<2000x32xf32>
    %mul3A_58 = arith.mulf %add3A_57, %mul3A : vector<2000x32xf32>
    %get3A_59 = arith.constant 0 : index
    %get3A_60 = arith.constant 0 : index
    %get3A_61 = arith.constant 0 : index
    %get3A_62 = vector.load %arg2[%get3A_59, %get3A_60, %get3A_61] : memref<2x2000x32xf32, #tpu.memory_space<vmem>>, vector<1x2000x32xf32>
    %get3A_63 = vector.shape_cast %get3A_62 : vector<1x2000x32xf32> to vector<2000x32xf32>
    %get3A_64 = arith.constant 1 : index
    %get3A_65 = arith.constant 0 : index
    %get3A_66 = arith.constant 0 : index
    %get3A_67 = vector.load %arg2[%get3A_64, %get3A_65, %get3A_66] : memref<2x2000x32xf32, #tpu.memory_space<vmem>>, vector<1x2000x32xf32>
    %get3A_68 = vector.shape_cast %get3A_67 : vector<1x2000x32xf32> to vector<2000x32xf32>
    %add3A_69 = arith.addf %get3A_63, %get3A_68 : vector<2000x32xf32>
    %mul3A_70 = vector.broadcast %div3A_29 : vector<2000x1xf32> to vector<2000x32xf32>
    %mul3A_71 = arith.mulf %add3A_69, %mul3A_70 : vector<2000x32xf32>
    %add3A_72 = arith.addf %mul3A_58, %mul3A_71 : vector<2000x32xf32>
    %get3A_73 = arith.constant 0 : index
    %get3A_74 = arith.constant 0 : index
    %get3A_75 = vector.load %arg7[%get3A_73, %get3A_74] : memref<2000x32xf32, #tpu.memory_space<vmem>>, vector<2000x32xf32>
    %add3A_76 = arith.addf %add3A_72, %get3A_75 : vector<2000x32xf32>
    %max3A_77 = arith.constant 0.000000e+00 : f32
    %max3A_78 = vector.broadcast %max3A_77 : f32 to vector<2000x32xf32>
    %max3A_79 = arith.maximumf %add3A_76, %max3A_78 : vector<2000x32xf32>
    %get3A_80 = arith.constant 0 : index
    %get3A_81 = arith.constant 0 : index
    %get3A_82 = arith.constant 0 : index
    %get3A_83 = vector.load %arg3[%get3A_80, %get3A_81, %get3A_82] : memref<2x2000x32xf32, #tpu.memory_space<vmem>>, vector<1x2000x32xf32>
    %get3A_84 = vector.shape_cast %get3A_83 : vector<1x2000x32xf32> to vector<2000x32xf32>
    %get3A_85 = arith.constant 1 : index
    %get3A_86 = arith.constant 0 : index
    %get3A_87 = arith.constant 0 : index
    %get3A_88 = vector.load %arg3[%get3A_85, %get3A_86, %get3A_87] : memref<2x2000x32xf32, #tpu.memory_space<vmem>>, vector<1x2000x32xf32>
    %get3A_89 = vector.shape_cast %get3A_88 : vector<1x2000x32xf32> to vector<2000x32xf32>
    %add3A_90 = arith.addf %get3A_84, %get3A_89 : vector<2000x32xf32>
    %mul3A_91 = vector.broadcast %div3A_46 : vector<2000x1xf32> to vector<2000x32xf32>
    %mul3A_92 = arith.mulf %add3A_90, %mul3A_91 : vector<2000x32xf32>
    %get3A_93 = arith.constant 0 : index
    %get3A_94 = arith.constant 0 : index
    %get3A_95 = vector.load %arg8[%get3A_93, %get3A_94] : memref<2000x32xf32, #tpu.memory_space<vmem>>, vector<2000x32xf32>
    %add3A_96 = arith.addf %mul3A_92, %get3A_95 : vector<2000x32xf32>
    %max3A_97 = arith.constant 0.000000e+00 : f32
    %max3A_98 = vector.broadcast %max3A_97 : f32 to vector<2000x32xf32>
    %max3A_99 = arith.maximumf %add3A_96, %max3A_98 : vector<2000x32xf32>
    %get3A_100 = arith.constant 0 : index
    %get3A_101 = arith.constant 0 : index
    %get3A_102 = vector.load %arg9[%get3A_100, %get3A_101] : memref<32x32xf32, #tpu.memory_space<vmem>>, vector<32x32xf32>
    %dot_general3A = arith.constant dense<0.000000e+00> : vector<2000x32xf32>
    %dot_general3A_103 = tpu.matmul %max3A_79, %get3A_102, %dot_general3A {dimension_numbers = #tpu.dot_dimension_numbers<[1], [0], [0], [1], [0, 0, 1, 1], [], []>, transpose_lhs_hint = false} : vector<2000x32xf32>, vector<32x32xf32>, vector<2000x32xf32> -> vector<2000x32xf32>
    %swap3A = arith.constant 0 : index
    %swap3A_104 = arith.constant 0 : index
    %swap3A_105 = vector.load %arg13[%swap3A, %swap3A_104] : memref<2000x32xf32, #tpu.memory_space<vmem>>, vector<2000x32xf32>
    tpu.vector_store %arg13[%swap3A, %swap3A_104], %dot_general3A_103 {strides = array<i32>} : memref<2000x32xf32, #tpu.memory_space<vmem>>, vector<2000x32xf32>,
    %get3A_106 = arith.constant 0 : index
    %get3A_107 = arith.constant 0 : index
    %get3A_108 = vector.load %arg10[%get3A_106, %get3A_107] : memref<32x32xf32, #tpu.memory_space<vmem>>, vector<32x32xf32>
    %dot_general3A_109 = arith.constant dense<0.000000e+00> : vector<2000x32xf32>
    %dot_general3A_110 = tpu.matmul %max3A_99, %get3A_108, %dot_general3A_109 {dimension_numbers = #tpu.dot_dimension_numbers<[1], [0], [0], [1], [0, 0, 1, 1], [], []>, transpose_lhs_hint = false} : vector<2000x32xf32>, vector<32x32xf32>, vector<2000x32xf32> -> vector<2000x32xf32>
    %swap3A_111 = arith.constant 0 : index
    %swap3A_112 = arith.constant 0 : index
    %swap3A_113 = vector.load %arg14[%swap3A_111, %swap3A_112] : memref<2000x32xf32, #tpu.memory_space<vmem>>, vector<2000x32xf32>
    tpu.vector_store %arg14[%swap3A_111, %swap3A_112], %dot_general3A_110 {strides = array<i32>} : memref<2000x32xf32, #tpu.memory_space<vmem>>, vector<2000x32xf32>,
    %get3A_114 = arith.constant 0 : index
    %get3A_115 = arith.constant 0 : index
    %get3A_116 = vector.load %arg11[%get3A_114, %get3A_115] : memref<32x32xf32, #tpu.memory_space<vmem>>, vector<32x32xf32>
    %dot_general3A_117 = arith.constant dense<0.000000e+00> : vector<2000x32xf32>
    %dot_general3A_118 = tpu.matmul %max3A_79, %get3A_116, %dot_general3A_117 {dimension_numbers = #tpu.dot_dimension_numbers<[1], [0], [0], [1], [0, 0, 1, 1], [], []>, transpose_lhs_hint = false} : vector<2000x32xf32>, vector<32x32xf32>, vector<2000x32xf32> -> vector<2000x32xf32>
    %get3A_119 = arith.constant 0 : index
    %get3A_120 = arith.constant 0 : index
    %get3A_121 = vector.load %arg12[%get3A_119, %get3A_120] : memref<1x32xf32, #tpu.memory_space<vmem>>, vector<1x32xf32>
    %add3A_122 = vector.broadcast %get3A_121 : vector<1x32xf32> to vector<2000x32xf32>
    %add3A_123 = arith.addf %dot_general3A_118, %add3A_122 : vector<2000x32xf32>
    %swap3A_124 = arith.constant 0 : index
    %swap3A_125 = arith.constant 0 : index
    %swap3A_126 = vector.load %arg15[%swap3A_124, %swap3A_125] : memref<2000x32xf32, #tpu.memory_space<vmem>>, vector<2000x32xf32>
    tpu.vector_store %arg15[%swap3A_124, %swap3A_125], %add3A_123 {strides = array<i32>} : memref<2000x32xf32, #tpu.memory_space<vmem>>, vector<2000x32xf32>,
    return
  }
  func.func @transform_0(%arg0: i32) -> (i32, i32, i32) {
    %c0_i32 = arith.constant 0 : i32
    %c0_i32_0 = arith.constant 0 : i32
    %c0_i32_1 = arith.constant 0 : i32
    return %c0_i32, %arg0, %c0_i32_0 : i32, i32, i32
  }
  func.func @transform_1(%arg0: i32) -> (i32, i32, i32) {
    %c0_i32 = arith.constant 0 : i32
    %c0_i32_0 = arith.constant 0 : i32
    %c0_i32_1 = arith.constant 0 : i32
    return %c0_i32, %arg0, %c0_i32_0 : i32, i32, i32
  }
  func.func @transform_2(%arg0: i32) -> (i32, i32, i32) {
    %c0_i32 = arith.constant 0 : i32
    %c0_i32_0 = arith.constant 0 : i32
    %c0_i32_1 = arith.constant 0 : i32
    return %c0_i32, %arg0, %c0_i32_0 : i32, i32, i32
  }
  func.func @transform_3(%arg0: i32) -> (i32, i32, i32) {
    %c0_i32 = arith.constant 0 : i32
    %c0_i32_0 = arith.constant 0 : i32
    %c0_i32_1 = arith.constant 0 : i32
    return %c0_i32, %arg0, %c0_i32_0 : i32, i32, i32
  }
  func.func @transform_4(%arg0: i32) -> (i32, i32, i32) {
    %c0_i32 = arith.constant 0 : i32
    %c0_i32_0 = arith.constant 0 : i32
    %c0_i32_1 = arith.constant 0 : i32
    return %c0_i32, %arg0, %c0_i32_0 : i32, i32, i32
  }
  func.func @transform_5(%arg0: i32) -> (i32, i32, i32) {
    %c0_i32 = arith.constant 0 : i32
    %c0_i32_0 = arith.constant 0 : i32
    %c0_i32_1 = arith.constant 0 : i32
    return %c0_i32, %arg0, %c0_i32_0 : i32, i32, i32
  }
  func.func @transform_6(%arg0: i32) -> (i32, i32) {
    %c0_i32 = arith.constant 0 : i32
    %c0_i32_0 = arith.constant 0 : i32
    return %arg0, %c0_i32 : i32, i32
  }
  func.func @transform_7(%arg0: i32) -> (i32, i32) {
    %c0_i32 = arith.constant 0 : i32
    %c0_i32_0 = arith.constant 0 : i32
    return %arg0, %c0_i32 : i32, i32
  }
  func.func @transform_8(%arg0: i32) -> (i32, i32) {
    %c0_i32 = arith.constant 0 : i32
    %c0_i32_0 = arith.constant 0 : i32
    %c0_i32_1 = arith.constant 0 : i32
    return %c0_i32, %c0_i32_0 : i32, i32
  }
  func.func @transform_9(%arg0: i32) -> (i32, i32) {
    %c0_i32 = arith.constant 0 : i32
    %c0_i32_0 = arith.constant 0 : i32
    %c0_i32_1 = arith.constant 0 : i32
    return %c0_i32, %c0_i32_0 : i32, i32
  }
  func.func @transform_10(%arg0: i32) -> (i32, i32) {
    %c0_i32 = arith.constant 0 : i32
    %c0_i32_0 = arith.constant 0 : i32
    %c0_i32_1 = arith.constant 0 : i32
    return %c0_i32, %c0_i32_0 : i32, i32
  }
  func.func @transform_11(%arg0: i32) -> (i32, i32) {
    %c0_i32 = arith.constant 0 : i32
    %c0_i32_0 = arith.constant 0 : i32
    %c0_i32_1 = arith.constant 0 : i32
    return %c0_i32, %c0_i32_0 : i32, i32
  }
  func.func @transform_12(%arg0: i32) -> (i32, i32) {
    %c0_i32 = arith.constant 0 : i32
    %c0_i32_0 = arith.constant 0 : i32
    return %arg0, %c0_i32 : i32, i32
  }
  func.func @transform_13(%arg0: i32) -> (i32, i32) {
    %c0_i32 = arith.constant 0 : i32
    %c0_i32_0 = arith.constant 0 : i32
    return %arg0, %c0_i32 : i32, i32
  }
  func.func @transform_14(%arg0: i32) -> (i32, i32) {
    %c0_i32 = arith.constant 0 : i32
    %c0_i32_0 = arith.constant 0 : i32
    return %arg0, %c0_i32 : i32, i32
  }
}

module attributes {stable_mosaic.version = 14 : i64} {
  func.func @body(%arg0: i32, %arg1: memref<2x2000x32xf32, #tpu.memory_space<vmem>>, %arg2: memref<2x2000x32xf32, #tpu.memory_space<vmem>>, %arg3: memref<2x2000x16xf32, #tpu.memory_space<vmem>>, %arg4: memref<2x2000x16xf32, #tpu.memory_space<vmem>>, %arg5: memref<2000x32xf32, #tpu.memory_space<vmem>>, %arg6: memref<2000x32xf32, #tpu.memory_space<vmem>>) attributes {dimension_semantics = [#tpu.dimension_semantics<arbitrary>], iteration_bounds = array<i64: 5>, scalar_prefetch = 0 : i64, scratch_operands = 0 : i64, tpu.core_type = #tpu.core_type<tc>, window_params = [{transform_indices = @transform_0, window_bounds = array<i64: 2, 2000, 32>}, {transform_indices = @transform_1, window_bounds = array<i64: 2, 2000, 32>}, {transform_indices = @transform_2, window_bounds = array<i64: 2, 2000, 16>}, {transform_indices = @transform_3, window_bounds = array<i64: 2, 2000, 16>}, {transform_indices = @transform_4, window_bounds = array<i64: 2000, 32>}, {transform_indices = @transform_5, window_bounds = array<i64: 2000, 32>}]} {
    %get3A = arith.constant 0 : index
    %get3A_0 = arith.constant 0 : index
    %get3A_1 = arith.constant 0 : index
    %get3A_2 = vector.load %arg3[%get3A, %get3A_0, %get3A_1] : memref<2x2000x16xf32, #tpu.memory_space<vmem>>, vector<1x2000x1xf32>
    %get3A_3 = vector.shape_cast %get3A_2 : vector<1x2000x1xf32> to vector<2000x1xf32>
    %get3A_4 = arith.constant 1 : index
    %get3A_5 = arith.constant 0 : index
    %get3A_6 = arith.constant 0 : index
    %get3A_7 = vector.load %arg3[%get3A_4, %get3A_5, %get3A_6] : memref<2x2000x16xf32, #tpu.memory_space<vmem>>, vector<1x2000x1xf32>
    %get3A_8 = vector.shape_cast %get3A_7 : vector<1x2000x1xf32> to vector<2000x1xf32>
    %add3A = arith.addf %get3A_3, %get3A_8 : vector<2000x1xf32>
    %max3A = arith.constant 1.000000e+00 : f32
    %max3A_9 = vector.broadcast %max3A : f32 to vector<2000x1xf32>
    %max3A_10 = arith.maximumf %add3A, %max3A_9 : vector<2000x1xf32>
    %div3A = arith.constant 1.000000e+00 : f32
    %div3A_11 = vector.broadcast %div3A : f32 to vector<2000x1xf32>
    %div3A_12 = arith.divf %div3A_11, %max3A_10 : vector<2000x1xf32>
    %get3A_13 = arith.constant 0 : index
    %get3A_14 = arith.constant 0 : index
    %get3A_15 = arith.constant 0 : index
    %get3A_16 = vector.load %arg4[%get3A_13, %get3A_14, %get3A_15] : memref<2x2000x16xf32, #tpu.memory_space<vmem>>, vector<1x2000x1xf32>
    %get3A_17 = vector.shape_cast %get3A_16 : vector<1x2000x1xf32> to vector<2000x1xf32>
    %get3A_18 = arith.constant 1 : index
    %get3A_19 = arith.constant 0 : index
    %get3A_20 = arith.constant 0 : index
    %get3A_21 = vector.load %arg4[%get3A_18, %get3A_19, %get3A_20] : memref<2x2000x16xf32, #tpu.memory_space<vmem>>, vector<1x2000x1xf32>
    %get3A_22 = vector.shape_cast %get3A_21 : vector<1x2000x1xf32> to vector<2000x1xf32>
    %add3A_23 = arith.addf %get3A_17, %get3A_22 : vector<2000x1xf32>
    %max3A_24 = arith.constant 1.000000e+00 : f32
    %max3A_25 = vector.broadcast %max3A_24 : f32 to vector<2000x1xf32>
    %max3A_26 = arith.maximumf %add3A_23, %max3A_25 : vector<2000x1xf32>
    %div3A_27 = arith.constant 1.000000e+00 : f32
    %div3A_28 = vector.broadcast %div3A_27 : f32 to vector<2000x1xf32>
    %div3A_29 = arith.divf %div3A_28, %max3A_26 : vector<2000x1xf32>
    %get3A_30 = arith.constant 0 : index
    %get3A_31 = arith.constant 0 : index
    %get3A_32 = arith.constant 0 : index
    %get3A_33 = vector.load %arg1[%get3A_30, %get3A_31, %get3A_32] : memref<2x2000x32xf32, #tpu.memory_space<vmem>>, vector<1x2000x32xf32>
    %get3A_34 = vector.shape_cast %get3A_33 : vector<1x2000x32xf32> to vector<2000x32xf32>
    %get3A_35 = arith.constant 1 : index
    %get3A_36 = arith.constant 0 : index
    %get3A_37 = arith.constant 0 : index
    %get3A_38 = vector.load %arg1[%get3A_35, %get3A_36, %get3A_37] : memref<2x2000x32xf32, #tpu.memory_space<vmem>>, vector<1x2000x32xf32>
    %get3A_39 = vector.shape_cast %get3A_38 : vector<1x2000x32xf32> to vector<2000x32xf32>
    %add3A_40 = arith.addf %get3A_34, %get3A_39 : vector<2000x32xf32>
    %mul3A = vector.broadcast %div3A_12 : vector<2000x1xf32> to vector<2000x32xf32>
    %mul3A_41 = arith.mulf %add3A_40, %mul3A : vector<2000x32xf32>
    %get3A_42 = arith.constant 0 : index
    %get3A_43 = arith.constant 0 : index
    %get3A_44 = arith.constant 0 : index
    %get3A_45 = vector.load %arg2[%get3A_42, %get3A_43, %get3A_44] : memref<2x2000x32xf32, #tpu.memory_space<vmem>>, vector<1x2000x32xf32>
    %get3A_46 = vector.shape_cast %get3A_45 : vector<1x2000x32xf32> to vector<2000x32xf32>
    %get3A_47 = arith.constant 1 : index
    %get3A_48 = arith.constant 0 : index
    %get3A_49 = arith.constant 0 : index
    %get3A_50 = vector.load %arg2[%get3A_47, %get3A_48, %get3A_49] : memref<2x2000x32xf32, #tpu.memory_space<vmem>>, vector<1x2000x32xf32>
    %get3A_51 = vector.shape_cast %get3A_50 : vector<1x2000x32xf32> to vector<2000x32xf32>
    %add3A_52 = arith.addf %get3A_46, %get3A_51 : vector<2000x32xf32>
    %mul3A_53 = vector.broadcast %div3A_29 : vector<2000x1xf32> to vector<2000x32xf32>
    %mul3A_54 = arith.mulf %add3A_52, %mul3A_53 : vector<2000x32xf32>
    %add3A_55 = arith.addf %mul3A_41, %mul3A_54 : vector<2000x32xf32>
    %get3A_56 = arith.constant 0 : index
    %get3A_57 = arith.constant 0 : index
    %get3A_58 = vector.load %arg5[%get3A_56, %get3A_57] : memref<2000x32xf32, #tpu.memory_space<vmem>>, vector<2000x32xf32>
    %add3A_59 = arith.addf %add3A_55, %get3A_58 : vector<2000x32xf32>
    %swap3A = arith.constant 0 : index
    %swap3A_60 = arith.constant 0 : index
    %swap3A_61 = vector.load %arg6[%swap3A, %swap3A_60] : memref<2000x32xf32, #tpu.memory_space<vmem>>, vector<2000x32xf32>
    tpu.vector_store %arg6[%swap3A, %swap3A_60], %add3A_59 {strides = array<i32>} : memref<2000x32xf32, #tpu.memory_space<vmem>>, vector<2000x32xf32>,
    return
  }
  func.func @transform_0(%arg0: i32) -> (i32, i32, i32) {
    %c0_i32 = arith.constant 0 : i32
    %c0_i32_0 = arith.constant 0 : i32
    %c0_i32_1 = arith.constant 0 : i32
    return %c0_i32, %arg0, %c0_i32_0 : i32, i32, i32
  }
  func.func @transform_1(%arg0: i32) -> (i32, i32, i32) {
    %c0_i32 = arith.constant 0 : i32
    %c0_i32_0 = arith.constant 0 : i32
    %c0_i32_1 = arith.constant 0 : i32
    return %c0_i32, %arg0, %c0_i32_0 : i32, i32, i32
  }
  func.func @transform_2(%arg0: i32) -> (i32, i32, i32) {
    %c0_i32 = arith.constant 0 : i32
    %c0_i32_0 = arith.constant 0 : i32
    %c0_i32_1 = arith.constant 0 : i32
    return %c0_i32, %arg0, %c0_i32_0 : i32, i32, i32
  }
  func.func @transform_3(%arg0: i32) -> (i32, i32, i32) {
    %c0_i32 = arith.constant 0 : i32
    %c0_i32_0 = arith.constant 0 : i32
    %c0_i32_1 = arith.constant 0 : i32
    return %c0_i32, %arg0, %c0_i32_0 : i32, i32, i32
  }
  func.func @transform_4(%arg0: i32) -> (i32, i32) {
    %c0_i32 = arith.constant 0 : i32
    %c0_i32_0 = arith.constant 0 : i32
    return %arg0, %c0_i32 : i32, i32
  }
  func.func @transform_5(%arg0: i32) -> (i32, i32) {
    %c0_i32 = arith.constant 0 : i32
    %c0_i32_0 = arith.constant 0 : i32
    return %arg0, %c0_i32 : i32, i32
  }
}

</mosaic_0001>

<sc_bundles>
// kernel: sc_segsum2.3.cloned.1.call-start
scs
__scs_entry_jumppad:
0x0: {  	(pc) =	sbr.rel $0x88, $3  }
0x1: {  	(tag) =	ssettag $0x0;
	lr =	simm.s32 $0x1  }
0x2: {  	[smem:$0x3F8D] =	sst lr;
	_ =	strace $0xD0000000  }
0x3: {  	_ = 	snop  }
0x4: {  	_ = 	snop  }
0x5: {  	_ = 	snop  }
0x6: {  	_ = 	snop  }
0x7: {  	_ = 	snop  }
__scs_overlays_trampoline_lowered:
0x8: {  	[smem:$0x3F9C] =	sst s0  }
0x9: {  	[smem:$0x3F9D] =	sst s1  }
0xa: {  	[smem:$0x3F9E] =	sst s2  }
0xb: {  	[smem:$0x3F9F] =	sst s3  }
0xc: {  	[smem:$0x3FA0] =	sst s4  }
0xd: {  	[smem:$0x3FA1] =	sst s5  }
0xe: {  	[smem:$0x3FA2] =	sst s6  }
0xf: {  	[smem:$0x3FA3] =	sst s7  }
0x10: {  	[smem:$0x3FA4] =	sst s8  }
0x11: {  	[smem:$0x3FA5] =	sst s9;
	s0 =	simm.s32 @!p0 $0x0  }
0x12: {  	s1 =	sld [smem:$0x3F8B];
	s0 =	simm.s32 @p0 $0x1  }
0x13: {  	[smem:$0x3FA6] =	sst s0;
	s0 =	simm.s32 @!p1 $0x0  }
0x14: {  	s2 =	sld [smem:$0x3F8A];
	s0 =	simm.s32 @p1 $0x1  }
0x15: {  	[smem:$0x3FA7] =	sst s0;
	s0 =	simm.s32 @!p2 $0x0  }
0x16: {  	s3 =	sld [smem:$0x3FDB];
	s0 =	simm.s32 @p2 $0x1  }
0x17: {  	s4 =	simm.s32 $0x1BF5;
	[smem:$0x3FA9] =	sst s0  }
0x18: {  	s0 =	sld [smem:$0x3F8C];
	_ =	swait.ge [sflag:s4], $0x0  }
0x19: {  	s7 =	sld [smem:$0x3F8D]  }
0x1a: {  	s8 =	sadd.s32 $0xFFFFE003, lr  }
0x1b: {  	s9 =	sadd.s32 $0xFFFFFEF7, lr;
	s5 =	simm.s32 $0xFFFFFFFF;
	p2 =	slt.u32 s8, $0xFFFFF086  }
0x1c: {  	p1 =	slt.u32 s9, $0xF7A;
	s5 =	simm.s32 @!p2 $0x0  }
0x1d: {  	s5 =	simm.s32 @p1 $0x1;
	p0 =	seq.s32 s7, s2  }
0x1e: {  	s7 =	smul.u32 @!p0 $0xF7A, s2;
	p2 =	seq.s32 @!p0 s5, $0x0  }
0x1f: {  	s9 =	smul.u32 $0xF7A, s1;
	s8 =	simm.s32 @!p0 $0x1BF5;
	p2 =	por !p2, p0  }
0x20: {  	[sflag:s8] =	ssyncset.s32 @!p0 $0xFFFFF086;
	s6 =	sadd.s32 @!p0 s3, s7;
	s7 =	simm.s32 @!p0 $0x108  }
0x21: {  	s3 =	sadd.s32 s3, s9;
	s6 =	sadd.s32 @!p0 $0x88, s6;
	s7 =	simm.s32 @p2 $0x1082  }
0x22: {  	[simem:s7], [sflag:s8] =	dma.local @!p0 [hbm:s6], $0xF7A  }
0x23: {  	s9 =	sor.u32 $0xD0000000, s2;
	s6 =	simm.s32 $0x108;
	_ =	swait.ge @!p0 [sflag:s8], $0x0  }
0x24: {  	s3 =	sadd.s32 $0x88, s3;
	s6 =	simm.s32 @!p1 $0x1082;
	[sflag:s4] =	ssyncset.s32 $0xFFFFF086  }
0x25: {  	[simem:s6], [sflag:s4] =	dma.local [hbm:s3], $0xF7A  }
0x26: {  	[smem:$0x3F8D] =	sst s1;
	(tag) =	ssettag s2;
	_ =	strace s9  }
0x27: {  	s1 =	sld [smem:$0x3F9D]  }
0x28: {  	s2 =	sld [smem:$0x3F9E]  }
0x29: {  	s4 =	sld [smem:$0x3FA0]  }
0x2a: {  	p0 =	seq.s32 s5, $0x0;
	s5 =	sld [smem:$0x3FA1]  }
0x2b: {  	s6 =	sld [smem:$0x3FA2]  }
0x2c: {  	s7 =	sld [smem:$0x3FA3]  }
0x2d: {  	s3 =	simm.s32 $0x108;
	s8 =	sld [smem:$0x3FA4]  }
0x2e: {  	s3 =	simm.s32 @!p0 $0x1082;
	s9 =	sld [smem:$0x3FA5]  }
0x2f: {  	lr =	sadd.s32 s0, s3;
	s0 =	sld [smem:$0x3F9C]  }
0x30: {  	s3 =	sld [smem:$0x3F9F]  }
0x31: {  	[smem:$0x3FA8] =	sst s10  }
0x32: {  	s10 =	sld [smem:$0x3FA6];
	_ =	sdelay $0x3  }
0x33: {  	p0 =	seq.s32 s10, $0x1;
	s10 =	sld [smem:$0x3FA8];
	_ =	sdelay $0x3  }
0x34: {  	[smem:$0x3FA8] =	sst s10  }
0x35: {  	s10 =	sld [smem:$0x3FA7];
	_ =	sdelay $0x3  }
0x36: {  	p1 =	seq.s32 s10, $0x1;
	s10 =	sld [smem:$0x3FA8];
	_ =	sdelay $0x3  }
0x37: {  	[smem:$0x3FA8] =	sst s10  }
0x38: {  	s10 =	sld [smem:$0x3FA9]  }
0x39: {  	_ = 	snop;
	(pc) =	sbr.ind lr, $3  }
0x3a: {  	_ = 	snop  }
0x3b: {  	_ = 	snop  }
0x3c: {  	p2 =	seq.s32 s10, $0x1;
	s10 =	sld [smem:$0x3FA8]  }
0x3d: {  	_ =	shalt  }
0x3e: {  	_ =	shalt  }
0x3f: {  	_ =	shalt  }
0x40: {  	_ =	shalt  }
0x41: {  	_ =	shalt  }
0x42: {  	_ =	shalt  }
0x43: {  	_ =	shalt  }
0x44: {  	_ =	shalt  }
0x45: {  	_ =	shalt  }
0x46: {  	_ =	shalt  }
0x47: {  	_ =	shalt  }
0x48: {  	_ =	shalt  }
0x49: {  	_ =	shalt  }
0x4a: {  	_ =	shalt  }
0x4b: {  	_ =	shalt  }
0x4c: {  	_ =	shalt  }
0x4d: {  	_ =	shalt  }
0x4e: {  	_ =	shalt  }
0x4f: {  	_ =	shalt  }
0x50: {  	_ =	shalt  }
0x51: {  	_ =	shalt  }
0x52: {  	_ =	shalt  }
0x53: {  	_ =	shalt  }
0x54: {  	_ =	shalt  }
0x55: {  	_ =	shalt  }
0x56: {  	_ =	shalt  }
0x57: {  	_ =	shalt  }
0x58: {  	_ =	shalt  }
0x59: {  	_ =	shalt  }
0x5a: {  	_ =	shalt  }
0x5b: {  	_ =	shalt  }
0x5c: {  	_ =	shalt  }
0x5d: {  	_ =	shalt  }
0x5e: {  	_ =	shalt  }
0x5f: {  	_ =	shalt  }
0x60: {  	_ =	shalt  }
0x61: {  	_ =	shalt  }
0x62: {  	_ =	shalt  }
0x63: {  	_ =	shalt  }
0x64: {  	_ =	shalt  }
0x65: {  	_ =	shalt  }
0x66: {  	_ =	shalt  }
0x67: {  	_ =	shalt  }
0x68: {  	_ =	shalt  }
0x69: {  	_ =	shalt  }
0x6a: {  	_ =	shalt  }
0x6b: {  	_ =	shalt  }
0x6c: {  	_ =	shalt  }
0x6d: {  	_ =	shalt  }
0x6e: {  	_ =	shalt  }
0x6f: {  	_ =	shalt  }
0x70: {  	_ =	shalt  }
0x71: {  	_ =	shalt  }
0x72: {  	_ =	shalt  }
0x73: {  	_ =	shalt  }
0x74: {  	_ =	shalt  }
0x75: {  	_ =	shalt  }
0x76: {  	_ =	shalt  }
0x77: {  	_ =	shalt  }
0x78: {  	_ =	shalt  }
0x79: {  	_ =	shalt  }
0x7a: {  	_ =	shalt  }
0x7b: {  	_ =	shalt  }
0x7c: {  	_ =	shalt  }
0x7d: {  	_ =	shalt  }
0x7e: {  	_ =	shalt  }
0x7f: {  	_ =	shalt  }
0x80: {  	_ =	shalt  }
0x81: {  	_ =	shalt  }
0x82: {  	_ =	shalt  }
0x83: {  	_ =	shalt  }
0x84: {  	_ =	shalt  }
0x85: {  	_ =	shalt  }
0x86: {  	_ =	shalt  }
0x87: {  	_ =	shalt  }
.Lfunc_end0:
.L_simem_size_0:
called_computation.1_lowered:
.L_overlay_start_0:
0x88: {  	s2 =	sld [smem:$0x3FD9]  }
0x89: {  	s3 =	sld [smem:$0x3FFE];
	_ =	sdelay $0x1  }
0x8a: {  	s1 =	srdreg.scid  }
0x8b: {  	s0 =	sand.u32 $0x1, s1  }
0x8c: {  	s17 =	sshll.u32 s0, $0xA;
	s2 =	sadd.s32 s3, s2  }
0x8d: {  	s2 =	sadd.s32 s2, s17  }
0x8e: {  	[smem:$0x3FB4] =	sst s2  }
0x8f: {  	_ = 	snop  }
0x90: {  	s2 =	sld [smem:$0x3FD0];
	(tm) =	ssettm $0x1  }
0x91: {  	s18 =	sld [smem:$0x3FFB];
	_ =	sdelay $0x3  }
0x92: {  	_ =	strace s18  }
0x93: {  	s3 =	sld [smem:$0x3FFC];
	_ =	sdelay $0x3  }
0x94: {  	_ =	strace s3  }
0x95: {  	s3 =	sld [smem:$0x3FFD];
	_ =	sdelay $0x3  }
0x96: {  	_ =	strace s3  }
0x97: {  	_ =	strace $0x8FFFFFFF  }
0x98: {  	s19 =	sld [smem:$0x3FDB];
	_ =	sdelay $0x1  }
0x99: {  	s4 =	simm.s32 $_scs_section_size  }
0x9a: {  	s5 =	simm.s32 $_size__tile_overlayer_lowered;
	s6 =	simm.s32 $_tile_overlayer_lowered  }
0x9b: {  	s22 =	simm.s32 $0x1BFF;
	s21 =	sshll.u32 s6, $0x1;
	s3 =	sadd.s32 s4, s19  }
0x9c: {  	s7 =	simm.s32 $0x0;
	s20 =	sshll.u32 s5, $0x1;
	s5 =	sadd.s32 s21, s3  }
0x9d: {  	[timem:s7], [sflag:s22] =	dma.local [hbm:s5], s20  }
0x9e: {  	_ =	swait.ge [sflag:s22], s20  }
0x9f: {  	s4 =	ssub.s32 $0x0, s20;
	[sflag:s22] =	ssyncset.done $0x0  }
0xa0: {  	[sflag:s22] =	ssyncadd.s32 s4;
	_ =	sdelay $0x1  }
0xa1: {  	s23 =	simm.s32 $0x1B8B  }
0xa2: {  	_ =	swait.ge [sflag:s23], $0x1  }
0xa3: {  	[sflag:s23] =	ssyncset.done $0x0  }
0xa4: {  	s25 =	simm.s32 $0x1B8E;
	s24 =	sld [smem:$0x3FFE];
	[sflag:s23] =	ssyncadd.s32 $0xFFFFFFFF  }
0xa5: {  	s26 =	simm.s32 $execute0_lowered;
	[smem:$0x3FD2] =	sst s25  }
0xa6: {  	s5 =	sshll.u32 s26, $0x1;
	_ =	strace $0x80000049;
	[dreg:$0x1] =	wrdreg $0xFFFFFFFF  }
0xa7: {  	s28 =	simm.s32 $_size_execute0_lowered;
	s3 =	sadd.s32 s3, s5;
	[dreg:$0x0] =	wrdreg $0x0  }
0xa8: {  	s5 =	sshll.u32 s28, $0x1;
	[dreg:$0x2] =	wrdreg s3  }
0xa9: {  	[dreg:$0x3] =	wrdreg s5  }
0xaa: {  	[dreg:$0x4] =	wrdreg $0xC0  }
0xab: {  	_ =	task [dreg:s7], $0x5FFFF  }
0xac: {  	[dreg:$0x1] =	wrdreg $0xFFFFFFFF  }
0xad: {  	[dreg:$0x0] =	wrdreg $0x60  }
0xae: {  	[dreg:$0x2] =	wrdreg s2  }
0xaf: {  	[dreg:$0x3] =	wrdreg s24  }
0xb0: {  	[dreg:$0x4] =	wrdreg $0xA4100  }
0xb1: {  	[dreg:$0x5] =	wrdreg $0xF2300  }
0xb2: {  	[dreg:$0x6] =	wrdreg $0x9  }
0xb3: {  	_ =	task.clear_ibuf [dreg:s7], $0x7FFFF;
	_ =	strace $0x90000049  }
0xb4: {  	s29 =	simm.s32 $0x9;
	_ =	strace $0x8000004B  }
0xb5: {  	_ =	swait.ge [sflag:s29], $0x1  }
0xb6: {  	[sflag:s29] =	ssyncadd.s32 $0xFFFFFFFF  }
0xb7: {  	_ =	strace $0x9000004B  }
0xb8: {  	_ =	sfence  }
0xb9: {  	s30 =	sld [smem:$0x0];
	_ =	sdelay $0x2  }
0xba: {  	s31 =	sshll.u32 s1, $0xD;
	s1 =	sshrl.u32 s1, $0x2  }
0xbb: {  	s3 =	sand.u32 $0x4000, s31;
	s1 =	sadd.s32 s1, s30  }
0xbc: {  	s0 =	sor.u32 s3, s0;
	s1 =	sshll.u32 s1, $0x11  }
0xbd: {  	s0 =	sor.u32 s1, s0  }
0xbe: {  	s0 =	sadd.s32 $0x8F2B, s0  }
0xbf: {  	[sflag:s0] =	ssyncadd.remote.s32 $0x1  }
0xc0: {  	_ =	sfence.sel $0xFFFF  }
0xc1: {  	[dreg:$0x0] =	wrdreg $0xFFFFFFFF;
	(pc) =	sbr.abs _section_cstart, $3  }
0xc2: {  	[dreg:$0x1] =	wrdreg $0xFFFFFFFF  }
0xc3: {  	_ =	task.clear_ibuf [dreg:s7], $0x2FFFF;
	_ =	strace $0x9FFFFFFF  }
0xc4: {  	(tm) =	ssettm $0x7FFFFFFF  }
0xc5: {  	_ =	shalt  }
tec
execute0_lowered:
.L_overlay_start_1:
0x0: {  	(tag) =	ssettag $0x1  }
0x1: {  	s1 =	rddreg [dreg:$0x0]  }
0x2: {  	s4 =	rddreg [dreg:$0x1];
	s11 =	stileid.u32  }
0x3: {  	s0 =	srdreg.scid;
	s3 =	rddreg [dreg:$0x2]  }
0x4: {  	s2 =	rddreg [dreg:$0x3];
	s25 =	simm.s32 $0x0;
	s13 =	simm.s32 $0x4010  }
0x5: {  	p0 =	por $0x0, $0x0;
	s15 =	simm.s32 $0x7;
	s14 =	simm.s32 $0x8  }
0x6: {  	s12 =	simm.s32 $0x9;
	s5 =	sand.u32 $0x1, s0;
	s16 =	sshll.u32 s11, $0x1  }
0x7: {  	s6 =	smul.u32 $0x4E20, s11;
	[smem:$0x7FF] =	sst s25;
	s28 =	sadd.s32 $0x5B000, s4  }
0x8: {  	s29 =	sshll.u32 s11, $0x6;
	s11 =	simm.s32 $0x5910;
	s0 =	sor.u32 s5, s16  }
0x9: {  	s8 =	smul.u32 $0x4E200, s5;
	_ =	strace $0x8000004A;
	s5 =	ssub.s32 $0x2, s5  }
0xa: {  	s16 =	simm.s32 $0x2710;
	s0 =	smul.u32 $0x271, s0;
	s7 =	sshrl.u32 s6, $0x3  }
0xb: {  	s21 =	sshrl.u32 s5, $0x1;
	s24 =	sadd.s32 s6, s3;
	s9 =	sadd.s32 s7, s4  }
0xc: {  	s8 =	sadd.s32 s6, s8;
	s1 =	sadd.s32 s1, s7;
	s5 =	ssub.s32 s5, s21  }
0xd: {  	s6 =	sadd.s32 s6, s2;
	s7 =	simm.s32 $0xC8;
	s21 =	simm.s32 $0x2  }
0xe: {  	s10 =	sadd.s32 s0, s4;
	s17 =	sshrl.u32 s8, $0x3;
	[dreg:$0x5] =	wrdreg s1  }
0xf: {  	s22 =	sadd.s32 $0x15A00, s9;
	s31 =	smax.u32 s5, $0x1;
	s5 =	simm.s32 $0xB  }
0x10: {  	s6 =	sshrl.u32 s6, $0x3;
	s0 =	simm.s32 $0x1388;
	s9 =	simm.s32 $0x7210  }
0x11: {  	s8 =	simm.s32 $0x8B10;
	s18 =	sadd.s32 $0x6A00, s10;
	s4 =	sadd.s32 s17, s4  }
0x12: {  	s19 =	sadd.s32 $0x1A00, s10;
	[dreg:$0x9] =	wrdreg s22;
	s23 =	sadd.s32 $0x10A00, s10  }
0x13: {  	s26 =	sadd.s32 $0xBA00, s10;
	s22 =	simm.s32 $0x1;
	[dreg:$0x6] =	wrdreg s18  }
0x14: {  	p1 =	sne.s32 s31, $0x1;
	s1 =	sadd.s32 $0xFFFFFFFF, s31;
	[dreg:$0x7] =	wrdreg s19  }
.Ltmp0:
0x15: {  	s17 =	simm.s32 $0x6;
	[dreg:$0xa] =	wrdreg s23;
	(pc) =	sbr.rel @!p1 .LBB2_5-.Ltmp0, $4  }
0x16: {  	s10 =	simm.s32 $0xA;
	s20 =	sadd.s32 $0x33200, s4;
	[dreg:$0xb] =	wrdreg s26  }
0x17: {  	s30 =	sadd.s32 $0x1F800, s4;
	s23 =	sshrl.u32 s24, $0x3;
	s24 =	rddreg [dreg:$0x5]  }
0x18: {  	s26 =	sor.u32 $0x1C0B, s29;
	s19 =	simm.s32 $0x3;
	[dreg:$0x8] =	wrdreg s20  }
0x19: {  	s18 =	simm.s32 $0x5;
	[dreg:$0xc] =	wrdreg s30;
	s20 =	simm.s32 $0x4  }
0x1a: {  	[spmem:s23], [sflag:s26] =	dma.local [hbm:s24], $0x9C4  }
0x1b: {  	_ =	swait.ge [sflag:s5], $0x9C4  }
0x1c: {  	[sflag:s5] =	ssyncset.done $0x0  }
0x1d: {  	[sflag:s5] =	ssyncadd.s32 $0xFFFFF63C  }
0x1e: {  	[spmem:s6], [sflag:s26] =	dma.local [hbm:s28], $0x9C4  }
0x1f: {  	_ =	swait.ge [sflag:s5], $0x9C4  }
0x20: {  	[sflag:s5] =	ssyncset.done $0x0  }
0x21: {  	s31 =	rddreg [dreg:$0x6];
	[sflag:s5] =	ssyncadd.s32 $0xFFFFF63C  }
0x22: {  	[tilespmem:s25], [sflag:$0xB] =	stream.linear.gather [hbm4b:s31+s25], $0x1388, $0x38;
	[tilespmem:$0x14050] =	vst v63  }
0x23: {  	_ =	swait.ge [sflag:s5], $0x1388  }
0x24: {  	[sflag:s5] =	ssyncset.done $0x0  }
0x25: {  	s4 =	rddreg [dreg:$0x7];
	[sflag:s5] =	ssyncadd.s32 $0xFFFFEC78  }
0x26: {  	[tilespmem:s0], [sflag:$0xB] =	stream.linear.gather [hbm4b:s4+s25], $0x1388, $0x38;
	[tilespmem:$0x14050] =	vst v63  }
0x27: {  	_ =	swait.ge [sflag:s5], $0x1388  }
0x28: {  	[sflag:s5] =	ssyncset.done $0x0  }
0x29: {  	[sflag:s5] =	ssyncadd.s32 $0xFFFFEC78  }
0x2a: {  	[bflag:$0x0] =	sbarrier.arrive $0xFFFF  }
0x2b: {  	[tilespmem:s16], [sflag:$0x1] =	stream.indirect.gather [spmem:s3], $0x20, s25, s7, $0xb8;
	[tilespmem:$0x14050] =	vst v63  }
0x2c: {  	_ = 	snop  }
0x2d: {  	[tilespmem:s13], [sflag:$0x2] =	stream.indirect.gather [spmem:s3], $0x20, s7, s7, $0xb8;
	[tilespmem:$0x14050] =	vst v63  }
0x2e: {  	s29 =	simm.s32 $0x190  }
0x2f: {  	[tilespmem:s11], [sflag:$0x3] =	stream.indirect.gather [spmem:s3], $0x20, s29, s7, $0xb8;
	[tilespmem:$0x14050] =	vst v63  }
0x30: {  	s30 =	simm.s32 $0x258  }
0x31: {  	[tilespmem:s9], [sflag:$0x4] =	stream.indirect.gather [spmem:s3], $0x20, s30, s7, $0xb8;
	[tilespmem:$0x14050] =	vst v63  }
0x32: {  	s31 =	simm.s32 $0x320  }
0x33: {  	[tilespmem:s8], [sflag:$0x5] =	stream.indirect.gather [spmem:s3], $0x20, s31, s7, $0xb8;
	[tilespmem:$0x14050] =	vst v63  }
0x34: {  	_ =	swait.ge [sflag:s22], $0x1900  }
0x35: {  	[sflag:s22] =	ssyncset.done $0x0  }
0x36: {  	s0 =	simm.s32 $0x1388;
	[sflag:s22] =	ssyncadd.s32 $0xFFFFE700  }
0x37: {  	[spmem:s2] =	stream.indirect.scatter.add.f32 [tilespmem:s16], [sflag:$0x6], $0x20, s0, s7, $0xb8;
	[tilespmem:$0x14050] =	vst v63  }
0x38: {  	_ =	swait.ge [sflag:s21], $0x1900  }
0x39: {  	[sflag:s21] =	ssyncset.done $0x0  }
0x3a: {  	s4 =	simm.s32 $0x1450;
	[sflag:s21] =	ssyncadd.s32 $0xFFFFE700  }
0x3b: {  	[spmem:s2] =	stream.indirect.scatter.add.f32 [tilespmem:s13], [sflag:$0x7], $0x20, s4, s7, $0xb8;
	[tilespmem:$0x14050] =	vst v63  }
0x3c: {  	_ =	swait.ge [sflag:s19], $0x1900  }
0x3d: {  	[sflag:s19] =	ssyncset.done $0x0  }
0x3e: {  	s24 =	simm.s32 $0x1518;
	[sflag:s19] =	ssyncadd.s32 $0xFFFFE700  }
0x3f: {  	[spmem:s2] =	stream.indirect.scatter.add.f32 [tilespmem:s11], [sflag:$0x8], $0x20, s24, s7, $0xb8;
	[tilespmem:$0x14050] =	vst v63  }
0x40: {  	_ =	swait.ge [sflag:s20], $0x1900  }
0x41: {  	[sflag:s20] =	ssyncset.done $0x0  }
0x42: {  	s24 =	simm.s32 $0x15E0;
	[sflag:s20] =	ssyncadd.s32 $0xFFFFE700  }
0x43: {  	[spmem:s2] =	stream.indirect.scatter.add.f32 [tilespmem:s9], [sflag:$0x9], $0x20, s24, s7, $0xb8;
	[tilespmem:$0x14050] =	vst v63  }
0x44: {  	_ =	swait.ge [sflag:s18], $0x1900  }
0x45: {  	[sflag:s18] =	ssyncset.done $0x0  }
0x46: {  	s24 =	simm.s32 $0x16A8;
	[sflag:s18] =	ssyncadd.s32 $0xFFFFE700  }
0x47: {  	[spmem:s2] =	stream.indirect.scatter.add.f32 [tilespmem:s8], [sflag:$0xA], $0x20, s24, s7, $0xb8;
	[tilespmem:$0x14050] =	vst v63  }
0x48: {  	_ =	swait.ge [sflag:s17], $0x1900  }
0x49: {  	[sflag:s17] =	ssyncset.done $0x0  }
0x4a: {  	[sflag:s17] =	ssyncadd.s32 $0xFFFFE700  }
0x4b: {  	_ =	swait.ge [sflag:s15], $0x1900  }
0x4c: {  	[sflag:s15] =	ssyncset.done $0x0  }
0x4d: {  	[sflag:s15] =	ssyncadd.s32 $0xFFFFE700  }
0x4e: {  	_ =	swait.ge [sflag:s14], $0x1900  }
0x4f: {  	[sflag:s14] =	ssyncset.done $0x0  }
0x50: {  	[sflag:s14] =	ssyncadd.s32 $0xFFFFE700  }
0x51: {  	_ =	swait.ge [sflag:s12], $0x1900  }
0x52: {  	[sflag:s12] =	ssyncset.done $0x0  }
0x53: {  	[sflag:s12] =	ssyncadd.s32 $0xFFFFE700  }
0x54: {  	_ =	swait.ge [sflag:s10], $0x1900  }
0x55: {  	[sflag:s10] =	ssyncset.done $0x0  }
0x56: {  	s24 =	simm.s32 $0x3E8;
	[sflag:s10] =	ssyncadd.s32 $0xFFFFE700  }
0x57: {  	[tilespmem:s16], [sflag:$0x1] =	stream.indirect.gather [spmem:s3], $0x20, s24, s7, $0xb8;
	[tilespmem:$0x14050] =	vst v63  }
0x58: {  	s24 =	simm.s32 $0x4B0  }
0x59: {  	[tilespmem:s13], [sflag:$0x2] =	stream.indirect.gather [spmem:s3], $0x20, s24, s7, $0xb8;
	[tilespmem:$0x14050] =	vst v63  }
0x5a: {  	s24 =	simm.s32 $0x578  }
0x5b: {  	[tilespmem:s11], [sflag:$0x3] =	stream.indirect.gather [spmem:s3], $0x20, s24, s7, $0xb8;
	[tilespmem:$0x14050] =	vst v63  }
0x5c: {  	s24 =	simm.s32 $0x640  }
0x5d: {  	[tilespmem:s9], [sflag:$0x4] =	stream.indirect.gather [spmem:s3], $0x20, s24, s7, $0xb8;
	[tilespmem:$0x14050] =	vst v63  }
0x5e: {  	s24 =	simm.s32 $0x708  }
0x5f: {  	[tilespmem:s8], [sflag:$0x5] =	stream.indirect.gather [spmem:s3], $0x20, s24, s7, $0xb8;
	[tilespmem:$0x14050] =	vst v63  }
0x60: {  	_ =	swait.ge [sflag:s22], $0x1900  }
0x61: {  	[sflag:s22] =	ssyncset.done $0x0  }
0x62: {  	s24 =	simm.s32 $0x1770;
	[sflag:s22] =	ssyncadd.s32 $0xFFFFE700  }
0x63: {  	[spmem:s2] =	stream.indirect.scatter.add.f32 [tilespmem:s16], [sflag:$0x6], $0x20, s24, s7, $0xb8;
	[tilespmem:$0x14050] =	vst v63  }
0x64: {  	_ =	swait.ge [sflag:s21], $0x1900  }
0x65: {  	[sflag:s21] =	ssyncset.done $0x0  }
0x66: {  	s24 =	simm.s32 $0x1838;
	[sflag:s21] =	ssyncadd.s32 $0xFFFFE700  }
0x67: {  	[spmem:s2] =	stream.indirect.scatter.add.f32 [tilespmem:s13], [sflag:$0x7], $0x20, s24, s7, $0xb8;
	[tilespmem:$0x14050] =	vst v63  }
0x68: {  	_ =	swait.ge [sflag:s19], $0x1900  }
0x69: {  	[sflag:s19] =	ssyncset.done $0x0  }
0x6a: {  	s24 =	simm.s32 $0x1900;
	[sflag:s19] =	ssyncadd.s32 $0xFFFFE700  }
0x6b: {  	[spmem:s2] =	stream.indirect.scatter.add.f32 [tilespmem:s11], [sflag:$0x8], $0x20, s24, s7, $0xb8;
	[tilespmem:$0x14050] =	vst v63  }
0x6c: {  	_ =	swait.ge [sflag:s20], $0x1900  }
0x6d: {  	[sflag:s20] =	ssyncset.done $0x0  }
0x6e: {  	s24 =	simm.s32 $0x19C8;
	[sflag:s20] =	ssyncadd.s32 $0xFFFFE700  }
0x6f: {  	[spmem:s2] =	stream.indirect.scatter.add.f32 [tilespmem:s9], [sflag:$0x9], $0x20, s24, s7, $0xb8;
	[tilespmem:$0x14050] =	vst v63  }
0x70: {  	_ =	swait.ge [sflag:s18], $0x1900  }
0x71: {  	[sflag:s18] =	ssyncset.done $0x0  }
0x72: {  	s24 =	simm.s32 $0x1A90;
	[sflag:s18] =	ssyncadd.s32 $0xFFFFE700  }
0x73: {  	[spmem:s2] =	stream.indirect.scatter.add.f32 [tilespmem:s8], [sflag:$0xA], $0x20, s24, s7, $0xb8;
	[tilespmem:$0x14050] =	vst v63  }
0x74: {  	_ =	swait.ge [sflag:s17], $0x1900  }
0x75: {  	[sflag:s17] =	ssyncset.done $0x0  }
0x76: {  	[sflag:s17] =	ssyncadd.s32 $0xFFFFE700  }
0x77: {  	_ =	swait.ge [sflag:s15], $0x1900  }
0x78: {  	[sflag:s15] =	ssyncset.done $0x0  }
0x79: {  	[sflag:s15] =	ssyncadd.s32 $0xFFFFE700  }
0x7a: {  	_ =	swait.ge [sflag:s14], $0x1900  }
0x7b: {  	[sflag:s14] =	ssyncset.done $0x0  }
0x7c: {  	[sflag:s14] =	ssyncadd.s32 $0xFFFFE700  }
0x7d: {  	_ =	swait.ge [sflag:s12], $0x1900  }
0x7e: {  	[sflag:s12] =	ssyncset.done $0x0  }
0x7f: {  	[sflag:s12] =	ssyncadd.s32 $0xFFFFE700  }
0x80: {  	_ =	swait.ge [sflag:s10], $0x1900  }
0x81: {  	[sflag:s10] =	ssyncset.done $0x0  }
0x82: {  	s24 =	simm.s32 $0x7D0;
	[sflag:s10] =	ssyncadd.s32 $0xFFFFE700  }
0x83: {  	[tilespmem:s16], [sflag:$0x1] =	stream.indirect.gather [spmem:s3], $0x20, s24, s7, $0xb8;
	[tilespmem:$0x14050] =	vst v63  }
0x84: {  	s24 =	simm.s32 $0x898  }
0x85: {  	[tilespmem:s13], [sflag:$0x2] =	stream.indirect.gather [spmem:s3], $0x20, s24, s7, $0xb8;
	[tilespmem:$0x14050] =	vst v63  }
0x86: {  	s24 =	simm.s32 $0x960  }
0x87: {  	[tilespmem:s11], [sflag:$0x3] =	stream.indirect.gather [spmem:s3], $0x20, s24, s7, $0xb8;
	[tilespmem:$0x14050] =	vst v63  }
0x88: {  	s24 =	simm.s32 $0xA28  }
0x89: {  	[tilespmem:s9], [sflag:$0x4] =	stream.indirect.gather [spmem:s3], $0x20, s24, s7, $0xb8;
	[tilespmem:$0x14050] =	vst v63  }
0x8a: {  	s24 =	simm.s32 $0xAF0  }
0x8b: {  	[tilespmem:s8], [sflag:$0x5] =	stream.indirect.gather [spmem:s3], $0x20, s24, s7, $0xb8;
	[tilespmem:$0x14050] =	vst v63  }
0x8c: {  	_ =	swait.ge [sflag:s22], $0x1900  }
0x8d: {  	[sflag:s22] =	ssyncset.done $0x0  }
0x8e: {  	s24 =	simm.s32 $0x1B58;
	[sflag:s22] =	ssyncadd.s32 $0xFFFFE700  }
0x8f: {  	[spmem:s2] =	stream.indirect.scatter.add.f32 [tilespmem:s16], [sflag:$0x6], $0x20, s24, s7, $0xb8;
	[tilespmem:$0x14050] =	vst v63  }
0x90: {  	_ =	swait.ge [sflag:s21], $0x1900  }
0x91: {  	[sflag:s21] =	ssyncset.done $0x0  }
0x92: {  	s24 =	simm.s32 $0x1C20;
	[sflag:s21] =	ssyncadd.s32 $0xFFFFE700  }
0x93: {  	[spmem:s2] =	stream.indirect.scatter.add.f32 [tilespmem:s13], [sflag:$0x7], $0x20, s24, s7, $0xb8;
	[tilespmem:$0x14050] =	vst v63  }
0x94: {  	_ =	swait.ge [sflag:s19], $0x1900  }
0x95: {  	[sflag:s19] =	ssyncset.done $0x0  }
0x96: {  	s24 =	simm.s32 $0x1CE8;
	[sflag:s19] =	ssyncadd.s32 $0xFFFFE700  }
0x97: {  	[spmem:s2] =	stream.indirect.scatter.add.f32 [tilespmem:s11], [sflag:$0x8], $0x20, s24, s7, $0xb8;
	[tilespmem:$0x14050] =	vst v63  }
0x98: {  	_ =	swait.ge [sflag:s20], $0x1900  }
0x99: {  	[sflag:s20] =	ssyncset.done $0x0  }
0x9a: {  	s24 =	simm.s32 $0x1DB0;
	[sflag:s20] =	ssyncadd.s32 $0xFFFFE700  }
0x9b: {  	[spmem:s2] =	stream.indirect.scatter.add.f32 [tilespmem:s9], [sflag:$0x9], $0x20, s24, s7, $0xb8;
	[tilespmem:$0x14050] =	vst v63  }
0x9c: {  	_ =	swait.ge [sflag:s18], $0x1900  }
0x9d: {  	[sflag:s18] =	ssyncset.done $0x0  }
0x9e: {  	s24 =	simm.s32 $0x1E78;
	[sflag:s18] =	ssyncadd.s32 $0xFFFFE700  }
0x9f: {  	[spmem:s2] =	stream.indirect.scatter.add.f32 [tilespmem:s8], [sflag:$0xA], $0x20, s24, s7, $0xb8;
	[tilespmem:$0x14050] =	vst v63  }
0xa0: {  	_ =	swait.ge [sflag:s17], $0x1900  }
0xa1: {  	[sflag:s17] =	ssyncset.done $0x0  }
0xa2: {  	[sflag:s17] =	ssyncadd.s32 $0xFFFFE700  }
0xa3: {  	_ =	swait.ge [sflag:s15], $0x1900  }
0xa4: {  	[sflag:s15] =	ssyncset.done $0x0  }
0xa5: {  	[sflag:s15] =	ssyncadd.s32 $0xFFFFE700  }
0xa6: {  	_ =	swait.ge [sflag:s14], $0x1900  }
0xa7: {  	[sflag:s14] =	ssyncset.done $0x0  }
0xa8: {  	[sflag:s14] =	ssyncadd.s32 $0xFFFFE700  }
0xa9: {  	_ =	swait.ge [sflag:s12], $0x1900  }
0xaa: {  	[sflag:s12] =	ssyncset.done $0x0  }
0xab: {  	[sflag:s12] =	ssyncadd.s32 $0xFFFFE700  }
0xac: {  	_ =	swait.ge [sflag:s10], $0x1900  }
0xad: {  	[sflag:s10] =	ssyncset.done $0x0  }
0xae: {  	[dreg:$0xd] =	wrdreg s6;
	s6 =	simm.s32 $0xBB8;
	[sflag:s10] =	ssyncadd.s32 $0xFFFFE700  }
0xaf: {  	[tilespmem:s16], [sflag:$0x1] =	stream.indirect.gather [spmem:s3], $0x20, s6, s7, $0xb8;
	[tilespmem:$0x14050] =	vst v63  }
0xb0: {  	s24 =	simm.s32 $0xC80  }
0xb1: {  	[tilespmem:s13], [sflag:$0x2] =	stream.indirect.gather [spmem:s3], $0x20, s24, s7, $0xb8;
	[tilespmem:$0x14050] =	vst v63  }
0xb2: {  	s24 =	simm.s32 $0xD48  }
0xb3: {  	[tilespmem:s11], [sflag:$0x3] =	stream.indirect.gather [spmem:s3], $0x20, s24, s7, $0xb8;
	[tilespmem:$0x14050] =	vst v63  }
0xb4: {  	s24 =	simm.s32 $0xE10  }
0xb5: {  	[tilespmem:s9], [sflag:$0x4] =	stream.indirect.gather [spmem:s3], $0x20, s24, s7, $0xb8;
	[tilespmem:$0x14050] =	vst v63  }
0xb6: {  	s24 =	simm.s32 $0xED8  }
0xb7: {  	[tilespmem:s8], [sflag:$0x5] =	stream.indirect.gather [spmem:s3], $0x20, s24, s7, $0xb8;
	[tilespmem:$0x14050] =	vst v63  }
0xb8: {  	_ =	swait.ge [sflag:s22], $0x1900  }
0xb9: {  	[sflag:s22] =	ssyncset.done $0x0  }
0xba: {  	s24 =	simm.s32 $0x1F40;
	[sflag:s22] =	ssyncadd.s32 $0xFFFFE700  }
0xbb: {  	[spmem:s2] =	stream.indirect.scatter.add.f32 [tilespmem:s16], [sflag:$0x6], $0x20, s24, s7, $0xb8;
	[tilespmem:$0x14050] =	vst v63  }
0xbc: {  	_ =	swait.ge [sflag:s21], $0x1900  }
0xbd: {  	[sflag:s21] =	ssyncset.done $0x0  }
0xbe: {  	s24 =	simm.s32 $0x2008;
	[sflag:s21] =	ssyncadd.s32 $0xFFFFE700  }
0xbf: {  	[spmem:s2] =	stream.indirect.scatter.add.f32 [tilespmem:s13], [sflag:$0x7], $0x20, s24, s7, $0xb8;
	[tilespmem:$0x14050] =	vst v63  }
0xc0: {  	_ =	swait.ge [sflag:s19], $0x1900  }
0xc1: {  	[sflag:s19] =	ssyncset.done $0x0  }
0xc2: {  	s24 =	simm.s32 $0x20D0;
	[sflag:s19] =	ssyncadd.s32 $0xFFFFE700  }
0xc3: {  	[spmem:s2] =	stream.indirect.scatter.add.f32 [tilespmem:s11], [sflag:$0x8], $0x20, s24, s7, $0xb8;
	[tilespmem:$0x14050] =	vst v63  }
0xc4: {  	_ =	swait.ge [sflag:s20], $0x1900  }
0xc5: {  	[sflag:s20] =	ssyncset.done $0x0  }
0xc6: {  	s24 =	simm.s32 $0x2198;
	[sflag:s20] =	ssyncadd.s32 $0xFFFFE700  }
0xc7: {  	[spmem:s2] =	stream.indirect.scatter.add.f32 [tilespmem:s9], [sflag:$0x9], $0x20, s24, s7, $0xb8;
	[tilespmem:$0x14050] =	vst v63  }
0xc8: {  	_ =	swait.ge [sflag:s18], $0x1900  }
0xc9: {  	[sflag:s18] =	ssyncset.done $0x0  }
0xca: {  	s24 =	simm.s32 $0x2260;
	[sflag:s18] =	ssyncadd.s32 $0xFFFFE700  }
0xcb: {  	[spmem:s2] =	stream.indirect.scatter.add.f32 [tilespmem:s8], [sflag:$0xA], $0x20, s24, s7, $0xb8;
	[tilespmem:$0x14050] =	vst v63  }
0xcc: {  	_ =	swait.ge [sflag:s17], $0x1900  }
0xcd: {  	[sflag:s17] =	ssyncset.done $0x0  }
0xce: {  	[sflag:s17] =	ssyncadd.s32 $0xFFFFE700  }
0xcf: {  	_ =	swait.ge [sflag:s15], $0x1900  }
0xd0: {  	[sflag:s15] =	ssyncset.done $0x0  }
0xd1: {  	[sflag:s15] =	ssyncadd.s32 $0xFFFFE700  }
0xd2: {  	_ =	swait.ge [sflag:s14], $0x1900  }
0xd3: {  	[sflag:s14] =	ssyncset.done $0x0  }
0xd4: {  	[sflag:s14] =	ssyncadd.s32 $0xFFFFE700  }
0xd5: {  	_ =	swait.ge [sflag:s12], $0x1900  }
0xd6: {  	[sflag:s12] =	ssyncset.done $0x0  }
0xd7: {  	[sflag:s12] =	ssyncadd.s32 $0xFFFFE700  }
0xd8: {  	_ =	swait.ge [sflag:s10], $0x1900  }
0xd9: {  	[sflag:s10] =	ssyncset.done $0x0  }
0xda: {  	s24 =	simm.s32 $0xFA0;
	[sflag:s10] =	ssyncadd.s32 $0xFFFFE700  }
0xdb: {  	[tilespmem:s16], [sflag:$0x1] =	stream.indirect.gather [spmem:s3], $0x20, s24, s7, $0xb8;
	[tilespmem:$0x14050] =	vst v63  }
0xdc: {  	s24 =	simm.s32 $0x1068  }
0xdd: {  	[tilespmem:s13], [sflag:$0x2] =	stream.indirect.gather [spmem:s3], $0x20, s24, s7, $0xb8;
	[tilespmem:$0x14050] =	vst v63  }
0xde: {  	s24 =	simm.s32 $0x1130  }
0xdf: {  	[tilespmem:s11], [sflag:$0x3] =	stream.indirect.gather [spmem:s3], $0x20, s24, s7, $0xb8;
	[tilespmem:$0x14050] =	vst v63  }
0xe0: {  	s24 =	simm.s32 $0x11F8  }
0xe1: {  	[tilespmem:s9], [sflag:$0x4] =	stream.indirect.gather [spmem:s3], $0x20, s24, s7, $0xb8;
	[tilespmem:$0x14050] =	vst v63  }
0xe2: {  	s24 =	simm.s32 $0x12C0  }
0xe3: {  	[tilespmem:s8], [sflag:$0x5] =	stream.indirect.gather [spmem:s3], $0x20, s24, s7, $0xb8;
	[tilespmem:$0x14050] =	vst v63  }
0xe4: {  	_ =	swait.ge [sflag:s22], $0x1900  }
0xe5: {  	[sflag:s22] =	ssyncset.done $0x0  }
0xe6: {  	s24 =	simm.s32 $0x2328;
	[sflag:s22] =	ssyncadd.s32 $0xFFFFE700  }
0xe7: {  	[spmem:s2] =	stream.indirect.scatter.add.f32 [tilespmem:s16], [sflag:$0x6], $0x20, s24, s7, $0xb8;
	[tilespmem:$0x14050] =	vst v63  }
0xe8: {  	_ =	swait.ge [sflag:s21], $0x1900  }
0xe9: {  	[sflag:s21] =	ssyncset.done $0x0  }
0xea: {  	s24 =	simm.s32 $0x23F0;
	[sflag:s21] =	ssyncadd.s32 $0xFFFFE700  }
0xeb: {  	[spmem:s2] =	stream.indirect.scatter.add.f32 [tilespmem:s13], [sflag:$0x7], $0x20, s24, s7, $0xb8;
	[tilespmem:$0x14050] =	vst v63  }
0xec: {  	_ =	swait.ge [sflag:s19], $0x1900  }
0xed: {  	[sflag:s19] =	ssyncset.done $0x0  }
0xee: {  	s24 =	simm.s32 $0x24B8;
	[sflag:s19] =	ssyncadd.s32 $0xFFFFE700  }
0xef: {  	[spmem:s2] =	stream.indirect.scatter.add.f32 [tilespmem:s11], [sflag:$0x8], $0x20, s24, s7, $0xb8;
	[tilespmem:$0x14050] =	vst v63  }
0xf0: {  	_ =	swait.ge [sflag:s20], $0x1900  }
0xf1: {  	[sflag:s20] =	ssyncset.done $0x0  }
0xf2: {  	s24 =	simm.s32 $0x2580;
	[sflag:s20] =	ssyncadd.s32 $0xFFFFE700  }
0xf3: {  	[spmem:s2] =	stream.indirect.scatter.add.f32 [tilespmem:s9], [sflag:$0x9], $0x20, s24, s7, $0xb8;
	[tilespmem:$0x14050] =	vst v63  }
0xf4: {  	_ =	swait.ge [sflag:s18], $0x1900  }
0xf5: {  	[sflag:s18] =	ssyncset.done $0x0  }
0xf6: {  	s24 =	simm.s32 $0x2648;
	[sflag:s18] =	ssyncadd.s32 $0xFFFFE700  }
0xf7: {  	[spmem:s2] =	stream.indirect.scatter.add.f32 [tilespmem:s8], [sflag:$0xA], $0x20, s24, s7, $0xb8;
	[tilespmem:$0x14050] =	vst v63  }
0xf8: {  	_ =	swait.ge [sflag:s17], $0x1900  }
0xf9: {  	[sflag:s17] =	ssyncset.done $0x0  }
0xfa: {  	[sflag:s17] =	ssyncadd.s32 $0xFFFFE700  }
0xfb: {  	_ =	swait.ge [sflag:s15], $0x1900  }
0xfc: {  	[sflag:s15] =	ssyncset.done $0x0  }
0xfd: {  	[sflag:s15] =	ssyncadd.s32 $0xFFFFE700  }
0xfe: {  	_ =	swait.ge [sflag:s14], $0x1900  }
0xff: {  	[sflag:s14] =	ssyncset.done $0x0  }
0x100: {  	[sflag:s14] =	ssyncadd.s32 $0xFFFFE700  }
0x101: {  	_ =	swait.ge [sflag:s12], $0x1900  }
0x102: {  	[sflag:s12] =	ssyncset.done $0x0  }
0x103: {  	[sflag:s12] =	ssyncadd.s32 $0xFFFFE700  }
0x104: {  	_ =	swait.ge [sflag:s10], $0x1900  }
0x105: {  	[sflag:s10] =	ssyncset.done $0x0  }
0x106: {  	[sflag:s10] =	ssyncadd.s32 $0xFFFFE700  }
0x107: {  	[bflag:$0x0] =	sbarrier.arrive $0xFFFF  }
0x108: {  	s24 =	rddreg [dreg:$0x8]  }
0x109: {  	s4 =	smov.u32 s1;
	s1 =	rddreg [dreg:$0xd]  }
0x10a: {  	[hbm:s24], [sflag:s26] =	dma.local [spmem:s1], $0x9C4  }
0x10b: {  	_ =	swait.ge [sflag:s5], $0x9C4  }
0x10c: {  	[dreg:$0xe] =	wrdreg s23;
	[sflag:s5] =	ssyncset.done $0x0  }
0x10d: {  	s1 =	rddreg [dreg:$0x9];
	[sflag:s5] =	ssyncadd.s32 $0xFFFFF63C  }
0x10e: {  	[spmem:s23], [sflag:s26] =	dma.local [hbm:s1], $0x9C4  }
0x10f: {  	_ =	swait.ge [sflag:s5], $0x9C4  }
0x110: {  	[dreg:$0xf] =	wrdreg s28;
	[sflag:s5] =	ssyncset.done $0x0  }
0x111: {  	s24 =	rddreg [dreg:$0xd];
	[sflag:s5] =	ssyncadd.s32 $0xFFFFF63C  }
0x112: {  	[spmem:s24], [sflag:s26] =	dma.local [hbm:s28], $0x9C4  }
0x113: {  	_ =	swait.ge [sflag:s5], $0x9C4  }
0x114: {  	[sflag:s5] =	ssyncset.done $0x0  }
0x115: {  	s1 =	rddreg [dreg:$0xa];
	[sflag:s5] =	ssyncadd.s32 $0xFFFFF63C  }
0x116: {  	[tilespmem:s25], [sflag:$0xB] =	stream.linear.gather [hbm4b:s1+s25], $0x1388, $0x38;
	[tilespmem:$0x14050] =	vst v63  }
0x117: {  	_ =	swait.ge [sflag:s5], $0x1388  }
0x118: {  	[sflag:s5] =	ssyncset.done $0x0  }
0x119: {  	s23 =	rddreg [dreg:$0xb];
	[sflag:s5] =	ssyncadd.s32 $0xFFFFEC78  }
0x11a: {  	[tilespmem:s0], [sflag:$0xB] =	stream.linear.gather [hbm4b:s23+s25], $0x1388, $0x38;
	[tilespmem:$0x14050] =	vst v63  }
0x11b: {  	_ =	swait.ge [sflag:s5], $0x1388  }
0x11c: {  	[sflag:s5] =	ssyncset.done $0x0  }
0x11d: {  	[sflag:s5] =	ssyncadd.s32 $0xFFFFEC78  }
0x11e: {  	[bflag:$0x0] =	sbarrier.arrive $0xFFFF  }
0x11f: {  	[tilespmem:s16], [sflag:$0x1] =	stream.indirect.gather [spmem:s3], $0x20, s25, s7, $0xb8;
	[tilespmem:$0x14050] =	vst v63  }
0x120: {  	_ = 	snop  }
0x121: {  	[tilespmem:s13], [sflag:$0x2] =	stream.indirect.gather [spmem:s3], $0x20, s7, s7, $0xb8;
	[tilespmem:$0x14050] =	vst v63  }
0x122: {  	_ = 	snop  }
0x123: {  	[tilespmem:s11], [sflag:$0x3] =	stream.indirect.gather [spmem:s3], $0x20, s29, s7, $0xb8;
	[tilespmem:$0x14050] =	vst v63  }
0x124: {  	_ = 	snop  }
0x125: {  	[tilespmem:s9], [sflag:$0x4] =	stream.indirect.gather [spmem:s3], $0x20, s30, s7, $0xb8;
	[tilespmem:$0x14050] =	vst v63  }
0x126: {  	_ = 	snop  }
0x127: {  	[tilespmem:s8], [sflag:$0x5] =	stream.indirect.gather [spmem:s3], $0x20, s31, s7, $0xb8;
	[tilespmem:$0x14050] =	vst v63  }
0x128: {  	_ =	swait.ge [sflag:s22], $0x1900  }
0x129: {  	[sflag:s22] =	ssyncset.done $0x0  }
0x12a: {  	s0 =	simm.s32 $0x1388;
	[sflag:s22] =	ssyncadd.s32 $0xFFFFE700  }
0x12b: {  	[spmem:s2] =	stream.indirect.scatter.add.f32 [tilespmem:s16], [sflag:$0x6], $0x20, s0, s7, $0xb8;
	[tilespmem:$0x14050] =	vst v63  }
0x12c: {  	_ =	swait.ge [sflag:s21], $0x1900  }
0x12d: {  	[sflag:s21] =	ssyncset.done $0x0  }
0x12e: {  	s30 =	simm.s32 $0x1450;
	[sflag:s21] =	ssyncadd.s32 $0xFFFFE700  }
0x12f: {  	[spmem:s2] =	stream.indirect.scatter.add.f32 [tilespmem:s13], [sflag:$0x7], $0x20, s30, s7, $0xb8;
	[tilespmem:$0x14050] =	vst v63  }
0x130: {  	_ =	swait.ge [sflag:s19], $0x1900  }
0x131: {  	[sflag:s19] =	ssyncset.done $0x0  }
0x132: {  	s31 =	simm.s32 $0x1518;
	[sflag:s19] =	ssyncadd.s32 $0xFFFFE700  }
0x133: {  	[spmem:s2] =	stream.indirect.scatter.add.f32 [tilespmem:s11], [sflag:$0x8], $0x20, s31, s7, $0xb8;
	[tilespmem:$0x14050] =	vst v63  }
0x134: {  	_ =	swait.ge [sflag:s20], $0x1900  }
0x135: {  	[sflag:s20] =	ssyncset.done $0x0  }
0x136: {  	s23 =	simm.s32 $0x15E0;
	[sflag:s20] =	ssyncadd.s32 $0xFFFFE700  }
0x137: {  	[spmem:s2] =	stream.indirect.scatter.add.f32 [tilespmem:s9], [sflag:$0x9], $0x20, s23, s7, $0xb8;
	[tilespmem:$0x14050] =	vst v63  }
0x138: {  	_ =	swait.ge [sflag:s18], $0x1900  }
0x139: {  	[sflag:s18] =	ssyncset.done $0x0  }
0x13a: {  	s24 =	simm.s32 $0x16A8;
	[sflag:s18] =	ssyncadd.s32 $0xFFFFE700  }
0x13b: {  	[spmem:s2] =	stream.indirect.scatter.add.f32 [tilespmem:s8], [sflag:$0xA], $0x20, s24, s7, $0xb8;
	[tilespmem:$0x14050] =	vst v63  }
0x13c: {  	_ =	swait.ge [sflag:s17], $0x1900  }
0x13d: {  	[sflag:s17] =	ssyncset.done $0x0  }
0x13e: {  	[sflag:s17] =	ssyncadd.s32 $0xFFFFE700  }
0x13f: {  	_ =	swait.ge [sflag:s15], $0x1900  }
0x140: {  	[sflag:s15] =	ssyncset.done $0x0  }
0x141: {  	[sflag:s15] =	ssyncadd.s32 $0xFFFFE700  }
0x142: {  	_ =	swait.ge [sflag:s14], $0x1900  }
0x143: {  	[sflag:s14] =	ssyncset.done $0x0  }
0x144: {  	[sflag:s14] =	ssyncadd.s32 $0xFFFFE700  }
0x145: {  	_ =	swait.ge [sflag:s12], $0x1900  }
0x146: {  	[sflag:s12] =	ssyncset.done $0x0  }
0x147: {  	[sflag:s12] =	ssyncadd.s32 $0xFFFFE700  }
0x148: {  	_ =	swait.ge [sflag:s10], $0x1900  }
0x149: {  	[sflag:s10] =	ssyncset.done $0x0  }
0x14a: {  	s25 =	simm.s32 $0x3E8;
	[sflag:s10] =	ssyncadd.s32 $0xFFFFE700  }
0x14b: {  	[tilespmem:s16], [sflag:$0x1] =	stream.indirect.gather [spmem:s3], $0x20, s25, s7, $0xb8;
	[tilespmem:$0x14050] =	vst v63  }
0x14c: {  	s29 =	simm.s32 $0x4B0  }
0x14d: {  	[tilespmem:s13], [sflag:$0x2] =	stream.indirect.gather [spmem:s3], $0x20, s29, s7, $0xb8;
	[tilespmem:$0x14050] =	vst v63  }
0x14e: {  	s30 =	simm.s32 $0x578  }
0x14f: {  	[tilespmem:s11], [sflag:$0x3] =	stream.indirect.gather [spmem:s3], $0x20, s30, s7, $0xb8;
	[tilespmem:$0x14050] =	vst v63  }
0x150: {  	s31 =	simm.s32 $0x640  }
0x151: {  	[tilespmem:s9], [sflag:$0x4] =	stream.indirect.gather [spmem:s3], $0x20, s31, s7, $0xb8;
	[tilespmem:$0x14050] =	vst v63  }
0x152: {  	s23 =	simm.s32 $0x708  }
0x153: {  	[tilespmem:s8], [sflag:$0x5] =	stream.indirect.gather [spmem:s3], $0x20, s23, s7, $0xb8;
	[tilespmem:$0x14050] =	vst v63  }
0x154: {  	_ =	swait.ge [sflag:s22], $0x1900  }
0x155: {  	[sflag:s22] =	ssyncset.done $0x0  }
0x156: {  	s24 =	simm.s32 $0x1770;
	[sflag:s22] =	ssyncadd.s32 $0xFFFFE700  }
0x157: {  	[spmem:s2] =	stream.indirect.scatter.add.f32 [tilespmem:s16], [sflag:$0x6], $0x20, s24, s7, $0xb8;
	[tilespmem:$0x14050] =	vst v63  }
0x158: {  	_ =	swait.ge [sflag:s21], $0x1900  }
0x159: {  	[sflag:s21] =	ssyncset.done $0x0  }
0x15a: {  	s25 =	simm.s32 $0x1838;
	[sflag:s21] =	ssyncadd.s32 $0xFFFFE700  }
0x15b: {  	[spmem:s2] =	stream.indirect.scatter.add.f32 [tilespmem:s13], [sflag:$0x7], $0x20, s25, s7, $0xb8;
	[tilespmem:$0x14050] =	vst v63  }
0x15c: {  	_ =	swait.ge [sflag:s19], $0x1900  }
0x15d: {  	[sflag:s19] =	ssyncset.done $0x0  }
0x15e: {  	s29 =	simm.s32 $0x1900;
	[sflag:s19] =	ssyncadd.s32 $0xFFFFE700  }
0x15f: {  	[spmem:s2] =	stream.indirect.scatter.add.f32 [tilespmem:s11], [sflag:$0x8], $0x20, s29, s7, $0xb8;
	[tilespmem:$0x14050] =	vst v63  }
0x160: {  	_ =	swait.ge [sflag:s20], $0x1900  }
0x161: {  	[sflag:s20] =	ssyncset.done $0x0  }
0x162: {  	s30 =	simm.s32 $0x19C8;
	[sflag:s20] =	ssyncadd.s32 $0xFFFFE700  }
0x163: {  	[spmem:s2] =	stream.indirect.scatter.add.f32 [tilespmem:s9], [sflag:$0x9], $0x20, s30, s7, $0xb8;
	[tilespmem:$0x14050] =	vst v63  }
0x164: {  	_ =	swait.ge [sflag:s18], $0x1900  }
0x165: {  	[sflag:s18] =	ssyncset.done $0x0  }
0x166: {  	s31 =	simm.s32 $0x1A90;
	[sflag:s18] =	ssyncadd.s32 $0xFFFFE700  }
0x167: {  	[spmem:s2] =	stream.indirect.scatter.add.f32 [tilespmem:s8], [sflag:$0xA], $0x20, s31, s7, $0xb8;
	[tilespmem:$0x14050] =	vst v63  }
0x168: {  	_ =	swait.ge [sflag:s17], $0x1900  }
0x169: {  	[sflag:s17] =	ssyncset.done $0x0  }
0x16a: {  	[sflag:s17] =	ssyncadd.s32 $0xFFFFE700  }
0x16b: {  	_ =	swait.ge [sflag:s15], $0x1900  }
0x16c: {  	[sflag:s15] =	ssyncset.done $0x0  }
0x16d: {  	[sflag:s15] =	ssyncadd.s32 $0xFFFFE700  }
0x16e: {  	_ =	swait.ge [sflag:s14], $0x1900  }
0x16f: {  	[sflag:s14] =	ssyncset.done $0x0  }
0x170: {  	[sflag:s14] =	ssyncadd.s32 $0xFFFFE700  }
0x171: {  	_ =	swait.ge [sflag:s12], $0x1900  }
0x172: {  	[sflag:s12] =	ssyncset.done $0x0  }
0x173: {  	[sflag:s12] =	ssyncadd.s32 $0xFFFFE700  }
0x174: {  	_ =	swait.ge [sflag:s10], $0x1900  }
0x175: {  	[sflag:s10] =	ssyncset.done $0x0  }
0x176: {  	s23 =	simm.s32 $0x7D0;
	[sflag:s10] =	ssyncadd.s32 $0xFFFFE700  }
0x177: {  	[tilespmem:s16], [sflag:$0x1] =	stream.indirect.gather [spmem:s3], $0x20, s23, s7, $0xb8;
	[tilespmem:$0x14050] =	vst v63  }
0x178: {  	s24 =	simm.s32 $0x898  }
0x179: {  	[tilespmem:s13], [sflag:$0x2] =	stream.indirect.gather [spmem:s3], $0x20, s24, s7, $0xb8;
	[tilespmem:$0x14050] =	vst v63  }
0x17a: {  	s25 =	simm.s32 $0x960  }
0x17b: {  	[tilespmem:s11], [sflag:$0x3] =	stream.indirect.gather [spmem:s3], $0x20, s25, s7, $0xb8;
	[tilespmem:$0x14050] =	vst v63  }
0x17c: {  	s29 =	simm.s32 $0xA28  }
0x17d: {  	[tilespmem:s9], [sflag:$0x4] =	stream.indirect.gather [spmem:s3], $0x20, s29, s7, $0xb8;
	[tilespmem:$0x14050] =	vst v63  }
0x17e: {  	s30 =	simm.s32 $0xAF0  }
0x17f: {  	[tilespmem:s8], [sflag:$0x5] =	stream.indirect.gather [spmem:s3], $0x20, s30, s7, $0xb8;
	[tilespmem:$0x14050] =	vst v63  }
0x180: {  	_ =	swait.ge [sflag:s22], $0x1900  }
0x181: {  	[sflag:s22] =	ssyncset.done $0x0  }
0x182: {  	s31 =	simm.s32 $0x1B58;
	[sflag:s22] =	ssyncadd.s32 $0xFFFFE700  }
0x183: {  	[spmem:s2] =	stream.indirect.scatter.add.f32 [tilespmem:s16], [sflag:$0x6], $0x20, s31, s7, $0xb8;
	[tilespmem:$0x14050] =	vst v63  }
0x184: {  	_ =	swait.ge [sflag:s21], $0x1900  }
0x185: {  	[sflag:s21] =	ssyncset.done $0x0  }
0x186: {  	s23 =	simm.s32 $0x1C20;
	[sflag:s21] =	ssyncadd.s32 $0xFFFFE700  }
0x187: {  	[spmem:s2] =	stream.indirect.scatter.add.f32 [tilespmem:s13], [sflag:$0x7], $0x20, s23, s7, $0xb8;
	[tilespmem:$0x14050] =	vst v63  }
0x188: {  	_ =	swait.ge [sflag:s19], $0x1900  }
0x189: {  	[sflag:s19] =	ssyncset.done $0x0  }
0x18a: {  	s24 =	simm.s32 $0x1CE8;
	[sflag:s19] =	ssyncadd.s32 $0xFFFFE700  }
0x18b: {  	[spmem:s2] =	stream.indirect.scatter.add.f32 [tilespmem:s11], [sflag:$0x8], $0x20, s24, s7, $0xb8;
	[tilespmem:$0x14050] =	vst v63  }
0x18c: {  	_ =	swait.ge [sflag:s20], $0x1900  }
0x18d: {  	[sflag:s20] =	ssyncset.done $0x0  }
0x18e: {  	s25 =	simm.s32 $0x1DB0;
	[sflag:s20] =	ssyncadd.s32 $0xFFFFE700  }
0x18f: {  	[spmem:s2] =	stream.indirect.scatter.add.f32 [tilespmem:s9], [sflag:$0x9], $0x20, s25, s7, $0xb8;
	[tilespmem:$0x14050] =	vst v63  }
0x190: {  	_ =	swait.ge [sflag:s18], $0x1900  }
0x191: {  	[sflag:s18] =	ssyncset.done $0x0  }
0x192: {  	s29 =	simm.s32 $0x1E78;
	[sflag:s18] =	ssyncadd.s32 $0xFFFFE700  }
0x193: {  	[spmem:s2] =	stream.indirect.scatter.add.f32 [tilespmem:s8], [sflag:$0xA], $0x20, s29, s7, $0xb8;
	[tilespmem:$0x14050] =	vst v63  }
0x194: {  	_ =	swait.ge [sflag:s17], $0x1900  }
0x195: {  	[sflag:s17] =	ssyncset.done $0x0  }
0x196: {  	[sflag:s17] =	ssyncadd.s32 $0xFFFFE700  }
0x197: {  	_ =	swait.ge [sflag:s15], $0x1900  }
0x198: {  	[sflag:s15] =	ssyncset.done $0x0  }
0x199: {  	[sflag:s15] =	ssyncadd.s32 $0xFFFFE700  }
0x19a: {  	_ =	swait.ge [sflag:s14], $0x1900  }
0x19b: {  	[sflag:s14] =	ssyncset.done $0x0  }
0x19c: {  	[sflag:s14] =	ssyncadd.s32 $0xFFFFE700  }
0x19d: {  	_ =	swait.ge [sflag:s12], $0x1900  }
0x19e: {  	[sflag:s12] =	ssyncset.done $0x0  }
0x19f: {  	[sflag:s12] =	ssyncadd.s32 $0xFFFFE700  }
0x1a0: {  	_ =	swait.ge [sflag:s10], $0x1900  }
0x1a1: {  	[sflag:s10] =	ssyncset.done $0x0  }
0x1a2: {  	[sflag:s10] =	ssyncadd.s32 $0xFFFFE700  }
0x1a3: {  	[tilespmem:s16], [sflag:$0x1] =	stream.indirect.gather [spmem:s3], $0x20, s6, s7, $0xb8;
	[tilespmem:$0x14050] =	vst v63  }
0x1a4: {  	s30 =	simm.s32 $0xC80  }
0x1a5: {  	[tilespmem:s13], [sflag:$0x2] =	stream.indirect.gather [spmem:s3], $0x20, s30, s7, $0xb8;
	[tilespmem:$0x14050] =	vst v63  }
0x1a6: {  	s31 =	simm.s32 $0xD48  }
0x1a7: {  	[tilespmem:s11], [sflag:$0x3] =	stream.indirect.gather [spmem:s3], $0x20, s31, s7, $0xb8;
	[tilespmem:$0x14050] =	vst v63  }
0x1a8: {  	s23 =	simm.s32 $0xE10  }
0x1a9: {  	[tilespmem:s9], [sflag:$0x4] =	stream.indirect.gather [spmem:s3], $0x20, s23, s7, $0xb8;
	[tilespmem:$0x14050] =	vst v63  }
0x1aa: {  	s24 =	simm.s32 $0xED8  }
0x1ab: {  	[tilespmem:s8], [sflag:$0x5] =	stream.indirect.gather [spmem:s3], $0x20, s24, s7, $0xb8;
	[tilespmem:$0x14050] =	vst v63  }
0x1ac: {  	s6 =	rddreg [dreg:$0xd];
	_ =	swait.ge [sflag:s22], $0x1900  }
0x1ad: {  	[sflag:s22] =	ssyncset.done $0x0  }
0x1ae: {  	s25 =	simm.s32 $0x1F40;
	[sflag:s22] =	ssyncadd.s32 $0xFFFFE700  }
0x1af: {  	[spmem:s2] =	stream.indirect.scatter.add.f32 [tilespmem:s16], [sflag:$0x6], $0x20, s25, s7, $0xb8;
	[tilespmem:$0x14050] =	vst v63  }
0x1b0: {  	_ =	swait.ge [sflag:s21], $0x1900  }
0x1b1: {  	[sflag:s21] =	ssyncset.done $0x0  }
0x1b2: {  	s29 =	simm.s32 $0x2008;
	[sflag:s21] =	ssyncadd.s32 $0xFFFFE700  }
0x1b3: {  	[spmem:s2] =	stream.indirect.scatter.add.f32 [tilespmem:s13], [sflag:$0x7], $0x20, s29, s7, $0xb8;
	[tilespmem:$0x14050] =	vst v63  }
0x1b4: {  	_ =	swait.ge [sflag:s19], $0x1900  }
0x1b5: {  	[sflag:s19] =	ssyncset.done $0x0  }
0x1b6: {  	s30 =	simm.s32 $0x20D0;
	[sflag:s19] =	ssyncadd.s32 $0xFFFFE700  }
0x1b7: {  	[spmem:s2] =	stream.indirect.scatter.add.f32 [tilespmem:s11], [sflag:$0x8], $0x20, s30, s7, $0xb8;
	[tilespmem:$0x14050] =	vst v63  }
0x1b8: {  	_ =	swait.ge [sflag:s20], $0x1900  }
0x1b9: {  	[sflag:s20] =	ssyncset.done $0x0  }
0x1ba: {  	s31 =	simm.s32 $0x2198;
	[sflag:s20] =	ssyncadd.s32 $0xFFFFE700  }
0x1bb: {  	[spmem:s2] =	stream.indirect.scatter.add.f32 [tilespmem:s9], [sflag:$0x9], $0x20, s31, s7, $0xb8;
	[tilespmem:$0x14050] =	vst v63  }
0x1bc: {  	_ =	swait.ge [sflag:s18], $0x1900  }
0x1bd: {  	[sflag:s18] =	ssyncset.done $0x0  }
0x1be: {  	s23 =	simm.s32 $0x2260;
	[sflag:s18] =	ssyncadd.s32 $0xFFFFE700  }
0x1bf: {  	[spmem:s2] =	stream.indirect.scatter.add.f32 [tilespmem:s8], [sflag:$0xA], $0x20, s23, s7, $0xb8;
	[tilespmem:$0x14050] =	vst v63  }
0x1c0: {  	_ =	swait.ge [sflag:s17], $0x1900  }
0x1c1: {  	[sflag:s17] =	ssyncset.done $0x0  }
0x1c2: {  	[sflag:s17] =	ssyncadd.s32 $0xFFFFE700  }
0x1c3: {  	_ =	swait.ge [sflag:s15], $0x1900  }
0x1c4: {  	[sflag:s15] =	ssyncset.done $0x0  }
0x1c5: {  	[sflag:s15] =	ssyncadd.s32 $0xFFFFE700  }
0x1c6: {  	_ =	swait.ge [sflag:s14], $0x1900  }
0x1c7: {  	[sflag:s14] =	ssyncset.done $0x0  }
0x1c8: {  	[sflag:s14] =	ssyncadd.s32 $0xFFFFE700  }
0x1c9: {  	_ =	swait.ge [sflag:s12], $0x1900  }
0x1ca: {  	[sflag:s12] =	ssyncset.done $0x0  }
0x1cb: {  	[sflag:s12] =	ssyncadd.s32 $0xFFFFE700  }
0x1cc: {  	_ =	swait.ge [sflag:s10], $0x1900  }
0x1cd: {  	[sflag:s10] =	ssyncset.done $0x0  }
0x1ce: {  	s24 =	simm.s32 $0xFA0;
	[sflag:s10] =	ssyncadd.s32 $0xFFFFE700  }
0x1cf: {  	[tilespmem:s16], [sflag:$0x1] =	stream.indirect.gather [spmem:s3], $0x20, s24, s7, $0xb8;
	[tilespmem:$0x14050] =	vst v63  }
0x1d0: {  	s25 =	simm.s32 $0x1068  }
0x1d1: {  	[tilespmem:s13], [sflag:$0x2] =	stream.indirect.gather [spmem:s3], $0x20, s25, s7, $0xb8;
	[tilespmem:$0x14050] =	vst v63  }
0x1d2: {  	s29 =	simm.s32 $0x1130  }
0x1d3: {  	[tilespmem:s11], [sflag:$0x3] =	stream.indirect.gather [spmem:s3], $0x20, s29, s7, $0xb8;
	[tilespmem:$0x14050] =	vst v63  }
0x1d4: {  	s30 =	simm.s32 $0x11F8  }
0x1d5: {  	[tilespmem:s9], [sflag:$0x4] =	stream.indirect.gather [spmem:s3], $0x20, s30, s7, $0xb8;
	[tilespmem:$0x14050] =	vst v63  }
0x1d6: {  	s31 =	simm.s32 $0x12C0  }
0x1d7: {  	[tilespmem:s8], [sflag:$0x5] =	stream.indirect.gather [spmem:s3], $0x20, s31, s7, $0xb8;
	[tilespmem:$0x14050] =	vst v63  }
0x1d8: {  	_ =	swait.ge [sflag:s22], $0x1900  }
0x1d9: {  	[sflag:s22] =	ssyncset.done $0x0  }
0x1da: {  	s23 =	simm.s32 $0x2328;
	[sflag:s22] =	ssyncadd.s32 $0xFFFFE700  }
0x1db: {  	[spmem:s2] =	stream.indirect.scatter.add.f32 [tilespmem:s16], [sflag:$0x6], $0x20, s23, s7, $0xb8;
	[tilespmem:$0x14050] =	vst v63  }
0x1dc: {  	_ =	swait.ge [sflag:s21], $0x1900  }
0x1dd: {  	[sflag:s21] =	ssyncset.done $0x0  }
0x1de: {  	s24 =	simm.s32 $0x23F0;
	[sflag:s21] =	ssyncadd.s32 $0xFFFFE700  }
0x1df: {  	[spmem:s2] =	stream.indirect.scatter.add.f32 [tilespmem:s13], [sflag:$0x7], $0x20, s24, s7, $0xb8;
	[tilespmem:$0x14050] =	vst v63  }
0x1e0: {  	_ =	swait.ge [sflag:s19], $0x1900  }
0x1e1: {  	[sflag:s19] =	ssyncset.done $0x0  }
0x1e2: {  	s25 =	simm.s32 $0x24B8;
	[sflag:s19] =	ssyncadd.s32 $0xFFFFE700  }
0x1e3: {  	[spmem:s2] =	stream.indirect.scatter.add.f32 [tilespmem:s11], [sflag:$0x8], $0x20, s25, s7, $0xb8;
	[tilespmem:$0x14050] =	vst v63  }
0x1e4: {  	_ =	swait.ge [sflag:s20], $0x1900  }
0x1e5: {  	[sflag:s20] =	ssyncset.done $0x0  }
0x1e6: {  	s29 =	simm.s32 $0x2580;
	[sflag:s20] =	ssyncadd.s32 $0xFFFFE700  }
0x1e7: {  	[spmem:s2] =	stream.indirect.scatter.add.f32 [tilespmem:s9], [sflag:$0x9], $0x20, s29, s7, $0xb8;
	[tilespmem:$0x14050] =	vst v63  }
0x1e8: {  	_ =	swait.ge [sflag:s18], $0x1900  }
0x1e9: {  	[sflag:s18] =	ssyncset.done $0x0  }
0x1ea: {  	s30 =	simm.s32 $0x2648;
	[sflag:s18] =	ssyncadd.s32 $0xFFFFE700  }
0x1eb: {  	[spmem:s2] =	stream.indirect.scatter.add.f32 [tilespmem:s8], [sflag:$0xA], $0x20, s30, s7, $0xb8;
	[tilespmem:$0x14050] =	vst v63  }
0x1ec: {  	_ =	swait.ge [sflag:s17], $0x1900  }
0x1ed: {  	[sflag:s17] =	ssyncset.done $0x0  }
0x1ee: {  	[sflag:s17] =	ssyncadd.s32 $0xFFFFE700  }
0x1ef: {  	_ =	swait.ge [sflag:s15], $0x1900  }
0x1f0: {  	[sflag:s15] =	ssyncset.done $0x0  }
0x1f1: {  	[sflag:s15] =	ssyncadd.s32 $0xFFFFE700  }
0x1f2: {  	_ =	swait.ge [sflag:s14], $0x1900  }
0x1f3: {  	[sflag:s14] =	ssyncset.done $0x0  }
0x1f4: {  	[sflag:s14] =	ssyncadd.s32 $0xFFFFE700  }
0x1f5: {  	_ =	swait.ge [sflag:s12], $0x1900  }
0x1f6: {  	[sflag:s12] =	ssyncset.done $0x0  }
0x1f7: {  	[sflag:s12] =	ssyncadd.s32 $0xFFFFE700  }
0x1f8: {  	_ =	swait.ge [sflag:s10], $0x1900  }
0x1f9: {  	[sflag:s10] =	ssyncset.done $0x0  }
0x1fa: {  	p1 =	sne.s32 s4, $0x1;
	[sflag:s10] =	ssyncadd.s32 $0xFFFFE700  }
.Ltmp1:
0x1fb: {  	[bflag:$0x0] =	sbarrier.arrive $0xFFFF;
	(pc) =	sbr.rel @!p1 .LBB2_6-.Ltmp1, $4  }
0x1fc: {  	s31 =	rddreg [dreg:$0xc]  }
0x1fd: {  	[hbm:s31], [sflag:s26] =	dma.local [spmem:s6], $0x9C4  }
0x1fe: {  	p0 =	por $0x1, $0x1;
	s28 =	simm.s32 $0x0;
	_ =	swait.ge [sflag:s5], $0x9C4  }
0x1ff: {  	s1 =	sadd.s32 $0xFFFFFFFF, s4;
	s24 =	rddreg [dreg:$0x5];
	[sflag:s5] =	ssyncset.done $0x0  }
0x200: {  	s29 =	simm.s32 $0x258  }
0x201: {  	s31 =	simm.s32 $0x1450;
	s30 =	simm.s32 $0x1518;
	s23 =	simm.s32 $0xFA0  }
.LBB2_3:
0x202: {  	[sflag:s5] =	ssyncadd.s32 $0xFFFFF63C;
	s4 =	rddreg [dreg:$0xe]  }
0x203: {  	[spmem:s4], [sflag:s26] =	dma.local [hbm:s24], $0x9C4  }
0x204: {  	_ =	swait.ge [sflag:s5], $0x9C4  }
0x205: {  	[sflag:s5] =	ssyncset.done $0x0  }
0x206: {  	s25 =	rddreg [dreg:$0xf];
	[sflag:s5] =	ssyncadd.s32 $0xFFFFF63C  }
0x207: {  	[spmem:s6], [sflag:s26] =	dma.local [hbm:s25], $0x9C4  }
0x208: {  	_ =	swait.ge [sflag:s5], $0x9C4  }
0x209: {  	[sflag:s5] =	ssyncset.done $0x0  }
0x20a: {  	s6 =	rddreg [dreg:$0x6];
	[sflag:s5] =	ssyncadd.s32 $0xFFFFF63C  }
0x20b: {  	[tilespmem:s28], [sflag:$0xB] =	stream.linear.gather [hbm4b:s6+s28], $0x1388, $0x38;
	[tilespmem:$0x14050] =	vst v63  }
0x20c: {  	_ =	swait.ge [sflag:s5], $0x1388  }
0x20d: {  	[sflag:s5] =	ssyncset.done $0x0  }
0x20e: {  	s6 =	rddreg [dreg:$0x7];
	[sflag:s5] =	ssyncadd.s32 $0xFFFFEC78  }
0x20f: {  	[tilespmem:s0], [sflag:$0xB] =	stream.linear.gather [hbm4b:s6+s28], $0x1388, $0x38;
	[tilespmem:$0x14050] =	vst v63  }
0x210: {  	_ =	swait.ge [sflag:s5], $0x1388  }
0x211: {  	[sflag:s5] =	ssyncset.done $0x0  }
0x212: {  	[sflag:s5] =	ssyncadd.s32 $0xFFFFEC78  }
0x213: {  	[bflag:$0x0] =	sbarrier.arrive $0xFFFF  }
0x214: {  	[tilespmem:s16], [sflag:$0x1] =	stream.indirect.gather [spmem:s3], $0x20, s28, s7, $0xb8;
	[tilespmem:$0x14050] =	vst v63  }
0x215: {  	_ = 	snop  }
0x216: {  	[tilespmem:s13], [sflag:$0x2] =	stream.indirect.gather [spmem:s3], $0x20, s7, s7, $0xb8;
	[tilespmem:$0x14050] =	vst v63  }
0x217: {  	s6 =	simm.s32 $0x190  }
0x218: {  	[tilespmem:s11], [sflag:$0x3] =	stream.indirect.gather [spmem:s3], $0x20, s6, s7, $0xb8;
	[tilespmem:$0x14050] =	vst v63  }
0x219: {  	_ = 	snop  }
0x21a: {  	[tilespmem:s9], [sflag:$0x4] =	stream.indirect.gather [spmem:s3], $0x20, s29, s7, $0xb8;
	[tilespmem:$0x14050] =	vst v63  }
0x21b: {  	s24 =	simm.s32 $0x320  }
0x21c: {  	[tilespmem:s8], [sflag:$0x5] =	stream.indirect.gather [spmem:s3], $0x20, s24, s7, $0xb8;
	[tilespmem:$0x14050] =	vst v63  }
0x21d: {  	_ =	swait.ge [sflag:s22], $0x1900  }
0x21e: {  	[sflag:s22] =	ssyncset.done $0x0  }
0x21f: {  	s28 =	simm.s32 $0x1388;
	[sflag:s22] =	ssyncadd.s32 $0xFFFFE700  }
0x220: {  	[spmem:s2] =	stream.indirect.scatter.add.f32 [tilespmem:s16], [sflag:$0x6], $0x20, s28, s7, $0xb8;
	[tilespmem:$0x14050] =	vst v63  }
0x221: {  	_ =	swait.ge [sflag:s21], $0x1900  }
0x222: {  	[sflag:s21] =	ssyncset.done $0x0  }
0x223: {  	[sflag:s21] =	ssyncadd.s32 $0xFFFFE700  }
0x224: {  	[spmem:s2] =	stream.indirect.scatter.add.f32 [tilespmem:s13], [sflag:$0x7], $0x20, s31, s7, $0xb8;
	[tilespmem:$0x14050] =	vst v63  }
0x225: {  	_ =	swait.ge [sflag:s19], $0x1900  }
0x226: {  	[sflag:s19] =	ssyncset.done $0x0  }
0x227: {  	[sflag:s19] =	ssyncadd.s32 $0xFFFFE700  }
0x228: {  	[spmem:s2] =	stream.indirect.scatter.add.f32 [tilespmem:s11], [sflag:$0x8], $0x20, s30, s7, $0xb8;
	[tilespmem:$0x14050] =	vst v63  }
0x229: {  	_ =	swait.ge [sflag:s20], $0x1900  }
0x22a: {  	[sflag:s20] =	ssyncset.done $0x0  }
0x22b: {  	s24 =	simm.s32 $0x15E0;
	[sflag:s20] =	ssyncadd.s32 $0xFFFFE700  }
0x22c: {  	[spmem:s2] =	stream.indirect.scatter.add.f32 [tilespmem:s9], [sflag:$0x9], $0x20, s24, s7, $0xb8;
	[tilespmem:$0x14050] =	vst v63  }
0x22d: {  	_ =	swait.ge [sflag:s18], $0x1900  }
0x22e: {  	[sflag:s18] =	ssyncset.done $0x0  }
0x22f: {  	s24 =	simm.s32 $0x16A8;
	[sflag:s18] =	ssyncadd.s32 $0xFFFFE700  }
0x230: {  	[spmem:s2] =	stream.indirect.scatter.add.f32 [tilespmem:s8], [sflag:$0xA], $0x20, s24, s7, $0xb8;
	[tilespmem:$0x14050] =	vst v63  }
0x231: {  	_ =	swait.ge [sflag:s17], $0x1900  }
0x232: {  	[sflag:s17] =	ssyncset.done $0x0  }
0x233: {  	[sflag:s17] =	ssyncadd.s32 $0xFFFFE700  }
0x234: {  	_ =	swait.ge [sflag:s15], $0x1900  }
0x235: {  	[sflag:s15] =	ssyncset.done $0x0  }
0x236: {  	[sflag:s15] =	ssyncadd.s32 $0xFFFFE700  }
0x237: {  	_ =	swait.ge [sflag:s14], $0x1900  }
0x238: {  	[sflag:s14] =	ssyncset.done $0x0  }
0x239: {  	[sflag:s14] =	ssyncadd.s32 $0xFFFFE700  }
0x23a: {  	_ =	swait.ge [sflag:s12], $0x1900  }
0x23b: {  	[sflag:s12] =	ssyncset.done $0x0  }
0x23c: {  	[sflag:s12] =	ssyncadd.s32 $0xFFFFE700  }
0x23d: {  	_ =	swait.ge [sflag:s10], $0x1900  }
0x23e: {  	[sflag:s10] =	ssyncset.done $0x0  }
0x23f: {  	s24 =	simm.s32 $0x3E8;
	[sflag:s10] =	ssyncadd.s32 $0xFFFFE700  }
0x240: {  	[tilespmem:s16], [sflag:$0x1] =	stream.indirect.gather [spmem:s3], $0x20, s24, s7, $0xb8;
	[tilespmem:$0x14050] =	vst v63  }
0x241: {  	s24 =	simm.s32 $0x4B0  }
0x242: {  	[tilespmem:s13], [sflag:$0x2] =	stream.indirect.gather [spmem:s3], $0x20, s24, s7, $0xb8;
	[tilespmem:$0x14050] =	vst v63  }
0x243: {  	s24 =	simm.s32 $0x578  }
0x244: {  	[tilespmem:s11], [sflag:$0x3] =	stream.indirect.gather [spmem:s3], $0x20, s24, s7, $0xb8;
	[tilespmem:$0x14050] =	vst v63  }
0x245: {  	s24 =	simm.s32 $0x640  }
0x246: {  	[tilespmem:s9], [sflag:$0x4] =	stream.indirect.gather [spmem:s3], $0x20, s24, s7, $0xb8;
	[tilespmem:$0x14050] =	vst v63  }
0x247: {  	s24 =	simm.s32 $0x708  }
0x248: {  	[tilespmem:s8], [sflag:$0x5] =	stream.indirect.gather [spmem:s3], $0x20, s24, s7, $0xb8;
	[tilespmem:$0x14050] =	vst v63  }
0x249: {  	_ =	swait.ge [sflag:s22], $0x1900  }
0x24a: {  	[sflag:s22] =	ssyncset.done $0x0  }
0x24b: {  	s24 =	simm.s32 $0x1770;
	[sflag:s22] =	ssyncadd.s32 $0xFFFFE700  }
0x24c: {  	[spmem:s2] =	stream.indirect.scatter.add.f32 [tilespmem:s16], [sflag:$0x6], $0x20, s24, s7, $0xb8;
	[tilespmem:$0x14050] =	vst v63  }
0x24d: {  	_ =	swait.ge [sflag:s21], $0x1900  }
0x24e: {  	[sflag:s21] =	ssyncset.done $0x0  }
0x24f: {  	s24 =	simm.s32 $0x1838;
	[sflag:s21] =	ssyncadd.s32 $0xFFFFE700  }
0x250: {  	[spmem:s2] =	stream.indirect.scatter.add.f32 [tilespmem:s13], [sflag:$0x7], $0x20, s24, s7, $0xb8;
	[tilespmem:$0x14050] =	vst v63  }
0x251: {  	_ =	swait.ge [sflag:s19], $0x1900  }
0x252: {  	[sflag:s19] =	ssyncset.done $0x0  }
0x253: {  	s24 =	simm.s32 $0x1900;
	[sflag:s19] =	ssyncadd.s32 $0xFFFFE700  }
0x254: {  	[spmem:s2] =	stream.indirect.scatter.add.f32 [tilespmem:s11], [sflag:$0x8], $0x20, s24, s7, $0xb8;
	[tilespmem:$0x14050] =	vst v63  }
0x255: {  	_ =	swait.ge [sflag:s20], $0x1900  }
0x256: {  	[sflag:s20] =	ssyncset.done $0x0  }
0x257: {  	s24 =	simm.s32 $0x19C8;
	[sflag:s20] =	ssyncadd.s32 $0xFFFFE700  }
0x258: {  	[spmem:s2] =	stream.indirect.scatter.add.f32 [tilespmem:s9], [sflag:$0x9], $0x20, s24, s7, $0xb8;
	[tilespmem:$0x14050] =	vst v63  }
0x259: {  	_ =	swait.ge [sflag:s18], $0x1900  }
0x25a: {  	[sflag:s18] =	ssyncset.done $0x0  }
0x25b: {  	s24 =	simm.s32 $0x1A90;
	[sflag:s18] =	ssyncadd.s32 $0xFFFFE700  }
0x25c: {  	[spmem:s2] =	stream.indirect.scatter.add.f32 [tilespmem:s8], [sflag:$0xA], $0x20, s24, s7, $0xb8;
	[tilespmem:$0x14050] =	vst v63  }
0x25d: {  	_ =	swait.ge [sflag:s17], $0x1900  }
0x25e: {  	[sflag:s17] =	ssyncset.done $0x0  }
0x25f: {  	[sflag:s17] =	ssyncadd.s32 $0xFFFFE700  }
0x260: {  	_ =	swait.ge [sflag:s15], $0x1900  }
0x261: {  	[sflag:s15] =	ssyncset.done $0x0  }
0x262: {  	[sflag:s15] =	ssyncadd.s32 $0xFFFFE700  }
0x263: {  	_ =	swait.ge [sflag:s14], $0x1900  }
0x264: {  	[sflag:s14] =	ssyncset.done $0x0  }
0x265: {  	[sflag:s14] =	ssyncadd.s32 $0xFFFFE700  }
0x266: {  	_ =	swait.ge [sflag:s12], $0x1900  }
0x267: {  	[sflag:s12] =	ssyncset.done $0x0  }
0x268: {  	[sflag:s12] =	ssyncadd.s32 $0xFFFFE700  }
0x269: {  	_ =	swait.ge [sflag:s10], $0x1900  }
0x26a: {  	[sflag:s10] =	ssyncset.done $0x0  }
0x26b: {  	s24 =	simm.s32 $0x7D0;
	[sflag:s10] =	ssyncadd.s32 $0xFFFFE700  }
0x26c: {  	[tilespmem:s16], [sflag:$0x1] =	stream.indirect.gather [spmem:s3], $0x20, s24, s7, $0xb8;
	[tilespmem:$0x14050] =	vst v63  }
0x26d: {  	s24 =	simm.s32 $0x898  }
0x26e: {  	[tilespmem:s13], [sflag:$0x2] =	stream.indirect.gather [spmem:s3], $0x20, s24, s7, $0xb8;
	[tilespmem:$0x14050] =	vst v63  }
0x26f: {  	s24 =	simm.s32 $0x960  }
0x270: {  	[tilespmem:s11], [sflag:$0x3] =	stream.indirect.gather [spmem:s3], $0x20, s24, s7, $0xb8;
	[tilespmem:$0x14050] =	vst v63  }
0x271: {  	s24 =	simm.s32 $0xA28  }
0x272: {  	[tilespmem:s9], [sflag:$0x4] =	stream.indirect.gather [spmem:s3], $0x20, s24, s7, $0xb8;
	[tilespmem:$0x14050] =	vst v63  }
0x273: {  	s24 =	simm.s32 $0xAF0  }
0x274: {  	[tilespmem:s8], [sflag:$0x5] =	stream.indirect.gather [spmem:s3], $0x20, s24, s7, $0xb8;
	[tilespmem:$0x14050] =	vst v63  }
0x275: {  	_ =	swait.ge [sflag:s22], $0x1900  }
0x276: {  	[sflag:s22] =	ssyncset.done $0x0  }
0x277: {  	s24 =	simm.s32 $0x1B58;
	[sflag:s22] =	ssyncadd.s32 $0xFFFFE700  }
0x278: {  	[spmem:s2] =	stream.indirect.scatter.add.f32 [tilespmem:s16], [sflag:$0x6], $0x20, s24, s7, $0xb8;
	[tilespmem:$0x14050] =	vst v63  }
0x279: {  	_ =	swait.ge [sflag:s21], $0x1900  }
0x27a: {  	[sflag:s21] =	ssyncset.done $0x0  }
0x27b: {  	s24 =	simm.s32 $0x1C20;
	[sflag:s21] =	ssyncadd.s32 $0xFFFFE700  }
0x27c: {  	[spmem:s2] =	stream.indirect.scatter.add.f32 [tilespmem:s13], [sflag:$0x7], $0x20, s24, s7, $0xb8;
	[tilespmem:$0x14050] =	vst v63  }
0x27d: {  	_ =	swait.ge [sflag:s19], $0x1900  }
0x27e: {  	[sflag:s19] =	ssyncset.done $0x0  }
0x27f: {  	s24 =	simm.s32 $0x1CE8;
	[sflag:s19] =	ssyncadd.s32 $0xFFFFE700  }
0x280: {  	[spmem:s2] =	stream.indirect.scatter.add.f32 [tilespmem:s11], [sflag:$0x8], $0x20, s24, s7, $0xb8;
	[tilespmem:$0x14050] =	vst v63  }
0x281: {  	_ =	swait.ge [sflag:s20], $0x1900  }
0x282: {  	[sflag:s20] =	ssyncset.done $0x0  }
0x283: {  	s24 =	simm.s32 $0x1DB0;
	[sflag:s20] =	ssyncadd.s32 $0xFFFFE700  }
0x284: {  	[spmem:s2] =	stream.indirect.scatter.add.f32 [tilespmem:s9], [sflag:$0x9], $0x20, s24, s7, $0xb8;
	[tilespmem:$0x14050] =	vst v63  }
0x285: {  	_ =	swait.ge [sflag:s18], $0x1900  }
0x286: {  	[sflag:s18] =	ssyncset.done $0x0  }
0x287: {  	s24 =	simm.s32 $0x1E78;
	[sflag:s18] =	ssyncadd.s32 $0xFFFFE700  }
0x288: {  	[spmem:s2] =	stream.indirect.scatter.add.f32 [tilespmem:s8], [sflag:$0xA], $0x20, s24, s7, $0xb8;
	[tilespmem:$0x14050] =	vst v63  }
0x289: {  	_ =	swait.ge [sflag:s17], $0x1900  }
0x28a: {  	[sflag:s17] =	ssyncset.done $0x0  }
0x28b: {  	[sflag:s17] =	ssyncadd.s32 $0xFFFFE700  }
0x28c: {  	_ =	swait.ge [sflag:s15], $0x1900  }
0x28d: {  	[sflag:s15] =	ssyncset.done $0x0  }
0x28e: {  	[sflag:s15] =	ssyncadd.s32 $0xFFFFE700  }
0x28f: {  	_ =	swait.ge [sflag:s14], $0x1900  }
0x290: {  	[sflag:s14] =	ssyncset.done $0x0  }
0x291: {  	[sflag:s14] =	ssyncadd.s32 $0xFFFFE700  }
0x292: {  	_ =	swait.ge [sflag:s12], $0x1900  }
0x293: {  	[sflag:s12] =	ssyncset.done $0x0  }
0x294: {  	[sflag:s12] =	ssyncadd.s32 $0xFFFFE700  }
0x295: {  	_ =	swait.ge [sflag:s10], $0x1900  }
0x296: {  	[sflag:s10] =	ssyncset.done $0x0  }
0x297: {  	s24 =	simm.s32 $0xBB8;
	[sflag:s10] =	ssyncadd.s32 $0xFFFFE700  }
0x298: {  	[tilespmem:s16], [sflag:$0x1] =	stream.indirect.gather [spmem:s3], $0x20, s24, s7, $0xb8;
	[tilespmem:$0x14050] =	vst v63  }
0x299: {  	s24 =	simm.s32 $0xC80  }
0x29a: {  	[tilespmem:s13], [sflag:$0x2] =	stream.indirect.gather [spmem:s3], $0x20, s24, s7, $0xb8;
	[tilespmem:$0x14050] =	vst v63  }
0x29b: {  	s24 =	simm.s32 $0xD48  }
0x29c: {  	[tilespmem:s11], [sflag:$0x3] =	stream.indirect.gather [spmem:s3], $0x20, s24, s7, $0xb8;
	[tilespmem:$0x14050] =	vst v63  }
0x29d: {  	s24 =	simm.s32 $0xE10  }
0x29e: {  	[tilespmem:s9], [sflag:$0x4] =	stream.indirect.gather [spmem:s3], $0x20, s24, s7, $0xb8;
	[tilespmem:$0x14050] =	vst v63  }
0x29f: {  	s24 =	simm.s32 $0xED8  }
0x2a0: {  	[tilespmem:s8], [sflag:$0x5] =	stream.indirect.gather [spmem:s3], $0x20, s24, s7, $0xb8;
	[tilespmem:$0x14050] =	vst v63  }
0x2a1: {  	_ =	swait.ge [sflag:s22], $0x1900  }
0x2a2: {  	[sflag:s22] =	ssyncset.done $0x0  }
0x2a3: {  	s24 =	simm.s32 $0x1F40;
	[sflag:s22] =	ssyncadd.s32 $0xFFFFE700  }
0x2a4: {  	[spmem:s2] =	stream.indirect.scatter.add.f32 [tilespmem:s16], [sflag:$0x6], $0x20, s24, s7, $0xb8;
	[tilespmem:$0x14050] =	vst v63  }
0x2a5: {  	_ =	swait.ge [sflag:s21], $0x1900  }
0x2a6: {  	[sflag:s21] =	ssyncset.done $0x0  }
0x2a7: {  	s24 =	simm.s32 $0x2008;
	[sflag:s21] =	ssyncadd.s32 $0xFFFFE700  }
0x2a8: {  	[spmem:s2] =	stream.indirect.scatter.add.f32 [tilespmem:s13], [sflag:$0x7], $0x20, s24, s7, $0xb8;
	[tilespmem:$0x14050] =	vst v63  }
0x2a9: {  	_ =	swait.ge [sflag:s19], $0x1900  }
0x2aa: {  	[sflag:s19] =	ssyncset.done $0x0  }
0x2ab: {  	s24 =	simm.s32 $0x20D0;
	[sflag:s19] =	ssyncadd.s32 $0xFFFFE700  }
0x2ac: {  	[spmem:s2] =	stream.indirect.scatter.add.f32 [tilespmem:s11], [sflag:$0x8], $0x20, s24, s7, $0xb8;
	[tilespmem:$0x14050] =	vst v63  }
0x2ad: {  	_ =	swait.ge [sflag:s20], $0x1900  }
0x2ae: {  	[sflag:s20] =	ssyncset.done $0x0  }
0x2af: {  	s24 =	simm.s32 $0x2198;
	[sflag:s20] =	ssyncadd.s32 $0xFFFFE700  }
0x2b0: {  	[spmem:s2] =	stream.indirect.scatter.add.f32 [tilespmem:s9], [sflag:$0x9], $0x20, s24, s7, $0xb8;
	[tilespmem:$0x14050] =	vst v63  }
0x2b1: {  	_ =	swait.ge [sflag:s18], $0x1900  }
0x2b2: {  	[sflag:s18] =	ssyncset.done $0x0  }
0x2b3: {  	s24 =	simm.s32 $0x2260;
	[sflag:s18] =	ssyncadd.s32 $0xFFFFE700  }
0x2b4: {  	[spmem:s2] =	stream.indirect.scatter.add.f32 [tilespmem:s8], [sflag:$0xA], $0x20, s24, s7, $0xb8;
	[tilespmem:$0x14050] =	vst v63  }
0x2b5: {  	_ =	swait.ge [sflag:s17], $0x1900  }
0x2b6: {  	[sflag:s17] =	ssyncset.done $0x0  }
0x2b7: {  	[sflag:s17] =	ssyncadd.s32 $0xFFFFE700  }
0x2b8: {  	_ =	swait.ge [sflag:s15], $0x1900  }
0x2b9: {  	[sflag:s15] =	ssyncset.done $0x0  }
0x2ba: {  	[sflag:s15] =	ssyncadd.s32 $0xFFFFE700  }
0x2bb: {  	_ =	swait.ge [sflag:s14], $0x1900  }
0x2bc: {  	[sflag:s14] =	ssyncset.done $0x0  }
0x2bd: {  	[sflag:s14] =	ssyncadd.s32 $0xFFFFE700  }
0x2be: {  	_ =	swait.ge [sflag:s12], $0x1900  }
0x2bf: {  	[sflag:s12] =	ssyncset.done $0x0  }
0x2c0: {  	[sflag:s12] =	ssyncadd.s32 $0xFFFFE700  }
0x2c1: {  	_ =	swait.ge [sflag:s10], $0x1900  }
0x2c2: {  	[sflag:s10] =	ssyncset.done $0x0  }
0x2c3: {  	[sflag:s10] =	ssyncadd.s32 $0xFFFFE700  }
0x2c4: {  	[tilespmem:s16], [sflag:$0x1] =	stream.indirect.gather [spmem:s3], $0x20, s23, s7, $0xb8;
	[tilespmem:$0x14050] =	vst v63  }
0x2c5: {  	s24 =	simm.s32 $0x1068  }
0x2c6: {  	[tilespmem:s13], [sflag:$0x2] =	stream.indirect.gather [spmem:s3], $0x20, s24, s7, $0xb8;
	[tilespmem:$0x14050] =	vst v63  }
0x2c7: {  	s24 =	simm.s32 $0x1130  }
0x2c8: {  	[tilespmem:s11], [sflag:$0x3] =	stream.indirect.gather [spmem:s3], $0x20, s24, s7, $0xb8;
	[tilespmem:$0x14050] =	vst v63  }
0x2c9: {  	s24 =	simm.s32 $0x11F8  }
0x2ca: {  	[tilespmem:s9], [sflag:$0x4] =	stream.indirect.gather [spmem:s3], $0x20, s24, s7, $0xb8;
	[tilespmem:$0x14050] =	vst v63  }
0x2cb: {  	s24 =	simm.s32 $0x12C0  }
0x2cc: {  	[tilespmem:s8], [sflag:$0x5] =	stream.indirect.gather [spmem:s3], $0x20, s24, s7, $0xb8;
	[tilespmem:$0x14050] =	vst v63  }
0x2cd: {  	_ =	swait.ge [sflag:s22], $0x1900  }
0x2ce: {  	[sflag:s22] =	ssyncset.done $0x0  }
0x2cf: {  	s24 =	simm.s32 $0x2328;
	[sflag:s22] =	ssyncadd.s32 $0xFFFFE700  }
0x2d0: {  	[spmem:s2] =	stream.indirect.scatter.add.f32 [tilespmem:s16], [sflag:$0x6], $0x20, s24, s7, $0xb8;
	[tilespmem:$0x14050] =	vst v63  }
0x2d1: {  	_ =	swait.ge [sflag:s21], $0x1900  }
0x2d2: {  	[sflag:s21] =	ssyncset.done $0x0  }
0x2d3: {  	s24 =	simm.s32 $0x23F0;
	[sflag:s21] =	ssyncadd.s32 $0xFFFFE700  }
0x2d4: {  	[spmem:s2] =	stream.indirect.scatter.add.f32 [tilespmem:s13], [sflag:$0x7], $0x20, s24, s7, $0xb8;
	[tilespmem:$0x14050] =	vst v63  }
0x2d5: {  	_ =	swait.ge [sflag:s19], $0x1900  }
0x2d6: {  	[sflag:s19] =	ssyncset.done $0x0  }
0x2d7: {  	s24 =	simm.s32 $0x24B8;
	[sflag:s19] =	ssyncadd.s32 $0xFFFFE700  }
0x2d8: {  	[spmem:s2] =	stream.indirect.scatter.add.f32 [tilespmem:s11], [sflag:$0x8], $0x20, s24, s7, $0xb8;
	[tilespmem:$0x14050] =	vst v63  }
0x2d9: {  	_ =	swait.ge [sflag:s20], $0x1900  }
0x2da: {  	[sflag:s20] =	ssyncset.done $0x0  }
0x2db: {  	s24 =	simm.s32 $0x2580;
	[sflag:s20] =	ssyncadd.s32 $0xFFFFE700  }
0x2dc: {  	[spmem:s2] =	stream.indirect.scatter.add.f32 [tilespmem:s9], [sflag:$0x9], $0x20, s24, s7, $0xb8;
	[tilespmem:$0x14050] =	vst v63  }
0x2dd: {  	_ =	swait.ge [sflag:s18], $0x1900  }
0x2de: {  	[sflag:s18] =	ssyncset.done $0x0  }
0x2df: {  	s24 =	simm.s32 $0x2648;
	[sflag:s18] =	ssyncadd.s32 $0xFFFFE700  }
0x2e0: {  	[spmem:s2] =	stream.indirect.scatter.add.f32 [tilespmem:s8], [sflag:$0xA], $0x20, s24, s7, $0xb8;
	[tilespmem:$0x14050] =	vst v63  }
0x2e1: {  	_ =	swait.ge [sflag:s17], $0x1900  }
0x2e2: {  	[sflag:s17] =	ssyncset.done $0x0  }
0x2e3: {  	[sflag:s17] =	ssyncadd.s32 $0xFFFFE700  }
0x2e4: {  	_ =	swait.ge [sflag:s15], $0x1900  }
0x2e5: {  	[sflag:s15] =	ssyncset.done $0x0  }
0x2e6: {  	[sflag:s15] =	ssyncadd.s32 $0xFFFFE700  }
0x2e7: {  	_ =	swait.ge [sflag:s14], $0x1900  }
0x2e8: {  	[sflag:s14] =	ssyncset.done $0x0  }
0x2e9: {  	[sflag:s14] =	ssyncadd.s32 $0xFFFFE700  }
0x2ea: {  	_ =	swait.ge [sflag:s12], $0x1900  }
0x2eb: {  	[sflag:s12] =	ssyncset.done $0x0  }
0x2ec: {  	[sflag:s12] =	ssyncadd.s32 $0xFFFFE700  }
0x2ed: {  	_ =	swait.ge [sflag:s10], $0x1900  }
0x2ee: {  	[sflag:s10] =	ssyncset.done $0x0  }
0x2ef: {  	[sflag:s10] =	ssyncadd.s32 $0xFFFFE700  }
0x2f0: {  	[bflag:$0x0] =	sbarrier.arrive $0xFFFF  }
0x2f1: {  	s24 =	rddreg [dreg:$0x8]  }
0x2f2: {  	s0 =	rddreg [dreg:$0xd]  }
0x2f3: {  	[hbm:s24], [sflag:s26] =	dma.local [spmem:s0], $0x9C4  }
0x2f4: {  	_ =	swait.ge [sflag:s5], $0x9C4  }
0x2f5: {  	[sflag:s5] =	ssyncset.done $0x0  }
0x2f6: {  	s0 =	rddreg [dreg:$0x9];
	[sflag:s5] =	ssyncadd.s32 $0xFFFFF63C  }
0x2f7: {  	[spmem:s4], [sflag:s26] =	dma.local [hbm:s0], $0x9C4  }
0x2f8: {  	_ =	swait.ge [sflag:s5], $0x9C4  }
0x2f9: {  	[sflag:s5] =	ssyncset.done $0x0  }
0x2fa: {  	s24 =	rddreg [dreg:$0xd];
	[sflag:s5] =	ssyncadd.s32 $0xFFFFF63C  }
0x2fb: {  	[spmem:s24], [sflag:s26] =	dma.local [hbm:s25], $0x9C4  }
0x2fc: {  	_ =	swait.ge [sflag:s5], $0x9C4  }
0x2fd: {  	[sflag:s5] =	ssyncset.done $0x0  }
0x2fe: {  	s6 =	simm.s32 $0x0;
	s0 =	rddreg [dreg:$0xa];
	[sflag:s5] =	ssyncadd.s32 $0xFFFFF63C  }
0x2ff: {  	[tilespmem:s6], [sflag:$0xB] =	stream.linear.gather [hbm4b:s0+s6], $0x1388, $0x38;
	[tilespmem:$0x14050] =	vst v63  }
0x300: {  	_ =	swait.ge [sflag:s5], $0x1388  }
0x301: {  	[sflag:s5] =	ssyncset.done $0x0  }
0x302: {  	s4 =	rddreg [dreg:$0xb];
	[sflag:s5] =	ssyncadd.s32 $0xFFFFEC78  }
0x303: {  	[tilespmem:s28], [sflag:$0xB] =	stream.linear.gather [hbm4b:s4+s6], $0x1388, $0x38;
	[tilespmem:$0x14050] =	vst v63  }
0x304: {  	s6 =	rddreg [dreg:$0xd];
	_ =	swait.ge [sflag:s5], $0x1388  }
0x305: {  	[sflag:s5] =	ssyncset.done $0x0  }
0x306: {  	[sflag:s5] =	ssyncadd.s32 $0xFFFFEC78  }
0x307: {  	s28 =	simm.s32 $0x0;
	[bflag:$0x0] =	sbarrier.arrive $0xFFFF  }
0x308: {  	[tilespmem:s16], [sflag:$0x1] =	stream.indirect.gather [spmem:s3], $0x20, s28, s7, $0xb8;
	[tilespmem:$0x14050] =	vst v63  }
0x309: {  	_ = 	snop  }
0x30a: {  	[tilespmem:s13], [sflag:$0x2] =	stream.indirect.gather [spmem:s3], $0x20, s7, s7, $0xb8;
	[tilespmem:$0x14050] =	vst v63  }
0x30b: {  	s25 =	simm.s32 $0x190  }
0x30c: {  	[tilespmem:s11], [sflag:$0x3] =	stream.indirect.gather [spmem:s3], $0x20, s25, s7, $0xb8;
	[tilespmem:$0x14050] =	vst v63  }
0x30d: {  	_ = 	snop  }
0x30e: {  	[tilespmem:s9], [sflag:$0x4] =	stream.indirect.gather [spmem:s3], $0x20, s29, s7, $0xb8;
	[tilespmem:$0x14050] =	vst v63  }
0x30f: {  	s4 =	simm.s32 $0x320  }
0x310: {  	[tilespmem:s8], [sflag:$0x5] =	stream.indirect.gather [spmem:s3], $0x20, s4, s7, $0xb8;
	[tilespmem:$0x14050] =	vst v63  }
0x311: {  	_ =	swait.ge [sflag:s22], $0x1900  }
0x312: {  	[sflag:s22] =	ssyncset.done $0x0  }
0x313: {  	s0 =	simm.s32 $0x1388;
	[sflag:s22] =	ssyncadd.s32 $0xFFFFE700  }
0x314: {  	[spmem:s2] =	stream.indirect.scatter.add.f32 [tilespmem:s16], [sflag:$0x6], $0x20, s0, s7, $0xb8;
	[tilespmem:$0x14050] =	vst v63  }
0x315: {  	_ =	swait.ge [sflag:s21], $0x1900  }
0x316: {  	[sflag:s21] =	ssyncset.done $0x0  }
0x317: {  	[sflag:s21] =	ssyncadd.s32 $0xFFFFE700  }
0x318: {  	[spmem:s2] =	stream.indirect.scatter.add.f32 [tilespmem:s13], [sflag:$0x7], $0x20, s31, s7, $0xb8;
	[tilespmem:$0x14050] =	vst v63  }
0x319: {  	_ =	swait.ge [sflag:s19], $0x1900  }
0x31a: {  	[sflag:s19] =	ssyncset.done $0x0  }
0x31b: {  	[sflag:s19] =	ssyncadd.s32 $0xFFFFE700  }
0x31c: {  	[spmem:s2] =	stream.indirect.scatter.add.f32 [tilespmem:s11], [sflag:$0x8], $0x20, s30, s7, $0xb8;
	[tilespmem:$0x14050] =	vst v63  }
0x31d: {  	_ =	swait.ge [sflag:s20], $0x1900  }
0x31e: {  	[sflag:s20] =	ssyncset.done $0x0  }
0x31f: {  	s24 =	simm.s32 $0x15E0;
	[sflag:s20] =	ssyncadd.s32 $0xFFFFE700  }
0x320: {  	[spmem:s2] =	stream.indirect.scatter.add.f32 [tilespmem:s9], [sflag:$0x9], $0x20, s24, s7, $0xb8;
	[tilespmem:$0x14050] =	vst v63  }
0x321: {  	_ =	swait.ge [sflag:s18], $0x1900  }
0x322: {  	[sflag:s18] =	ssyncset.done $0x0  }
0x323: {  	s25 =	simm.s32 $0x16A8;
	[sflag:s18] =	ssyncadd.s32 $0xFFFFE700  }
0x324: {  	[spmem:s2] =	stream.indirect.scatter.add.f32 [tilespmem:s8], [sflag:$0xA], $0x20, s25, s7, $0xb8;
	[tilespmem:$0x14050] =	vst v63  }
0x325: {  	_ =	swait.ge [sflag:s17], $0x1900  }
0x326: {  	[sflag:s17] =	ssyncset.done $0x0  }
0x327: {  	[sflag:s17] =	ssyncadd.s32 $0xFFFFE700  }
0x328: {  	_ =	swait.ge [sflag:s15], $0x1900  }
0x329: {  	[sflag:s15] =	ssyncset.done $0x0  }
0x32a: {  	[sflag:s15] =	ssyncadd.s32 $0xFFFFE700  }
0x32b: {  	_ =	swait.ge [sflag:s14], $0x1900  }
0x32c: {  	[sflag:s14] =	ssyncset.done $0x0  }
0x32d: {  	[sflag:s14] =	ssyncadd.s32 $0xFFFFE700  }
0x32e: {  	_ =	swait.ge [sflag:s12], $0x1900  }
0x32f: {  	[sflag:s12] =	ssyncset.done $0x0  }
0x330: {  	[sflag:s12] =	ssyncadd.s32 $0xFFFFE700  }
0x331: {  	_ =	swait.ge [sflag:s10], $0x1900  }
0x332: {  	[sflag:s10] =	ssyncset.done $0x0  }
0x333: {  	s24 =	simm.s32 $0x3E8;
	[sflag:s10] =	ssyncadd.s32 $0xFFFFE700  }
0x334: {  	[tilespmem:s16], [sflag:$0x1] =	stream.indirect.gather [spmem:s3], $0x20, s24, s7, $0xb8;
	[tilespmem:$0x14050] =	vst v63  }
0x335: {  	s25 =	simm.s32 $0x4B0  }
0x336: {  	[tilespmem:s13], [sflag:$0x2] =	stream.indirect.gather [spmem:s3], $0x20, s25, s7, $0xb8;
	[tilespmem:$0x14050] =	vst v63  }
0x337: {  	s24 =	simm.s32 $0x578  }
0x338: {  	[tilespmem:s11], [sflag:$0x3] =	stream.indirect.gather [spmem:s3], $0x20, s24, s7, $0xb8;
	[tilespmem:$0x14050] =	vst v63  }
0x339: {  	s25 =	simm.s32 $0x640  }
0x33a: {  	[tilespmem:s9], [sflag:$0x4] =	stream.indirect.gather [spmem:s3], $0x20, s25, s7, $0xb8;
	[tilespmem:$0x14050] =	vst v63  }
0x33b: {  	s24 =	simm.s32 $0x708  }
0x33c: {  	[tilespmem:s8], [sflag:$0x5] =	stream.indirect.gather [spmem:s3], $0x20, s24, s7, $0xb8;
	[tilespmem:$0x14050] =	vst v63  }
0x33d: {  	_ =	swait.ge [sflag:s22], $0x1900  }
0x33e: {  	[sflag:s22] =	ssyncset.done $0x0  }
0x33f: {  	s25 =	simm.s32 $0x1770;
	[sflag:s22] =	ssyncadd.s32 $0xFFFFE700  }
0x340: {  	[spmem:s2] =	stream.indirect.scatter.add.f32 [tilespmem:s16], [sflag:$0x6], $0x20, s25, s7, $0xb8;
	[tilespmem:$0x14050] =	vst v63  }
0x341: {  	_ =	swait.ge [sflag:s21], $0x1900  }
0x342: {  	[sflag:s21] =	ssyncset.done $0x0  }
0x343: {  	s24 =	simm.s32 $0x1838;
	[sflag:s21] =	ssyncadd.s32 $0xFFFFE700  }
0x344: {  	[spmem:s2] =	stream.indirect.scatter.add.f32 [tilespmem:s13], [sflag:$0x7], $0x20, s24, s7, $0xb8;
	[tilespmem:$0x14050] =	vst v63  }
0x345: {  	_ =	swait.ge [sflag:s19], $0x1900  }
0x346: {  	[sflag:s19] =	ssyncset.done $0x0  }
0x347: {  	s25 =	simm.s32 $0x1900;
	[sflag:s19] =	ssyncadd.s32 $0xFFFFE700  }
0x348: {  	[spmem:s2] =	stream.indirect.scatter.add.f32 [tilespmem:s11], [sflag:$0x8], $0x20, s25, s7, $0xb8;
	[tilespmem:$0x14050] =	vst v63  }
0x349: {  	_ =	swait.ge [sflag:s20], $0x1900  }
0x34a: {  	[sflag:s20] =	ssyncset.done $0x0  }
0x34b: {  	s24 =	simm.s32 $0x19C8;
	[sflag:s20] =	ssyncadd.s32 $0xFFFFE700  }
0x34c: {  	[spmem:s2] =	stream.indirect.scatter.add.f32 [tilespmem:s9], [sflag:$0x9], $0x20, s24, s7, $0xb8;
	[tilespmem:$0x14050] =	vst v63  }
0x34d: {  	_ =	swait.ge [sflag:s18], $0x1900  }
0x34e: {  	[sflag:s18] =	ssyncset.done $0x0  }
0x34f: {  	s25 =	simm.s32 $0x1A90;
	[sflag:s18] =	ssyncadd.s32 $0xFFFFE700  }
0x350: {  	[spmem:s2] =	stream.indirect.scatter.add.f32 [tilespmem:s8], [sflag:$0xA], $0x20, s25, s7, $0xb8;
	[tilespmem:$0x14050] =	vst v63  }
0x351: {  	_ =	swait.ge [sflag:s17], $0x1900  }
0x352: {  	[sflag:s17] =	ssyncset.done $0x0  }
0x353: {  	[sflag:s17] =	ssyncadd.s32 $0xFFFFE700  }
0x354: {  	_ =	swait.ge [sflag:s15], $0x1900  }
0x355: {  	[sflag:s15] =	ssyncset.done $0x0  }
0x356: {  	[sflag:s15] =	ssyncadd.s32 $0xFFFFE700  }
0x357: {  	_ =	swait.ge [sflag:s14], $0x1900  }
0x358: {  	[sflag:s14] =	ssyncset.done $0x0  }
0x359: {  	[sflag:s14] =	ssyncadd.s32 $0xFFFFE700  }
0x35a: {  	_ =	swait.ge [sflag:s12], $0x1900  }
0x35b: {  	[sflag:s12] =	ssyncset.done $0x0  }
0x35c: {  	[sflag:s12] =	ssyncadd.s32 $0xFFFFE700  }
0x35d: {  	_ =	swait.ge [sflag:s10], $0x1900  }
0x35e: {  	[sflag:s10] =	ssyncset.done $0x0  }
0x35f: {  	s24 =	simm.s32 $0x7D0;
	[sflag:s10] =	ssyncadd.s32 $0xFFFFE700  }
0x360: {  	[tilespmem:s16], [sflag:$0x1] =	stream.indirect.gather [spmem:s3], $0x20, s24, s7, $0xb8;
	[tilespmem:$0x14050] =	vst v63  }
0x361: {  	s25 =	simm.s32 $0x898  }
0x362: {  	[tilespmem:s13], [sflag:$0x2] =	stream.indirect.gather [spmem:s3], $0x20, s25, s7, $0xb8;
	[tilespmem:$0x14050] =	vst v63  }
0x363: {  	s24 =	simm.s32 $0x960  }
0x364: {  	[tilespmem:s11], [sflag:$0x3] =	stream.indirect.gather [spmem:s3], $0x20, s24, s7, $0xb8;
	[tilespmem:$0x14050] =	vst v63  }
0x365: {  	s25 =	simm.s32 $0xA28  }
0x366: {  	[tilespmem:s9], [sflag:$0x4] =	stream.indirect.gather [spmem:s3], $0x20, s25, s7, $0xb8;
	[tilespmem:$0x14050] =	vst v63  }
0x367: {  	s24 =	simm.s32 $0xAF0  }
0x368: {  	[tilespmem:s8], [sflag:$0x5] =	stream.indirect.gather [spmem:s3], $0x20, s24, s7, $0xb8;
	[tilespmem:$0x14050] =	vst v63  }
0x369: {  	_ =	swait.ge [sflag:s22], $0x1900  }
0x36a: {  	[sflag:s22] =	ssyncset.done $0x0  }
0x36b: {  	s25 =	simm.s32 $0x1B58;
	[sflag:s22] =	ssyncadd.s32 $0xFFFFE700  }
0x36c: {  	[spmem:s2] =	stream.indirect.scatter.add.f32 [tilespmem:s16], [sflag:$0x6], $0x20, s25, s7, $0xb8;
	[tilespmem:$0x14050] =	vst v63  }
0x36d: {  	_ =	swait.ge [sflag:s21], $0x1900  }
0x36e: {  	[sflag:s21] =	ssyncset.done $0x0  }
0x36f: {  	s24 =	simm.s32 $0x1C20;
	[sflag:s21] =	ssyncadd.s32 $0xFFFFE700  }
0x370: {  	[spmem:s2] =	stream.indirect.scatter.add.f32 [tilespmem:s13], [sflag:$0x7], $0x20, s24, s7, $0xb8;
	[tilespmem:$0x14050] =	vst v63  }
0x371: {  	_ =	swait.ge [sflag:s19], $0x1900  }
0x372: {  	[sflag:s19] =	ssyncset.done $0x0  }
0x373: {  	s25 =	simm.s32 $0x1CE8;
	[sflag:s19] =	ssyncadd.s32 $0xFFFFE700  }
0x374: {  	[spmem:s2] =	stream.indirect.scatter.add.f32 [tilespmem:s11], [sflag:$0x8], $0x20, s25, s7, $0xb8;
	[tilespmem:$0x14050] =	vst v63  }
0x375: {  	_ =	swait.ge [sflag:s20], $0x1900  }
0x376: {  	[sflag:s20] =	ssyncset.done $0x0  }
0x377: {  	s24 =	simm.s32 $0x1DB0;
	[sflag:s20] =	ssyncadd.s32 $0xFFFFE700  }
0x378: {  	[spmem:s2] =	stream.indirect.scatter.add.f32 [tilespmem:s9], [sflag:$0x9], $0x20, s24, s7, $0xb8;
	[tilespmem:$0x14050] =	vst v63  }
0x379: {  	_ =	swait.ge [sflag:s18], $0x1900  }
0x37a: {  	[sflag:s18] =	ssyncset.done $0x0  }
0x37b: {  	s25 =	simm.s32 $0x1E78;
	[sflag:s18] =	ssyncadd.s32 $0xFFFFE700  }
0x37c: {  	[spmem:s2] =	stream.indirect.scatter.add.f32 [tilespmem:s8], [sflag:$0xA], $0x20, s25, s7, $0xb8;
	[tilespmem:$0x14050] =	vst v63  }
0x37d: {  	_ =	swait.ge [sflag:s17], $0x1900  }
0x37e: {  	[sflag:s17] =	ssyncset.done $0x0  }
0x37f: {  	[sflag:s17] =	ssyncadd.s32 $0xFFFFE700  }
0x380: {  	_ =	swait.ge [sflag:s15], $0x1900  }
0x381: {  	[sflag:s15] =	ssyncset.done $0x0  }
0x382: {  	[sflag:s15] =	ssyncadd.s32 $0xFFFFE700  }
0x383: {  	_ =	swait.ge [sflag:s14], $0x1900  }
0x384: {  	[sflag:s14] =	ssyncset.done $0x0  }
0x385: {  	[sflag:s14] =	ssyncadd.s32 $0xFFFFE700  }
0x386: {  	_ =	swait.ge [sflag:s12], $0x1900  }
0x387: {  	[sflag:s12] =	ssyncset.done $0x0  }
0x388: {  	[sflag:s12] =	ssyncadd.s32 $0xFFFFE700  }
0x389: {  	_ =	swait.ge [sflag:s10], $0x1900  }
0x38a: {  	[sflag:s10] =	ssyncset.done $0x0  }
0x38b: {  	s24 =	simm.s32 $0xBB8;
	[sflag:s10] =	ssyncadd.s32 $0xFFFFE700  }
0x38c: {  	[tilespmem:s16], [sflag:$0x1] =	stream.indirect.gather [spmem:s3], $0x20, s24, s7, $0xb8;
	[tilespmem:$0x14050] =	vst v63  }
0x38d: {  	s25 =	simm.s32 $0xC80  }
0x38e: {  	[tilespmem:s13], [sflag:$0x2] =	stream.indirect.gather [spmem:s3], $0x20, s25, s7, $0xb8;
	[tilespmem:$0x14050] =	vst v63  }
0x38f: {  	s24 =	simm.s32 $0xD48  }
0x390: {  	[tilespmem:s11], [sflag:$0x3] =	stream.indirect.gather [spmem:s3], $0x20, s24, s7, $0xb8;
	[tilespmem:$0x14050] =	vst v63  }
0x391: {  	s25 =	simm.s32 $0xE10  }
0x392: {  	[tilespmem:s9], [sflag:$0x4] =	stream.indirect.gather [spmem:s3], $0x20, s25, s7, $0xb8;
	[tilespmem:$0x14050] =	vst v63  }
0x393: {  	s24 =	simm.s32 $0xED8  }
0x394: {  	[tilespmem:s8], [sflag:$0x5] =	stream.indirect.gather [spmem:s3], $0x20, s24, s7, $0xb8;
	[tilespmem:$0x14050] =	vst v63  }
0x395: {  	_ =	swait.ge [sflag:s22], $0x1900  }
0x396: {  	[sflag:s22] =	ssyncset.done $0x0  }
0x397: {  	s25 =	simm.s32 $0x1F40;
	[sflag:s22] =	ssyncadd.s32 $0xFFFFE700  }
0x398: {  	[spmem:s2] =	stream.indirect.scatter.add.f32 [tilespmem:s16], [sflag:$0x6], $0x20, s25, s7, $0xb8;
	[tilespmem:$0x14050] =	vst v63  }
0x399: {  	_ =	swait.ge [sflag:s21], $0x1900  }
0x39a: {  	[sflag:s21] =	ssyncset.done $0x0  }
0x39b: {  	s24 =	simm.s32 $0x2008;
	[sflag:s21] =	ssyncadd.s32 $0xFFFFE700  }
0x39c: {  	[spmem:s2] =	stream.indirect.scatter.add.f32 [tilespmem:s13], [sflag:$0x7], $0x20, s24, s7, $0xb8;
	[tilespmem:$0x14050] =	vst v63  }
0x39d: {  	_ =	swait.ge [sflag:s19], $0x1900  }
0x39e: {  	[sflag:s19] =	ssyncset.done $0x0  }
0x39f: {  	s25 =	simm.s32 $0x20D0;
	[sflag:s19] =	ssyncadd.s32 $0xFFFFE700  }
0x3a0: {  	[spmem:s2] =	stream.indirect.scatter.add.f32 [tilespmem:s11], [sflag:$0x8], $0x20, s25, s7, $0xb8;
	[tilespmem:$0x14050] =	vst v63  }
0x3a1: {  	_ =	swait.ge [sflag:s20], $0x1900  }
0x3a2: {  	[sflag:s20] =	ssyncset.done $0x0  }
0x3a3: {  	s24 =	simm.s32 $0x2198;
	[sflag:s20] =	ssyncadd.s32 $0xFFFFE700  }
0x3a4: {  	[spmem:s2] =	stream.indirect.scatter.add.f32 [tilespmem:s9], [sflag:$0x9], $0x20, s24, s7, $0xb8;
	[tilespmem:$0x14050] =	vst v63  }
0x3a5: {  	_ =	swait.ge [sflag:s18], $0x1900  }
0x3a6: {  	[sflag:s18] =	ssyncset.done $0x0  }
0x3a7: {  	s25 =	simm.s32 $0x2260;
	[sflag:s18] =	ssyncadd.s32 $0xFFFFE700  }
0x3a8: {  	[spmem:s2] =	stream.indirect.scatter.add.f32 [tilespmem:s8], [sflag:$0xA], $0x20, s25, s7, $0xb8;
	[tilespmem:$0x14050] =	vst v63  }
0x3a9: {  	_ =	swait.ge [sflag:s17], $0x1900  }
0x3aa: {  	[sflag:s17] =	ssyncset.done $0x0  }
0x3ab: {  	[sflag:s17] =	ssyncadd.s32 $0xFFFFE700  }
0x3ac: {  	_ =	swait.ge [sflag:s15], $0x1900  }
0x3ad: {  	[sflag:s15] =	ssyncset.done $0x0  }
0x3ae: {  	[sflag:s15] =	ssyncadd.s32 $0xFFFFE700  }
0x3af: {  	_ =	swait.ge [sflag:s14], $0x1900  }
0x3b0: {  	[sflag:s14] =	ssyncset.done $0x0  }
0x3b1: {  	[sflag:s14] =	ssyncadd.s32 $0xFFFFE700  }
0x3b2: {  	_ =	swait.ge [sflag:s12], $0x1900  }
0x3b3: {  	[sflag:s12] =	ssyncset.done $0x0  }
0x3b4: {  	[sflag:s12] =	ssyncadd.s32 $0xFFFFE700  }
0x3b5: {  	_ =	swait.ge [sflag:s10], $0x1900  }
0x3b6: {  	[sflag:s10] =	ssyncset.done $0x0  }
0x3b7: {  	[sflag:s10] =	ssyncadd.s32 $0xFFFFE700  }
0x3b8: {  	[tilespmem:s16], [sflag:$0x1] =	stream.indirect.gather [spmem:s3], $0x20, s23, s7, $0xb8;
	[tilespmem:$0x14050] =	vst v63  }
0x3b9: {  	s24 =	simm.s32 $0x1068  }
0x3ba: {  	[tilespmem:s13], [sflag:$0x2] =	stream.indirect.gather [spmem:s3], $0x20, s24, s7, $0xb8;
	[tilespmem:$0x14050] =	vst v63  }
0x3bb: {  	s25 =	simm.s32 $0x1130  }
0x3bc: {  	[tilespmem:s11], [sflag:$0x3] =	stream.indirect.gather [spmem:s3], $0x20, s25, s7, $0xb8;
	[tilespmem:$0x14050] =	vst v63  }
0x3bd: {  	s24 =	simm.s32 $0x11F8  }
0x3be: {  	[tilespmem:s9], [sflag:$0x4] =	stream.indirect.gather [spmem:s3], $0x20, s24, s7, $0xb8;
	[tilespmem:$0x14050] =	vst v63  }
0x3bf: {  	s25 =	simm.s32 $0x12C0  }
0x3c0: {  	[tilespmem:s8], [sflag:$0x5] =	stream.indirect.gather [spmem:s3], $0x20, s25, s7, $0xb8;
	[tilespmem:$0x14050] =	vst v63  }
0x3c1: {  	_ =	swait.ge [sflag:s22], $0x1900  }
0x3c2: {  	[sflag:s22] =	ssyncset.done $0x0  }
0x3c3: {  	s24 =	simm.s32 $0x2328;
	[sflag:s22] =	ssyncadd.s32 $0xFFFFE700  }
0x3c4: {  	[spmem:s2] =	stream.indirect.scatter.add.f32 [tilespmem:s16], [sflag:$0x6], $0x20, s24, s7, $0xb8;
	[tilespmem:$0x14050] =	vst v63  }
0x3c5: {  	_ =	swait.ge [sflag:s21], $0x1900  }
0x3c6: {  	[sflag:s21] =	ssyncset.done $0x0  }
0x3c7: {  	s25 =	simm.s32 $0x23F0;
	[sflag:s21] =	ssyncadd.s32 $0xFFFFE700  }
0x3c8: {  	[spmem:s2] =	stream.indirect.scatter.add.f32 [tilespmem:s13], [sflag:$0x7], $0x20, s25, s7, $0xb8;
	[tilespmem:$0x14050] =	vst v63  }
0x3c9: {  	_ =	swait.ge [sflag:s19], $0x1900  }
0x3ca: {  	[sflag:s19] =	ssyncset.done $0x0  }
0x3cb: {  	s24 =	simm.s32 $0x24B8;
	[sflag:s19] =	ssyncadd.s32 $0xFFFFE700  }
0x3cc: {  	[spmem:s2] =	stream.indirect.scatter.add.f32 [tilespmem:s11], [sflag:$0x8], $0x20, s24, s7, $0xb8;
	[tilespmem:$0x14050] =	vst v63  }
0x3cd: {  	_ =	swait.ge [sflag:s20], $0x1900  }
0x3ce: {  	[sflag:s20] =	ssyncset.done $0x0  }
0x3cf: {  	s25 =	simm.s32 $0x2580;
	[sflag:s20] =	ssyncadd.s32 $0xFFFFE700  }
0x3d0: {  	[spmem:s2] =	stream.indirect.scatter.add.f32 [tilespmem:s9], [sflag:$0x9], $0x20, s25, s7, $0xb8;
	[tilespmem:$0x14050] =	vst v63  }
0x3d1: {  	_ =	swait.ge [sflag:s18], $0x1900  }
0x3d2: {  	[sflag:s18] =	ssyncset.done $0x0  }
0x3d3: {  	s24 =	simm.s32 $0x2648;
	[sflag:s18] =	ssyncadd.s32 $0xFFFFE700  }
0x3d4: {  	[spmem:s2] =	stream.indirect.scatter.add.f32 [tilespmem:s8], [sflag:$0xA], $0x20, s24, s7, $0xb8;
	[tilespmem:$0x14050] =	vst v63  }
0x3d5: {  	_ =	swait.ge [sflag:s17], $0x1900  }
0x3d6: {  	[sflag:s17] =	ssyncset.done $0x0  }
0x3d7: {  	[sflag:s17] =	ssyncadd.s32 $0xFFFFE700  }
0x3d8: {  	_ =	swait.ge [sflag:s15], $0x1900  }
0x3d9: {  	[sflag:s15] =	ssyncset.done $0x0  }
0x3da: {  	[sflag:s15] =	ssyncadd.s32 $0xFFFFE700  }
0x3db: {  	_ =	swait.ge [sflag:s14], $0x1900  }
0x3dc: {  	[sflag:s14] =	ssyncset.done $0x0  }
0x3dd: {  	[sflag:s14] =	ssyncadd.s32 $0xFFFFE700  }
0x3de: {  	_ =	swait.ge [sflag:s12], $0x1900  }
0x3df: {  	[sflag:s12] =	ssyncset.done $0x0  }
0x3e0: {  	[sflag:s12] =	ssyncadd.s32 $0xFFFFE700  }
0x3e1: {  	_ =	swait.ge [sflag:s10], $0x1900  }
0x3e2: {  	[sflag:s10] =	ssyncset.done $0x0  }
0x3e3: {  	p1 =	sne.s32 s1, $0x1;
	[sflag:s10] =	ssyncadd.s32 $0xFFFFE700  }
.Ltmp2:
0x3e4: {  	[bflag:$0x0] =	sbarrier.arrive $0xFFFF;
	(pc) =	sbr.rel @p1 .LBB2_3-.Ltmp2, $4  }
0x3e5: {  	s25 =	rddreg [dreg:$0xc]  }
0x3e6: {  	[hbm:s25], [sflag:s26] =	dma.local [spmem:s6], $0x9C4  }
0x3e7: {  	_ =	swait.ge [sflag:s5], $0x9C4  }
0x3e8: {  	s1 =	sadd.s32 $0xFFFFFFFF, s1;
	s24 =	rddreg [dreg:$0x5];
	[sflag:s5] =	ssyncset.done $0x0  }
0x3e9: {  	s28 =	rddreg [dreg:$0xf]  }
0x3ea: {  	s23 =	rddreg [dreg:$0xe]  }
.LBB2_5:
0x3eb: {  	[sflag:s5] =	ssyncadd.s32 @p0 $0xFFFFF63C  }
0x3ec: {  	[spmem:s23], [sflag:s26] =	dma.local [hbm:s24], $0x9C4  }
0x3ed: {  	_ =	swait.ge [sflag:s5], $0x9C4  }
0x3ee: {  	[sflag:s5] =	ssyncset.done $0x0  }
0x3ef: {  	[sflag:s5] =	ssyncadd.s32 $0xFFFFF63C  }
0x3f0: {  	[spmem:s6], [sflag:s26] =	dma.local [hbm:s28], $0x9C4  }
0x3f1: {  	_ =	swait.ge [sflag:s5], $0x9C4  }
0x3f2: {  	s25 =	smov.u32 s6;
	[sflag:s5] =	ssyncset.done $0x0  }
0x3f3: {  	s6 =	simm.s32 $0x0;
	s1 =	rddreg [dreg:$0x6];
	[sflag:s5] =	ssyncadd.s32 $0xFFFFF63C  }
0x3f4: {  	[tilespmem:s6], [sflag:$0xB] =	stream.linear.gather [hbm4b:s1+s6], $0x1388, $0x38;
	[tilespmem:$0x14050] =	vst v63  }
0x3f5: {  	_ =	swait.ge [sflag:s5], $0x1388  }
0x3f6: {  	[sflag:s5] =	ssyncset.done $0x0  }
0x3f7: {  	s31 =	rddreg [dreg:$0x7];
	[sflag:s5] =	ssyncadd.s32 $0xFFFFEC78  }
0x3f8: {  	[tilespmem:s0], [sflag:$0xB] =	stream.linear.gather [hbm4b:s31+s6], $0x1388, $0x38;
	[tilespmem:$0x14050] =	vst v63  }
0x3f9: {  	_ =	swait.ge [sflag:s5], $0x1388  }
0x3fa: {  	[sflag:s5] =	ssyncset.done $0x0  }
0x3fb: {  	[sflag:s5] =	ssyncadd.s32 $0xFFFFEC78  }
0x3fc: {  	[bflag:$0x0] =	sbarrier.arrive $0xFFFF  }
0x3fd: {  	[tilespmem:s16], [sflag:$0x1] =	stream.indirect.gather [spmem:s3], $0x20, s6, s7, $0xb8;
	[tilespmem:$0x14050] =	vst v63  }
0x3fe: {  	_ = 	snop  }
0x3ff: {  	[tilespmem:s13], [sflag:$0x2] =	stream.indirect.gather [spmem:s3], $0x20, s7, s7, $0xb8;
	[tilespmem:$0x14050] =	vst v63  }
0x400: {  	s4 =	simm.s32 $0x190  }
0x401: {  	[tilespmem:s11], [sflag:$0x3] =	stream.indirect.gather [spmem:s3], $0x20, s4, s7, $0xb8;
	[tilespmem:$0x14050] =	vst v63  }
0x402: {  	s29 =	simm.s32 $0x258  }
0x403: {  	[tilespmem:s9], [sflag:$0x4] =	stream.indirect.gather [spmem:s3], $0x20, s29, s7, $0xb8;
	[tilespmem:$0x14050] =	vst v63  }
0x404: {  	s24 =	simm.s32 $0x320  }
0x405: {  	[tilespmem:s8], [sflag:$0x5] =	stream.indirect.gather [spmem:s3], $0x20, s24, s7, $0xb8;
	[tilespmem:$0x14050] =	vst v63  }
0x406: {  	_ =	swait.ge [sflag:s22], $0x1900  }
0x407: {  	[sflag:s22] =	ssyncset.done $0x0  }
0x408: {  	[sflag:s22] =	ssyncadd.s32 $0xFFFFE700  }
0x409: {  	[spmem:s2] =	stream.indirect.scatter.add.f32 [tilespmem:s16], [sflag:$0x6], $0x20, s0, s7, $0xb8;
	[tilespmem:$0x14050] =	vst v63  }
0x40a: {  	_ =	swait.ge [sflag:s21], $0x1900  }
0x40b: {  	[sflag:s21] =	ssyncset.done $0x0  }
0x40c: {  	s30 =	simm.s32 $0x1450;
	[sflag:s21] =	ssyncadd.s32 $0xFFFFE700  }
0x40d: {  	[spmem:s2] =	stream.indirect.scatter.add.f32 [tilespmem:s13], [sflag:$0x7], $0x20, s30, s7, $0xb8;
	[tilespmem:$0x14050] =	vst v63  }
0x40e: {  	_ =	swait.ge [sflag:s19], $0x1900  }
0x40f: {  	[sflag:s19] =	ssyncset.done $0x0  }
0x410: {  	s31 =	simm.s32 $0x1518;
	[sflag:s19] =	ssyncadd.s32 $0xFFFFE700  }
0x411: {  	[spmem:s2] =	stream.indirect.scatter.add.f32 [tilespmem:s11], [sflag:$0x8], $0x20, s31, s7, $0xb8;
	[tilespmem:$0x14050] =	vst v63  }
0x412: {  	_ =	swait.ge [sflag:s20], $0x1900  }
0x413: {  	[sflag:s20] =	ssyncset.done $0x0  }
0x414: {  	s1 =	simm.s32 $0x15E0;
	[sflag:s20] =	ssyncadd.s32 $0xFFFFE700  }
0x415: {  	[spmem:s2] =	stream.indirect.scatter.add.f32 [tilespmem:s9], [sflag:$0x9], $0x20, s1, s7, $0xb8;
	[tilespmem:$0x14050] =	vst v63  }
0x416: {  	_ =	swait.ge [sflag:s18], $0x1900  }
0x417: {  	[sflag:s18] =	ssyncset.done $0x0  }
0x418: {  	s1 =	simm.s32 $0x16A8;
	[sflag:s18] =	ssyncadd.s32 $0xFFFFE700  }
0x419: {  	[spmem:s2] =	stream.indirect.scatter.add.f32 [tilespmem:s8], [sflag:$0xA], $0x20, s1, s7, $0xb8;
	[tilespmem:$0x14050] =	vst v63  }
0x41a: {  	_ =	swait.ge [sflag:s17], $0x1900  }
0x41b: {  	[sflag:s17] =	ssyncset.done $0x0  }
0x41c: {  	[sflag:s17] =	ssyncadd.s32 $0xFFFFE700  }
0x41d: {  	_ =	swait.ge [sflag:s15], $0x1900  }
0x41e: {  	[sflag:s15] =	ssyncset.done $0x0  }
0x41f: {  	[sflag:s15] =	ssyncadd.s32 $0xFFFFE700  }
0x420: {  	_ =	swait.ge [sflag:s14], $0x1900  }
0x421: {  	[sflag:s14] =	ssyncset.done $0x0  }
0x422: {  	[sflag:s14] =	ssyncadd.s32 $0xFFFFE700  }
0x423: {  	_ =	swait.ge [sflag:s12], $0x1900  }
0x424: {  	[sflag:s12] =	ssyncset.done $0x0  }
0x425: {  	[sflag:s12] =	ssyncadd.s32 $0xFFFFE700  }
0x426: {  	_ =	swait.ge [sflag:s10], $0x1900  }
0x427: {  	[sflag:s10] =	ssyncset.done $0x0  }
0x428: {  	s1 =	simm.s32 $0x3E8;
	[sflag:s10] =	ssyncadd.s32 $0xFFFFE700  }
0x429: {  	[tilespmem:s16], [sflag:$0x1] =	stream.indirect.gather [spmem:s3], $0x20, s1, s7, $0xb8;
	[tilespmem:$0x14050] =	vst v63  }
0x42a: {  	s1 =	simm.s32 $0x4B0  }
0x42b: {  	[tilespmem:s13], [sflag:$0x2] =	stream.indirect.gather [spmem:s3], $0x20, s1, s7, $0xb8;
	[tilespmem:$0x14050] =	vst v63  }
0x42c: {  	s1 =	simm.s32 $0x578  }
0x42d: {  	[tilespmem:s11], [sflag:$0x3] =	stream.indirect.gather [spmem:s3], $0x20, s1, s7, $0xb8;
	[tilespmem:$0x14050] =	vst v63  }
0x42e: {  	s1 =	simm.s32 $0x640  }
0x42f: {  	[tilespmem:s9], [sflag:$0x4] =	stream.indirect.gather [spmem:s3], $0x20, s1, s7, $0xb8;
	[tilespmem:$0x14050] =	vst v63  }
0x430: {  	s1 =	simm.s32 $0x708  }
0x431: {  	[tilespmem:s8], [sflag:$0x5] =	stream.indirect.gather [spmem:s3], $0x20, s1, s7, $0xb8;
	[tilespmem:$0x14050] =	vst v63  }
0x432: {  	_ =	swait.ge [sflag:s22], $0x1900  }
0x433: {  	[sflag:s22] =	ssyncset.done $0x0  }
0x434: {  	s1 =	simm.s32 $0x1770;
	[sflag:s22] =	ssyncadd.s32 $0xFFFFE700  }
0x435: {  	[spmem:s2] =	stream.indirect.scatter.add.f32 [tilespmem:s16], [sflag:$0x6], $0x20, s1, s7, $0xb8;
	[tilespmem:$0x14050] =	vst v63  }
0x436: {  	_ =	swait.ge [sflag:s21], $0x1900  }
0x437: {  	[sflag:s21] =	ssyncset.done $0x0  }
0x438: {  	s1 =	simm.s32 $0x1838;
	[sflag:s21] =	ssyncadd.s32 $0xFFFFE700  }
0x439: {  	[spmem:s2] =	stream.indirect.scatter.add.f32 [tilespmem:s13], [sflag:$0x7], $0x20, s1, s7, $0xb8;
	[tilespmem:$0x14050] =	vst v63  }
0x43a: {  	_ =	swait.ge [sflag:s19], $0x1900  }
0x43b: {  	[sflag:s19] =	ssyncset.done $0x0  }
0x43c: {  	s1 =	simm.s32 $0x1900;
	[sflag:s19] =	ssyncadd.s32 $0xFFFFE700  }
0x43d: {  	[spmem:s2] =	stream.indirect.scatter.add.f32 [tilespmem:s11], [sflag:$0x8], $0x20, s1, s7, $0xb8;
	[tilespmem:$0x14050] =	vst v63  }
0x43e: {  	_ =	swait.ge [sflag:s20], $0x1900  }
0x43f: {  	[sflag:s20] =	ssyncset.done $0x0  }
0x440: {  	s1 =	simm.s32 $0x19C8;
	[sflag:s20] =	ssyncadd.s32 $0xFFFFE700  }
0x441: {  	[spmem:s2] =	stream.indirect.scatter.add.f32 [tilespmem:s9], [sflag:$0x9], $0x20, s1, s7, $0xb8;
	[tilespmem:$0x14050] =	vst v63  }
0x442: {  	_ =	swait.ge [sflag:s18], $0x1900  }
0x443: {  	[sflag:s18] =	ssyncset.done $0x0  }
0x444: {  	s1 =	simm.s32 $0x1A90;
	[sflag:s18] =	ssyncadd.s32 $0xFFFFE700  }
0x445: {  	[spmem:s2] =	stream.indirect.scatter.add.f32 [tilespmem:s8], [sflag:$0xA], $0x20, s1, s7, $0xb8;
	[tilespmem:$0x14050] =	vst v63  }
0x446: {  	_ =	swait.ge [sflag:s17], $0x1900  }
0x447: {  	[sflag:s17] =	ssyncset.done $0x0  }
0x448: {  	[sflag:s17] =	ssyncadd.s32 $0xFFFFE700  }
0x449: {  	_ =	swait.ge [sflag:s15], $0x1900  }
0x44a: {  	[sflag:s15] =	ssyncset.done $0x0  }
0x44b: {  	[sflag:s15] =	ssyncadd.s32 $0xFFFFE700  }
0x44c: {  	_ =	swait.ge [sflag:s14], $0x1900  }
0x44d: {  	[sflag:s14] =	ssyncset.done $0x0  }
0x44e: {  	[sflag:s14] =	ssyncadd.s32 $0xFFFFE700  }
0x44f: {  	_ =	swait.ge [sflag:s12], $0x1900  }
0x450: {  	[sflag:s12] =	ssyncset.done $0x0  }
0x451: {  	[sflag:s12] =	ssyncadd.s32 $0xFFFFE700  }
0x452: {  	_ =	swait.ge [sflag:s10], $0x1900  }
0x453: {  	[sflag:s10] =	ssyncset.done $0x0  }
0x454: {  	s1 =	simm.s32 $0x7D0;
	[sflag:s10] =	ssyncadd.s32 $0xFFFFE700  }
0x455: {  	[tilespmem:s16], [sflag:$0x1] =	stream.indirect.gather [spmem:s3], $0x20, s1, s7, $0xb8;
	[tilespmem:$0x14050] =	vst v63  }
0x456: {  	s1 =	simm.s32 $0x898  }
0x457: {  	[tilespmem:s13], [sflag:$0x2] =	stream.indirect.gather [spmem:s3], $0x20, s1, s7, $0xb8;
	[tilespmem:$0x14050] =	vst v63  }
0x458: {  	s1 =	simm.s32 $0x960  }
0x459: {  	[tilespmem:s11], [sflag:$0x3] =	stream.indirect.gather [spmem:s3], $0x20, s1, s7, $0xb8;
	[tilespmem:$0x14050] =	vst v63  }
0x45a: {  	s1 =	simm.s32 $0xA28  }
0x45b: {  	[tilespmem:s9], [sflag:$0x4] =	stream.indirect.gather [spmem:s3], $0x20, s1, s7, $0xb8;
	[tilespmem:$0x14050] =	vst v63  }
0x45c: {  	s1 =	simm.s32 $0xAF0  }
0x45d: {  	[tilespmem:s8], [sflag:$0x5] =	stream.indirect.gather [spmem:s3], $0x20, s1, s7, $0xb8;
	[tilespmem:$0x14050] =	vst v63  }
0x45e: {  	_ =	swait.ge [sflag:s22], $0x1900  }
0x45f: {  	[sflag:s22] =	ssyncset.done $0x0  }
0x460: {  	s1 =	simm.s32 $0x1B58;
	[sflag:s22] =	ssyncadd.s32 $0xFFFFE700  }
0x461: {  	[spmem:s2] =	stream.indirect.scatter.add.f32 [tilespmem:s16], [sflag:$0x6], $0x20, s1, s7, $0xb8;
	[tilespmem:$0x14050] =	vst v63  }
0x462: {  	_ =	swait.ge [sflag:s21], $0x1900  }
0x463: {  	[sflag:s21] =	ssyncset.done $0x0  }
0x464: {  	s1 =	simm.s32 $0x1C20;
	[sflag:s21] =	ssyncadd.s32 $0xFFFFE700  }
0x465: {  	[spmem:s2] =	stream.indirect.scatter.add.f32 [tilespmem:s13], [sflag:$0x7], $0x20, s1, s7, $0xb8;
	[tilespmem:$0x14050] =	vst v63  }
0x466: {  	_ =	swait.ge [sflag:s19], $0x1900  }
0x467: {  	[sflag:s19] =	ssyncset.done $0x0  }
0x468: {  	s1 =	simm.s32 $0x1CE8;
	[sflag:s19] =	ssyncadd.s32 $0xFFFFE700  }
0x469: {  	[spmem:s2] =	stream.indirect.scatter.add.f32 [tilespmem:s11], [sflag:$0x8], $0x20, s1, s7, $0xb8;
	[tilespmem:$0x14050] =	vst v63  }
0x46a: {  	_ =	swait.ge [sflag:s20], $0x1900  }
0x46b: {  	[sflag:s20] =	ssyncset.done $0x0  }
0x46c: {  	s1 =	simm.s32 $0x1DB0;
	[sflag:s20] =	ssyncadd.s32 $0xFFFFE700  }
0x46d: {  	[spmem:s2] =	stream.indirect.scatter.add.f32 [tilespmem:s9], [sflag:$0x9], $0x20, s1, s7, $0xb8;
	[tilespmem:$0x14050] =	vst v63  }
0x46e: {  	_ =	swait.ge [sflag:s18], $0x1900  }
0x46f: {  	[sflag:s18] =	ssyncset.done $0x0  }
0x470: {  	s1 =	simm.s32 $0x1E78;
	[sflag:s18] =	ssyncadd.s32 $0xFFFFE700  }
0x471: {  	[spmem:s2] =	stream.indirect.scatter.add.f32 [tilespmem:s8], [sflag:$0xA], $0x20, s1, s7, $0xb8;
	[tilespmem:$0x14050] =	vst v63  }
0x472: {  	_ =	swait.ge [sflag:s17], $0x1900  }
0x473: {  	[sflag:s17] =	ssyncset.done $0x0  }
0x474: {  	[sflag:s17] =	ssyncadd.s32 $0xFFFFE700  }
0x475: {  	_ =	swait.ge [sflag:s15], $0x1900  }
0x476: {  	[sflag:s15] =	ssyncset.done $0x0  }
0x477: {  	[sflag:s15] =	ssyncadd.s32 $0xFFFFE700  }
0x478: {  	_ =	swait.ge [sflag:s14], $0x1900  }
0x479: {  	[sflag:s14] =	ssyncset.done $0x0  }
0x47a: {  	[sflag:s14] =	ssyncadd.s32 $0xFFFFE700  }
0x47b: {  	_ =	swait.ge [sflag:s12], $0x1900  }
0x47c: {  	[sflag:s12] =	ssyncset.done $0x0  }
0x47d: {  	[sflag:s12] =	ssyncadd.s32 $0xFFFFE700  }
0x47e: {  	_ =	swait.ge [sflag:s10], $0x1900  }
0x47f: {  	[sflag:s10] =	ssyncset.done $0x0  }
0x480: {  	s1 =	simm.s32 $0xBB8;
	[sflag:s10] =	ssyncadd.s32 $0xFFFFE700  }
0x481: {  	[tilespmem:s16], [sflag:$0x1] =	stream.indirect.gather [spmem:s3], $0x20, s1, s7, $0xb8;
	[tilespmem:$0x14050] =	vst v63  }
0x482: {  	s1 =	simm.s32 $0xC80  }
0x483: {  	[tilespmem:s13], [sflag:$0x2] =	stream.indirect.gather [spmem:s3], $0x20, s1, s7, $0xb8;
	[tilespmem:$0x14050] =	vst v63  }
0x484: {  	s1 =	simm.s32 $0xD48  }
0x485: {  	[tilespmem:s11], [sflag:$0x3] =	stream.indirect.gather [spmem:s3], $0x20, s1, s7, $0xb8;
	[tilespmem:$0x14050] =	vst v63  }
0x486: {  	s1 =	simm.s32 $0xE10  }
0x487: {  	[tilespmem:s9], [sflag:$0x4] =	stream.indirect.gather [spmem:s3], $0x20, s1, s7, $0xb8;
	[tilespmem:$0x14050] =	vst v63  }
0x488: {  	s1 =	simm.s32 $0xED8  }
0x489: {  	[tilespmem:s8], [sflag:$0x5] =	stream.indirect.gather [spmem:s3], $0x20, s1, s7, $0xb8;
	[tilespmem:$0x14050] =	vst v63  }
0x48a: {  	_ =	swait.ge [sflag:s22], $0x1900  }
0x48b: {  	[sflag:s22] =	ssyncset.done $0x0  }
0x48c: {  	s1 =	simm.s32 $0x1F40;
	[sflag:s22] =	ssyncadd.s32 $0xFFFFE700  }
0x48d: {  	[spmem:s2] =	stream.indirect.scatter.add.f32 [tilespmem:s16], [sflag:$0x6], $0x20, s1, s7, $0xb8;
	[tilespmem:$0x14050] =	vst v63  }
0x48e: {  	_ =	swait.ge [sflag:s21], $0x1900  }
0x48f: {  	[sflag:s21] =	ssyncset.done $0x0  }
0x490: {  	s1 =	simm.s32 $0x2008;
	[sflag:s21] =	ssyncadd.s32 $0xFFFFE700  }
0x491: {  	[spmem:s2] =	stream.indirect.scatter.add.f32 [tilespmem:s13], [sflag:$0x7], $0x20, s1, s7, $0xb8;
	[tilespmem:$0x14050] =	vst v63  }
0x492: {  	_ =	swait.ge [sflag:s19], $0x1900  }
0x493: {  	[sflag:s19] =	ssyncset.done $0x0  }
0x494: {  	s1 =	simm.s32 $0x20D0;
	[sflag:s19] =	ssyncadd.s32 $0xFFFFE700  }
0x495: {  	[spmem:s2] =	stream.indirect.scatter.add.f32 [tilespmem:s11], [sflag:$0x8], $0x20, s1, s7, $0xb8;
	[tilespmem:$0x14050] =	vst v63  }
0x496: {  	_ =	swait.ge [sflag:s20], $0x1900  }
0x497: {  	[sflag:s20] =	ssyncset.done $0x0  }
0x498: {  	s1 =	simm.s32 $0x2198;
	[sflag:s20] =	ssyncadd.s32 $0xFFFFE700  }
0x499: {  	[spmem:s2] =	stream.indirect.scatter.add.f32 [tilespmem:s9], [sflag:$0x9], $0x20, s1, s7, $0xb8;
	[tilespmem:$0x14050] =	vst v63  }
0x49a: {  	_ =	swait.ge [sflag:s18], $0x1900  }
0x49b: {  	[sflag:s18] =	ssyncset.done $0x0  }
0x49c: {  	s1 =	simm.s32 $0x2260;
	[sflag:s18] =	ssyncadd.s32 $0xFFFFE700  }
0x49d: {  	[spmem:s2] =	stream.indirect.scatter.add.f32 [tilespmem:s8], [sflag:$0xA], $0x20, s1, s7, $0xb8;
	[tilespmem:$0x14050] =	vst v63  }
0x49e: {  	_ =	swait.ge [sflag:s17], $0x1900  }
0x49f: {  	[sflag:s17] =	ssyncset.done $0x0  }
0x4a0: {  	[sflag:s17] =	ssyncadd.s32 $0xFFFFE700  }
0x4a1: {  	_ =	swait.ge [sflag:s15], $0x1900  }
0x4a2: {  	[sflag:s15] =	ssyncset.done $0x0  }
0x4a3: {  	[sflag:s15] =	ssyncadd.s32 $0xFFFFE700  }
0x4a4: {  	_ =	swait.ge [sflag:s14], $0x1900  }
0x4a5: {  	[sflag:s14] =	ssyncset.done $0x0  }
0x4a6: {  	[sflag:s14] =	ssyncadd.s32 $0xFFFFE700  }
0x4a7: {  	_ =	swait.ge [sflag:s12], $0x1900  }
0x4a8: {  	[sflag:s12] =	ssyncset.done $0x0  }
0x4a9: {  	[sflag:s12] =	ssyncadd.s32 $0xFFFFE700  }
0x4aa: {  	_ =	swait.ge [sflag:s10], $0x1900  }
0x4ab: {  	[sflag:s10] =	ssyncset.done $0x0  }
0x4ac: {  	s1 =	simm.s32 $0xFA0;
	[sflag:s10] =	ssyncadd.s32 $0xFFFFE700  }
0x4ad: {  	[tilespmem:s16], [sflag:$0x1] =	stream.indirect.gather [spmem:s3], $0x20, s1, s7, $0xb8;
	[tilespmem:$0x14050] =	vst v63  }
0x4ae: {  	s1 =	simm.s32 $0x1068  }
0x4af: {  	[tilespmem:s13], [sflag:$0x2] =	stream.indirect.gather [spmem:s3], $0x20, s1, s7, $0xb8;
	[tilespmem:$0x14050] =	vst v63  }
0x4b0: {  	s1 =	simm.s32 $0x1130  }
0x4b1: {  	[tilespmem:s11], [sflag:$0x3] =	stream.indirect.gather [spmem:s3], $0x20, s1, s7, $0xb8;
	[tilespmem:$0x14050] =	vst v63  }
0x4b2: {  	s1 =	simm.s32 $0x11F8  }
0x4b3: {  	[tilespmem:s9], [sflag:$0x4] =	stream.indirect.gather [spmem:s3], $0x20, s1, s7, $0xb8;
	[tilespmem:$0x14050] =	vst v63  }
0x4b4: {  	s1 =	simm.s32 $0x12C0  }
0x4b5: {  	[tilespmem:s8], [sflag:$0x5] =	stream.indirect.gather [spmem:s3], $0x20, s1, s7, $0xb8;
	[tilespmem:$0x14050] =	vst v63  }
0x4b6: {  	_ =	swait.ge [sflag:s22], $0x1900  }
0x4b7: {  	[sflag:s22] =	ssyncset.done $0x0  }
0x4b8: {  	s1 =	simm.s32 $0x2328;
	[sflag:s22] =	ssyncadd.s32 $0xFFFFE700  }
0x4b9: {  	[spmem:s2] =	stream.indirect.scatter.add.f32 [tilespmem:s16], [sflag:$0x6], $0x20, s1, s7, $0xb8;
	[tilespmem:$0x14050] =	vst v63  }
0x4ba: {  	_ =	swait.ge [sflag:s21], $0x1900  }
0x4bb: {  	[sflag:s21] =	ssyncset.done $0x0  }
0x4bc: {  	s1 =	simm.s32 $0x23F0;
	[sflag:s21] =	ssyncadd.s32 $0xFFFFE700  }
0x4bd: {  	[spmem:s2] =	stream.indirect.scatter.add.f32 [tilespmem:s13], [sflag:$0x7], $0x20, s1, s7, $0xb8;
	[tilespmem:$0x14050] =	vst v63  }
0x4be: {  	_ =	swait.ge [sflag:s19], $0x1900  }
0x4bf: {  	[sflag:s19] =	ssyncset.done $0x0  }
0x4c0: {  	s1 =	simm.s32 $0x24B8;
	[sflag:s19] =	ssyncadd.s32 $0xFFFFE700  }
0x4c1: {  	[spmem:s2] =	stream.indirect.scatter.add.f32 [tilespmem:s11], [sflag:$0x8], $0x20, s1, s7, $0xb8;
	[tilespmem:$0x14050] =	vst v63  }
0x4c2: {  	_ =	swait.ge [sflag:s20], $0x1900  }
0x4c3: {  	[sflag:s20] =	ssyncset.done $0x0  }
0x4c4: {  	s1 =	simm.s32 $0x2580;
	[sflag:s20] =	ssyncadd.s32 $0xFFFFE700  }
0x4c5: {  	[spmem:s2] =	stream.indirect.scatter.add.f32 [tilespmem:s9], [sflag:$0x9], $0x20, s1, s7, $0xb8;
	[tilespmem:$0x14050] =	vst v63  }
0x4c6: {  	_ =	swait.ge [sflag:s18], $0x1900  }
0x4c7: {  	[sflag:s18] =	ssyncset.done $0x0  }
0x4c8: {  	s1 =	simm.s32 $0x2648;
	[sflag:s18] =	ssyncadd.s32 $0xFFFFE700  }
0x4c9: {  	[spmem:s2] =	stream.indirect.scatter.add.f32 [tilespmem:s8], [sflag:$0xA], $0x20, s1, s7, $0xb8;
	[tilespmem:$0x14050] =	vst v63  }
0x4ca: {  	_ =	swait.ge [sflag:s17], $0x1900  }
0x4cb: {  	[sflag:s17] =	ssyncset.done $0x0  }
0x4cc: {  	[sflag:s17] =	ssyncadd.s32 $0xFFFFE700  }
0x4cd: {  	_ =	swait.ge [sflag:s15], $0x1900  }
0x4ce: {  	[sflag:s15] =	ssyncset.done $0x0  }
0x4cf: {  	[sflag:s15] =	ssyncadd.s32 $0xFFFFE700  }
0x4d0: {  	_ =	swait.ge [sflag:s14], $0x1900  }
0x4d1: {  	[sflag:s14] =	ssyncset.done $0x0  }
0x4d2: {  	[sflag:s14] =	ssyncadd.s32 $0xFFFFE700  }
0x4d3: {  	_ =	swait.ge [sflag:s12], $0x1900  }
0x4d4: {  	[sflag:s12] =	ssyncset.done $0x0  }
0x4d5: {  	[sflag:s12] =	ssyncadd.s32 $0xFFFFE700  }
0x4d6: {  	_ =	swait.ge [sflag:s10], $0x1900  }
0x4d7: {  	[sflag:s10] =	ssyncset.done $0x0  }
0x4d8: {  	[sflag:s10] =	ssyncadd.s32 $0xFFFFE700  }
0x4d9: {  	[bflag:$0x0] =	sbarrier.arrive $0xFFFF  }
0x4da: {  	s0 =	rddreg [dreg:$0x8]  }
0x4db: {  	[hbm:s0], [sflag:s26] =	dma.local [spmem:s25], $0x9C4  }
0x4dc: {  	_ =	swait.ge [sflag:s5], $0x9C4  }
0x4dd: {  	[sflag:s5] =	ssyncset.done $0x0  }
0x4de: {  	s0 =	rddreg [dreg:$0x9];
	[sflag:s5] =	ssyncadd.s32 $0xFFFFF63C  }
0x4df: {  	[spmem:s23], [sflag:s26] =	dma.local [hbm:s0], $0x9C4  }
0x4e0: {  	_ =	swait.ge [sflag:s5], $0x9C4  }
0x4e1: {  	[sflag:s5] =	ssyncset.done $0x0  }
0x4e2: {  	[sflag:s5] =	ssyncadd.s32 $0xFFFFF63C  }
0x4e3: {  	[spmem:s25], [sflag:s26] =	dma.local [hbm:s28], $0x9C4  }
0x4e4: {  	_ =	swait.ge [sflag:s5], $0x9C4  }
0x4e5: {  	[sflag:s5] =	ssyncset.done $0x0  }
0x4e6: {  	s23 =	rddreg [dreg:$0xa];
	[sflag:s5] =	ssyncadd.s32 $0xFFFFF63C  }
0x4e7: {  	[tilespmem:s6], [sflag:$0xB] =	stream.linear.gather [hbm4b:s23+s6], $0x1388, $0x38;
	[tilespmem:$0x14050] =	vst v63  }
0x4e8: {  	_ =	swait.ge [sflag:s5], $0x1388  }
0x4e9: {  	[sflag:s5] =	ssyncset.done $0x0  }
0x4ea: {  	s1 =	simm.s32 $0x1388;
	s28 =	rddreg [dreg:$0xb];
	[sflag:s5] =	ssyncadd.s32 $0xFFFFEC78  }
0x4eb: {  	[tilespmem:s1], [sflag:$0xB] =	stream.linear.gather [hbm4b:s28+s6], $0x1388, $0x38;
	[tilespmem:$0x14050] =	vst v63  }
0x4ec: {  	_ =	swait.ge [sflag:s5], $0x1388  }
0x4ed: {  	[sflag:s5] =	ssyncset.done $0x0  }
0x4ee: {  	[sflag:s5] =	ssyncadd.s32 $0xFFFFEC78  }
0x4ef: {  	[bflag:$0x0] =	sbarrier.arrive $0xFFFF  }
0x4f0: {  	[tilespmem:s16], [sflag:$0x1] =	stream.indirect.gather [spmem:s3], $0x20, s6, s7, $0xb8;
	[tilespmem:$0x14050] =	vst v63  }
0x4f1: {  	_ = 	snop  }
0x4f2: {  	[tilespmem:s13], [sflag:$0x2] =	stream.indirect.gather [spmem:s3], $0x20, s7, s7, $0xb8;
	[tilespmem:$0x14050] =	vst v63  }
0x4f3: {  	_ = 	snop  }
0x4f4: {  	[tilespmem:s11], [sflag:$0x3] =	stream.indirect.gather [spmem:s3], $0x20, s4, s7, $0xb8;
	[tilespmem:$0x14050] =	vst v63  }
0x4f5: {  	_ = 	snop  }
0x4f6: {  	[tilespmem:s9], [sflag:$0x4] =	stream.indirect.gather [spmem:s3], $0x20, s29, s7, $0xb8;
	[tilespmem:$0x14050] =	vst v63  }
0x4f7: {  	_ = 	snop  }
0x4f8: {  	[tilespmem:s8], [sflag:$0x5] =	stream.indirect.gather [spmem:s3], $0x20, s24, s7, $0xb8;
	[tilespmem:$0x14050] =	vst v63  }
0x4f9: {  	_ =	swait.ge [sflag:s22], $0x1900  }
0x4fa: {  	[sflag:s22] =	ssyncset.done $0x0  }
0x4fb: {  	[sflag:s22] =	ssyncadd.s32 $0xFFFFE700  }
0x4fc: {  	[spmem:s2] =	stream.indirect.scatter.add.f32 [tilespmem:s16], [sflag:$0x6], $0x20, s1, s7, $0xb8;
	[tilespmem:$0x14050] =	vst v63  }
0x4fd: {  	_ =	swait.ge [sflag:s21], $0x1900  }
0x4fe: {  	[sflag:s21] =	ssyncset.done $0x0  }
0x4ff: {  	[sflag:s21] =	ssyncadd.s32 $0xFFFFE700  }
0x500: {  	[spmem:s2] =	stream.indirect.scatter.add.f32 [tilespmem:s13], [sflag:$0x7], $0x20, s30, s7, $0xb8;
	[tilespmem:$0x14050] =	vst v63  }
0x501: {  	_ =	swait.ge [sflag:s19], $0x1900  }
0x502: {  	[sflag:s19] =	ssyncset.done $0x0  }
0x503: {  	[sflag:s19] =	ssyncadd.s32 $0xFFFFE700  }
0x504: {  	[spmem:s2] =	stream.indirect.scatter.add.f32 [tilespmem:s11], [sflag:$0x8], $0x20, s31, s7, $0xb8;
	[tilespmem:$0x14050] =	vst v63  }
0x505: {  	_ =	swait.ge [sflag:s20], $0x1900  }
0x506: {  	[sflag:s20] =	ssyncset.done $0x0  }
0x507: {  	s6 =	simm.s32 $0x15E0;
	[sflag:s20] =	ssyncadd.s32 $0xFFFFE700  }
0x508: {  	[spmem:s2] =	stream.indirect.scatter.add.f32 [tilespmem:s9], [sflag:$0x9], $0x20, s6, s7, $0xb8;
	[tilespmem:$0x14050] =	vst v63  }
0x509: {  	_ =	swait.ge [sflag:s18], $0x1900  }
0x50a: {  	[sflag:s18] =	ssyncset.done $0x0  }
0x50b: {  	s23 =	simm.s32 $0x16A8;
	[sflag:s18] =	ssyncadd.s32 $0xFFFFE700  }
0x50c: {  	[spmem:s2] =	stream.indirect.scatter.add.f32 [tilespmem:s8], [sflag:$0xA], $0x20, s23, s7, $0xb8;
	[tilespmem:$0x14050] =	vst v63  }
0x50d: {  	_ =	swait.ge [sflag:s17], $0x1900  }
0x50e: {  	[sflag:s17] =	ssyncset.done $0x0  }
0x50f: {  	[sflag:s17] =	ssyncadd.s32 $0xFFFFE700  }
0x510: {  	_ =	swait.ge [sflag:s15], $0x1900  }
0x511: {  	[sflag:s15] =	ssyncset.done $0x0  }
0x512: {  	[sflag:s15] =	ssyncadd.s32 $0xFFFFE700  }
0x513: {  	_ =	swait.ge [sflag:s14], $0x1900  }
0x514: {  	[sflag:s14] =	ssyncset.done $0x0  }
0x515: {  	[sflag:s14] =	ssyncadd.s32 $0xFFFFE700  }
0x516: {  	_ =	swait.ge [sflag:s12], $0x1900  }
0x517: {  	[sflag:s12] =	ssyncset.done $0x0  }
0x518: {  	[sflag:s12] =	ssyncadd.s32 $0xFFFFE700  }
0x519: {  	_ =	swait.ge [sflag:s10], $0x1900  }
0x51a: {  	[sflag:s10] =	ssyncset.done $0x0  }
0x51b: {  	s24 =	simm.s32 $0x3E8;
	[sflag:s10] =	ssyncadd.s32 $0xFFFFE700  }
0x51c: {  	[tilespmem:s16], [sflag:$0x1] =	stream.indirect.gather [spmem:s3], $0x20, s24, s7, $0xb8;
	[tilespmem:$0x14050] =	vst v63  }
0x51d: {  	s28 =	simm.s32 $0x4B0  }
0x51e: {  	[tilespmem:s13], [sflag:$0x2] =	stream.indirect.gather [spmem:s3], $0x20, s28, s7, $0xb8;
	[tilespmem:$0x14050] =	vst v63  }
0x51f: {  	s29 =	simm.s32 $0x578  }
0x520: {  	[tilespmem:s11], [sflag:$0x3] =	stream.indirect.gather [spmem:s3], $0x20, s29, s7, $0xb8;
	[tilespmem:$0x14050] =	vst v63  }
0x521: {  	s30 =	simm.s32 $0x640  }
0x522: {  	[tilespmem:s9], [sflag:$0x4] =	stream.indirect.gather [spmem:s3], $0x20, s30, s7, $0xb8;
	[tilespmem:$0x14050] =	vst v63  }
0x523: {  	s31 =	simm.s32 $0x708  }
0x524: {  	[tilespmem:s8], [sflag:$0x5] =	stream.indirect.gather [spmem:s3], $0x20, s31, s7, $0xb8;
	[tilespmem:$0x14050] =	vst v63  }
0x525: {  	_ =	swait.ge [sflag:s22], $0x1900  }
0x526: {  	[sflag:s22] =	ssyncset.done $0x0  }
0x527: {  	s1 =	simm.s32 $0x1770;
	[sflag:s22] =	ssyncadd.s32 $0xFFFFE700  }
0x528: {  	[spmem:s2] =	stream.indirect.scatter.add.f32 [tilespmem:s16], [sflag:$0x6], $0x20, s1, s7, $0xb8;
	[tilespmem:$0x14050] =	vst v63  }
0x529: {  	_ =	swait.ge [sflag:s21], $0x1900  }
0x52a: {  	[sflag:s21] =	ssyncset.done $0x0  }
0x52b: {  	s4 =	simm.s32 $0x1838;
	[sflag:s21] =	ssyncadd.s32 $0xFFFFE700  }
0x52c: {  	[spmem:s2] =	stream.indirect.scatter.add.f32 [tilespmem:s13], [sflag:$0x7], $0x20, s4, s7, $0xb8;
	[tilespmem:$0x14050] =	vst v63  }
0x52d: {  	_ =	swait.ge [sflag:s19], $0x1900  }
0x52e: {  	[sflag:s19] =	ssyncset.done $0x0  }
0x52f: {  	s6 =	simm.s32 $0x1900;
	[sflag:s19] =	ssyncadd.s32 $0xFFFFE700  }
0x530: {  	[spmem:s2] =	stream.indirect.scatter.add.f32 [tilespmem:s11], [sflag:$0x8], $0x20, s6, s7, $0xb8;
	[tilespmem:$0x14050] =	vst v63  }
0x531: {  	_ =	swait.ge [sflag:s20], $0x1900  }
0x532: {  	[sflag:s20] =	ssyncset.done $0x0  }
0x533: {  	s23 =	simm.s32 $0x19C8;
	[sflag:s20] =	ssyncadd.s32 $0xFFFFE700  }
0x534: {  	[spmem:s2] =	stream.indirect.scatter.add.f32 [tilespmem:s9], [sflag:$0x9], $0x20, s23, s7, $0xb8;
	[tilespmem:$0x14050] =	vst v63  }
0x535: {  	_ =	swait.ge [sflag:s18], $0x1900  }
0x536: {  	[sflag:s18] =	ssyncset.done $0x0  }
0x537: {  	s24 =	simm.s32 $0x1A90;
	[sflag:s18] =	ssyncadd.s32 $0xFFFFE700  }
0x538: {  	[spmem:s2] =	stream.indirect.scatter.add.f32 [tilespmem:s8], [sflag:$0xA], $0x20, s24, s7, $0xb8;
	[tilespmem:$0x14050] =	vst v63  }
0x539: {  	_ =	swait.ge [sflag:s17], $0x1900  }
0x53a: {  	[sflag:s17] =	ssyncset.done $0x0  }
0x53b: {  	[sflag:s17] =	ssyncadd.s32 $0xFFFFE700  }
0x53c: {  	_ =	swait.ge [sflag:s15], $0x1900  }
0x53d: {  	[sflag:s15] =	ssyncset.done $0x0  }
0x53e: {  	[sflag:s15] =	ssyncadd.s32 $0xFFFFE700  }
0x53f: {  	_ =	swait.ge [sflag:s14], $0x1900  }
0x540: {  	[sflag:s14] =	ssyncset.done $0x0  }
0x541: {  	[sflag:s14] =	ssyncadd.s32 $0xFFFFE700  }
0x542: {  	_ =	swait.ge [sflag:s12], $0x1900  }
0x543: {  	[sflag:s12] =	ssyncset.done $0x0  }
0x544: {  	[sflag:s12] =	ssyncadd.s32 $0xFFFFE700  }
0x545: {  	_ =	swait.ge [sflag:s10], $0x1900  }
0x546: {  	[sflag:s10] =	ssyncset.done $0x0  }
0x547: {  	s28 =	simm.s32 $0x7D0;
	[sflag:s10] =	ssyncadd.s32 $0xFFFFE700  }
0x548: {  	[tilespmem:s16], [sflag:$0x1] =	stream.indirect.gather [spmem:s3], $0x20, s28, s7, $0xb8;
	[tilespmem:$0x14050] =	vst v63  }
0x549: {  	s29 =	simm.s32 $0x898  }
0x54a: {  	[tilespmem:s13], [sflag:$0x2] =	stream.indirect.gather [spmem:s3], $0x20, s29, s7, $0xb8;
	[tilespmem:$0x14050] =	vst v63  }
0x54b: {  	s30 =	simm.s32 $0x960  }
0x54c: {  	[tilespmem:s11], [sflag:$0x3] =	stream.indirect.gather [spmem:s3], $0x20, s30, s7, $0xb8;
	[tilespmem:$0x14050] =	vst v63  }
0x54d: {  	s31 =	simm.s32 $0xA28  }
0x54e: {  	[tilespmem:s9], [sflag:$0x4] =	stream.indirect.gather [spmem:s3], $0x20, s31, s7, $0xb8;
	[tilespmem:$0x14050] =	vst v63  }
0x54f: {  	s1 =	simm.s32 $0xAF0  }
0x550: {  	[tilespmem:s8], [sflag:$0x5] =	stream.indirect.gather [spmem:s3], $0x20, s1, s7, $0xb8;
	[tilespmem:$0x14050] =	vst v63  }
0x551: {  	_ =	swait.ge [sflag:s22], $0x1900  }
0x552: {  	[sflag:s22] =	ssyncset.done $0x0  }
0x553: {  	s4 =	simm.s32 $0x1B58;
	[sflag:s22] =	ssyncadd.s32 $0xFFFFE700  }
0x554: {  	[spmem:s2] =	stream.indirect.scatter.add.f32 [tilespmem:s16], [sflag:$0x6], $0x20, s4, s7, $0xb8;
	[tilespmem:$0x14050] =	vst v63  }
0x555: {  	_ =	swait.ge [sflag:s21], $0x1900  }
0x556: {  	[sflag:s21] =	ssyncset.done $0x0  }
0x557: {  	s6 =	simm.s32 $0x1C20;
	[sflag:s21] =	ssyncadd.s32 $0xFFFFE700  }
0x558: {  	[spmem:s2] =	stream.indirect.scatter.add.f32 [tilespmem:s13], [sflag:$0x7], $0x20, s6, s7, $0xb8;
	[tilespmem:$0x14050] =	vst v63  }
0x559: {  	_ =	swait.ge [sflag:s19], $0x1900  }
0x55a: {  	[sflag:s19] =	ssyncset.done $0x0  }
0x55b: {  	s23 =	simm.s32 $0x1CE8;
	[sflag:s19] =	ssyncadd.s32 $0xFFFFE700  }
0x55c: {  	[spmem:s2] =	stream.indirect.scatter.add.f32 [tilespmem:s11], [sflag:$0x8], $0x20, s23, s7, $0xb8;
	[tilespmem:$0x14050] =	vst v63  }
0x55d: {  	_ =	swait.ge [sflag:s20], $0x1900  }
0x55e: {  	[sflag:s20] =	ssyncset.done $0x0  }
0x55f: {  	s24 =	simm.s32 $0x1DB0;
	[sflag:s20] =	ssyncadd.s32 $0xFFFFE700  }
0x560: {  	[spmem:s2] =	stream.indirect.scatter.add.f32 [tilespmem:s9], [sflag:$0x9], $0x20, s24, s7, $0xb8;
	[tilespmem:$0x14050] =	vst v63  }
0x561: {  	_ =	swait.ge [sflag:s18], $0x1900  }
0x562: {  	[sflag:s18] =	ssyncset.done $0x0  }
0x563: {  	s28 =	simm.s32 $0x1E78;
	[sflag:s18] =	ssyncadd.s32 $0xFFFFE700  }
0x564: {  	[spmem:s2] =	stream.indirect.scatter.add.f32 [tilespmem:s8], [sflag:$0xA], $0x20, s28, s7, $0xb8;
	[tilespmem:$0x14050] =	vst v63  }
0x565: {  	_ =	swait.ge [sflag:s17], $0x1900  }
0x566: {  	[sflag:s17] =	ssyncset.done $0x0  }
0x567: {  	[sflag:s17] =	ssyncadd.s32 $0xFFFFE700  }
0x568: {  	_ =	swait.ge [sflag:s15], $0x1900  }
0x569: {  	[sflag:s15] =	ssyncset.done $0x0  }
0x56a: {  	[sflag:s15] =	ssyncadd.s32 $0xFFFFE700  }
0x56b: {  	_ =	swait.ge [sflag:s14], $0x1900  }
0x56c: {  	[sflag:s14] =	ssyncset.done $0x0  }
0x56d: {  	[sflag:s14] =	ssyncadd.s32 $0xFFFFE700  }
0x56e: {  	_ =	swait.ge [sflag:s12], $0x1900  }
0x56f: {  	[sflag:s12] =	ssyncset.done $0x0  }
0x570: {  	[sflag:s12] =	ssyncadd.s32 $0xFFFFE700  }
0x571: {  	_ =	swait.ge [sflag:s10], $0x1900  }
0x572: {  	[sflag:s10] =	ssyncset.done $0x0  }
0x573: {  	s29 =	simm.s32 $0xBB8;
	[sflag:s10] =	ssyncadd.s32 $0xFFFFE700  }
0x574: {  	[tilespmem:s16], [sflag:$0x1] =	stream.indirect.gather [spmem:s3], $0x20, s29, s7, $0xb8;
	[tilespmem:$0x14050] =	vst v63  }
0x575: {  	s30 =	simm.s32 $0xC80  }
0x576: {  	[tilespmem:s13], [sflag:$0x2] =	stream.indirect.gather [spmem:s3], $0x20, s30, s7, $0xb8;
	[tilespmem:$0x14050] =	vst v63  }
0x577: {  	s31 =	simm.s32 $0xD48  }
0x578: {  	[tilespmem:s11], [sflag:$0x3] =	stream.indirect.gather [spmem:s3], $0x20, s31, s7, $0xb8;
	[tilespmem:$0x14050] =	vst v63  }
0x579: {  	s1 =	simm.s32 $0xE10  }
0x57a: {  	[tilespmem:s9], [sflag:$0x4] =	stream.indirect.gather [spmem:s3], $0x20, s1, s7, $0xb8;
	[tilespmem:$0x14050] =	vst v63  }
0x57b: {  	s4 =	simm.s32 $0xED8  }
0x57c: {  	[tilespmem:s8], [sflag:$0x5] =	stream.indirect.gather [spmem:s3], $0x20, s4, s7, $0xb8;
	[tilespmem:$0x14050] =	vst v63  }
0x57d: {  	_ =	swait.ge [sflag:s22], $0x1900  }
0x57e: {  	[sflag:s22] =	ssyncset.done $0x0  }
0x57f: {  	s6 =	simm.s32 $0x1F40;
	[sflag:s22] =	ssyncadd.s32 $0xFFFFE700  }
0x580: {  	[spmem:s2] =	stream.indirect.scatter.add.f32 [tilespmem:s16], [sflag:$0x6], $0x20, s6, s7, $0xb8;
	[tilespmem:$0x14050] =	vst v63  }
0x581: {  	_ =	swait.ge [sflag:s21], $0x1900  }
0x582: {  	[sflag:s21] =	ssyncset.done $0x0  }
0x583: {  	s23 =	simm.s32 $0x2008;
	[sflag:s21] =	ssyncadd.s32 $0xFFFFE700  }
0x584: {  	[spmem:s2] =	stream.indirect.scatter.add.f32 [tilespmem:s13], [sflag:$0x7], $0x20, s23, s7, $0xb8;
	[tilespmem:$0x14050] =	vst v63  }
0x585: {  	_ =	swait.ge [sflag:s19], $0x1900  }
0x586: {  	[sflag:s19] =	ssyncset.done $0x0  }
0x587: {  	s24 =	simm.s32 $0x20D0;
	[sflag:s19] =	ssyncadd.s32 $0xFFFFE700  }
0x588: {  	[spmem:s2] =	stream.indirect.scatter.add.f32 [tilespmem:s11], [sflag:$0x8], $0x20, s24, s7, $0xb8;
	[tilespmem:$0x14050] =	vst v63  }
0x589: {  	_ =	swait.ge [sflag:s20], $0x1900  }
0x58a: {  	[sflag:s20] =	ssyncset.done $0x0  }
0x58b: {  	s28 =	simm.s32 $0x2198;
	[sflag:s20] =	ssyncadd.s32 $0xFFFFE700  }
0x58c: {  	[spmem:s2] =	stream.indirect.scatter.add.f32 [tilespmem:s9], [sflag:$0x9], $0x20, s28, s7, $0xb8;
	[tilespmem:$0x14050] =	vst v63  }
0x58d: {  	_ =	swait.ge [sflag:s18], $0x1900  }
0x58e: {  	[sflag:s18] =	ssyncset.done $0x0  }
0x58f: {  	s29 =	simm.s32 $0x2260;
	[sflag:s18] =	ssyncadd.s32 $0xFFFFE700  }
0x590: {  	[spmem:s2] =	stream.indirect.scatter.add.f32 [tilespmem:s8], [sflag:$0xA], $0x20, s29, s7, $0xb8;
	[tilespmem:$0x14050] =	vst v63  }
0x591: {  	_ =	swait.ge [sflag:s17], $0x1900  }
0x592: {  	[sflag:s17] =	ssyncset.done $0x0  }
0x593: {  	[sflag:s17] =	ssyncadd.s32 $0xFFFFE700  }
0x594: {  	_ =	swait.ge [sflag:s15], $0x1900  }
0x595: {  	[sflag:s15] =	ssyncset.done $0x0  }
0x596: {  	[sflag:s15] =	ssyncadd.s32 $0xFFFFE700  }
0x597: {  	_ =	swait.ge [sflag:s14], $0x1900  }
0x598: {  	[sflag:s14] =	ssyncset.done $0x0  }
0x599: {  	[sflag:s14] =	ssyncadd.s32 $0xFFFFE700  }
0x59a: {  	_ =	swait.ge [sflag:s12], $0x1900  }
0x59b: {  	[sflag:s12] =	ssyncset.done $0x0  }
0x59c: {  	[sflag:s12] =	ssyncadd.s32 $0xFFFFE700  }
0x59d: {  	_ =	swait.ge [sflag:s10], $0x1900  }
0x59e: {  	[sflag:s10] =	ssyncset.done $0x0  }
0x59f: {  	s30 =	simm.s32 $0xFA0;
	[sflag:s10] =	ssyncadd.s32 $0xFFFFE700  }
0x5a0: {  	[tilespmem:s16], [sflag:$0x1] =	stream.indirect.gather [spmem:s3], $0x20, s30, s7, $0xb8;
	[tilespmem:$0x14050] =	vst v63  }
0x5a1: {  	s31 =	simm.s32 $0x1068  }
0x5a2: {  	[tilespmem:s13], [sflag:$0x2] =	stream.indirect.gather [spmem:s3], $0x20, s31, s7, $0xb8;
	[tilespmem:$0x14050] =	vst v63  }
0x5a3: {  	s1 =	simm.s32 $0x1130  }
0x5a4: {  	[tilespmem:s11], [sflag:$0x3] =	stream.indirect.gather [spmem:s3], $0x20, s1, s7, $0xb8;
	[tilespmem:$0x14050] =	vst v63  }
0x5a5: {  	s4 =	simm.s32 $0x11F8  }
0x5a6: {  	[tilespmem:s9], [sflag:$0x4] =	stream.indirect.gather [spmem:s3], $0x20, s4, s7, $0xb8;
	[tilespmem:$0x14050] =	vst v63  }
0x5a7: {  	s6 =	simm.s32 $0x12C0  }
0x5a8: {  	[tilespmem:s8], [sflag:$0x5] =	stream.indirect.gather [spmem:s3], $0x20, s6, s7, $0xb8;
	[tilespmem:$0x14050] =	vst v63  }
0x5a9: {  	_ =	swait.ge [sflag:s22], $0x1900  }
0x5aa: {  	[sflag:s22] =	ssyncset.done $0x0  }
0x5ab: {  	[sflag:s22] =	ssyncadd.s32 $0xFFFFE700;
	s22 =	simm.s32 $0x2328  }
0x5ac: {  	[spmem:s2] =	stream.indirect.scatter.add.f32 [tilespmem:s16], [sflag:$0x6], $0x20, s22, s7, $0xb8;
	[tilespmem:$0x14050] =	vst v63  }
0x5ad: {  	_ =	swait.ge [sflag:s21], $0x1900  }
0x5ae: {  	[sflag:s21] =	ssyncset.done $0x0  }
0x5af: {  	s23 =	simm.s32 $0x23F0;
	[sflag:s21] =	ssyncadd.s32 $0xFFFFE700  }
0x5b0: {  	[spmem:s2] =	stream.indirect.scatter.add.f32 [tilespmem:s13], [sflag:$0x7], $0x20, s23, s7, $0xb8;
	[tilespmem:$0x14050] =	vst v63  }
0x5b1: {  	_ =	swait.ge [sflag:s19], $0x1900  }
0x5b2: {  	[sflag:s19] =	ssyncset.done $0x0  }
0x5b3: {  	s24 =	simm.s32 $0x24B8;
	[sflag:s19] =	ssyncadd.s32 $0xFFFFE700  }
0x5b4: {  	[spmem:s2] =	stream.indirect.scatter.add.f32 [tilespmem:s11], [sflag:$0x8], $0x20, s24, s7, $0xb8;
	[tilespmem:$0x14050] =	vst v63  }
0x5b5: {  	_ =	swait.ge [sflag:s20], $0x1900  }
0x5b6: {  	[sflag:s20] =	ssyncset.done $0x0  }
0x5b7: {  	s28 =	simm.s32 $0x2580;
	[sflag:s20] =	ssyncadd.s32 $0xFFFFE700  }
0x5b8: {  	[spmem:s2] =	stream.indirect.scatter.add.f32 [tilespmem:s9], [sflag:$0x9], $0x20, s28, s7, $0xb8;
	[tilespmem:$0x14050] =	vst v63  }
0x5b9: {  	_ =	swait.ge [sflag:s18], $0x1900  }
0x5ba: {  	[sflag:s18] =	ssyncset.done $0x0  }
0x5bb: {  	s29 =	simm.s32 $0x2648;
	[sflag:s18] =	ssyncadd.s32 $0xFFFFE700  }
0x5bc: {  	[spmem:s2] =	stream.indirect.scatter.add.f32 [tilespmem:s8], [sflag:$0xA], $0x20, s29, s7, $0xb8;
	[tilespmem:$0x14050] =	vst v63  }
0x5bd: {  	_ =	swait.ge [sflag:s17], $0x1900  }
0x5be: {  	[sflag:s17] =	ssyncset.done $0x0  }
0x5bf: {  	[sflag:s17] =	ssyncadd.s32 $0xFFFFE700  }
0x5c0: {  	_ =	swait.ge [sflag:s15], $0x1900  }
0x5c1: {  	[sflag:s15] =	ssyncset.done $0x0  }
0x5c2: {  	[sflag:s15] =	ssyncadd.s32 $0xFFFFE700  }
0x5c3: {  	_ =	swait.ge [sflag:s14], $0x1900  }
0x5c4: {  	[sflag:s14] =	ssyncset.done $0x0  }
0x5c5: {  	[sflag:s14] =	ssyncadd.s32 $0xFFFFE700  }
0x5c6: {  	_ =	swait.ge [sflag:s12], $0x1900  }
0x5c7: {  	[sflag:s12] =	ssyncset.done $0x0  }
0x5c8: {  	[sflag:s12] =	ssyncadd.s32 $0xFFFFE700  }
0x5c9: {  	_ =	swait.ge [sflag:s10], $0x1900  }
0x5ca: {  	[sflag:s10] =	ssyncset.done $0x0  }
0x5cb: {  	[sflag:s10] =	ssyncadd.s32 $0xFFFFE700  }
0x5cc: {  	[bflag:$0x0] =	sbarrier.arrive $0xFFFF  }
0x5cd: {  	s30 =	rddreg [dreg:$0xc]  }
0x5ce: {  	[hbm:s30], [sflag:s26] =	dma.local [spmem:s25], $0x9C4  }
0x5cf: {  	_ =	swait.ge [sflag:s5], $0x9C4  }
0x5d0: {  	[sflag:s5] =	ssyncset.done $0x0  }
0x5d1: {  	[sflag:s5] =	ssyncadd.s32 $0xFFFFF63C  }
0x5d2: {  	_ =	sfence.sel $0x180000  }
0x5d3: {  	[bflag:$0x0] =	sbarrier.arrive $0xFFFF  }
0x5d4: {  	_ =	strace $0x9000004A  }
0x5d5: {  	s31 =	stileid.u32;
	[bflag:$0x2] =	sbarrier.arrive $0xFFFF  }
0x5d6: {  	p0 =	sne.s32 s31, $0x0;
	s0 =	rddreg [dreg:$0x4]  }
0x5d7: {  	s0 =	sadd.s32 @!p0 $0x100000, s0  }
0x5d8: {  	[sflag:s0] =	ssyncadd.tile.s32 @!p0 $0x1;
	_ =	shalt  }
.LBB2_6:
.Ltmp3:
0x5d9: {  	(pc) =	sbr.rel .LBB2_5-.Ltmp3, $3  }
0x5da: {  	_ =	sdelay $0x1  }
0x5db: {  	s28 =	rddreg [dreg:$0xf]  }
0x5dc: {  	s23 =	rddreg [dreg:$0xe]  }
.Lfunc_end2:
_tile_overlayer_lowered:
.L_overlay_start_2:
0x5dd: {  	(tag) =	ssettag $0x2  }
0x5de: {  	s0 =	rddreg [dreg:$0x0];
	s2 =	stileid.u32  }
0x5df: {  	s1 =	rddreg [dreg:$0x1];
	p0 =	sne.s32 s2, $0x0  }
0x5e0: {  	s3 =	rddreg [dreg:$0x2];
	[bflag:$0x3] =	sbarrier.arrive $0xFFFF;
	s2 =	simm.s32 @!p0 $0x1C0B  }
0x5e1: {  	[timem:s3], [sflag:s2] =	dma.local @!p0 [hbm:s0], s1  }
0x5e2: {  	s0 =	simm.s32 @!p0 $0xB  }
0x5e3: {  	_ =	swait.ge @!p0 [sflag:s0], s1  }
0x5e4: {  	s1 =	ssub.s32 @!p0 $0x0, s1;
	[sflag:s0] =	ssyncset.done @!p0 $0x0  }
0x5e5: {  	[sflag:s0] =	ssyncadd.s32 @!p0 s1  }
0x5e6: {  	[bflag:$0x3] =	sbarrier.arrive $0xFFFF  }
0x5e7: {  	_ =	shalt  }

// kernel: sc_segsum3.3.cloned.1.call-start
scs
__scs_entry_jumppad:
0x0: {  	(pc) =	sbr.rel $0x88, $3  }
0x1: {  	(tag) =	ssettag $0x0;
	lr =	simm.s32 $0x1  }
0x2: {  	[smem:$0x3F8D] =	sst lr;
	_ =	strace $0xD0000000  }
0x3: {  	_ = 	snop  }
0x4: {  	_ = 	snop  }
0x5: {  	_ = 	snop  }
0x6: {  	_ = 	snop  }
0x7: {  	_ = 	snop  }
__scs_overlays_trampoline_lowered:
0x8: {  	[smem:$0x3F9C] =	sst s0  }
0x9: {  	[smem:$0x3F9D] =	sst s1  }
0xa: {  	[smem:$0x3F9E] =	sst s2  }
0xb: {  	[smem:$0x3F9F] =	sst s3  }
0xc: {  	[smem:$0x3FA0] =	sst s4  }
0xd: {  	[smem:$0x3FA1] =	sst s5  }
0xe: {  	[smem:$0x3FA2] =	sst s6  }
0xf: {  	[smem:$0x3FA3] =	sst s7  }
0x10: {  	[smem:$0x3FA4] =	sst s8  }
0x11: {  	[smem:$0x3FA5] =	sst s9;
	s0 =	simm.s32 @!p0 $0x0  }
0x12: {  	s1 =	sld [smem:$0x3F8B];
	s0 =	simm.s32 @p0 $0x1  }
0x13: {  	[smem:$0x3FA6] =	sst s0;
	s0 =	simm.s32 @!p1 $0x0  }
0x14: {  	s2 =	sld [smem:$0x3F8A];
	s0 =	simm.s32 @p1 $0x1  }
0x15: {  	[smem:$0x3FA7] =	sst s0;
	s0 =	simm.s32 @!p2 $0x0  }
0x16: {  	s3 =	sld [smem:$0x3FDB];
	s0 =	simm.s32 @p2 $0x1  }
0x17: {  	s4 =	simm.s32 $0x1BF5;
	[smem:$0x3FA9] =	sst s0  }
0x18: {  	s0 =	sld [smem:$0x3F8C];
	_ =	swait.ge [sflag:s4], $0x0  }
0x19: {  	s7 =	sld [smem:$0x3F8D]  }
0x1a: {  	s8 =	sadd.s32 $0xFFFFE003, lr  }
0x1b: {  	s9 =	sadd.s32 $0xFFFFFEF7, lr;
	s5 =	simm.s32 $0xFFFFFFFF;
	p2 =	slt.u32 s8, $0xFFFFF086  }
0x1c: {  	p1 =	slt.u32 s9, $0xF7A;
	s5 =	simm.s32 @!p2 $0x0  }
0x1d: {  	s5 =	simm.s32 @p1 $0x1;
	p0 =	seq.s32 s7, s2  }
0x1e: {  	s7 =	smul.u32 @!p0 $0xF7A, s2;
	p2 =	seq.s32 @!p0 s5, $0x0  }
0x1f: {  	s9 =	smul.u32 $0xF7A, s1;
	s8 =	simm.s32 @!p0 $0x1BF5;
	p2 =	por !p2, p0  }
0x20: {  	[sflag:s8] =	ssyncset.s32 @!p0 $0xFFFFF086;
	s6 =	sadd.s32 @!p0 s3, s7;
	s7 =	simm.s32 @!p0 $0x108  }
0x21: {  	s3 =	sadd.s32 s3, s9;
	s6 =	sadd.s32 @!p0 $0x88, s6;
	s7 =	simm.s32 @p2 $0x1082  }
0x22: {  	[simem:s7], [sflag:s8] =	dma.local @!p0 [hbm:s6], $0xF7A  }
0x23: {  	s9 =	sor.u32 $0xD0000000, s2;
	s6 =	simm.s32 $0x108;
	_ =	swait.ge @!p0 [sflag:s8], $0x0  }
0x24: {  	s3 =	sadd.s32 $0x88, s3;
	s6 =	simm.s32 @!p1 $0x1082;
	[sflag:s4] =	ssyncset.s32 $0xFFFFF086  }
0x25: {  	[simem:s6], [sflag:s4] =	dma.local [hbm:s3], $0xF7A  }
0x26: {  	[smem:$0x3F8D] =	sst s1;
	(tag) =	ssettag s2;
	_ =	strace s9  }
0x27: {  	s1 =	sld [smem:$0x3F9D]  }
0x28: {  	s2 =	sld [smem:$0x3F9E]  }
0x29: {  	s4 =	sld [smem:$0x3FA0]  }
0x2a: {  	p0 =	seq.s32 s5, $0x0;
	s5 =	sld [smem:$0x3FA1]  }
0x2b: {  	s6 =	sld [smem:$0x3FA2]  }
0x2c: {  	s7 =	sld [smem:$0x3FA3]  }
0x2d: {  	s3 =	simm.s32 $0x108;
	s8 =	sld [smem:$0x3FA4]  }
0x2e: {  	s3 =	simm.s32 @!p0 $0x1082;
	s9 =	sld [smem:$0x3FA5]  }
0x2f: {  	lr =	sadd.s32 s0, s3;
	s0 =	sld [smem:$0x3F9C]  }
0x30: {  	s3 =	sld [smem:$0x3F9F]  }
0x31: {  	[smem:$0x3FA8] =	sst s10  }
0x32: {  	s10 =	sld [smem:$0x3FA6];
	_ =	sdelay $0x3  }
0x33: {  	p0 =	seq.s32 s10, $0x1;
	s10 =	sld [smem:$0x3FA8];
	_ =	sdelay $0x3  }
0x34: {  	[smem:$0x3FA8] =	sst s10  }
0x35: {  	s10 =	sld [smem:$0x3FA7];
	_ =	sdelay $0x3  }
0x36: {  	p1 =	seq.s32 s10, $0x1;
	s10 =	sld [smem:$0x3FA8];
	_ =	sdelay $0x3  }
0x37: {  	[smem:$0x3FA8] =	sst s10  }
0x38: {  	s10 =	sld [smem:$0x3FA9]  }
0x39: {  	_ = 	snop;
	(pc) =	sbr.ind lr, $3  }
0x3a: {  	_ = 	snop  }
0x3b: {  	_ = 	snop  }
0x3c: {  	p2 =	seq.s32 s10, $0x1;
	s10 =	sld [smem:$0x3FA8]  }
0x3d: {  	_ =	shalt  }
0x3e: {  	_ =	shalt  }
0x3f: {  	_ =	shalt  }
0x40: {  	_ =	shalt  }
0x41: {  	_ =	shalt  }
0x42: {  	_ =	shalt  }
0x43: {  	_ =	shalt  }
0x44: {  	_ =	shalt  }
0x45: {  	_ =	shalt  }
0x46: {  	_ =	shalt  }
0x47: {  	_ =	shalt  }
0x48: {  	_ =	shalt  }
0x49: {  	_ =	shalt  }
0x4a: {  	_ =	shalt  }
0x4b: {  	_ =	shalt  }
0x4c: {  	_ =	shalt  }
0x4d: {  	_ =	shalt  }
0x4e: {  	_ =	shalt  }
0x4f: {  	_ =	shalt  }
0x50: {  	_ =	shalt  }
0x51: {  	_ =	shalt  }
0x52: {  	_ =	shalt  }
0x53: {  	_ =	shalt  }
0x54: {  	_ =	shalt  }
0x55: {  	_ =	shalt  }
0x56: {  	_ =	shalt  }
0x57: {  	_ =	shalt  }
0x58: {  	_ =	shalt  }
0x59: {  	_ =	shalt  }
0x5a: {  	_ =	shalt  }
0x5b: {  	_ =	shalt  }
0x5c: {  	_ =	shalt  }
0x5d: {  	_ =	shalt  }
0x5e: {  	_ =	shalt  }
0x5f: {  	_ =	shalt  }
0x60: {  	_ =	shalt  }
0x61: {  	_ =	shalt  }
0x62: {  	_ =	shalt  }
0x63: {  	_ =	shalt  }
0x64: {  	_ =	shalt  }
0x65: {  	_ =	shalt  }
0x66: {  	_ =	shalt  }
0x67: {  	_ =	shalt  }
0x68: {  	_ =	shalt  }
0x69: {  	_ =	shalt  }
0x6a: {  	_ =	shalt  }
0x6b: {  	_ =	shalt  }
0x6c: {  	_ =	shalt  }
0x6d: {  	_ =	shalt  }
0x6e: {  	_ =	shalt  }
0x6f: {  	_ =	shalt  }
0x70: {  	_ =	shalt  }
0x71: {  	_ =	shalt  }
0x72: {  	_ =	shalt  }
0x73: {  	_ =	shalt  }
0x74: {  	_ =	shalt  }
0x75: {  	_ =	shalt  }
0x76: {  	_ =	shalt  }
0x77: {  	_ =	shalt  }
0x78: {  	_ =	shalt  }
0x79: {  	_ =	shalt  }
0x7a: {  	_ =	shalt  }
0x7b: {  	_ =	shalt  }
0x7c: {  	_ =	shalt  }
0x7d: {  	_ =	shalt  }
0x7e: {  	_ =	shalt  }
0x7f: {  	_ =	shalt  }
0x80: {  	_ =	shalt  }
0x81: {  	_ =	shalt  }
0x82: {  	_ =	shalt  }
0x83: {  	_ =	shalt  }
0x84: {  	_ =	shalt  }
0x85: {  	_ =	shalt  }
0x86: {  	_ =	shalt  }
0x87: {  	_ =	shalt  }
.Lfunc_end0:
.L_simem_size_0:
called_computation_lowered:
.L_overlay_start_0:
0x88: {  	s2 =	sld [smem:$0x3FD9]  }
0x89: {  	s3 =	sld [smem:$0x3FFE];
	_ =	sdelay $0x1  }
0x8a: {  	s1 =	srdreg.scid  }
0x8b: {  	s0 =	sand.u32 $0x1, s1  }
0x8c: {  	s17 =	sshll.u32 s0, $0xA;
	s2 =	sadd.s32 s3, s2  }
0x8d: {  	s2 =	sadd.s32 s2, s17  }
0x8e: {  	[smem:$0x3FB4] =	sst s2  }
0x8f: {  	_ = 	snop  }
0x90: {  	s2 =	sld [smem:$0x3FD0];
	(tm) =	ssettm $0x1  }
0x91: {  	s18 =	sld [smem:$0x3FFB];
	_ =	sdelay $0x3  }
0x92: {  	_ =	strace s18  }
0x93: {  	s3 =	sld [smem:$0x3FFC];
	_ =	sdelay $0x3  }
0x94: {  	_ =	strace s3  }
0x95: {  	s3 =	sld [smem:$0x3FFD];
	_ =	sdelay $0x3  }
0x96: {  	_ =	strace s3  }
0x97: {  	_ =	strace $0x8FFFFFFF  }
0x98: {  	s19 =	sld [smem:$0x3FDB];
	_ =	sdelay $0x1  }
0x99: {  	s4 =	simm.s32 $_scs_section_size  }
0x9a: {  	s5 =	simm.s32 $_size__tile_overlayer_lowered;
	s6 =	simm.s32 $_tile_overlayer_lowered  }
0x9b: {  	s22 =	simm.s32 $0x1BFF;
	s21 =	sshll.u32 s6, $0x1;
	s3 =	sadd.s32 s4, s19  }
0x9c: {  	s7 =	simm.s32 $0x0;
	s20 =	sshll.u32 s5, $0x1;
	s5 =	sadd.s32 s21, s3  }
0x9d: {  	[timem:s7], [sflag:s22] =	dma.local [hbm:s5], s20  }
0x9e: {  	_ =	swait.ge [sflag:s22], s20  }
0x9f: {  	s4 =	ssub.s32 $0x0, s20;
	[sflag:s22] =	ssyncset.done $0x0  }
0xa0: {  	[sflag:s22] =	ssyncadd.s32 s4;
	_ =	sdelay $0x1  }
0xa1: {  	s23 =	simm.s32 $0x1B8B  }
0xa2: {  	_ =	swait.ge [sflag:s23], $0x1  }
0xa3: {  	[sflag:s23] =	ssyncset.done $0x0  }
0xa4: {  	s25 =	simm.s32 $0x1B8E;
	s24 =	sld [smem:$0x3FFE];
	[sflag:s23] =	ssyncadd.s32 $0xFFFFFFFF  }
0xa5: {  	s26 =	simm.s32 $execute0_lowered;
	[smem:$0x3FD2] =	sst s25  }
0xa6: {  	s5 =	sshll.u32 s26, $0x1;
	_ =	strace $0x80000046;
	[dreg:$0x1] =	wrdreg $0xFFFFFFFF  }
0xa7: {  	s28 =	simm.s32 $_size_execute0_lowered;
	s3 =	sadd.s32 s3, s5;
	[dreg:$0x0] =	wrdreg $0x0  }
0xa8: {  	s5 =	sshll.u32 s28, $0x1;
	[dreg:$0x2] =	wrdreg s3  }
0xa9: {  	[dreg:$0x3] =	wrdreg s5  }
0xaa: {  	[dreg:$0x4] =	wrdreg $0xC0  }
0xab: {  	_ =	task [dreg:s7], $0x5FFFF  }
0xac: {  	[dreg:$0x1] =	wrdreg $0xFFFFFFFF  }
0xad: {  	[dreg:$0x0] =	wrdreg $0x60  }
0xae: {  	[dreg:$0x2] =	wrdreg s2  }
0xaf: {  	[dreg:$0x3] =	wrdreg s24  }
0xb0: {  	[dreg:$0x4] =	wrdreg $0xB0900  }
0xb1: {  	[dreg:$0x5] =	wrdreg $0xFEB00  }
0xb2: {  	[dreg:$0x6] =	wrdreg $0x14CD00  }
0xb3: {  	[dreg:$0x7] =	wrdreg $0x9  }
0xb4: {  	_ =	task.clear_ibuf [dreg:s7], $0x8FFFF;
	_ =	strace $0x90000046  }
0xb5: {  	s29 =	simm.s32 $0x9;
	_ =	strace $0x80000048  }
0xb6: {  	_ =	swait.ge [sflag:s29], $0x1  }
0xb7: {  	[sflag:s29] =	ssyncadd.s32 $0xFFFFFFFF  }
0xb8: {  	_ =	strace $0x90000048  }
0xb9: {  	_ =	sfence  }
0xba: {  	s30 =	sld [smem:$0x0];
	_ =	sdelay $0x2  }
0xbb: {  	s31 =	sshll.u32 s1, $0xD;
	s1 =	sshrl.u32 s1, $0x2  }
0xbc: {  	s3 =	sand.u32 $0x4000, s31;
	s1 =	sadd.s32 s1, s30  }
0xbd: {  	s0 =	sor.u32 s3, s0;
	s1 =	sshll.u32 s1, $0x11  }
0xbe: {  	s0 =	sor.u32 s1, s0  }
0xbf: {  	s0 =	sadd.s32 $0x8F2B, s0  }
0xc0: {  	[sflag:s0] =	ssyncadd.remote.s32 $0x1  }
0xc1: {  	_ =	sfence.sel $0xFFFF  }
0xc2: {  	[dreg:$0x0] =	wrdreg $0xFFFFFFFF;
	(pc) =	sbr.abs _section_cstart, $3  }
0xc3: {  	[dreg:$0x1] =	wrdreg $0xFFFFFFFF  }
0xc4: {  	_ =	task.clear_ibuf [dreg:s7], $0x2FFFF;
	_ =	strace $0x9FFFFFFF  }
0xc5: {  	(tm) =	ssettm $0x7FFFFFFF  }
tec
execute0_lowered:
.L_overlay_start_1:
0x0: {  	(tag) =	ssettag $0x1  }
0x1: {  	s0 =	rddreg [dreg:$0x0]  }
0x2: {  	s2 =	rddreg [dreg:$0x1];
	s10 =	stileid.u32  }
0x3: {  	s3 =	srdreg.scid;
	s1 =	rddreg [dreg:$0x2]  }
0x4: {  	s9 =	simm.s32 $0x0;
	s29 =	simm.s32 $0x2710;
	s30 =	simm.s32 $0x10  }
0x5: {  	s5 =	sand.u32 $0x1, s3;
	s3 =	rddreg [dreg:$0x3];
	s6 =	smul.u32 $0x4E20, s10  }
0x6: {  	s4 =	sshll.u32 s10, $0x1;
	[smem:$0x7FF] =	sst s9;
	s10 =	smul.u32 $0x2710, s10  }
0x7: {  	s13 =	sadd.s32 $0x5B000, s2;
	s7 =	sor.u32 s5, s4;
	s4 =	rddreg [dreg:$0x4]  }
0x8: {  	s25 =	sadd.s32 $0x5AA00, s2;
	_ =	strace $0x80000047;
	[dreg:$0x6] =	wrdreg s13  }
0x9: {  	s26 =	sadd.s32 $0x5A800, s2;
	s8 =	smul.u32 $0x4E200, s5;
	[dreg:$0x7] =	wrdreg s25  }
0xa: {  	s9 =	simm.s32 $0x6590;
	s12 =	smul.u32 $0x27100, s5;
	[dreg:$0x8] =	wrdreg s26  }
0xb: {  	s5 =	ssub.s32 $0x2, s5;
	s7 =	smul.u32 $0x271, s7;
	s24 =	sshrl.u32 s6, $0x3  }
0xc: {  	s28 =	sshrl.u32 s5, $0x1;
	s31 =	sadd.s32 s6, s1;
	s13 =	sadd.s32 s10, s4  }
0xd: {  	s11 =	sadd.s32 s24, s2;
	s8 =	sadd.s32 s6, s8;
	s12 =	sadd.s32 s10, s12  }
0xe: {  	s5 =	ssub.s32 s5, s28;
	[dreg:$0x9] =	wrdreg s31;
	s0 =	sadd.s32 s0, s24  }
0xf: {  	[dreg:$0xc] =	wrdreg s13;
	s10 =	simm.s32 $0x7E90;
	s7 =	sadd.s32 s7, s2  }
0x10: {  	s8 =	sshrl.u32 s8, $0x3;
	[dreg:$0xa] =	wrdreg s0;
	s17 =	sadd.s32 $0x46C00, s11  }
0x11: {  	s12 =	sshrl.u32 s12, $0x3;
	s21 =	sadd.s32 $0x50A00, s11;
	[dreg:$0x10] =	wrdreg s17  }
0x12: {  	s31 =	smax.u32 s5, $0x1;
	s8 =	sadd.s32 s8, s2;
	[dreg:$0x14] =	wrdreg s21  }
0x13: {  	s2 =	sadd.s32 s12, s2;
	s12 =	sadd.s32 s6, s3;
	[dreg:$0x1b] =	wrdreg s31  }
0x14: {  	s13 =	simm.s32 $0x2;
	s14 =	sadd.s32 $0x6A00, s7;
	[dreg:$0xb] =	wrdreg s12  }
0x15: {  	s0 =	simm.s32 $0x3390;
	s15 =	sadd.s32 $0x1A00, s7;
	[dreg:$0xd] =	wrdreg s14  }
0x16: {  	s11 =	simm.s32 $0x9790;
	s18 =	sadd.s32 $0x10A00, s7;
	[dreg:$0xe] =	wrdreg s15  }
0x17: {  	s19 =	sadd.s32 $0xBA00, s7;
	s22 =	sadd.s32 $0x1AA00, s7;
	[dreg:$0x11] =	wrdreg s18  }
0x18: {  	s23 =	sadd.s32 $0x15A00, s7;
	s17 =	simm.s32 $0x6;
	[dreg:$0x12] =	wrdreg s19  }
0x19: {  	s21 =	simm.s32 $0x8;
	s6 =	simm.s32 $0x0;
	[dreg:$0x15] =	wrdreg s22  }
0x1a: {  	s16 =	sadd.s32 $0x6F400, s8;
	s20 =	sadd.s32 $0x5BA00, s8;
	[dreg:$0x16] =	wrdreg s23  }
0x1b: {  	s24 =	sadd.s32 $0x96A00, s8;
	s25 =	sadd.s32 $0x82E00, s2;
	s26 =	sadd.s32 $0x8CC00, s2  }
0x1c: {  	s28 =	sadd.s32 $0xAA400, s2;
	s2 =	simm.s32 $0xC8;
	[dreg:$0xf] =	wrdreg s16  }
0x1d: {  	s8 =	simm.s32 $0x4C90;
	s12 =	simm.s32 $0x1;
	[dreg:$0x13] =	wrdreg s20  }
0x1e: {  	s14 =	simm.s32 $0x3;
	s15 =	simm.s32 $0x4;
	[dreg:$0x17] =	wrdreg s24  }
0x1f: {  	s18 =	simm.s32 $0xB;
	s19 =	simm.s32 $0x7;
	[dreg:$0x18] =	wrdreg s25  }
0x20: {  	s22 =	simm.s32 $0xD;
	s23 =	simm.s32 $0x9;
	[dreg:$0x19] =	wrdreg s26  }
0x21: {  	[dreg:$0x1a] =	wrdreg s28;
	s16 =	simm.s32 $0x5;
	s20 =	simm.s32 $0xC  }
0x22: {  	s24 =	simm.s32 $0xE;
	s25 =	simm.s32 $0xA;
	s26 =	simm.s32 $0xF  }
.LBB2_1:
0x23: {  	[dreg:$0x1c] =	wrdreg s6  }
0x24: {  	s6 =	simm.s32 $0x0;
	s5 =	rddreg [dreg:$0x8]  }
0x25: {  	[tilespmem:s29], [sflag:$0x10] =	stream.linear.gather [hbm4b:s5+s6], $0xC80, $0x38;
	[tilespmem:$0x173E0] =	vst v63  }
0x26: {  	s7 =	stileid.u32;
	_ =	swait.ge [sflag:s30], $0xC80  }
0x27: {  	s5 =	sshll.u32 s7, $0x6;
	s7 =	rddreg [dreg:$0x9]  }
0x28: {  	[sflag:s30] =	ssyncset.done $0x0;
	s31 =	rddreg [dreg:$0xa];
	s28 =	sshrl.u32 s7, $0x3  }
0x29: {  	s5 =	sor.u32 $0x1C10, s5;
	[sflag:s30] =	ssyncadd.s32 $0xFFFFF380;
	[dreg:$0x1f] =	wrdreg s28  }
0x2a: {  	[spmem:s28], [sflag:s5] =	dma.local [hbm:s31], $0x9C4  }
0x2b: {  	_ =	swait.ge [sflag:s30], $0x9C4  }
0x2c: {  	s31 =	rddreg [dreg:$0xb]  }
0x2d: {  	[sflag:s30] =	ssyncset.done $0x0;
	s28 =	sshrl.u32 s31, $0x3;
	s31 =	rddreg [dreg:$0x6]  }
0x2e: {  	[sflag:s30] =	ssyncadd.s32 $0xFFFFF63C;
	[dreg:$0x1d] =	wrdreg s28  }
0x2f: {  	[spmem:s28], [sflag:s5] =	dma.local [hbm:s31], $0x9C4  }
0x30: {  	_ =	swait.ge [sflag:s30], $0x9C4  }
0x31: {  	s31 =	rddreg [dreg:$0xc]  }
0x32: {  	[sflag:s30] =	ssyncset.done $0x0;
	s28 =	sshrl.u32 s31, $0x3;
	s31 =	rddreg [dreg:$0x7]  }
0x33: {  	[sflag:s30] =	ssyncadd.s32 $0xFFFFF63C;
	[dreg:$0x1e] =	wrdreg s28  }
0x34: {  	[spmem:s28], [sflag:s5] =	dma.local [hbm:s31], $0x4E2  }
0x35: {  	_ =	swait.ge [sflag:s30], $0x4E2  }
0x36: {  	[sflag:s30] =	ssyncset.done $0x0  }
0x37: {  	s31 =	rddreg [dreg:$0xd];
	[sflag:s30] =	ssyncadd.s32 $0xFFFFFB1E  }
0x38: {  	[tilespmem:s6], [sflag:$0x10] =	stream.linear.gather [hbm4b:s31+s6], $0x1388, $0x38;
	[tilespmem:$0x173E0] =	vst v63  }
0x39: {  	_ =	swait.ge [sflag:s30], $0x1388  }
0x3a: {  	[sflag:s30] =	ssyncset.done $0x0  }
0x3b: {  	s28 =	simm.s32 $0x1388;
	s31 =	rddreg [dreg:$0xe];
	[sflag:s30] =	ssyncadd.s32 $0xFFFFEC78  }
0x3c: {  	[tilespmem:s28], [sflag:$0x10] =	stream.linear.gather [hbm4b:s31+s6], $0x1388, $0x38;
	[tilespmem:$0x173E0] =	vst v63  }
0x3d: {  	_ =	swait.ge [sflag:s30], $0x1388  }
0x3e: {  	[sflag:s30] =	ssyncset.done $0x0  }
0x3f: {  	[sflag:s30] =	ssyncadd.s32 $0xFFFFEC78  }
0x40: {  	s7 =	simm.s32 $0x0;
	[bflag:$0x0] =	sbarrier.arrive $0xFFFF  }
0x41: {  	[tilespmem:s0], [sflag:$0x1] =	stream.indirect.gather [spmem:s1], $0x20, s7, s2, $0xb8;
	[tilespmem:$0x173E0] =	vst v63  }
0x42: {  	s31 =	simm.s32 $0xC8  }
0x43: {  	[tilespmem:s8], [sflag:$0x2] =	stream.indirect.gather [spmem:s1], $0x20, s31, s2, $0xb8;
	[tilespmem:$0x173E0] =	vst v63  }
0x44: {  	s7 =	simm.s32 $0x190  }
0x45: {  	[tilespmem:s9], [sflag:$0x3] =	stream.indirect.gather [spmem:s1], $0x20, s7, s2, $0xb8;
	[tilespmem:$0x173E0] =	vst v63  }
0x46: {  	s31 =	simm.s32 $0x258  }
0x47: {  	[tilespmem:s10], [sflag:$0x4] =	stream.indirect.gather [spmem:s1], $0x20, s31, s2, $0xb8;
	[tilespmem:$0x173E0] =	vst v63  }
0x48: {  	s7 =	simm.s32 $0x320  }
0x49: {  	[tilespmem:s11], [sflag:$0x5] =	stream.indirect.gather [spmem:s1], $0x20, s7, s2, $0xb8;
	[tilespmem:$0x173E0] =	vst v63  }
0x4a: {  	_ =	swait.ge [sflag:s12], $0x1900  }
0x4b: {  	[sflag:s12] =	ssyncset.done $0x0  }
0x4c: {  	s31 =	simm.s32 $0x1388;
	[sflag:s12] =	ssyncadd.s32 $0xFFFFE700  }
0x4d: {  	[spmem:s3] =	stream.indirect.scatter.add.f32 [tilespmem:s0], [sflag:$0x6], $0x20, s31, s2, $0xb8;
	[tilespmem:$0x173E0] =	vst v63  }
0x4e: {  	_ = 	snop  }
0x4f: {  	[spmem:s4] =	stream.indirect.scatter.add.f32 [tilespmem:s29], [sflag:$0xB], $0x10, s31, s2, $0xb8;
	[tilespmem:$0x173E0] =	vst v63  }
0x50: {  	_ =	swait.ge [sflag:s13], $0x1900  }
0x51: {  	[sflag:s13] =	ssyncset.done $0x0  }
0x52: {  	s7 =	simm.s32 $0x1450;
	[sflag:s13] =	ssyncadd.s32 $0xFFFFE700  }
0x53: {  	[spmem:s3] =	stream.indirect.scatter.add.f32 [tilespmem:s8], [sflag:$0x7], $0x20, s7, s2, $0xb8;
	[tilespmem:$0x173E0] =	vst v63  }
0x54: {  	_ = 	snop  }
0x55: {  	[spmem:s4] =	stream.indirect.scatter.add.f32 [tilespmem:s29], [sflag:$0xC], $0x10, s7, s2, $0xb8;
	[tilespmem:$0x173E0] =	vst v63  }
0x56: {  	_ =	swait.ge [sflag:s14], $0x1900  }
0x57: {  	[sflag:s14] =	ssyncset.done $0x0  }
0x58: {  	s31 =	simm.s32 $0x1518;
	[sflag:s14] =	ssyncadd.s32 $0xFFFFE700  }
0x59: {  	[spmem:s3] =	stream.indirect.scatter.add.f32 [tilespmem:s9], [sflag:$0x8], $0x20, s31, s2, $0xb8;
	[tilespmem:$0x173E0] =	vst v63  }
0x5a: {  	_ = 	snop  }
0x5b: {  	[spmem:s4] =	stream.indirect.scatter.add.f32 [tilespmem:s29], [sflag:$0xD], $0x10, s31, s2, $0xb8;
	[tilespmem:$0x173E0] =	vst v63  }
0x5c: {  	_ =	swait.ge [sflag:s15], $0x1900  }
0x5d: {  	[sflag:s15] =	ssyncset.done $0x0  }
0x5e: {  	s7 =	simm.s32 $0x15E0;
	[sflag:s15] =	ssyncadd.s32 $0xFFFFE700  }
0x5f: {  	[spmem:s3] =	stream.indirect.scatter.add.f32 [tilespmem:s10], [sflag:$0x9], $0x20, s7, s2, $0xb8;
	[tilespmem:$0x173E0] =	vst v63  }
0x60: {  	_ = 	snop  }
0x61: {  	[spmem:s4] =	stream.indirect.scatter.add.f32 [tilespmem:s29], [sflag:$0xE], $0x10, s7, s2, $0xb8;
	[tilespmem:$0x173E0] =	vst v63  }
0x62: {  	_ =	swait.ge [sflag:s16], $0x1900  }
0x63: {  	[sflag:s16] =	ssyncset.done $0x0  }
0x64: {  	s31 =	simm.s32 $0x16A8;
	[sflag:s16] =	ssyncadd.s32 $0xFFFFE700  }
0x65: {  	[spmem:s3] =	stream.indirect.scatter.add.f32 [tilespmem:s11], [sflag:$0xA], $0x20, s31, s2, $0xb8;
	[tilespmem:$0x173E0] =	vst v63  }
0x66: {  	_ = 	snop  }
0x67: {  	[spmem:s4] =	stream.indirect.scatter.add.f32 [tilespmem:s29], [sflag:$0xF], $0x10, s31, s2, $0xb8;
	[tilespmem:$0x173E0] =	vst v63  }
0x68: {  	_ =	swait.ge [sflag:s17], $0x1900  }
0x69: {  	[sflag:s17] =	ssyncset.done $0x0  }
0x6a: {  	[sflag:s17] =	ssyncadd.s32 $0xFFFFE700  }
0x6b: {  	_ =	swait.ge [sflag:s18], $0xC80  }
0x6c: {  	[sflag:s18] =	ssyncset.done $0x0  }
0x6d: {  	[sflag:s18] =	ssyncadd.s32 $0xFFFFF380  }
0x6e: {  	_ =	swait.ge [sflag:s19], $0x1900  }
0x6f: {  	[sflag:s19] =	ssyncset.done $0x0  }
0x70: {  	[sflag:s19] =	ssyncadd.s32 $0xFFFFE700  }
0x71: {  	_ =	swait.ge [sflag:s20], $0xC80  }
0x72: {  	[sflag:s20] =	ssyncset.done $0x0  }
0x73: {  	[sflag:s20] =	ssyncadd.s32 $0xFFFFF380  }
0x74: {  	_ =	swait.ge [sflag:s21], $0x1900  }
0x75: {  	[sflag:s21] =	ssyncset.done $0x0  }
0x76: {  	[sflag:s21] =	ssyncadd.s32 $0xFFFFE700  }
0x77: {  	_ =	swait.ge [sflag:s22], $0xC80  }
0x78: {  	[sflag:s22] =	ssyncset.done $0x0  }
0x79: {  	[sflag:s22] =	ssyncadd.s32 $0xFFFFF380  }
0x7a: {  	_ =	swait.ge [sflag:s23], $0x1900  }
0x7b: {  	[sflag:s23] =	ssyncset.done $0x0  }
0x7c: {  	[sflag:s23] =	ssyncadd.s32 $0xFFFFE700  }
0x7d: {  	_ =	swait.ge [sflag:s24], $0xC80  }
0x7e: {  	[sflag:s24] =	ssyncset.done $0x0  }
0x7f: {  	[sflag:s24] =	ssyncadd.s32 $0xFFFFF380  }
0x80: {  	_ =	swait.ge [sflag:s25], $0x1900  }
0x81: {  	[sflag:s25] =	ssyncset.done $0x0  }
0x82: {  	[sflag:s25] =	ssyncadd.s32 $0xFFFFE700  }
0x83: {  	_ =	swait.ge [sflag:s26], $0xC80  }
0x84: {  	s28 =	simm.s32 $0x1F40;
	s7 =	simm.s32 $0xFA0;
	[sflag:s26] =	ssyncset.done $0x0  }
.LBB2_2:
0x85: {  	s31 =	sshra.s32 s7, $0x2  }
0x86: {  	[sflag:s26] =	ssyncadd.s32 $0xFFFFF380;
	s7 =	smov.u32 s28;
	s6 =	sadd.s32 $0xFA0, s28  }
0x87: {  	[tilespmem:s0], [sflag:$0x1] =	stream.indirect.gather [spmem:s1], $0x20, s31, s2, $0xb8;
	[tilespmem:$0x173E0] =	vst v63  }
0x88: {  	p0 =	sne.s32 s28, $0x3E80;
	s28 =	sadd.s32 $0xC8, s31  }
0x89: {  	[tilespmem:s8], [sflag:$0x2] =	stream.indirect.gather [spmem:s1], $0x20, s28, s2, $0xb8;
	[tilespmem:$0x173E0] =	vst v63  }
0x8a: {  	s28 =	sadd.s32 $0x190, s31  }
0x8b: {  	[tilespmem:s9], [sflag:$0x3] =	stream.indirect.gather [spmem:s1], $0x20, s28, s2, $0xb8;
	[tilespmem:$0x173E0] =	vst v63  }
0x8c: {  	s28 =	sadd.s32 $0x258, s31  }
0x8d: {  	[tilespmem:s10], [sflag:$0x4] =	stream.indirect.gather [spmem:s1], $0x20, s28, s2, $0xb8;
	[tilespmem:$0x173E0] =	vst v63  }
0x8e: {  	s28 =	sadd.s32 $0x320, s31  }
0x8f: {  	[tilespmem:s11], [sflag:$0x5] =	stream.indirect.gather [spmem:s1], $0x20, s28, s2, $0xb8;
	[tilespmem:$0x173E0] =	vst v63  }
0x90: {  	_ =	swait.ge [sflag:s12], $0x1900  }
0x91: {  	[sflag:s12] =	ssyncset.done $0x0  }
0x92: {  	s28 =	sadd.s32 $0x1388, s31;
	[sflag:s12] =	ssyncadd.s32 $0xFFFFE700  }
0x93: {  	[spmem:s3] =	stream.indirect.scatter.add.f32 [tilespmem:s0], [sflag:$0x6], $0x20, s28, s2, $0xb8;
	[tilespmem:$0x173E0] =	vst v63  }
0x94: {  	_ = 	snop  }
0x95: {  	[spmem:s4] =	stream.indirect.scatter.add.f32 [tilespmem:s29], [sflag:$0xB], $0x10, s28, s2, $0xb8;
	[tilespmem:$0x173E0] =	vst v63  }
0x96: {  	_ =	swait.ge [sflag:s13], $0x1900  }
0x97: {  	[sflag:s13] =	ssyncset.done $0x0  }
0x98: {  	s28 =	sadd.s32 $0x1450, s31;
	[sflag:s13] =	ssyncadd.s32 $0xFFFFE700  }
0x99: {  	[spmem:s3] =	stream.indirect.scatter.add.f32 [tilespmem:s8], [sflag:$0x7], $0x20, s28, s2, $0xb8;
	[tilespmem:$0x173E0] =	vst v63  }
0x9a: {  	_ = 	snop  }
0x9b: {  	[spmem:s4] =	stream.indirect.scatter.add.f32 [tilespmem:s29], [sflag:$0xC], $0x10, s28, s2, $0xb8;
	[tilespmem:$0x173E0] =	vst v63  }
0x9c: {  	_ =	swait.ge [sflag:s14], $0x1900  }
0x9d: {  	[sflag:s14] =	ssyncset.done $0x0  }
0x9e: {  	s28 =	sadd.s32 $0x1518, s31;
	[sflag:s14] =	ssyncadd.s32 $0xFFFFE700  }
0x9f: {  	[spmem:s3] =	stream.indirect.scatter.add.f32 [tilespmem:s9], [sflag:$0x8], $0x20, s28, s2, $0xb8;
	[tilespmem:$0x173E0] =	vst v63  }
0xa0: {  	_ = 	snop  }
0xa1: {  	[spmem:s4] =	stream.indirect.scatter.add.f32 [tilespmem:s29], [sflag:$0xD], $0x10, s28, s2, $0xb8;
	[tilespmem:$0x173E0] =	vst v63  }
0xa2: {  	_ =	swait.ge [sflag:s15], $0x1900  }
0xa3: {  	[sflag:s15] =	ssyncset.done $0x0  }
0xa4: {  	s28 =	sadd.s32 $0x15E0, s31;
	[sflag:s15] =	ssyncadd.s32 $0xFFFFE700  }
0xa5: {  	[spmem:s3] =	stream.indirect.scatter.add.f32 [tilespmem:s10], [sflag:$0x9], $0x20, s28, s2, $0xb8;
	[tilespmem:$0x173E0] =	vst v63  }
0xa6: {  	_ = 	snop  }
0xa7: {  	[spmem:s4] =	stream.indirect.scatter.add.f32 [tilespmem:s29], [sflag:$0xE], $0x10, s28, s2, $0xb8;
	[tilespmem:$0x173E0] =	vst v63  }
0xa8: {  	_ =	swait.ge [sflag:s16], $0x1900  }
0xa9: {  	[sflag:s16] =	ssyncset.done $0x0  }
0xaa: {  	s28 =	sadd.s32 $0x16A8, s31;
	[sflag:s16] =	ssyncadd.s32 $0xFFFFE700  }
0xab: {  	[spmem:s3] =	stream.indirect.scatter.add.f32 [tilespmem:s11], [sflag:$0xA], $0x20, s28, s2, $0xb8;
	[tilespmem:$0x173E0] =	vst v63  }
0xac: {  	_ = 	snop  }
0xad: {  	[spmem:s4] =	stream.indirect.scatter.add.f32 [tilespmem:s29], [sflag:$0xF], $0x10, s28, s2, $0xb8;
	[tilespmem:$0x173E0] =	vst v63  }
0xae: {  	_ =	swait.ge [sflag:s17], $0x1900  }
0xaf: {  	[sflag:s17] =	ssyncset.done $0x0  }
0xb0: {  	[sflag:s17] =	ssyncadd.s32 $0xFFFFE700  }
0xb1: {  	_ =	swait.ge [sflag:s18], $0xC80  }
0xb2: {  	[sflag:s18] =	ssyncset.done $0x0  }
0xb3: {  	[sflag:s18] =	ssyncadd.s32 $0xFFFFF380  }
0xb4: {  	_ =	swait.ge [sflag:s19], $0x1900  }
0xb5: {  	[sflag:s19] =	ssyncset.done $0x0  }
0xb6: {  	[sflag:s19] =	ssyncadd.s32 $0xFFFFE700  }
0xb7: {  	_ =	swait.ge [sflag:s20], $0xC80  }
0xb8: {  	[sflag:s20] =	ssyncset.done $0x0  }
0xb9: {  	[sflag:s20] =	ssyncadd.s32 $0xFFFFF380  }
0xba: {  	_ =	swait.ge [sflag:s21], $0x1900  }
0xbb: {  	[sflag:s21] =	ssyncset.done $0x0  }
0xbc: {  	[sflag:s21] =	ssyncadd.s32 $0xFFFFE700  }
0xbd: {  	_ =	swait.ge [sflag:s22], $0xC80  }
0xbe: {  	[sflag:s22] =	ssyncset.done $0x0  }
0xbf: {  	[sflag:s22] =	ssyncadd.s32 $0xFFFFF380  }
0xc0: {  	_ =	swait.ge [sflag:s23], $0x1900  }
0xc1: {  	[sflag:s23] =	ssyncset.done $0x0  }
0xc2: {  	[sflag:s23] =	ssyncadd.s32 $0xFFFFE700  }
0xc3: {  	_ =	swait.ge [sflag:s24], $0xC80  }
0xc4: {  	[sflag:s24] =	ssyncset.done $0x0  }
0xc5: {  	[sflag:s24] =	ssyncadd.s32 $0xFFFFF380  }
.Ltmp0:
0xc6: {  	_ =	swait.ge [sflag:s25], $0x1900;
	(pc) =	sbr.rel @p0 .LBB2_2-.Ltmp0, $4  }
0xc7: {  	[sflag:s25] =	ssyncset.done $0x0  }
0xc8: {  	[sflag:s25] =	ssyncadd.s32 $0xFFFFE700  }
0xc9: {  	_ =	swait.ge [sflag:s26], $0xC80  }
0xca: {  	s28 =	smov.u32 s6;
	[sflag:s26] =	ssyncset.done $0x0  }
0xcb: {  	s6 =	sshra.s32 s7, $0x2;
	[sflag:s26] =	ssyncadd.s32 $0xFFFFF380  }
0xcc: {  	[tilespmem:s0], [sflag:$0x1] =	stream.indirect.gather [spmem:s1], $0x20, s6, s2, $0xb8;
	[tilespmem:$0x173E0] =	vst v63  }
0xcd: {  	s7 =	sadd.s32 $0xC8, s6  }
0xce: {  	[tilespmem:s8], [sflag:$0x2] =	stream.indirect.gather [spmem:s1], $0x20, s7, s2, $0xb8;
	[tilespmem:$0x173E0] =	vst v63  }
0xcf: {  	s31 =	sadd.s32 $0x190, s6  }
0xd0: {  	[tilespmem:s9], [sflag:$0x3] =	stream.indirect.gather [spmem:s1], $0x20, s31, s2, $0xb8;
	[tilespmem:$0x173E0] =	vst v63  }
0xd1: {  	s28 =	sadd.s32 $0x258, s6  }
0xd2: {  	[tilespmem:s10], [sflag:$0x4] =	stream.indirect.gather [spmem:s1], $0x20, s28, s2, $0xb8;
	[tilespmem:$0x173E0] =	vst v63  }
0xd3: {  	s31 =	sadd.s32 $0x320, s6  }
0xd4: {  	[tilespmem:s11], [sflag:$0x5] =	stream.indirect.gather [spmem:s1], $0x20, s31, s2, $0xb8;
	[tilespmem:$0x173E0] =	vst v63  }
0xd5: {  	_ =	swait.ge [sflag:s12], $0x1900  }
0xd6: {  	[sflag:s12] =	ssyncset.done $0x0  }
0xd7: {  	s28 =	sadd.s32 $0x1388, s6;
	[sflag:s12] =	ssyncadd.s32 $0xFFFFE700  }
0xd8: {  	[spmem:s3] =	stream.indirect.scatter.add.f32 [tilespmem:s0], [sflag:$0x6], $0x20, s28, s2, $0xb8;
	[tilespmem:$0x173E0] =	vst v63  }
0xd9: {  	_ = 	snop  }
0xda: {  	[spmem:s4] =	stream.indirect.scatter.add.f32 [tilespmem:s29], [sflag:$0xB], $0x10, s28, s2, $0xb8;
	[tilespmem:$0x173E0] =	vst v63  }
0xdb: {  	_ =	swait.ge [sflag:s13], $0x1900  }
0xdc: {  	[sflag:s13] =	ssyncset.done $0x0  }
0xdd: {  	s31 =	sadd.s32 $0x1450, s6;
	[sflag:s13] =	ssyncadd.s32 $0xFFFFE700  }
0xde: {  	[spmem:s3] =	stream.indirect.scatter.add.f32 [tilespmem:s8], [sflag:$0x7], $0x20, s31, s2, $0xb8;
	[tilespmem:$0x173E0] =	vst v63  }
0xdf: {  	_ = 	snop  }
0xe0: {  	[spmem:s4] =	stream.indirect.scatter.add.f32 [tilespmem:s29], [sflag:$0xC], $0x10, s31, s2, $0xb8;
	[tilespmem:$0x173E0] =	vst v63  }
0xe1: {  	_ =	swait.ge [sflag:s14], $0x1900  }
0xe2: {  	[sflag:s14] =	ssyncset.done $0x0  }
0xe3: {  	s28 =	sadd.s32 $0x1518, s6;
	[sflag:s14] =	ssyncadd.s32 $0xFFFFE700  }
0xe4: {  	[spmem:s3] =	stream.indirect.scatter.add.f32 [tilespmem:s9], [sflag:$0x8], $0x20, s28, s2, $0xb8;
	[tilespmem:$0x173E0] =	vst v63  }
0xe5: {  	_ = 	snop  }
0xe6: {  	[spmem:s4] =	stream.indirect.scatter.add.f32 [tilespmem:s29], [sflag:$0xD], $0x10, s28, s2, $0xb8;
	[tilespmem:$0x173E0] =	vst v63  }
0xe7: {  	_ =	swait.ge [sflag:s15], $0x1900  }
0xe8: {  	[sflag:s15] =	ssyncset.done $0x0  }
0xe9: {  	s31 =	sadd.s32 $0x15E0, s6;
	[sflag:s15] =	ssyncadd.s32 $0xFFFFE700  }
0xea: {  	[spmem:s3] =	stream.indirect.scatter.add.f32 [tilespmem:s10], [sflag:$0x9], $0x20, s31, s2, $0xb8;
	[tilespmem:$0x173E0] =	vst v63  }
0xeb: {  	_ = 	snop  }
0xec: {  	[spmem:s4] =	stream.indirect.scatter.add.f32 [tilespmem:s29], [sflag:$0xE], $0x10, s31, s2, $0xb8;
	[tilespmem:$0x173E0] =	vst v63  }
0xed: {  	_ =	swait.ge [sflag:s16], $0x1900  }
0xee: {  	[sflag:s16] =	ssyncset.done $0x0  }
0xef: {  	s6 =	sadd.s32 $0x16A8, s6;
	[sflag:s16] =	ssyncadd.s32 $0xFFFFE700  }
0xf0: {  	[spmem:s3] =	stream.indirect.scatter.add.f32 [tilespmem:s11], [sflag:$0xA], $0x20, s6, s2, $0xb8;
	[tilespmem:$0x173E0] =	vst v63  }
0xf1: {  	_ = 	snop  }
0xf2: {  	[spmem:s4] =	stream.indirect.scatter.add.f32 [tilespmem:s29], [sflag:$0xF], $0x10, s6, s2, $0xb8;
	[tilespmem:$0x173E0] =	vst v63  }
0xf3: {  	_ =	swait.ge [sflag:s17], $0x1900  }
0xf4: {  	[sflag:s17] =	ssyncset.done $0x0  }
0xf5: {  	[sflag:s17] =	ssyncadd.s32 $0xFFFFE700  }
0xf6: {  	_ =	swait.ge [sflag:s18], $0xC80  }
0xf7: {  	[sflag:s18] =	ssyncset.done $0x0  }
0xf8: {  	[sflag:s18] =	ssyncadd.s32 $0xFFFFF380  }
0xf9: {  	_ =	swait.ge [sflag:s19], $0x1900  }
0xfa: {  	[sflag:s19] =	ssyncset.done $0x0  }
0xfb: {  	[sflag:s19] =	ssyncadd.s32 $0xFFFFE700  }
0xfc: {  	_ =	swait.ge [sflag:s20], $0xC80  }
0xfd: {  	[sflag:s20] =	ssyncset.done $0x0  }
0xfe: {  	[sflag:s20] =	ssyncadd.s32 $0xFFFFF380  }
0xff: {  	_ =	swait.ge [sflag:s21], $0x1900  }
0x100: {  	[sflag:s21] =	ssyncset.done $0x0  }
0x101: {  	[sflag:s21] =	ssyncadd.s32 $0xFFFFE700  }
0x102: {  	_ =	swait.ge [sflag:s22], $0xC80  }
0x103: {  	[sflag:s22] =	ssyncset.done $0x0  }
0x104: {  	[sflag:s22] =	ssyncadd.s32 $0xFFFFF380  }
0x105: {  	_ =	swait.ge [sflag:s23], $0x1900  }
0x106: {  	[sflag:s23] =	ssyncset.done $0x0  }
0x107: {  	[sflag:s23] =	ssyncadd.s32 $0xFFFFE700  }
0x108: {  	_ =	swait.ge [sflag:s24], $0xC80  }
0x109: {  	[sflag:s24] =	ssyncset.done $0x0  }
0x10a: {  	[sflag:s24] =	ssyncadd.s32 $0xFFFFF380  }
0x10b: {  	_ =	swait.ge [sflag:s25], $0x1900  }
0x10c: {  	[sflag:s25] =	ssyncset.done $0x0  }
0x10d: {  	[sflag:s25] =	ssyncadd.s32 $0xFFFFE700  }
0x10e: {  	_ =	swait.ge [sflag:s26], $0xC80  }
0x10f: {  	[sflag:s26] =	ssyncset.done $0x0  }
0x110: {  	[sflag:s26] =	ssyncadd.s32 $0xFFFFF380  }
0x111: {  	[bflag:$0x0] =	sbarrier.arrive $0xFFFF  }
0x112: {  	s28 =	rddreg [dreg:$0xf]  }
0x113: {  	s7 =	rddreg [dreg:$0x1d]  }
0x114: {  	[hbm:s28], [sflag:s5] =	dma.local [spmem:s7], $0x9C4  }
0x115: {  	_ =	swait.ge [sflag:s30], $0x9C4  }
0x116: {  	[sflag:s30] =	ssyncset.done $0x0;
	s31 =	rddreg [dreg:$0x18]  }
0x117: {  	s28 =	rddreg [dreg:$0x1e];
	[sflag:s30] =	ssyncadd.s32 $0xFFFFF63C  }
0x118: {  	[hbm:s31], [sflag:s5] =	dma.local [spmem:s28], $0x4E2  }
0x119: {  	_ =	swait.ge [sflag:s30], $0x4E2  }
0x11a: {  	[sflag:s30] =	ssyncset.done $0x0;
	s6 =	rddreg [dreg:$0x10]  }
0x11b: {  	s31 =	rddreg [dreg:$0x1f];
	[sflag:s30] =	ssyncadd.s32 $0xFFFFFB1E  }
0x11c: {  	[spmem:s31], [sflag:s5] =	dma.local [hbm:s6], $0x9C4  }
0x11d: {  	_ =	swait.ge [sflag:s30], $0x9C4  }
0x11e: {  	[sflag:s30] =	ssyncset.done $0x0  }
0x11f: {  	s31 =	rddreg [dreg:$0x6];
	[sflag:s30] =	ssyncadd.s32 $0xFFFFF63C  }
0x120: {  	[spmem:s7], [sflag:s5] =	dma.local [hbm:s31], $0x9C4  }
0x121: {  	_ =	swait.ge [sflag:s30], $0x9C4  }
0x122: {  	[sflag:s30] =	ssyncset.done $0x0  }
0x123: {  	s7 =	rddreg [dreg:$0x7];
	[sflag:s30] =	ssyncadd.s32 $0xFFFFF63C  }
0x124: {  	[spmem:s28], [sflag:s5] =	dma.local [hbm:s7], $0x4E2  }
0x125: {  	_ =	swait.ge [sflag:s30], $0x4E2  }
0x126: {  	[sflag:s30] =	ssyncset.done $0x0  }
0x127: {  	s6 =	simm.s32 $0x0;
	s28 =	rddreg [dreg:$0x11];
	[sflag:s30] =	ssyncadd.s32 $0xFFFFFB1E  }
0x128: {  	[tilespmem:s6], [sflag:$0x10] =	stream.linear.gather [hbm4b:s28+s6], $0x1388, $0x38;
	[tilespmem:$0x173E0] =	vst v63  }
0x129: {  	_ =	swait.ge [sflag:s30], $0x1388  }
0x12a: {  	[sflag:s30] =	ssyncset.done $0x0  }
0x12b: {  	s31 =	simm.s32 $0x1388;
	s7 =	rddreg [dreg:$0x12];
	[sflag:s30] =	ssyncadd.s32 $0xFFFFEC78  }
0x12c: {  	[tilespmem:s31], [sflag:$0x10] =	stream.linear.gather [hbm4b:s7+s6], $0x1388, $0x38;
	[tilespmem:$0x173E0] =	vst v63  }
0x12d: {  	_ =	swait.ge [sflag:s30], $0x1388  }
0x12e: {  	[sflag:s30] =	ssyncset.done $0x0  }
0x12f: {  	[sflag:s30] =	ssyncadd.s32 $0xFFFFEC78  }
0x130: {  	s31 =	simm.s32 $0x0;
	[bflag:$0x0] =	sbarrier.arrive $0xFFFF  }
0x131: {  	[tilespmem:s0], [sflag:$0x1] =	stream.indirect.gather [spmem:s1], $0x20, s31, s2, $0xb8;
	[tilespmem:$0x173E0] =	vst v63  }
0x132: {  	s7 =	simm.s32 $0xC8  }
0x133: {  	[tilespmem:s8], [sflag:$0x2] =	stream.indirect.gather [spmem:s1], $0x20, s7, s2, $0xb8;
	[tilespmem:$0x173E0] =	vst v63  }
0x134: {  	s28 =	simm.s32 $0x190  }
0x135: {  	[tilespmem:s9], [sflag:$0x3] =	stream.indirect.gather [spmem:s1], $0x20, s28, s2, $0xb8;
	[tilespmem:$0x173E0] =	vst v63  }
0x136: {  	s31 =	simm.s32 $0x258  }
0x137: {  	[tilespmem:s10], [sflag:$0x4] =	stream.indirect.gather [spmem:s1], $0x20, s31, s2, $0xb8;
	[tilespmem:$0x173E0] =	vst v63  }
0x138: {  	s7 =	simm.s32 $0x320  }
0x139: {  	[tilespmem:s11], [sflag:$0x5] =	stream.indirect.gather [spmem:s1], $0x20, s7, s2, $0xb8;
	[tilespmem:$0x173E0] =	vst v63  }
0x13a: {  	_ =	swait.ge [sflag:s12], $0x1900  }
0x13b: {  	[sflag:s12] =	ssyncset.done $0x0  }
0x13c: {  	s28 =	simm.s32 $0x1388;
	[sflag:s12] =	ssyncadd.s32 $0xFFFFE700  }
0x13d: {  	[spmem:s3] =	stream.indirect.scatter.add.f32 [tilespmem:s0], [sflag:$0x6], $0x20, s28, s2, $0xb8;
	[tilespmem:$0x173E0] =	vst v63  }
0x13e: {  	_ = 	snop  }
0x13f: {  	[spmem:s4] =	stream.indirect.scatter.add.f32 [tilespmem:s29], [sflag:$0xB], $0x10, s28, s2, $0xb8;
	[tilespmem:$0x173E0] =	vst v63  }
0x140: {  	_ =	swait.ge [sflag:s13], $0x1900  }
0x141: {  	[sflag:s13] =	ssyncset.done $0x0  }
0x142: {  	s31 =	simm.s32 $0x1450;
	[sflag:s13] =	ssyncadd.s32 $0xFFFFE700  }
0x143: {  	[spmem:s3] =	stream.indirect.scatter.add.f32 [tilespmem:s8], [sflag:$0x7], $0x20, s31, s2, $0xb8;
	[tilespmem:$0x173E0] =	vst v63  }
0x144: {  	_ = 	snop  }
0x145: {  	[spmem:s4] =	stream.indirect.scatter.add.f32 [tilespmem:s29], [sflag:$0xC], $0x10, s31, s2, $0xb8;
	[tilespmem:$0x173E0] =	vst v63  }
0x146: {  	_ =	swait.ge [sflag:s14], $0x1900  }
0x147: {  	[sflag:s14] =	ssyncset.done $0x0  }
0x148: {  	s7 =	simm.s32 $0x1518;
	[sflag:s14] =	ssyncadd.s32 $0xFFFFE700  }
0x149: {  	[spmem:s3] =	stream.indirect.scatter.add.f32 [tilespmem:s9], [sflag:$0x8], $0x20, s7, s2, $0xb8;
	[tilespmem:$0x173E0] =	vst v63  }
0x14a: {  	_ = 	snop  }
0x14b: {  	[spmem:s4] =	stream.indirect.scatter.add.f32 [tilespmem:s29], [sflag:$0xD], $0x10, s7, s2, $0xb8;
	[tilespmem:$0x173E0] =	vst v63  }
0x14c: {  	_ =	swait.ge [sflag:s15], $0x1900  }
0x14d: {  	[sflag:s15] =	ssyncset.done $0x0  }
0x14e: {  	s28 =	simm.s32 $0x15E0;
	[sflag:s15] =	ssyncadd.s32 $0xFFFFE700  }
0x14f: {  	[spmem:s3] =	stream.indirect.scatter.add.f32 [tilespmem:s10], [sflag:$0x9], $0x20, s28, s2, $0xb8;
	[tilespmem:$0x173E0] =	vst v63  }
0x150: {  	_ = 	snop  }
0x151: {  	[spmem:s4] =	stream.indirect.scatter.add.f32 [tilespmem:s29], [sflag:$0xE], $0x10, s28, s2, $0xb8;
	[tilespmem:$0x173E0] =	vst v63  }
0x152: {  	_ =	swait.ge [sflag:s16], $0x1900  }
0x153: {  	[sflag:s16] =	ssyncset.done $0x0  }
0x154: {  	s31 =	simm.s32 $0x16A8;
	[sflag:s16] =	ssyncadd.s32 $0xFFFFE700  }
0x155: {  	[spmem:s3] =	stream.indirect.scatter.add.f32 [tilespmem:s11], [sflag:$0xA], $0x20, s31, s2, $0xb8;
	[tilespmem:$0x173E0] =	vst v63  }
0x156: {  	_ = 	snop  }
0x157: {  	[spmem:s4] =	stream.indirect.scatter.add.f32 [tilespmem:s29], [sflag:$0xF], $0x10, s31, s2, $0xb8;
	[tilespmem:$0x173E0] =	vst v63  }
0x158: {  	_ =	swait.ge [sflag:s17], $0x1900  }
0x159: {  	[sflag:s17] =	ssyncset.done $0x0  }
0x15a: {  	[sflag:s17] =	ssyncadd.s32 $0xFFFFE700  }
0x15b: {  	_ =	swait.ge [sflag:s18], $0xC80  }
0x15c: {  	[sflag:s18] =	ssyncset.done $0x0  }
0x15d: {  	[sflag:s18] =	ssyncadd.s32 $0xFFFFF380  }
0x15e: {  	_ =	swait.ge [sflag:s19], $0x1900  }
0x15f: {  	[sflag:s19] =	ssyncset.done $0x0  }
0x160: {  	[sflag:s19] =	ssyncadd.s32 $0xFFFFE700  }
0x161: {  	_ =	swait.ge [sflag:s20], $0xC80  }
0x162: {  	[sflag:s20] =	ssyncset.done $0x0  }
0x163: {  	[sflag:s20] =	ssyncadd.s32 $0xFFFFF380  }
0x164: {  	_ =	swait.ge [sflag:s21], $0x1900  }
0x165: {  	[sflag:s21] =	ssyncset.done $0x0  }
0x166: {  	[sflag:s21] =	ssyncadd.s32 $0xFFFFE700  }
0x167: {  	_ =	swait.ge [sflag:s22], $0xC80  }
0x168: {  	[sflag:s22] =	ssyncset.done $0x0  }
0x169: {  	[sflag:s22] =	ssyncadd.s32 $0xFFFFF380  }
0x16a: {  	_ =	swait.ge [sflag:s23], $0x1900  }
0x16b: {  	[sflag:s23] =	ssyncset.done $0x0  }
0x16c: {  	[sflag:s23] =	ssyncadd.s32 $0xFFFFE700  }
0x16d: {  	_ =	swait.ge [sflag:s24], $0xC80  }
0x16e: {  	[sflag:s24] =	ssyncset.done $0x0  }
0x16f: {  	[sflag:s24] =	ssyncadd.s32 $0xFFFFF380  }
0x170: {  	_ =	swait.ge [sflag:s25], $0x1900  }
0x171: {  	[sflag:s25] =	ssyncset.done $0x0  }
0x172: {  	[sflag:s25] =	ssyncadd.s32 $0xFFFFE700  }
0x173: {  	_ =	swait.ge [sflag:s26], $0xC80  }
0x174: {  	s6 =	simm.s32 $0x1F40;
	s7 =	simm.s32 $0xFA0;
	[sflag:s26] =	ssyncset.done $0x0  }
.LBB2_4:
0x175: {  	s31 =	sshra.s32 s7, $0x2  }
0x176: {  	[sflag:s26] =	ssyncadd.s32 $0xFFFFF380;
	s7 =	smov.u32 s6;
	s28 =	sadd.s32 $0xFA0, s6  }
0x177: {  	[tilespmem:s0], [sflag:$0x1] =	stream.indirect.gather [spmem:s1], $0x20, s31, s2, $0xb8;
	[tilespmem:$0x173E0] =	vst v63  }
0x178: {  	p0 =	sne.s32 s6, $0x3E80;
	s6 =	sadd.s32 $0xC8, s31  }
0x179: {  	[tilespmem:s8], [sflag:$0x2] =	stream.indirect.gather [spmem:s1], $0x20, s6, s2, $0xb8;
	[tilespmem:$0x173E0] =	vst v63  }
0x17a: {  	s6 =	sadd.s32 $0x190, s31  }
0x17b: {  	[tilespmem:s9], [sflag:$0x3] =	stream.indirect.gather [spmem:s1], $0x20, s6, s2, $0xb8;
	[tilespmem:$0x173E0] =	vst v63  }
0x17c: {  	s6 =	sadd.s32 $0x258, s31  }
0x17d: {  	[tilespmem:s10], [sflag:$0x4] =	stream.indirect.gather [spmem:s1], $0x20, s6, s2, $0xb8;
	[tilespmem:$0x173E0] =	vst v63  }
0x17e: {  	s6 =	sadd.s32 $0x320, s31  }
0x17f: {  	[tilespmem:s11], [sflag:$0x5] =	stream.indirect.gather [spmem:s1], $0x20, s6, s2, $0xb8;
	[tilespmem:$0x173E0] =	vst v63  }
0x180: {  	_ =	swait.ge [sflag:s12], $0x1900  }
0x181: {  	[sflag:s12] =	ssyncset.done $0x0  }
0x182: {  	s6 =	sadd.s32 $0x1388, s31;
	[sflag:s12] =	ssyncadd.s32 $0xFFFFE700  }
0x183: {  	[spmem:s3] =	stream.indirect.scatter.add.f32 [tilespmem:s0], [sflag:$0x6], $0x20, s6, s2, $0xb8;
	[tilespmem:$0x173E0] =	vst v63  }
0x184: {  	_ = 	snop  }
0x185: {  	[spmem:s4] =	stream.indirect.scatter.add.f32 [tilespmem:s29], [sflag:$0xB], $0x10, s6, s2, $0xb8;
	[tilespmem:$0x173E0] =	vst v63  }
0x186: {  	_ =	swait.ge [sflag:s13], $0x1900  }
0x187: {  	[sflag:s13] =	ssyncset.done $0x0  }
0x188: {  	s6 =	sadd.s32 $0x1450, s31;
	[sflag:s13] =	ssyncadd.s32 $0xFFFFE700  }
0x189: {  	[spmem:s3] =	stream.indirect.scatter.add.f32 [tilespmem:s8], [sflag:$0x7], $0x20, s6, s2, $0xb8;
	[tilespmem:$0x173E0] =	vst v63  }
0x18a: {  	_ = 	snop  }
0x18b: {  	[spmem:s4] =	stream.indirect.scatter.add.f32 [tilespmem:s29], [sflag:$0xC], $0x10, s6, s2, $0xb8;
	[tilespmem:$0x173E0] =	vst v63  }
0x18c: {  	_ =	swait.ge [sflag:s14], $0x1900  }
0x18d: {  	[sflag:s14] =	ssyncset.done $0x0  }
0x18e: {  	s6 =	sadd.s32 $0x1518, s31;
	[sflag:s14] =	ssyncadd.s32 $0xFFFFE700  }
0x18f: {  	[spmem:s3] =	stream.indirect.scatter.add.f32 [tilespmem:s9], [sflag:$0x8], $0x20, s6, s2, $0xb8;
	[tilespmem:$0x173E0] =	vst v63  }
0x190: {  	_ = 	snop  }
0x191: {  	[spmem:s4] =	stream.indirect.scatter.add.f32 [tilespmem:s29], [sflag:$0xD], $0x10, s6, s2, $0xb8;
	[tilespmem:$0x173E0] =	vst v63  }
0x192: {  	_ =	swait.ge [sflag:s15], $0x1900  }
0x193: {  	[sflag:s15] =	ssyncset.done $0x0  }
0x194: {  	s6 =	sadd.s32 $0x15E0, s31;
	[sflag:s15] =	ssyncadd.s32 $0xFFFFE700  }
0x195: {  	[spmem:s3] =	stream.indirect.scatter.add.f32 [tilespmem:s10], [sflag:$0x9], $0x20, s6, s2, $0xb8;
	[tilespmem:$0x173E0] =	vst v63  }
0x196: {  	_ = 	snop  }
0x197: {  	[spmem:s4] =	stream.indirect.scatter.add.f32 [tilespmem:s29], [sflag:$0xE], $0x10, s6, s2, $0xb8;
	[tilespmem:$0x173E0] =	vst v63  }
0x198: {  	_ =	swait.ge [sflag:s16], $0x1900  }
0x199: {  	[sflag:s16] =	ssyncset.done $0x0  }
0x19a: {  	s6 =	sadd.s32 $0x16A8, s31;
	[sflag:s16] =	ssyncadd.s32 $0xFFFFE700  }
0x19b: {  	[spmem:s3] =	stream.indirect.scatter.add.f32 [tilespmem:s11], [sflag:$0xA], $0x20, s6, s2, $0xb8;
	[tilespmem:$0x173E0] =	vst v63  }
0x19c: {  	_ = 	snop  }
0x19d: {  	[spmem:s4] =	stream.indirect.scatter.add.f32 [tilespmem:s29], [sflag:$0xF], $0x10, s6, s2, $0xb8;
	[tilespmem:$0x173E0] =	vst v63  }
0x19e: {  	_ =	swait.ge [sflag:s17], $0x1900  }
0x19f: {  	[sflag:s17] =	ssyncset.done $0x0  }
0x1a0: {  	[sflag:s17] =	ssyncadd.s32 $0xFFFFE700  }
0x1a1: {  	_ =	swait.ge [sflag:s18], $0xC80  }
0x1a2: {  	[sflag:s18] =	ssyncset.done $0x0  }
0x1a3: {  	[sflag:s18] =	ssyncadd.s32 $0xFFFFF380  }
0x1a4: {  	_ =	swait.ge [sflag:s19], $0x1900  }
0x1a5: {  	[sflag:s19] =	ssyncset.done $0x0  }
0x1a6: {  	[sflag:s19] =	ssyncadd.s32 $0xFFFFE700  }
0x1a7: {  	_ =	swait.ge [sflag:s20], $0xC80  }
0x1a8: {  	[sflag:s20] =	ssyncset.done $0x0  }
0x1a9: {  	[sflag:s20] =	ssyncadd.s32 $0xFFFFF380  }
0x1aa: {  	_ =	swait.ge [sflag:s21], $0x1900  }
0x1ab: {  	[sflag:s21] =	ssyncset.done $0x0  }
0x1ac: {  	[sflag:s21] =	ssyncadd.s32 $0xFFFFE700  }
0x1ad: {  	_ =	swait.ge [sflag:s22], $0xC80  }
0x1ae: {  	[sflag:s22] =	ssyncset.done $0x0  }
0x1af: {  	[sflag:s22] =	ssyncadd.s32 $0xFFFFF380  }
0x1b0: {  	_ =	swait.ge [sflag:s23], $0x1900  }
0x1b1: {  	[sflag:s23] =	ssyncset.done $0x0  }
0x1b2: {  	[sflag:s23] =	ssyncadd.s32 $0xFFFFE700  }
0x1b3: {  	_ =	swait.ge [sflag:s24], $0xC80  }
0x1b4: {  	[sflag:s24] =	ssyncset.done $0x0  }
0x1b5: {  	[sflag:s24] =	ssyncadd.s32 $0xFFFFF380  }
.Ltmp1:
0x1b6: {  	_ =	swait.ge [sflag:s25], $0x1900;
	(pc) =	sbr.rel @p0 .LBB2_4-.Ltmp1, $4  }
0x1b7: {  	[sflag:s25] =	ssyncset.done $0x0  }
0x1b8: {  	[sflag:s25] =	ssyncadd.s32 $0xFFFFE700  }
0x1b9: {  	_ =	swait.ge [sflag:s26], $0xC80  }
0x1ba: {  	s6 =	smov.u32 s28;
	[sflag:s26] =	ssyncset.done $0x0  }
0x1bb: {  	s6 =	sshra.s32 s7, $0x2;
	[sflag:s26] =	ssyncadd.s32 $0xFFFFF380  }
0x1bc: {  	[tilespmem:s0], [sflag:$0x1] =	stream.indirect.gather [spmem:s1], $0x20, s6, s2, $0xb8;
	[tilespmem:$0x173E0] =	vst v63  }
0x1bd: {  	s7 =	sadd.s32 $0xC8, s6  }
0x1be: {  	[tilespmem:s8], [sflag:$0x2] =	stream.indirect.gather [spmem:s1], $0x20, s7, s2, $0xb8;
	[tilespmem:$0x173E0] =	vst v63  }
0x1bf: {  	s31 =	sadd.s32 $0x190, s6  }
0x1c0: {  	[tilespmem:s9], [sflag:$0x3] =	stream.indirect.gather [spmem:s1], $0x20, s31, s2, $0xb8;
	[tilespmem:$0x173E0] =	vst v63  }
0x1c1: {  	s28 =	sadd.s32 $0x258, s6  }
0x1c2: {  	[tilespmem:s10], [sflag:$0x4] =	stream.indirect.gather [spmem:s1], $0x20, s28, s2, $0xb8;
	[tilespmem:$0x173E0] =	vst v63  }
0x1c3: {  	s31 =	sadd.s32 $0x320, s6  }
0x1c4: {  	[tilespmem:s11], [sflag:$0x5] =	stream.indirect.gather [spmem:s1], $0x20, s31, s2, $0xb8;
	[tilespmem:$0x173E0] =	vst v63  }
0x1c5: {  	_ =	swait.ge [sflag:s12], $0x1900  }
0x1c6: {  	[sflag:s12] =	ssyncset.done $0x0  }
0x1c7: {  	s28 =	sadd.s32 $0x1388, s6;
	[sflag:s12] =	ssyncadd.s32 $0xFFFFE700  }
0x1c8: {  	[spmem:s3] =	stream.indirect.scatter.add.f32 [tilespmem:s0], [sflag:$0x6], $0x20, s28, s2, $0xb8;
	[tilespmem:$0x173E0] =	vst v63  }
0x1c9: {  	_ = 	snop  }
0x1ca: {  	[spmem:s4] =	stream.indirect.scatter.add.f32 [tilespmem:s29], [sflag:$0xB], $0x10, s28, s2, $0xb8;
	[tilespmem:$0x173E0] =	vst v63  }
0x1cb: {  	_ =	swait.ge [sflag:s13], $0x1900  }
0x1cc: {  	[sflag:s13] =	ssyncset.done $0x0  }
0x1cd: {  	s31 =	sadd.s32 $0x1450, s6;
	[sflag:s13] =	ssyncadd.s32 $0xFFFFE700  }
0x1ce: {  	[spmem:s3] =	stream.indirect.scatter.add.f32 [tilespmem:s8], [sflag:$0x7], $0x20, s31, s2, $0xb8;
	[tilespmem:$0x173E0] =	vst v63  }
0x1cf: {  	_ = 	snop  }
0x1d0: {  	[spmem:s4] =	stream.indirect.scatter.add.f32 [tilespmem:s29], [sflag:$0xC], $0x10, s31, s2, $0xb8;
	[tilespmem:$0x173E0] =	vst v63  }
0x1d1: {  	_ =	swait.ge [sflag:s14], $0x1900  }
0x1d2: {  	[sflag:s14] =	ssyncset.done $0x0  }
0x1d3: {  	s28 =	sadd.s32 $0x1518, s6;
	[sflag:s14] =	ssyncadd.s32 $0xFFFFE700  }
0x1d4: {  	[spmem:s3] =	stream.indirect.scatter.add.f32 [tilespmem:s9], [sflag:$0x8], $0x20, s28, s2, $0xb8;
	[tilespmem:$0x173E0] =	vst v63  }
0x1d5: {  	_ = 	snop  }
0x1d6: {  	[spmem:s4] =	stream.indirect.scatter.add.f32 [tilespmem:s29], [sflag:$0xD], $0x10, s28, s2, $0xb8;
	[tilespmem:$0x173E0] =	vst v63  }
0x1d7: {  	_ =	swait.ge [sflag:s15], $0x1900  }
0x1d8: {  	[sflag:s15] =	ssyncset.done $0x0  }
0x1d9: {  	s31 =	sadd.s32 $0x15E0, s6;
	[sflag:s15] =	ssyncadd.s32 $0xFFFFE700  }
0x1da: {  	[spmem:s3] =	stream.indirect.scatter.add.f32 [tilespmem:s10], [sflag:$0x9], $0x20, s31, s2, $0xb8;
	[tilespmem:$0x173E0] =	vst v63  }
0x1db: {  	_ = 	snop  }
0x1dc: {  	[spmem:s4] =	stream.indirect.scatter.add.f32 [tilespmem:s29], [sflag:$0xE], $0x10, s31, s2, $0xb8;
	[tilespmem:$0x173E0] =	vst v63  }
0x1dd: {  	_ =	swait.ge [sflag:s16], $0x1900  }
0x1de: {  	[sflag:s16] =	ssyncset.done $0x0  }
0x1df: {  	s6 =	sadd.s32 $0x16A8, s6;
	[sflag:s16] =	ssyncadd.s32 $0xFFFFE700  }
0x1e0: {  	[spmem:s3] =	stream.indirect.scatter.add.f32 [tilespmem:s11], [sflag:$0xA], $0x20, s6, s2, $0xb8;
	[tilespmem:$0x173E0] =	vst v63  }
0x1e1: {  	_ = 	snop  }
0x1e2: {  	[spmem:s4] =	stream.indirect.scatter.add.f32 [tilespmem:s29], [sflag:$0xF], $0x10, s6, s2, $0xb8;
	[tilespmem:$0x173E0] =	vst v63  }
0x1e3: {  	_ =	swait.ge [sflag:s17], $0x1900  }
0x1e4: {  	[sflag:s17] =	ssyncset.done $0x0  }
0x1e5: {  	[sflag:s17] =	ssyncadd.s32 $0xFFFFE700  }
0x1e6: {  	_ =	swait.ge [sflag:s18], $0xC80  }
0x1e7: {  	[sflag:s18] =	ssyncset.done $0x0  }
0x1e8: {  	[sflag:s18] =	ssyncadd.s32 $0xFFFFF380  }
0x1e9: {  	_ =	swait.ge [sflag:s19], $0x1900  }
0x1ea: {  	[sflag:s19] =	ssyncset.done $0x0  }
0x1eb: {  	[sflag:s19] =	ssyncadd.s32 $0xFFFFE700  }
0x1ec: {  	_ =	swait.ge [sflag:s20], $0xC80  }
0x1ed: {  	[sflag:s20] =	ssyncset.done $0x0  }
0x1ee: {  	[sflag:s20] =	ssyncadd.s32 $0xFFFFF380  }
0x1ef: {  	_ =	swait.ge [sflag:s21], $0x1900  }
0x1f0: {  	[sflag:s21] =	ssyncset.done $0x0  }
0x1f1: {  	[sflag:s21] =	ssyncadd.s32 $0xFFFFE700  }
0x1f2: {  	_ =	swait.ge [sflag:s22], $0xC80  }
0x1f3: {  	[sflag:s22] =	ssyncset.done $0x0  }
0x1f4: {  	[sflag:s22] =	ssyncadd.s32 $0xFFFFF380  }
0x1f5: {  	_ =	swait.ge [sflag:s23], $0x1900  }
0x1f6: {  	[sflag:s23] =	ssyncset.done $0x0  }
0x1f7: {  	[sflag:s23] =	ssyncadd.s32 $0xFFFFE700  }
0x1f8: {  	_ =	swait.ge [sflag:s24], $0xC80  }
0x1f9: {  	[sflag:s24] =	ssyncset.done $0x0  }
0x1fa: {  	[sflag:s24] =	ssyncadd.s32 $0xFFFFF380  }
0x1fb: {  	_ =	swait.ge [sflag:s25], $0x1900  }
0x1fc: {  	[sflag:s25] =	ssyncset.done $0x0  }
0x1fd: {  	[sflag:s25] =	ssyncadd.s32 $0xFFFFE700  }
0x1fe: {  	_ =	swait.ge [sflag:s26], $0xC80  }
0x1ff: {  	[sflag:s26] =	ssyncset.done $0x0  }
0x200: {  	[sflag:s26] =	ssyncadd.s32 $0xFFFFF380  }
0x201: {  	[bflag:$0x0] =	sbarrier.arrive $0xFFFF  }
0x202: {  	s28 =	rddreg [dreg:$0x13]  }
0x203: {  	s7 =	rddreg [dreg:$0x1d]  }
0x204: {  	[hbm:s28], [sflag:s5] =	dma.local [spmem:s7], $0x9C4  }
0x205: {  	_ =	swait.ge [sflag:s30], $0x9C4  }
0x206: {  	[sflag:s30] =	ssyncset.done $0x0;
	s31 =	rddreg [dreg:$0x19]  }
0x207: {  	s28 =	rddreg [dreg:$0x1e];
	[sflag:s30] =	ssyncadd.s32 $0xFFFFF63C  }
0x208: {  	[hbm:s31], [sflag:s5] =	dma.local [spmem:s28], $0x4E2  }
0x209: {  	_ =	swait.ge [sflag:s30], $0x4E2  }
0x20a: {  	[sflag:s30] =	ssyncset.done $0x0;
	s6 =	rddreg [dreg:$0x14]  }
0x20b: {  	s31 =	rddreg [dreg:$0x1f];
	[sflag:s30] =	ssyncadd.s32 $0xFFFFFB1E  }
0x20c: {  	[spmem:s31], [sflag:s5] =	dma.local [hbm:s6], $0x9C4  }
0x20d: {  	_ =	swait.ge [sflag:s30], $0x9C4  }
0x20e: {  	[sflag:s30] =	ssyncset.done $0x0  }
0x20f: {  	s31 =	rddreg [dreg:$0x6];
	[sflag:s30] =	ssyncadd.s32 $0xFFFFF63C  }
0x210: {  	[spmem:s7], [sflag:s5] =	dma.local [hbm:s31], $0x9C4  }
0x211: {  	_ =	swait.ge [sflag:s30], $0x9C4  }
0x212: {  	[sflag:s30] =	ssyncset.done $0x0  }
0x213: {  	s7 =	rddreg [dreg:$0x7];
	[sflag:s30] =	ssyncadd.s32 $0xFFFFF63C  }
0x214: {  	[spmem:s28], [sflag:s5] =	dma.local [hbm:s7], $0x4E2  }
0x215: {  	_ =	swait.ge [sflag:s30], $0x4E2  }
0x216: {  	[sflag:s30] =	ssyncset.done $0x0  }
0x217: {  	s6 =	simm.s32 $0x0;
	s28 =	rddreg [dreg:$0x15];
	[sflag:s30] =	ssyncadd.s32 $0xFFFFFB1E  }
0x218: {  	[tilespmem:s6], [sflag:$0x10] =	stream.linear.gather [hbm4b:s28+s6], $0x1388, $0x38;
	[tilespmem:$0x173E0] =	vst v63  }
0x219: {  	_ =	swait.ge [sflag:s30], $0x1388  }
0x21a: {  	[sflag:s30] =	ssyncset.done $0x0  }
0x21b: {  	s31 =	simm.s32 $0x1388;
	s7 =	rddreg [dreg:$0x16];
	[sflag:s30] =	ssyncadd.s32 $0xFFFFEC78  }
0x21c: {  	[tilespmem:s31], [sflag:$0x10] =	stream.linear.gather [hbm4b:s7+s6], $0x1388, $0x38;
	[tilespmem:$0x173E0] =	vst v63  }
0x21d: {  	_ =	swait.ge [sflag:s30], $0x1388  }
0x21e: {  	[sflag:s30] =	ssyncset.done $0x0  }
0x21f: {  	[sflag:s30] =	ssyncadd.s32 $0xFFFFEC78  }
0x220: {  	s31 =	simm.s32 $0x0;
	[bflag:$0x0] =	sbarrier.arrive $0xFFFF  }
0x221: {  	[tilespmem:s0], [sflag:$0x1] =	stream.indirect.gather [spmem:s1], $0x20, s31, s2, $0xb8;
	[tilespmem:$0x173E0] =	vst v63  }
0x222: {  	s7 =	simm.s32 $0xC8  }
0x223: {  	[tilespmem:s8], [sflag:$0x2] =	stream.indirect.gather [spmem:s1], $0x20, s7, s2, $0xb8;
	[tilespmem:$0x173E0] =	vst v63  }
0x224: {  	s28 =	simm.s32 $0x190  }
0x225: {  	[tilespmem:s9], [sflag:$0x3] =	stream.indirect.gather [spmem:s1], $0x20, s28, s2, $0xb8;
	[tilespmem:$0x173E0] =	vst v63  }
0x226: {  	s31 =	simm.s32 $0x258  }
0x227: {  	[tilespmem:s10], [sflag:$0x4] =	stream.indirect.gather [spmem:s1], $0x20, s31, s2, $0xb8;
	[tilespmem:$0x173E0] =	vst v63  }
0x228: {  	s7 =	simm.s32 $0x320  }
0x229: {  	[tilespmem:s11], [sflag:$0x5] =	stream.indirect.gather [spmem:s1], $0x20, s7, s2, $0xb8;
	[tilespmem:$0x173E0] =	vst v63  }
0x22a: {  	_ =	swait.ge [sflag:s12], $0x1900  }
0x22b: {  	[sflag:s12] =	ssyncset.done $0x0  }
0x22c: {  	s28 =	simm.s32 $0x1388;
	[sflag:s12] =	ssyncadd.s32 $0xFFFFE700  }
0x22d: {  	[spmem:s3] =	stream.indirect.scatter.add.f32 [tilespmem:s0], [sflag:$0x6], $0x20, s28, s2, $0xb8;
	[tilespmem:$0x173E0] =	vst v63  }
0x22e: {  	_ = 	snop  }
0x22f: {  	[spmem:s4] =	stream.indirect.scatter.add.f32 [tilespmem:s29], [sflag:$0xB], $0x10, s28, s2, $0xb8;
	[tilespmem:$0x173E0] =	vst v63  }
0x230: {  	_ =	swait.ge [sflag:s13], $0x1900  }
0x231: {  	[sflag:s13] =	ssyncset.done $0x0  }
0x232: {  	s31 =	simm.s32 $0x1450;
	[sflag:s13] =	ssyncadd.s32 $0xFFFFE700  }
0x233: {  	[spmem:s3] =	stream.indirect.scatter.add.f32 [tilespmem:s8], [sflag:$0x7], $0x20, s31, s2, $0xb8;
	[tilespmem:$0x173E0] =	vst v63  }
0x234: {  	_ = 	snop  }
0x235: {  	[spmem:s4] =	stream.indirect.scatter.add.f32 [tilespmem:s29], [sflag:$0xC], $0x10, s31, s2, $0xb8;
	[tilespmem:$0x173E0] =	vst v63  }
0x236: {  	_ =	swait.ge [sflag:s14], $0x1900  }
0x237: {  	[sflag:s14] =	ssyncset.done $0x0  }
0x238: {  	s7 =	simm.s32 $0x1518;
	[sflag:s14] =	ssyncadd.s32 $0xFFFFE700  }
0x239: {  	[spmem:s3] =	stream.indirect.scatter.add.f32 [tilespmem:s9], [sflag:$0x8], $0x20, s7, s2, $0xb8;
	[tilespmem:$0x173E0] =	vst v63  }
0x23a: {  	_ = 	snop  }
0x23b: {  	[spmem:s4] =	stream.indirect.scatter.add.f32 [tilespmem:s29], [sflag:$0xD], $0x10, s7, s2, $0xb8;
	[tilespmem:$0x173E0] =	vst v63  }
0x23c: {  	_ =	swait.ge [sflag:s15], $0x1900  }
0x23d: {  	[sflag:s15] =	ssyncset.done $0x0  }
0x23e: {  	s28 =	simm.s32 $0x15E0;
	[sflag:s15] =	ssyncadd.s32 $0xFFFFE700  }
0x23f: {  	[spmem:s3] =	stream.indirect.scatter.add.f32 [tilespmem:s10], [sflag:$0x9], $0x20, s28, s2, $0xb8;
	[tilespmem:$0x173E0] =	vst v63  }
0x240: {  	_ = 	snop  }
0x241: {  	[spmem:s4] =	stream.indirect.scatter.add.f32 [tilespmem:s29], [sflag:$0xE], $0x10, s28, s2, $0xb8;
	[tilespmem:$0x173E0] =	vst v63  }
0x242: {  	_ =	swait.ge [sflag:s16], $0x1900  }
0x243: {  	[sflag:s16] =	ssyncset.done $0x0  }
0x244: {  	s31 =	simm.s32 $0x16A8;
	[sflag:s16] =	ssyncadd.s32 $0xFFFFE700  }
0x245: {  	[spmem:s3] =	stream.indirect.scatter.add.f32 [tilespmem:s11], [sflag:$0xA], $0x20, s31, s2, $0xb8;
	[tilespmem:$0x173E0] =	vst v63  }
0x246: {  	_ = 	snop  }
0x247: {  	[spmem:s4] =	stream.indirect.scatter.add.f32 [tilespmem:s29], [sflag:$0xF], $0x10, s31, s2, $0xb8;
	[tilespmem:$0x173E0] =	vst v63  }
0x248: {  	_ =	swait.ge [sflag:s17], $0x1900  }
0x249: {  	[sflag:s17] =	ssyncset.done $0x0  }
0x24a: {  	[sflag:s17] =	ssyncadd.s32 $0xFFFFE700  }
0x24b: {  	_ =	swait.ge [sflag:s18], $0xC80  }
0x24c: {  	[sflag:s18] =	ssyncset.done $0x0  }
0x24d: {  	[sflag:s18] =	ssyncadd.s32 $0xFFFFF380  }
0x24e: {  	_ =	swait.ge [sflag:s19], $0x1900  }
0x24f: {  	[sflag:s19] =	ssyncset.done $0x0  }
0x250: {  	[sflag:s19] =	ssyncadd.s32 $0xFFFFE700  }
0x251: {  	_ =	swait.ge [sflag:s20], $0xC80  }
0x252: {  	[sflag:s20] =	ssyncset.done $0x0  }
0x253: {  	[sflag:s20] =	ssyncadd.s32 $0xFFFFF380  }
0x254: {  	_ =	swait.ge [sflag:s21], $0x1900  }
0x255: {  	[sflag:s21] =	ssyncset.done $0x0  }
0x256: {  	[sflag:s21] =	ssyncadd.s32 $0xFFFFE700  }
0x257: {  	_ =	swait.ge [sflag:s22], $0xC80  }
0x258: {  	[sflag:s22] =	ssyncset.done $0x0  }
0x259: {  	[sflag:s22] =	ssyncadd.s32 $0xFFFFF380  }
0x25a: {  	_ =	swait.ge [sflag:s23], $0x1900  }
0x25b: {  	[sflag:s23] =	ssyncset.done $0x0  }
0x25c: {  	[sflag:s23] =	ssyncadd.s32 $0xFFFFE700  }
0x25d: {  	_ =	swait.ge [sflag:s24], $0xC80  }
0x25e: {  	[sflag:s24] =	ssyncset.done $0x0  }
0x25f: {  	[sflag:s24] =	ssyncadd.s32 $0xFFFFF380  }
0x260: {  	_ =	swait.ge [sflag:s25], $0x1900  }
0x261: {  	[sflag:s25] =	ssyncset.done $0x0  }
0x262: {  	[sflag:s25] =	ssyncadd.s32 $0xFFFFE700  }
0x263: {  	_ =	swait.ge [sflag:s26], $0xC80  }
0x264: {  	s6 =	simm.s32 $0x1F40;
	s7 =	simm.s32 $0xFA0;
	[sflag:s26] =	ssyncset.done $0x0  }
.LBB2_6:
0x265: {  	s31 =	sshra.s32 s7, $0x2  }
0x266: {  	[sflag:s26] =	ssyncadd.s32 $0xFFFFF380;
	s7 =	smov.u32 s6;
	s28 =	sadd.s32 $0xFA0, s6  }
0x267: {  	[tilespmem:s0], [sflag:$0x1] =	stream.indirect.gather [spmem:s1], $0x20, s31, s2, $0xb8;
	[tilespmem:$0x173E0] =	vst v63  }
0x268: {  	p0 =	sne.s32 s6, $0x3E80;
	s6 =	sadd.s32 $0xC8, s31  }
0x269: {  	[tilespmem:s8], [sflag:$0x2] =	stream.indirect.gather [spmem:s1], $0x20, s6, s2, $0xb8;
	[tilespmem:$0x173E0] =	vst v63  }
0x26a: {  	s6 =	sadd.s32 $0x190, s31  }
0x26b: {  	[tilespmem:s9], [sflag:$0x3] =	stream.indirect.gather [spmem:s1], $0x20, s6, s2, $0xb8;
	[tilespmem:$0x173E0] =	vst v63  }
0x26c: {  	s6 =	sadd.s32 $0x258, s31  }
0x26d: {  	[tilespmem:s10], [sflag:$0x4] =	stream.indirect.gather [spmem:s1], $0x20, s6, s2, $0xb8;
	[tilespmem:$0x173E0] =	vst v63  }
0x26e: {  	s6 =	sadd.s32 $0x320, s31  }
0x26f: {  	[tilespmem:s11], [sflag:$0x5] =	stream.indirect.gather [spmem:s1], $0x20, s6, s2, $0xb8;
	[tilespmem:$0x173E0] =	vst v63  }
0x270: {  	_ =	swait.ge [sflag:s12], $0x1900  }
0x271: {  	[sflag:s12] =	ssyncset.done $0x0  }
0x272: {  	s6 =	sadd.s32 $0x1388, s31;
	[sflag:s12] =	ssyncadd.s32 $0xFFFFE700  }
0x273: {  	[spmem:s3] =	stream.indirect.scatter.add.f32 [tilespmem:s0], [sflag:$0x6], $0x20, s6, s2, $0xb8;
	[tilespmem:$0x173E0] =	vst v63  }
0x274: {  	_ = 	snop  }
0x275: {  	[spmem:s4] =	stream.indirect.scatter.add.f32 [tilespmem:s29], [sflag:$0xB], $0x10, s6, s2, $0xb8;
	[tilespmem:$0x173E0] =	vst v63  }
0x276: {  	_ =	swait.ge [sflag:s13], $0x1900  }
0x277: {  	[sflag:s13] =	ssyncset.done $0x0  }
0x278: {  	s6 =	sadd.s32 $0x1450, s31;
	[sflag:s13] =	ssyncadd.s32 $0xFFFFE700  }
0x279: {  	[spmem:s3] =	stream.indirect.scatter.add.f32 [tilespmem:s8], [sflag:$0x7], $0x20, s6, s2, $0xb8;
	[tilespmem:$0x173E0] =	vst v63  }
0x27a: {  	_ = 	snop  }
0x27b: {  	[spmem:s4] =	stream.indirect.scatter.add.f32 [tilespmem:s29], [sflag:$0xC], $0x10, s6, s2, $0xb8;
	[tilespmem:$0x173E0] =	vst v63  }
0x27c: {  	_ =	swait.ge [sflag:s14], $0x1900  }
0x27d: {  	[sflag:s14] =	ssyncset.done $0x0  }
0x27e: {  	s6 =	sadd.s32 $0x1518, s31;
	[sflag:s14] =	ssyncadd.s32 $0xFFFFE700  }
0x27f: {  	[spmem:s3] =	stream.indirect.scatter.add.f32 [tilespmem:s9], [sflag:$0x8], $0x20, s6, s2, $0xb8;
	[tilespmem:$0x173E0] =	vst v63  }
0x280: {  	_ = 	snop  }
0x281: {  	[spmem:s4] =	stream.indirect.scatter.add.f32 [tilespmem:s29], [sflag:$0xD], $0x10, s6, s2, $0xb8;
	[tilespmem:$0x173E0] =	vst v63  }
0x282: {  	_ =	swait.ge [sflag:s15], $0x1900  }
0x283: {  	[sflag:s15] =	ssyncset.done $0x0  }
0x284: {  	s6 =	sadd.s32 $0x15E0, s31;
	[sflag:s15] =	ssyncadd.s32 $0xFFFFE700  }
0x285: {  	[spmem:s3] =	stream.indirect.scatter.add.f32 [tilespmem:s10], [sflag:$0x9], $0x20, s6, s2, $0xb8;
	[tilespmem:$0x173E0] =	vst v63  }
0x286: {  	_ = 	snop  }
0x287: {  	[spmem:s4] =	stream.indirect.scatter.add.f32 [tilespmem:s29], [sflag:$0xE], $0x10, s6, s2, $0xb8;
	[tilespmem:$0x173E0] =	vst v63  }
0x288: {  	_ =	swait.ge [sflag:s16], $0x1900  }
0x289: {  	[sflag:s16] =	ssyncset.done $0x0  }
0x28a: {  	s6 =	sadd.s32 $0x16A8, s31;
	[sflag:s16] =	ssyncadd.s32 $0xFFFFE700  }
0x28b: {  	[spmem:s3] =	stream.indirect.scatter.add.f32 [tilespmem:s11], [sflag:$0xA], $0x20, s6, s2, $0xb8;
	[tilespmem:$0x173E0] =	vst v63  }
0x28c: {  	_ = 	snop  }
0x28d: {  	[spmem:s4] =	stream.indirect.scatter.add.f32 [tilespmem:s29], [sflag:$0xF], $0x10, s6, s2, $0xb8;
	[tilespmem:$0x173E0] =	vst v63  }
0x28e: {  	_ =	swait.ge [sflag:s17], $0x1900  }
0x28f: {  	[sflag:s17] =	ssyncset.done $0x0  }
0x290: {  	[sflag:s17] =	ssyncadd.s32 $0xFFFFE700  }
0x291: {  	_ =	swait.ge [sflag:s18], $0xC80  }
0x292: {  	[sflag:s18] =	ssyncset.done $0x0  }
0x293: {  	[sflag:s18] =	ssyncadd.s32 $0xFFFFF380  }
0x294: {  	_ =	swait.ge [sflag:s19], $0x1900  }
0x295: {  	[sflag:s19] =	ssyncset.done $0x0  }
0x296: {  	[sflag:s19] =	ssyncadd.s32 $0xFFFFE700  }
0x297: {  	_ =	swait.ge [sflag:s20], $0xC80  }
0x298: {  	[sflag:s20] =	ssyncset.done $0x0  }
0x299: {  	[sflag:s20] =	ssyncadd.s32 $0xFFFFF380  }
0x29a: {  	_ =	swait.ge [sflag:s21], $0x1900  }
0x29b: {  	[sflag:s21] =	ssyncset.done $0x0  }
0x29c: {  	[sflag:s21] =	ssyncadd.s32 $0xFFFFE700  }
0x29d: {  	_ =	swait.ge [sflag:s22], $0xC80  }
0x29e: {  	[sflag:s22] =	ssyncset.done $0x0  }
0x29f: {  	[sflag:s22] =	ssyncadd.s32 $0xFFFFF380  }
0x2a0: {  	_ =	swait.ge [sflag:s23], $0x1900  }
0x2a1: {  	[sflag:s23] =	ssyncset.done $0x0  }
0x2a2: {  	[sflag:s23] =	ssyncadd.s32 $0xFFFFE700  }
0x2a3: {  	_ =	swait.ge [sflag:s24], $0xC80  }
0x2a4: {  	[sflag:s24] =	ssyncset.done $0x0  }
0x2a5: {  	[sflag:s24] =	ssyncadd.s32 $0xFFFFF380  }
.Ltmp2:
0x2a6: {  	_ =	swait.ge [sflag:s25], $0x1900;
	(pc) =	sbr.rel @p0 .LBB2_6-.Ltmp2, $4  }
0x2a7: {  	[sflag:s25] =	ssyncset.done $0x0  }
0x2a8: {  	[sflag:s25] =	ssyncadd.s32 $0xFFFFE700  }
0x2a9: {  	_ =	swait.ge [sflag:s26], $0xC80  }
0x2aa: {  	s6 =	smov.u32 s28;
	[sflag:s26] =	ssyncset.done $0x0  }
0x2ab: {  	s6 =	sshra.s32 s7, $0x2;
	[sflag:s26] =	ssyncadd.s32 $0xFFFFF380  }
0x2ac: {  	[tilespmem:s0], [sflag:$0x1] =	stream.indirect.gather [spmem:s1], $0x20, s6, s2, $0xb8;
	[tilespmem:$0x173E0] =	vst v63  }
0x2ad: {  	s7 =	sadd.s32 $0xC8, s6  }
0x2ae: {  	[tilespmem:s8], [sflag:$0x2] =	stream.indirect.gather [spmem:s1], $0x20, s7, s2, $0xb8;
	[tilespmem:$0x173E0] =	vst v63  }
0x2af: {  	s31 =	sadd.s32 $0x190, s6  }
0x2b0: {  	[tilespmem:s9], [sflag:$0x3] =	stream.indirect.gather [spmem:s1], $0x20, s31, s2, $0xb8;
	[tilespmem:$0x173E0] =	vst v63  }
0x2b1: {  	s28 =	sadd.s32 $0x258, s6  }
0x2b2: {  	[tilespmem:s10], [sflag:$0x4] =	stream.indirect.gather [spmem:s1], $0x20, s28, s2, $0xb8;
	[tilespmem:$0x173E0] =	vst v63  }
0x2b3: {  	s31 =	sadd.s32 $0x320, s6  }
0x2b4: {  	[tilespmem:s11], [sflag:$0x5] =	stream.indirect.gather [spmem:s1], $0x20, s31, s2, $0xb8;
	[tilespmem:$0x173E0] =	vst v63  }
0x2b5: {  	_ =	swait.ge [sflag:s12], $0x1900  }
0x2b6: {  	[sflag:s12] =	ssyncset.done $0x0  }
0x2b7: {  	s28 =	sadd.s32 $0x1388, s6;
	[sflag:s12] =	ssyncadd.s32 $0xFFFFE700  }
0x2b8: {  	[spmem:s3] =	stream.indirect.scatter.add.f32 [tilespmem:s0], [sflag:$0x6], $0x20, s28, s2, $0xb8;
	[tilespmem:$0x173E0] =	vst v63  }
0x2b9: {  	_ = 	snop  }
0x2ba: {  	[spmem:s4] =	stream.indirect.scatter.add.f32 [tilespmem:s29], [sflag:$0xB], $0x10, s28, s2, $0xb8;
	[tilespmem:$0x173E0] =	vst v63  }
0x2bb: {  	_ =	swait.ge [sflag:s13], $0x1900  }
0x2bc: {  	[sflag:s13] =	ssyncset.done $0x0  }
0x2bd: {  	s31 =	sadd.s32 $0x1450, s6;
	[sflag:s13] =	ssyncadd.s32 $0xFFFFE700  }
0x2be: {  	[spmem:s3] =	stream.indirect.scatter.add.f32 [tilespmem:s8], [sflag:$0x7], $0x20, s31, s2, $0xb8;
	[tilespmem:$0x173E0] =	vst v63  }
0x2bf: {  	_ = 	snop  }
0x2c0: {  	[spmem:s4] =	stream.indirect.scatter.add.f32 [tilespmem:s29], [sflag:$0xC], $0x10, s31, s2, $0xb8;
	[tilespmem:$0x173E0] =	vst v63  }
0x2c1: {  	_ =	swait.ge [sflag:s14], $0x1900  }
0x2c2: {  	[sflag:s14] =	ssyncset.done $0x0  }
0x2c3: {  	s28 =	sadd.s32 $0x1518, s6;
	[sflag:s14] =	ssyncadd.s32 $0xFFFFE700  }
0x2c4: {  	[spmem:s3] =	stream.indirect.scatter.add.f32 [tilespmem:s9], [sflag:$0x8], $0x20, s28, s2, $0xb8;
	[tilespmem:$0x173E0] =	vst v63  }
0x2c5: {  	_ = 	snop  }
0x2c6: {  	[spmem:s4] =	stream.indirect.scatter.add.f32 [tilespmem:s29], [sflag:$0xD], $0x10, s28, s2, $0xb8;
	[tilespmem:$0x173E0] =	vst v63  }
0x2c7: {  	_ =	swait.ge [sflag:s15], $0x1900  }
0x2c8: {  	[sflag:s15] =	ssyncset.done $0x0  }
0x2c9: {  	s31 =	sadd.s32 $0x15E0, s6;
	[sflag:s15] =	ssyncadd.s32 $0xFFFFE700  }
0x2ca: {  	[spmem:s3] =	stream.indirect.scatter.add.f32 [tilespmem:s10], [sflag:$0x9], $0x20, s31, s2, $0xb8;
	[tilespmem:$0x173E0] =	vst v63  }
0x2cb: {  	_ = 	snop  }
0x2cc: {  	[spmem:s4] =	stream.indirect.scatter.add.f32 [tilespmem:s29], [sflag:$0xE], $0x10, s31, s2, $0xb8;
	[tilespmem:$0x173E0] =	vst v63  }
0x2cd: {  	_ =	swait.ge [sflag:s16], $0x1900  }
0x2ce: {  	[sflag:s16] =	ssyncset.done $0x0  }
0x2cf: {  	s6 =	sadd.s32 $0x16A8, s6;
	[sflag:s16] =	ssyncadd.s32 $0xFFFFE700  }
0x2d0: {  	[spmem:s3] =	stream.indirect.scatter.add.f32 [tilespmem:s11], [sflag:$0xA], $0x20, s6, s2, $0xb8;
	[tilespmem:$0x173E0] =	vst v63  }
0x2d1: {  	_ = 	snop  }
0x2d2: {  	[spmem:s4] =	stream.indirect.scatter.add.f32 [tilespmem:s29], [sflag:$0xF], $0x10, s6, s2, $0xb8;
	[tilespmem:$0x173E0] =	vst v63  }
0x2d3: {  	_ =	swait.ge [sflag:s17], $0x1900  }
0x2d4: {  	[sflag:s17] =	ssyncset.done $0x0  }
0x2d5: {  	[sflag:s17] =	ssyncadd.s32 $0xFFFFE700  }
0x2d6: {  	_ =	swait.ge [sflag:s18], $0xC80  }
0x2d7: {  	[sflag:s18] =	ssyncset.done $0x0  }
0x2d8: {  	[sflag:s18] =	ssyncadd.s32 $0xFFFFF380  }
0x2d9: {  	_ =	swait.ge [sflag:s19], $0x1900  }
0x2da: {  	[sflag:s19] =	ssyncset.done $0x0  }
0x2db: {  	[sflag:s19] =	ssyncadd.s32 $0xFFFFE700  }
0x2dc: {  	_ =	swait.ge [sflag:s20], $0xC80  }
0x2dd: {  	[sflag:s20] =	ssyncset.done $0x0  }
0x2de: {  	[sflag:s20] =	ssyncadd.s32 $0xFFFFF380  }
0x2df: {  	_ =	swait.ge [sflag:s21], $0x1900  }
0x2e0: {  	[sflag:s21] =	ssyncset.done $0x0  }
0x2e1: {  	[sflag:s21] =	ssyncadd.s32 $0xFFFFE700  }
0x2e2: {  	_ =	swait.ge [sflag:s22], $0xC80  }
0x2e3: {  	[sflag:s22] =	ssyncset.done $0x0  }
0x2e4: {  	[sflag:s22] =	ssyncadd.s32 $0xFFFFF380  }
0x2e5: {  	_ =	swait.ge [sflag:s23], $0x1900  }
0x2e6: {  	[sflag:s23] =	ssyncset.done $0x0  }
0x2e7: {  	[sflag:s23] =	ssyncadd.s32 $0xFFFFE700  }
0x2e8: {  	_ =	swait.ge [sflag:s24], $0xC80  }
0x2e9: {  	[sflag:s24] =	ssyncset.done $0x0  }
0x2ea: {  	[sflag:s24] =	ssyncadd.s32 $0xFFFFF380  }
0x2eb: {  	_ =	swait.ge [sflag:s25], $0x1900  }
0x2ec: {  	[sflag:s25] =	ssyncset.done $0x0  }
0x2ed: {  	[sflag:s25] =	ssyncadd.s32 $0xFFFFE700  }
0x2ee: {  	_ =	swait.ge [sflag:s26], $0xC80  }
0x2ef: {  	[sflag:s26] =	ssyncset.done $0x0  }
0x2f0: {  	[sflag:s26] =	ssyncadd.s32 $0xFFFFF380  }
0x2f1: {  	[bflag:$0x0] =	sbarrier.arrive $0xFFFF  }
0x2f2: {  	s28 =	rddreg [dreg:$0x17]  }
0x2f3: {  	s31 =	rddreg [dreg:$0x1d]  }
0x2f4: {  	[hbm:s28], [sflag:s5] =	dma.local [spmem:s31], $0x9C4  }
0x2f5: {  	_ =	swait.ge [sflag:s30], $0x9C4  }
0x2f6: {  	[sflag:s30] =	ssyncset.done $0x0;
	s28 =	rddreg [dreg:$0x1a]  }
0x2f7: {  	s31 =	rddreg [dreg:$0x1e];
	[sflag:s30] =	ssyncadd.s32 $0xFFFFF63C  }
0x2f8: {  	[hbm:s28], [sflag:s5] =	dma.local [spmem:s31], $0x4E2  }
0x2f9: {  	_ =	swait.ge [sflag:s30], $0x4E2  }
0x2fa: {  	s28 =	rddreg [dreg:$0x1c]  }
0x2fb: {  	s31 =	rddreg [dreg:$0x1b];
	s6 =	sadd.s32 $0x1, s28  }
0x2fc: {  	p0 =	sne.s32 s6, s31  }
.Ltmp3:
0x2fd: {  	_ = 	snop;
	(pc) =	sbr.rel @p0 .LBB2_1-.Ltmp3, $3  }
0x2fe: {  	_ =	sdelay $0x1  }
0x2ff: {  	[sflag:s30] =	ssyncset.done $0x0  }
0x300: {  	[sflag:s30] =	ssyncadd.s32 $0xFFFFFB1E  }
0x301: {  	_ =	sfence.sel $0x180000  }
0x302: {  	[bflag:$0x0] =	sbarrier.arrive $0xFFFF  }
0x303: {  	_ =	strace $0x90000047  }
0x304: {  	s0 =	stileid.u32;
	[bflag:$0x2] =	sbarrier.arrive $0xFFFF  }
0x305: {  	p0 =	sne.s32 s0, $0x0;
	s0 =	rddreg [dreg:$0x5]  }
0x306: {  	s0 =	sadd.s32 @!p0 $0x100000, s0  }
0x307: {  	[sflag:s0] =	ssyncadd.tile.s32 @!p0 $0x1;
	_ =	shalt  }
.Lfunc_end2:
_tile_overlayer_lowered:
.L_overlay_start_2:
0x308: {  	(tag) =	ssettag $0x2  }
0x309: {  	s0 =	rddreg [dreg:$0x0];
	s2 =	stileid.u32  }
0x30a: {  	s1 =	rddreg [dreg:$0x1];
	p0 =	sne.s32 s2, $0x0  }
0x30b: {  	s3 =	rddreg [dreg:$0x2];
	[bflag:$0x3] =	sbarrier.arrive $0xFFFF;
	s2 =	simm.s32 @!p0 $0x1C10  }
0x30c: {  	[timem:s3], [sflag:s2] =	dma.local @!p0 [hbm:s0], s1  }
0x30d: {  	s0 =	simm.s32 @!p0 $0x10  }
0x30e: {  	_ =	swait.ge @!p0 [sflag:s0], s1  }
0x30f: {  	s1 =	ssub.s32 @!p0 $0x0, s1;
	[sflag:s0] =	ssyncset.done @!p0 $0x0  }
0x310: {  	[sflag:s0] =	ssyncadd.s32 @!p0 s1  }
0x311: {  	[bflag:$0x3] =	sbarrier.arrive $0xFFFF  }
0x312: {  	_ =	shalt  }

</sc_bundles>
